<compile_context>
chip_gen: v7x
topology: tpu7x:2x2x1
jax: 0.10.2.dev20260603
libtpu: 0.0.44.dev20260713+nightly
codegen_flags: <defaults>
</compile_context>

<pallas_src>
import functools

import jax
import jax.numpy as jnp
from jax import lax
from jax.experimental import pallas as pl
from jax.experimental.pallas import tpu as pltpu
from jax.experimental.pallas import tpu_sc as plsc

NC = 2
NS = 16
CHUNK = 128


def _round_up(a, b):
    return (a + b - 1) // b * b


BLK = 16


def _make_spmm(n_pad, e_pad):
    e_half = e_pad // NC
    per_tile = e_half // NS
    n_blocks = per_tile // (BLK * CHUNK)
    rows_per_tile = n_pad // NS
    wb_chunks = rows_per_tile // CHUNK

    out_type = [jax.ShapeDtypeStruct((NC * n_pad, 128), jnp.float32)]
    scratch = [
        pltpu.VMEM((CHUNK,), jnp.int32),
        pltpu.VMEM((CHUNK,), jnp.int32),
        pltpu.VMEM((BLK * CHUNK,), jnp.int32),
        pltpu.VMEM((CHUNK, 128), jnp.float32),
        pltpu.VMEM((CHUNK, 128), jnp.float32),
        pltpu.VMEM_SHARED((n_pad, 128), jnp.float32),
        pltpu.SemaphoreType.DMA,
        pltpu.SemaphoreType.DMA,
        pltpu.SemaphoreType.DMA,
        pltpu.SemaphoreType.DMA,
    ]

    mesh = plsc.VectorSubcoreMesh(core_axis_name="c", subcore_axis_name="s")

    def body(z128_hbm, src_hbm, dst_hbm, y_hbm, acc_hbm,
             srcA, srcB, dstblk, gbuf0, gbuf1, acc_sh,
             semg0, semg1, sems0, sems1):
        c = lax.axis_index("c")
        s = lax.axis_index("s")
        gbufs = (gbuf0, gbuf1)
        gsems = (semg0, semg1)
        sbufs = (srcA, srcB)
        ssems = (sems0, sems1)

        pltpu.sync_copy(z128_hbm, gbuf0)

        r0 = s * rows_per_tile

        def zacc(k, _):
            pltpu.sync_copy(gbuf0, acc_sh.at[pl.ds(r0 + k * CHUNK, CHUNK)])
            return 0

        lax.fori_loop(0, wb_chunks, zacc, 0)

        plsc.subcore_barrier()

        ebase = c * e_half + s * per_tile

        def blk_step(b, _):
            off = ebase + b * (BLK * CHUNK)
            pltpu.sync_copy(dst_hbm.at[pl.ds(off, BLK * CHUNK)], dstblk)
            gd = [None, None]
            sd = [None, None]
            sd[0] = pltpu.async_copy(src_hbm.at[pl.ds(off, CHUNK)],
                                     srcA, sems0)
            gd[0] = pltpu.async_copy(
                y_hbm.at[dstblk.at[pl.ds(0, CHUNK)]], gbuf0, semg0)
            for t in range(BLK):
                if t + 1 < BLK:
                    sd[(t + 1) % 2] = pltpu.async_copy(
                        src_hbm.at[pl.ds(off + (t + 1) * CHUNK, CHUNK)],
                        sbufs[(t + 1) % 2], ssems[(t + 1) % 2])
                    gd[(t + 1) % 2] = pltpu.async_copy(
                        y_hbm.at[dstblk.at[pl.ds((t + 1) * CHUNK, CHUNK)]],
                        gbufs[(t + 1) % 2], gsems[(t + 1) % 2])
                gd[t % 2].wait()
                sd[t % 2].wait()
                pltpu.sync_copy(gbufs[t % 2], acc_sh.at[sbufs[t % 2]],
                                add=True)
            return 0

        lax.fori_loop(0, n_blocks, blk_step, 0)

        plsc.subcore_barrier()

        def wback(k, _):
            r = r0 + k * CHUNK
            pltpu.sync_copy(acc_sh.at[pl.ds(r, CHUNK)], gbuf0)
            pltpu.sync_copy(gbuf0, acc_hbm.at[pl.ds(c * n_pad + r, CHUNK)])
            return 0

        lax.fori_loop(0, wb_chunks, wback, 0)

    return pl.kernel(body, out_type=out_type, mesh=mesh, scratch_types=scratch)


def _make_deg(n_pad, e_pad):
    e_half = e_pad // NC
    per_tile = e_half // NS
    n_chunks = per_tile // CHUNK
    rows_per_tile = n_pad // NS
    wb_chunks = rows_per_tile // CHUNK

    out_type = [jax.ShapeDtypeStruct((NC * n_pad, 128), jnp.float32)]
    scratch = [
        pltpu.VMEM((CHUNK,), jnp.int32),
        pltpu.VMEM((CHUNK,), jnp.int32),
        pltpu.VMEM((CHUNK, 128), jnp.float32),
        pltpu.VMEM_SHARED((n_pad, 128), jnp.float32),
        pltpu.SemaphoreType.DMA,
        pltpu.SemaphoreType.DMA,
    ]

    n_blocks = n_chunks // BLK

    mesh = plsc.VectorSubcoreMesh(core_axis_name="c", subcore_axis_name="s")

    def body(z128_hbm, o128_hbm, src_hbm, deg_hbm,
             srcA, srcB, obuf, deg_sh, sems0, sems1):
        c = lax.axis_index("c")
        s = lax.axis_index("s")
        r0 = s * rows_per_tile
        sbufs = (srcA, srcB)
        ssems = (sems0, sems1)

        pltpu.sync_copy(z128_hbm, obuf)

        def zacc(k, _):
            pltpu.sync_copy(obuf, deg_sh.at[pl.ds(r0 + k * CHUNK, CHUNK)])
            return 0

        lax.fori_loop(0, wb_chunks, zacc, 0)

        pltpu.sync_copy(o128_hbm, obuf)

        plsc.subcore_barrier()

        ebase = c * e_half + s * per_tile

        def blk_step(b, _):
            off = ebase + b * (BLK * CHUNK)
            sd = [None, None]
            sd[0] = pltpu.async_copy(src_hbm.at[pl.ds(off, CHUNK)],
                                     srcA, sems0)
            for t in range(BLK):
                if t + 1 < BLK:
                    sd[(t + 1) % 2] = pltpu.async_copy(
                        src_hbm.at[pl.ds(off + (t + 1) * CHUNK, CHUNK)],
                        sbufs[(t + 1) % 2], ssems[(t + 1) % 2])
                sd[t % 2].wait()
                pltpu.sync_copy(obuf, deg_sh.at[sbufs[t % 2]], add=True)
            return 0

        lax.fori_loop(0, n_blocks, blk_step, 0)

        plsc.subcore_barrier()

        def wback(k, _):
            r = r0 + k * CHUNK
            pltpu.sync_copy(deg_sh.at[pl.ds(r, CHUNK)], obuf)
            pltpu.sync_copy(obuf, deg_hbm.at[pl.ds(c * n_pad + r, CHUNK)])
            return 0

        lax.fori_loop(0, wb_chunks, wback, 0)

    return pl.kernel(body, out_type=out_type, mesh=mesh, scratch_types=scratch)


def _tc_proj(x, w, n_pad):
    n = x.shape[0]
    h_dim = w.shape[1]

    def body(x_ref, w_ref, o_ref):
        o_ref[0:n, :] = jnp.dot(x_ref[...], w_ref[...],
                                preferred_element_type=jnp.float32)
        o_ref[n:n_pad, :] = jnp.zeros((n_pad - n, h_dim), jnp.float32)

    return pl.pallas_call(
        body, out_shape=jax.ShapeDtypeStruct((n_pad, h_dim), jnp.float32))(x, w)


def _tc_mid(acc, y, deg, b, w, n_pad):

    def body(acc_ref, y_ref, deg_ref, b_ref, w_ref, o_ref):
        inv = 1.0 / (deg_ref[0:n_pad, 0:1] + deg_ref[n_pad:2 * n_pad, 0:1] + 1.0)
        t = (acc_ref[0:n_pad] + acc_ref[n_pad:2 * n_pad] + y_ref[...]) * inv
        h = jnp.maximum(t + b_ref[...], 0.0)
        o_ref[...] = jnp.dot(h, w_ref[...], preferred_element_type=jnp.float32)

    return pl.pallas_call(
        body, out_shape=jax.ShapeDtypeStruct((n_pad, w.shape[1]), jnp.float32))(
            acc, y, deg, b, w)


def _tc_final(acc, y, deg, b, wp1, bp1, wp2, bp2, n, n_pad):

    def body(acc_ref, y_ref, deg_ref, b_ref, wp1_ref, bp1_ref, wp2_ref,
             bp2_ref, o_ref):
        inv = 1.0 / (deg_ref[0:n, 0:1] + deg_ref[n_pad:n_pad + n, 0:1] + 1.0)
        t = (acc_ref[0:n] + acc_ref[n_pad:n_pad + n] + y_ref[0:n]) * inv
        h = jnp.maximum(t + b_ref[...], 0.0)
        t2 = jnp.dot(h, wp1_ref[...], preferred_element_type=jnp.float32) + bp1_ref[...]
        o_ref[...] = jnp.dot(t2, wp2_ref[...],
                             preferred_element_type=jnp.float32) + bp2_ref[...]

    return pl.pallas_call(
        body, out_shape=jax.ShapeDtypeStruct((n, wp2.shape[1]), jnp.float32))(
            acc, y, deg, b, wp1, bp1, wp2, bp2)


def kernel(x, edge_index, W0, b0, W1, b1, Wp1, bp1, Wp2, bp2):
    n = x.shape[0]
    e = edge_index.shape[1]
    n_pad = _round_up(n + 1, NS * CHUNK)
    e_pad = _round_up(e, NC * NS * CHUNK * BLK)

    pad = e_pad - e
    src_p = jnp.concatenate([edge_index[0], jnp.full((pad,), n, jnp.int32)])
    dst_p = jnp.concatenate([edge_index[1], jnp.zeros((pad,), jnp.int32)])

    spmm = _make_spmm(n_pad, e_pad)
    deg_hist = _make_deg(n_pad, e_pad)

    b0_2 = b0.reshape(1, -1)
    b1_2 = b1.reshape(1, -1)
    bp1_2 = bp1.reshape(1, -1)
    bp2_2 = bp2.reshape(1, -1)

    z128 = jnp.zeros((CHUNK, 128), jnp.float32)
    o128 = jnp.ones((CHUNK, 128), jnp.float32)

    (deg,) = deg_hist(z128, o128, src_p)
    y0 = _tc_proj(x, W0, n_pad)
    (acc1,) = spmm(z128, src_p, dst_p, y0)
    y1 = _tc_mid(acc1, y0, deg, b0_2, W1, n_pad)
    (acc2,) = spmm(z128, src_p, dst_p, y1)
    out = _tc_final(acc2, y1, deg, b1_2, Wp1, bp1_2, Wp2, bp2_2, n, n_pad)
    return out

# --- scband reference (transcript-rebuilt; emitter-appended) ---
"""Pipeline reference for scband-sage-gcn-30734785970607 (READ-ONLY COPY).

The authoritative reference and input builder live on the scoring server;
editing this copy changes nothing except your own understanding.
"""

import jax, jax.numpy as jnp
import numpy as np

N = 10000
E = 320000
D = 128
H = 128
O = 64


def setup_inputs(seed: int = 0) -> dict:
    key = jax.random.key(seed)
    ks = jax.random.split(key, 12)
    x = jax.random.normal(ks[0], (N, D), dtype=jnp.float32)
    edge_index = jax.random.randint(ks[1], (2, E), 0, N, dtype=jnp.int32)
    s0 = 1.0 / np.sqrt(D)
    s1 = 1.0 / np.sqrt(H)
    W0 = jax.random.uniform(ks[2], (D, H), jnp.float32, -s0, s0)
    b0 = jax.random.uniform(ks[3], (H,), jnp.float32, -s0, s0)
    W1 = jax.random.uniform(ks[4], (H, H), jnp.float32, -s1, s1)
    b1 = jax.random.uniform(ks[5], (H,), jnp.float32, -s1, s1)
    Wp1 = jax.random.uniform(ks[6], (H, H), jnp.float32, -s1, s1)
    bp1 = jax.random.uniform(ks[7], (H,), jnp.float32, -s1, s1)
    Wp2 = jax.random.uniform(ks[8], (H, O), jnp.float32, -s1, s1)
    bp2 = jax.random.uniform(ks[9], (O,), jnp.float32, -s1, s1)
    return {"x": x, "edge_index": edge_index, "W0": W0, "b0": b0, "W1": W1,
            "b1": b1, "Wp1": Wp1, "bp1": bp1, "Wp2": Wp2, "bp2": bp2}


def reference(x, edge_index, W0, b0, W1, b1, Wp1, bp1, Wp2, bp2):
    n = x.shape[0]
    # convert_to_adj: append self loops, row-normalize by out-degree of src
    loops = jnp.arange(n, dtype=edge_index.dtype)
    src = jnp.concatenate([edge_index[0], loops])
    dst = jnp.concatenate([edge_index[1], loops])
    vals = jnp.ones(src.shape[0], dtype=jnp.float32)
    degs = jax.ops.segment_sum(vals, src, num_segments=n)
    vals = vals / degs[src]

    def spmm(h):
        # adj[src, dst] = val ; (adj @ h)[i] = sum_{e: src=i} val_e * h[dst_e]
        return jax.ops.segment_sum(vals[:, None] * jnp.take(h, dst, axis=0), src, num_segments=n)

    # layer 0: gcn_layer = normalized-adj aggregate + linear
    h = spmm(x) @ W0 + b0
    h = jax.nn.relu(h)
    # dropout is identity in eval mode
    # layer 1
    h = spmm(h) @ W1 + b1
    h = jax.nn.relu(h)
    # post_mp: Linear -> Dropout(eval: identity) -> Linear
    h = h @ Wp1 + bp1
    h = h @ Wp2 + bp2
    return h

if __name__ == "__main__":
    import jax
    _d = setup_inputs()
    print(jax.jit(kernel)(*tuple(_d.values())))

</pallas_src>

<mosaic_0001>
#map = affine_map<(d0, d1) -> (0, 0)>
#map1 = affine_map<(d0, d1) -> (0)>
module attributes {stable_mosaic.version = 14 : i64} {
  func.func @body(%arg0: i32, %arg1: i32, %arg2: memref<128x128xf32, #tpu.memory_space<hbm>>, %arg3: memref<128x128xf32, #tpu.memory_space<hbm>>, %arg4: memref<327680xi32, #tpu.memory_space<hbm>>, %arg5: memref<20480x128xf32, #tpu.memory_space<hbm>>, %arg6: memref<128xi32, #tpu.memory_space<vmem>>, %arg7: memref<128xi32, #tpu.memory_space<vmem>>, %arg8: memref<128x128xf32, #tpu.memory_space<vmem>>, %arg9: memref<10240x128xf32, #tpu.memory_space<vmem_shared>>, %arg10: memref<!tpu.dma_semaphore, #tpu.memory_space<semaphore_mem>>, %arg11: memref<!tpu.dma_semaphore, #tpu.memory_space<semaphore_mem>>) attributes {dimension_semantics = [#tpu.dimension_semantics<core_parallel>, #tpu.dimension_semantics<subcore_parallel>], iteration_bounds = array<i64: 2, 16>, scalar_prefetch = 0 : i64, scratch_operands = 6 : i64, tpu.core_type = #tpu.core_type<sc_vector_subcore>, window_params = [{transform_indices = #map}, {transform_indices = #map}, {transform_indices = #map1}, {transform_indices = #map}]} {
    %mul3A = arith.constant 640 : i32
    %mul3A_0 = arith.muli %arg1, %mul3A : i32
    "tpu.region"() ({
      %run_scoped3A = tpu.sem_alloc : memref<!tpu.dma_semaphore, #tpu.memory_space<semaphore_mem>>
      tpu.enqueue_dma source(%arg2 : memref<128x128xf32, #tpu.memory_space<hbm>>) target(%arg8 : memref<128x128xf32, #tpu.memory_space<vmem>>) target_semaphore(%run_scoped3A : memref<!tpu.dma_semaphore, #tpu.memory_space<semaphore_mem>>)
      tpu.wait_dma2 semaphore(%run_scoped3A : memref<!tpu.dma_semaphore, #tpu.memory_space<semaphore_mem>>) src(%arg2 : memref<128x128xf32, #tpu.memory_space<hbm>>) dst(%arg8 : memref<128x128xf32, #tpu.memory_space<vmem>>)
      tpu.yield
    }) : () -> ()
    %scan3A = arith.constant 0 : i32
    %scan3A_1 = arith.constant 0 : i32
    %scan3A_2 = arith.constant 5 : i32
    %scan3A_3 = arith.addi %scan3A_1, %scan3A_2 : i32
    %scan3A_4 = arith.constant 1 : i32
    %scan3A_5 = scf.for %scan3A_26 = %scan3A_1 to %scan3A_3 step %scan3A_4 iter_args(%scan3A_27 = %scan3A) -> (i32)  : i32 {
      %mul3A_28 = arith.constant 128 : i32
      %mul3A_29 = arith.muli %scan3A_26, %mul3A_28 : i32
      %add3A_30 = arith.addi %mul3A_0, %mul3A_29 : i32
      "tpu.region"() ({
        %run_scoped3A = tpu.sem_alloc : memref<!tpu.dma_semaphore, #tpu.memory_space<semaphore_mem>>
        %dma_start3A = arith.constant 0 : i32
        %dma_start3A_32 = tpu.memref_slice %arg9[%add3A_30, %dma_start3A] : memref<10240x128xf32, #tpu.memory_space<vmem_shared>> -> memref<128x128xf32, #tpu.memory_space<vmem_shared>>
        %dma_start3A_33 = arith.constant 0 : i32
        %dma_start3A_34 = tpu.memref_slice %arg9[%add3A_30, %dma_start3A_33] : memref<10240x128xf32, #tpu.memory_space<vmem_shared>> -> memref<128x128xf32, #tpu.memory_space<vmem_shared>>
        tpu.enqueue_dma source(%arg8 : memref<128x128xf32, #tpu.memory_space<vmem>>) target(%dma_start3A_34 : memref<128x128xf32, #tpu.memory_space<vmem_shared>>) target_semaphore(%run_scoped3A : memref<!tpu.dma_semaphore, #tpu.memory_space<semaphore_mem>>)
        %dma_wait3A = arith.constant 0 : i32
        %dma_wait3A_35 = tpu.memref_slice %arg9[%add3A_30, %dma_wait3A] : memref<10240x128xf32, #tpu.memory_space<vmem_shared>> -> memref<128x128xf32, #tpu.memory_space<vmem_shared>>
        %dma_wait3A_36 = arith.constant 0 : i32
        %dma_wait3A_37 = tpu.memref_slice %arg9[%add3A_30, %dma_wait3A_36] : memref<10240x128xf32, #tpu.memory_space<vmem_shared>> -> memref<128x128xf32, #tpu.memory_space<vmem_shared>>
        tpu.wait_dma2 semaphore(%run_scoped3A : memref<!tpu.dma_semaphore, #tpu.memory_space<semaphore_mem>>) src(%arg8 : memref<128x128xf32, #tpu.memory_space<vmem>>) dst(%dma_wait3A_37 : memref<128x128xf32, #tpu.memory_space<vmem_shared>>)
        tpu.yield
      }) : () -> ()
      %scan3A_31 = arith.constant 0 : i32
      scf.yield %scan3A_31 : i32
    }
    %scan3A_6 = arith.constant 5 : i32
    "tpu.region"() ({
      %run_scoped3A = tpu.sem_alloc : memref<!tpu.dma_semaphore, #tpu.memory_space<semaphore_mem>>
      tpu.enqueue_dma source(%arg3 : memref<128x128xf32, #tpu.memory_space<hbm>>) target(%arg8 : memref<128x128xf32, #tpu.memory_space<vmem>>) target_semaphore(%run_scoped3A : memref<!tpu.dma_semaphore, #tpu.memory_space<semaphore_mem>>)
      tpu.wait_dma2 semaphore(%run_scoped3A : memref<!tpu.dma_semaphore, #tpu.memory_space<semaphore_mem>>) src(%arg3 : memref<128x128xf32, #tpu.memory_space<hbm>>) dst(%arg8 : memref<128x128xf32, #tpu.memory_space<vmem>>)
      tpu.yield
    }) : () -> ()
    %barrier3A = arith.constant 0 : index
    tpu.barrier barrier_id(%barrier3A)
    %mul3A_7 = arith.constant 163840 : i32
    %mul3A_8 = arith.muli %arg0, %mul3A_7 : i32
    %mul3A_9 = arith.constant 10240 : i32
    %mul3A_10 = arith.muli %arg1, %mul3A_9 : i32
    %add3A = arith.addi %mul3A_8, %mul3A_10 : i32
    %scan3A_11 = arith.constant 0 : i32
    %scan3A_12 = arith.constant 0 : i32
    %scan3A_13 = arith.constant 5 : i32
    %scan3A_14 = arith.addi %scan3A_12, %scan3A_13 : i32
    %scan3A_15 = arith.constant 1 : i32
    %scan3A_16 = scf.for %scan3A_26 = %scan3A_12 to %scan3A_14 step %scan3A_15 iter_args(%scan3A_27 = %scan3A_11) -> (i32)  : i32 {
      %mul3A_28 = arith.constant 2048 : i32
      %mul3A_29 = arith.muli %scan3A_26, %mul3A_28 : i32
      %add3A_30 = arith.addi %add3A, %mul3A_29 : i32
      %dma_start3A = tpu.memref_slice %arg4[%add3A_30] : memref<327680xi32, #tpu.memory_space<hbm>> -> memref<128xi32, #tpu.memory_space<hbm>>
      %dma_start3A_31 = tpu.memref_slice %arg4[%add3A_30] : memref<327680xi32, #tpu.memory_space<hbm>> -> memref<128xi32, #tpu.memory_space<hbm>>
      tpu.enqueue_dma source(%dma_start3A_31 : memref<128xi32, #tpu.memory_space<hbm>>) target(%arg6 : memref<128xi32, #tpu.memory_space<vmem>>) target_semaphore(%arg10 : memref<!tpu.dma_semaphore, #tpu.memory_space<semaphore_mem>>)
      %add3A_32 = arith.constant 128 : i32
      %add3A_33 = arith.addi %add3A_30, %add3A_32 : i32
      %dma_start3A_34 = tpu.memref_slice %arg4[%add3A_33] : memref<327680xi32, #tpu.memory_space<hbm>> -> memref<128xi32, #tpu.memory_space<hbm>>
      %dma_start3A_35 = tpu.memref_slice %arg4[%add3A_33] : memref<327680xi32, #tpu.memory_space<hbm>> -> memref<128xi32, #tpu.memory_space<hbm>>
      tpu.enqueue_dma source(%dma_start3A_35 : memref<128xi32, #tpu.memory_space<hbm>>) target(%arg7 : memref<128xi32, #tpu.memory_space<vmem>>) target_semaphore(%arg11 : memref<!tpu.dma_semaphore, #tpu.memory_space<semaphore_mem>>)
      %dma_wait3A = tpu.memref_slice %arg4[%add3A_30] : memref<327680xi32, #tpu.memory_space<hbm>> -> memref<128xi32, #tpu.memory_space<hbm>>
      %dma_wait3A_36 = tpu.memref_slice %arg4[%add3A_30] : memref<327680xi32, #tpu.memory_space<hbm>> -> memref<128xi32, #tpu.memory_space<hbm>>
      tpu.wait_dma2 semaphore(%arg10 : memref<!tpu.dma_semaphore, #tpu.memory_space<semaphore_mem>>) src(%dma_wait3A_36 : memref<128xi32, #tpu.memory_space<hbm>>) dst(%arg6 : memref<128xi32, #tpu.memory_space<vmem>>)
      "tpu.region"() ({
        %run_scoped3A = tpu.sem_alloc : memref<!tpu.dma_semaphore, #tpu.memory_space<semaphore_mem>>
        %dma_start3A_124 = arith.constant 0 : i32
        %dma_start3A_125 = arith.constant 0 : i32
        %dma_start3A_126 = tpu.memref_slice %arg9[%dma_start3A_124, %dma_start3A_125] : memref<10240x128xf32, #tpu.memory_space<vmem_shared>> -> memref<10240x128xf32, #tpu.memory_space<vmem_shared>>
        tpu.enqueue_indirect_dma source(%arg8 : memref<128x128xf32, #tpu.memory_space<vmem>>) target(%dma_start3A_126 : memref<10240x128xf32, #tpu.memory_space<vmem_shared>>) offsets(%arg6 : memref<128xi32, #tpu.memory_space<vmem>>) semaphore(%run_scoped3A : memref<!tpu.dma_semaphore, #tpu.memory_space<semaphore_mem>>) {add = true}
        %dma_wait3A_127 = arith.constant 0 : i32
        %dma_wait3A_128 = arith.constant 0 : i32
        %dma_wait3A_129 = tpu.memref_slice %arg9[%dma_wait3A_127, %dma_wait3A_128] : memref<10240x128xf32, #tpu.memory_space<vmem_shared>> -> memref<10240x128xf32, #tpu.memory_space<vmem_shared>>
        tpu.wait_indirect_dma semaphore(%run_scoped3A : memref<!tpu.dma_semaphore, #tpu.memory_space<semaphore_mem>>) src(%arg8 : memref<128x128xf32, #tpu.memory_space<vmem>>) dst(%dma_wait3A_129 : memref<10240x128xf32, #tpu.memory_space<vmem_shared>>)
        tpu.yield
      }) : () -> ()
      %add3A_37 = arith.constant 256 : i32
      %add3A_38 = arith.addi %add3A_30, %add3A_37 : i32
      %dma_start3A_39 = tpu.memref_slice %arg4[%add3A_38] : memref<327680xi32, #tpu.memory_space<hbm>> -> memref<128xi32, #tpu.memory_space<hbm>>
      %dma_start3A_40 = tpu.memref_slice %arg4[%add3A_38] : memref<327680xi32, #tpu.memory_space<hbm>> -> memref<128xi32, #tpu.memory_space<hbm>>
      tpu.enqueue_dma source(%dma_start3A_40 : memref<128xi32, #tpu.memory_space<hbm>>) target(%arg6 : memref<128xi32, #tpu.memory_space<vmem>>) target_semaphore(%arg10 : memref<!tpu.dma_semaphore, #tpu.memory_space<semaphore_mem>>)
      %dma_wait3A_41 = tpu.memref_slice %arg4[%add3A_33] : memref<327680xi32, #tpu.memory_space<hbm>> -> memref<128xi32, #tpu.memory_space<hbm>>
      %dma_wait3A_42 = tpu.memref_slice %arg4[%add3A_33] : memref<327680xi32, #tpu.memory_space<hbm>> -> memref<128xi32, #tpu.memory_space<hbm>>
      tpu.wait_dma2 semaphore(%arg11 : memref<!tpu.dma_semaphore, #tpu.memory_space<semaphore_mem>>) src(%dma_wait3A_42 : memref<128xi32, #tpu.memory_space<hbm>>) dst(%arg7 : memref<128xi32, #tpu.memory_space<vmem>>)
      "tpu.region"() ({
        %run_scoped3A = tpu.sem_alloc : memref<!tpu.dma_semaphore, #tpu.memory_space<semaphore_mem>>
        %dma_start3A_124 = arith.constant 0 : i32
        %dma_start3A_125 = arith.constant 0 : i32
        %dma_start3A_126 = tpu.memref_slice %arg9[%dma_start3A_124, %dma_start3A_125] : memref<10240x128xf32, #tpu.memory_space<vmem_shared>> -> memref<10240x128xf32, #tpu.memory_space<vmem_shared>>
        tpu.enqueue_indirect_dma source(%arg8 : memref<128x128xf32, #tpu.memory_space<vmem>>) target(%dma_start3A_126 : memref<10240x128xf32, #tpu.memory_space<vmem_shared>>) offsets(%arg7 : memref<128xi32, #tpu.memory_space<vmem>>) semaphore(%run_scoped3A : memref<!tpu.dma_semaphore, #tpu.memory_space<semaphore_mem>>) {add = true}
        %dma_wait3A_127 = arith.constant 0 : i32
        %dma_wait3A_128 = arith.constant 0 : i32
        %dma_wait3A_129 = tpu.memref_slice %arg9[%dma_wait3A_127, %dma_wait3A_128] : memref<10240x128xf32, #tpu.memory_space<vmem_shared>> -> memref<10240x128xf32, #tpu.memory_space<vmem_shared>>
        tpu.wait_indirect_dma semaphore(%run_scoped3A : memref<!tpu.dma_semaphore, #tpu.memory_space<semaphore_mem>>) src(%arg8 : memref<128x128xf32, #tpu.memory_space<vmem>>) dst(%dma_wait3A_129 : memref<10240x128xf32, #tpu.memory_space<vmem_shared>>)
        tpu.yield
      }) : () -> ()
      %add3A_43 = arith.constant 384 : i32
      %add3A_44 = arith.addi %add3A_30, %add3A_43 : i32
      %dma_start3A_45 = tpu.memref_slice %arg4[%add3A_44] : memref<327680xi32, #tpu.memory_space<hbm>> -> memref<128xi32, #tpu.memory_space<hbm>>
      %dma_start3A_46 = tpu.memref_slice %arg4[%add3A_44] : memref<327680xi32, #tpu.memory_space<hbm>> -> memref<128xi32, #tpu.memory_space<hbm>>
      tpu.enqueue_dma source(%dma_start3A_46 : memref<128xi32, #tpu.memory_space<hbm>>) target(%arg7 : memref<128xi32, #tpu.memory_space<vmem>>) target_semaphore(%arg11 : memref<!tpu.dma_semaphore, #tpu.memory_space<semaphore_mem>>)
      %dma_wait3A_47 = tpu.memref_slice %arg4[%add3A_38] : memref<327680xi32, #tpu.memory_space<hbm>> -> memref<128xi32, #tpu.memory_space<hbm>>
      %dma_wait3A_48 = tpu.memref_slice %arg4[%add3A_38] : memref<327680xi32, #tpu.memory_space<hbm>> -> memref<128xi32, #tpu.memory_space<hbm>>
      tpu.wait_dma2 semaphore(%arg10 : memref<!tpu.dma_semaphore, #tpu.memory_space<semaphore_mem>>) src(%dma_wait3A_48 : memref<128xi32, #tpu.memory_space<hbm>>) dst(%arg6 : memref<128xi32, #tpu.memory_space<vmem>>)
      "tpu.region"() ({
        %run_scoped3A = tpu.sem_alloc : memref<!tpu.dma_semaphore, #tpu.memory_space<semaphore_mem>>
        %dma_start3A_124 = arith.constant 0 : i32
        %dma_start3A_125 = arith.constant 0 : i32
        %dma_start3A_126 = tpu.memref_slice %arg9[%dma_start3A_124, %dma_start3A_125] : memref<10240x128xf32, #tpu.memory_space<vmem_shared>> -> memref<10240x128xf32, #tpu.memory_space<vmem_shared>>
        tpu.enqueue_indirect_dma source(%arg8 : memref<128x128xf32, #tpu.memory_space<vmem>>) target(%dma_start3A_126 : memref<10240x128xf32, #tpu.memory_space<vmem_shared>>) offsets(%arg6 : memref<128xi32, #tpu.memory_space<vmem>>) semaphore(%run_scoped3A : memref<!tpu.dma_semaphore, #tpu.memory_space<semaphore_mem>>) {add = true}
        %dma_wait3A_127 = arith.constant 0 : i32
        %dma_wait3A_128 = arith.constant 0 : i32
        %dma_wait3A_129 = tpu.memref_slice %arg9[%dma_wait3A_127, %dma_wait3A_128] : memref<10240x128xf32, #tpu.memory_space<vmem_shared>> -> memref<10240x128xf32, #tpu.memory_space<vmem_shared>>
        tpu.wait_indirect_dma semaphore(%run_scoped3A : memref<!tpu.dma_semaphore, #tpu.memory_space<semaphore_mem>>) src(%arg8 : memref<128x128xf32, #tpu.memory_space<vmem>>) dst(%dma_wait3A_129 : memref<10240x128xf32, #tpu.memory_space<vmem_shared>>)
        tpu.yield
      }) : () -> ()
      %add3A_49 = arith.constant 512 : i32
      %add3A_50 = arith.addi %add3A_30, %add3A_49 : i32
      %dma_start3A_51 = tpu.memref_slice %arg4[%add3A_50] : memref<327680xi32, #tpu.memory_space<hbm>> -> memref<128xi32, #tpu.memory_space<hbm>>
      %dma_start3A_52 = tpu.memref_slice %arg4[%add3A_50] : memref<327680xi32, #tpu.memory_space<hbm>> -> memref<128xi32, #tpu.memory_space<hbm>>
      tpu.enqueue_dma source(%dma_start3A_52 : memref<128xi32, #tpu.memory_space<hbm>>) target(%arg6 : memref<128xi32, #tpu.memory_space<vmem>>) target_semaphore(%arg10 : memref<!tpu.dma_semaphore, #tpu.memory_space<semaphore_mem>>)
      %dma_wait3A_53 = tpu.memref_slice %arg4[%add3A_44] : memref<327680xi32, #tpu.memory_space<hbm>> -> memref<128xi32, #tpu.memory_space<hbm>>
      %dma_wait3A_54 = tpu.memref_slice %arg4[%add3A_44] : memref<327680xi32, #tpu.memory_space<hbm>> -> memref<128xi32, #tpu.memory_space<hbm>>
      tpu.wait_dma2 semaphore(%arg11 : memref<!tpu.dma_semaphore, #tpu.memory_space<semaphore_mem>>) src(%dma_wait3A_54 : memref<128xi32, #tpu.memory_space<hbm>>) dst(%arg7 : memref<128xi32, #tpu.memory_space<vmem>>)
      "tpu.region"() ({
        %run_scoped3A = tpu.sem_alloc : memref<!tpu.dma_semaphore, #tpu.memory_space<semaphore_mem>>
        %dma_start3A_124 = arith.constant 0 : i32
        %dma_start3A_125 = arith.constant 0 : i32
        %dma_start3A_126 = tpu.memref_slice %arg9[%dma_start3A_124, %dma_start3A_125] : memref<10240x128xf32, #tpu.memory_space<vmem_shared>> -> memref<10240x128xf32, #tpu.memory_space<vmem_shared>>
        tpu.enqueue_indirect_dma source(%arg8 : memref<128x128xf32, #tpu.memory_space<vmem>>) target(%dma_start3A_126 : memref<10240x128xf32, #tpu.memory_space<vmem_shared>>) offsets(%arg7 : memref<128xi32, #tpu.memory_space<vmem>>) semaphore(%run_scoped3A : memref<!tpu.dma_semaphore, #tpu.memory_space<semaphore_mem>>) {add = true}
        %dma_wait3A_127 = arith.constant 0 : i32
        %dma_wait3A_128 = arith.constant 0 : i32
        %dma_wait3A_129 = tpu.memref_slice %arg9[%dma_wait3A_127, %dma_wait3A_128] : memref<10240x128xf32, #tpu.memory_space<vmem_shared>> -> memref<10240x128xf32, #tpu.memory_space<vmem_shared>>
        tpu.wait_indirect_dma semaphore(%run_scoped3A : memref<!tpu.dma_semaphore, #tpu.memory_space<semaphore_mem>>) src(%arg8 : memref<128x128xf32, #tpu.memory_space<vmem>>) dst(%dma_wait3A_129 : memref<10240x128xf32, #tpu.memory_space<vmem_shared>>)
        tpu.yield
      }) : () -> ()
      %add3A_55 = arith.constant 640 : i32
      %add3A_56 = arith.addi %add3A_30, %add3A_55 : i32
      %dma_start3A_57 = tpu.memref_slice %arg4[%add3A_56] : memref<327680xi32, #tpu.memory_space<hbm>> -> memref<128xi32, #tpu.memory_space<hbm>>
      %dma_start3A_58 = tpu.memref_slice %arg4[%add3A_56] : memref<327680xi32, #tpu.memory_space<hbm>> -> memref<128xi32, #tpu.memory_space<hbm>>
      tpu.enqueue_dma source(%dma_start3A_58 : memref<128xi32, #tpu.memory_space<hbm>>) target(%arg7 : memref<128xi32, #tpu.memory_space<vmem>>) target_semaphore(%arg11 : memref<!tpu.dma_semaphore, #tpu.memory_space<semaphore_mem>>)
      %dma_wait3A_59 = tpu.memref_slice %arg4[%add3A_50] : memref<327680xi32, #tpu.memory_space<hbm>> -> memref<128xi32, #tpu.memory_space<hbm>>
      %dma_wait3A_60 = tpu.memref_slice %arg4[%add3A_50] : memref<327680xi32, #tpu.memory_space<hbm>> -> memref<128xi32, #tpu.memory_space<hbm>>
      tpu.wait_dma2 semaphore(%arg10 : memref<!tpu.dma_semaphore, #tpu.memory_space<semaphore_mem>>) src(%dma_wait3A_60 : memref<128xi32, #tpu.memory_space<hbm>>) dst(%arg6 : memref<128xi32, #tpu.memory_space<vmem>>)
      "tpu.region"() ({
        %run_scoped3A = tpu.sem_alloc : memref<!tpu.dma_semaphore, #tpu.memory_space<semaphore_mem>>
        %dma_start3A_124 = arith.constant 0 : i32
        %dma_start3A_125 = arith.constant 0 : i32
        %dma_start3A_126 = tpu.memref_slice %arg9[%dma_start3A_124, %dma_start3A_125] : memref<10240x128xf32, #tpu.memory_space<vmem_shared>> -> memref<10240x128xf32, #tpu.memory_space<vmem_shared>>
        tpu.enqueue_indirect_dma source(%arg8 : memref<128x128xf32, #tpu.memory_space<vmem>>) target(%dma_start3A_126 : memref<10240x128xf32, #tpu.memory_space<vmem_shared>>) offsets(%arg6 : memref<128xi32, #tpu.memory_space<vmem>>) semaphore(%run_scoped3A : memref<!tpu.dma_semaphore, #tpu.memory_space<semaphore_mem>>) {add = true}
        %dma_wait3A_127 = arith.constant 0 : i32
        %dma_wait3A_128 = arith.constant 0 : i32
        %dma_wait3A_129 = tpu.memref_slice %arg9[%dma_wait3A_127, %dma_wait3A_128] : memref<10240x128xf32, #tpu.memory_space<vmem_shared>> -> memref<10240x128xf32, #tpu.memory_space<vmem_shared>>
        tpu.wait_indirect_dma semaphore(%run_scoped3A : memref<!tpu.dma_semaphore, #tpu.memory_space<semaphore_mem>>) src(%arg8 : memref<128x128xf32, #tpu.memory_space<vmem>>) dst(%dma_wait3A_129 : memref<10240x128xf32, #tpu.memory_space<vmem_shared>>)
        tpu.yield
      }) : () -> ()
      %add3A_61 = arith.constant 768 : i32
      %add3A_62 = arith.addi %add3A_30, %add3A_61 : i32
      %dma_start3A_63 = tpu.memref_slice %arg4[%add3A_62] : memref<327680xi32, #tpu.memory_space<hbm>> -> memref<128xi32, #tpu.memory_space<hbm>>
      %dma_start3A_64 = tpu.memref_slice %arg4[%add3A_62] : memref<327680xi32, #tpu.memory_space<hbm>> -> memref<128xi32, #tpu.memory_space<hbm>>
      tpu.enqueue_dma source(%dma_start3A_64 : memref<128xi32, #tpu.memory_space<hbm>>) target(%arg6 : memref<128xi32, #tpu.memory_space<vmem>>) target_semaphore(%arg10 : memref<!tpu.dma_semaphore, #tpu.memory_space<semaphore_mem>>)
      %dma_wait3A_65 = tpu.memref_slice %arg4[%add3A_56] : memref<327680xi32, #tpu.memory_space<hbm>> -> memref<128xi32, #tpu.memory_space<hbm>>
      %dma_wait3A_66 = tpu.memref_slice %arg4[%add3A_56] : memref<327680xi32, #tpu.memory_space<hbm>> -> memref<128xi32, #tpu.memory_space<hbm>>
      tpu.wait_dma2 semaphore(%arg11 : memref<!tpu.dma_semaphore, #tpu.memory_space<semaphore_mem>>) src(%dma_wait3A_66 : memref<128xi32, #tpu.memory_space<hbm>>) dst(%arg7 : memref<128xi32, #tpu.memory_space<vmem>>)
      "tpu.region"() ({
        %run_scoped3A = tpu.sem_alloc : memref<!tpu.dma_semaphore, #tpu.memory_space<semaphore_mem>>
        %dma_start3A_124 = arith.constant 0 : i32
        %dma_start3A_125 = arith.constant 0 : i32
        %dma_start3A_126 = tpu.memref_slice %arg9[%dma_start3A_124, %dma_start3A_125] : memref<10240x128xf32, #tpu.memory_space<vmem_shared>> -> memref<10240x128xf32, #tpu.memory_space<vmem_shared>>
        tpu.enqueue_indirect_dma source(%arg8 : memref<128x128xf32, #tpu.memory_space<vmem>>) target(%dma_start3A_126 : memref<10240x128xf32, #tpu.memory_space<vmem_shared>>) offsets(%arg7 : memref<128xi32, #tpu.memory_space<vmem>>) semaphore(%run_scoped3A : memref<!tpu.dma_semaphore, #tpu.memory_space<semaphore_mem>>) {add = true}
        %dma_wait3A_127 = arith.constant 0 : i32
        %dma_wait3A_128 = arith.constant 0 : i32
        %dma_wait3A_129 = tpu.memref_slice %arg9[%dma_wait3A_127, %dma_wait3A_128] : memref<10240x128xf32, #tpu.memory_space<vmem_shared>> -> memref<10240x128xf32, #tpu.memory_space<vmem_shared>>
        tpu.wait_indirect_dma semaphore(%run_scoped3A : memref<!tpu.dma_semaphore, #tpu.memory_space<semaphore_mem>>) src(%arg8 : memref<128x128xf32, #tpu.memory_space<vmem>>) dst(%dma_wait3A_129 : memref<10240x128xf32, #tpu.memory_space<vmem_shared>>)
        tpu.yield
      }) : () -> ()
      %add3A_67 = arith.constant 896 : i32
      %add3A_68 = arith.addi %add3A_30, %add3A_67 : i32
      %dma_start3A_69 = tpu.memref_slice %arg4[%add3A_68] : memref<327680xi32, #tpu.memory_space<hbm>> -> memref<128xi32, #tpu.memory_space<hbm>>
      %dma_start3A_70 = tpu.memref_slice %arg4[%add3A_68] : memref<327680xi32, #tpu.memory_space<hbm>> -> memref<128xi32, #tpu.memory_space<hbm>>
      tpu.enqueue_dma source(%dma_start3A_70 : memref<128xi32, #tpu.memory_space<hbm>>) target(%arg7 : memref<128xi32, #tpu.memory_space<vmem>>) target_semaphore(%arg11 : memref<!tpu.dma_semaphore, #tpu.memory_space<semaphore_mem>>)
      %dma_wait3A_71 = tpu.memref_slice %arg4[%add3A_62] : memref<327680xi32, #tpu.memory_space<hbm>> -> memref<128xi32, #tpu.memory_space<hbm>>
      %dma_wait3A_72 = tpu.memref_slice %arg4[%add3A_62] : memref<327680xi32, #tpu.memory_space<hbm>> -> memref<128xi32, #tpu.memory_space<hbm>>
      tpu.wait_dma2 semaphore(%arg10 : memref<!tpu.dma_semaphore, #tpu.memory_space<semaphore_mem>>) src(%dma_wait3A_72 : memref<128xi32, #tpu.memory_space<hbm>>) dst(%arg6 : memref<128xi32, #tpu.memory_space<vmem>>)
      "tpu.region"() ({
        %run_scoped3A = tpu.sem_alloc : memref<!tpu.dma_semaphore, #tpu.memory_space<semaphore_mem>>
        %dma_start3A_124 = arith.constant 0 : i32
        %dma_start3A_125 = arith.constant 0 : i32
        %dma_start3A_126 = tpu.memref_slice %arg9[%dma_start3A_124, %dma_start3A_125] : memref<10240x128xf32, #tpu.memory_space<vmem_shared>> -> memref<10240x128xf32, #tpu.memory_space<vmem_shared>>
        tpu.enqueue_indirect_dma source(%arg8 : memref<128x128xf32, #tpu.memory_space<vmem>>) target(%dma_start3A_126 : memref<10240x128xf32, #tpu.memory_space<vmem_shared>>) offsets(%arg6 : memref<128xi32, #tpu.memory_space<vmem>>) semaphore(%run_scoped3A : memref<!tpu.dma_semaphore, #tpu.memory_space<semaphore_mem>>) {add = true}
        %dma_wait3A_127 = arith.constant 0 : i32
        %dma_wait3A_128 = arith.constant 0 : i32
        %dma_wait3A_129 = tpu.memref_slice %arg9[%dma_wait3A_127, %dma_wait3A_128] : memref<10240x128xf32, #tpu.memory_space<vmem_shared>> -> memref<10240x128xf32, #tpu.memory_space<vmem_shared>>
        tpu.wait_indirect_dma semaphore(%run_scoped3A : memref<!tpu.dma_semaphore, #tpu.memory_space<semaphore_mem>>) src(%arg8 : memref<128x128xf32, #tpu.memory_space<vmem>>) dst(%dma_wait3A_129 : memref<10240x128xf32, #tpu.memory_space<vmem_shared>>)
        tpu.yield
      }) : () -> ()
      %add3A_73 = arith.constant 1024 : i32
      %add3A_74 = arith.addi %add3A_30, %add3A_73 : i32
      %dma_start3A_75 = tpu.memref_slice %arg4[%add3A_74] : memref<327680xi32, #tpu.memory_space<hbm>> -> memref<128xi32, #tpu.memory_space<hbm>>
      %dma_start3A_76 = tpu.memref_slice %arg4[%add3A_74] : memref<327680xi32, #tpu.memory_space<hbm>> -> memref<128xi32, #tpu.memory_space<hbm>>
      tpu.enqueue_dma source(%dma_start3A_76 : memref<128xi32, #tpu.memory_space<hbm>>) target(%arg6 : memref<128xi32, #tpu.memory_space<vmem>>) target_semaphore(%arg10 : memref<!tpu.dma_semaphore, #tpu.memory_space<semaphore_mem>>)
      %dma_wait3A_77 = tpu.memref_slice %arg4[%add3A_68] : memref<327680xi32, #tpu.memory_space<hbm>> -> memref<128xi32, #tpu.memory_space<hbm>>
      %dma_wait3A_78 = tpu.memref_slice %arg4[%add3A_68] : memref<327680xi32, #tpu.memory_space<hbm>> -> memref<128xi32, #tpu.memory_space<hbm>>
      tpu.wait_dma2 semaphore(%arg11 : memref<!tpu.dma_semaphore, #tpu.memory_space<semaphore_mem>>) src(%dma_wait3A_78 : memref<128xi32, #tpu.memory_space<hbm>>) dst(%arg7 : memref<128xi32, #tpu.memory_space<vmem>>)
      "tpu.region"() ({
        %run_scoped3A = tpu.sem_alloc : memref<!tpu.dma_semaphore, #tpu.memory_space<semaphore_mem>>
        %dma_start3A_124 = arith.constant 0 : i32
        %dma_start3A_125 = arith.constant 0 : i32
        %dma_start3A_126 = tpu.memref_slice %arg9[%dma_start3A_124, %dma_start3A_125] : memref<10240x128xf32, #tpu.memory_space<vmem_shared>> -> memref<10240x128xf32, #tpu.memory_space<vmem_shared>>
        tpu.enqueue_indirect_dma source(%arg8 : memref<128x128xf32, #tpu.memory_space<vmem>>) target(%dma_start3A_126 : memref<10240x128xf32, #tpu.memory_space<vmem_shared>>) offsets(%arg7 : memref<128xi32, #tpu.memory_space<vmem>>) semaphore(%run_scoped3A : memref<!tpu.dma_semaphore, #tpu.memory_space<semaphore_mem>>) {add = true}
        %dma_wait3A_127 = arith.constant 0 : i32
        %dma_wait3A_128 = arith.constant 0 : i32
        %dma_wait3A_129 = tpu.memref_slice %arg9[%dma_wait3A_127, %dma_wait3A_128] : memref<10240x128xf32, #tpu.memory_space<vmem_shared>> -> memref<10240x128xf32, #tpu.memory_space<vmem_shared>>
        tpu.wait_indirect_dma semaphore(%run_scoped3A : memref<!tpu.dma_semaphore, #tpu.memory_space<semaphore_mem>>) src(%arg8 : memref<128x128xf32, #tpu.memory_space<vmem>>) dst(%dma_wait3A_129 : memref<10240x128xf32, #tpu.memory_space<vmem_shared>>)
        tpu.yield
      }) : () -> ()
      %add3A_79 = arith.constant 1152 : i32
      %add3A_80 = arith.addi %add3A_30, %add3A_79 : i32
      %dma_start3A_81 = tpu.memref_slice %arg4[%add3A_80] : memref<327680xi32, #tpu.memory_space<hbm>> -> memref<128xi32, #tpu.memory_space<hbm>>
      %dma_start3A_82 = tpu.memref_slice %arg4[%add3A_80] : memref<327680xi32, #tpu.memory_space<hbm>> -> memref<128xi32, #tpu.memory_space<hbm>>
      tpu.enqueue_dma source(%dma_start3A_82 : memref<128xi32, #tpu.memory_space<hbm>>) target(%arg7 : memref<128xi32, #tpu.memory_space<vmem>>) target_semaphore(%arg11 : memref<!tpu.dma_semaphore, #tpu.memory_space<semaphore_mem>>)
      %dma_wait3A_83 = tpu.memref_slice %arg4[%add3A_74] : memref<327680xi32, #tpu.memory_space<hbm>> -> memref<128xi32, #tpu.memory_space<hbm>>
      %dma_wait3A_84 = tpu.memref_slice %arg4[%add3A_74] : memref<327680xi32, #tpu.memory_space<hbm>> -> memref<128xi32, #tpu.memory_space<hbm>>
      tpu.wait_dma2 semaphore(%arg10 : memref<!tpu.dma_semaphore, #tpu.memory_space<semaphore_mem>>) src(%dma_wait3A_84 : memref<128xi32, #tpu.memory_space<hbm>>) dst(%arg6 : memref<128xi32, #tpu.memory_space<vmem>>)
      "tpu.region"() ({
        %run_scoped3A = tpu.sem_alloc : memref<!tpu.dma_semaphore, #tpu.memory_space<semaphore_mem>>
        %dma_start3A_124 = arith.constant 0 : i32
        %dma_start3A_125 = arith.constant 0 : i32
        %dma_start3A_126 = tpu.memref_slice %arg9[%dma_start3A_124, %dma_start3A_125] : memref<10240x128xf32, #tpu.memory_space<vmem_shared>> -> memref<10240x128xf32, #tpu.memory_space<vmem_shared>>
        tpu.enqueue_indirect_dma source(%arg8 : memref<128x128xf32, #tpu.memory_space<vmem>>) target(%dma_start3A_126 : memref<10240x128xf32, #tpu.memory_space<vmem_shared>>) offsets(%arg6 : memref<128xi32, #tpu.memory_space<vmem>>) semaphore(%run_scoped3A : memref<!tpu.dma_semaphore, #tpu.memory_space<semaphore_mem>>) {add = true}
        %dma_wait3A_127 = arith.constant 0 : i32
        %dma_wait3A_128 = arith.constant 0 : i32
        %dma_wait3A_129 = tpu.memref_slice %arg9[%dma_wait3A_127, %dma_wait3A_128] : memref<10240x128xf32, #tpu.memory_space<vmem_shared>> -> memref<10240x128xf32, #tpu.memory_space<vmem_shared>>
        tpu.wait_indirect_dma semaphore(%run_scoped3A : memref<!tpu.dma_semaphore, #tpu.memory_space<semaphore_mem>>) src(%arg8 : memref<128x128xf32, #tpu.memory_space<vmem>>) dst(%dma_wait3A_129 : memref<10240x128xf32, #tpu.memory_space<vmem_shared>>)
        tpu.yield
      }) : () -> ()
      %add3A_85 = arith.constant 1280 : i32
      %add3A_86 = arith.addi %add3A_30, %add3A_85 : i32
      %dma_start3A_87 = tpu.memref_slice %arg4[%add3A_86] : memref<327680xi32, #tpu.memory_space<hbm>> -> memref<128xi32, #tpu.memory_space<hbm>>
      %dma_start3A_88 = tpu.memref_slice %arg4[%add3A_86] : memref<327680xi32, #tpu.memory_space<hbm>> -> memref<128xi32, #tpu.memory_space<hbm>>
      tpu.enqueue_dma source(%dma_start3A_88 : memref<128xi32, #tpu.memory_space<hbm>>) target(%arg6 : memref<128xi32, #tpu.memory_space<vmem>>) target_semaphore(%arg10 : memref<!tpu.dma_semaphore, #tpu.memory_space<semaphore_mem>>)
      %dma_wait3A_89 = tpu.memref_slice %arg4[%add3A_80] : memref<327680xi32, #tpu.memory_space<hbm>> -> memref<128xi32, #tpu.memory_space<hbm>>
      %dma_wait3A_90 = tpu.memref_slice %arg4[%add3A_80] : memref<327680xi32, #tpu.memory_space<hbm>> -> memref<128xi32, #tpu.memory_space<hbm>>
      tpu.wait_dma2 semaphore(%arg11 : memref<!tpu.dma_semaphore, #tpu.memory_space<semaphore_mem>>) src(%dma_wait3A_90 : memref<128xi32, #tpu.memory_space<hbm>>) dst(%arg7 : memref<128xi32, #tpu.memory_space<vmem>>)
      "tpu.region"() ({
        %run_scoped3A = tpu.sem_alloc : memref<!tpu.dma_semaphore, #tpu.memory_space<semaphore_mem>>
        %dma_start3A_124 = arith.constant 0 : i32
        %dma_start3A_125 = arith.constant 0 : i32
        %dma_start3A_126 = tpu.memref_slice %arg9[%dma_start3A_124, %dma_start3A_125] : memref<10240x128xf32, #tpu.memory_space<vmem_shared>> -> memref<10240x128xf32, #tpu.memory_space<vmem_shared>>
        tpu.enqueue_indirect_dma source(%arg8 : memref<128x128xf32, #tpu.memory_space<vmem>>) target(%dma_start3A_126 : memref<10240x128xf32, #tpu.memory_space<vmem_shared>>) offsets(%arg7 : memref<128xi32, #tpu.memory_space<vmem>>) semaphore(%run_scoped3A : memref<!tpu.dma_semaphore, #tpu.memory_space<semaphore_mem>>) {add = true}
        %dma_wait3A_127 = arith.constant 0 : i32
        %dma_wait3A_128 = arith.constant 0 : i32
        %dma_wait3A_129 = tpu.memref_slice %arg9[%dma_wait3A_127, %dma_wait3A_128] : memref<10240x128xf32, #tpu.memory_space<vmem_shared>> -> memref<10240x128xf32, #tpu.memory_space<vmem_shared>>
        tpu.wait_indirect_dma semaphore(%run_scoped3A : memref<!tpu.dma_semaphore, #tpu.memory_space<semaphore_mem>>) src(%arg8 : memref<128x128xf32, #tpu.memory_space<vmem>>) dst(%dma_wait3A_129 : memref<10240x128xf32, #tpu.memory_space<vmem_shared>>)
        tpu.yield
      }) : () -> ()
      %add3A_91 = arith.constant 1408 : i32
      %add3A_92 = arith.addi %add3A_30, %add3A_91 : i32
      %dma_start3A_93 = tpu.memref_slice %arg4[%add3A_92] : memref<327680xi32, #tpu.memory_space<hbm>> -> memref<128xi32, #tpu.memory_space<hbm>>
      %dma_start3A_94 = tpu.memref_slice %arg4[%add3A_92] : memref<327680xi32, #tpu.memory_space<hbm>> -> memref<128xi32, #tpu.memory_space<hbm>>
      tpu.enqueue_dma source(%dma_start3A_94 : memref<128xi32, #tpu.memory_space<hbm>>) target(%arg7 : memref<128xi32, #tpu.memory_space<vmem>>) target_semaphore(%arg11 : memref<!tpu.dma_semaphore, #tpu.memory_space<semaphore_mem>>)
      %dma_wait3A_95 = tpu.memref_slice %arg4[%add3A_86] : memref<327680xi32, #tpu.memory_space<hbm>> -> memref<128xi32, #tpu.memory_space<hbm>>
      %dma_wait3A_96 = tpu.memref_slice %arg4[%add3A_86] : memref<327680xi32, #tpu.memory_space<hbm>> -> memref<128xi32, #tpu.memory_space<hbm>>
      tpu.wait_dma2 semaphore(%arg10 : memref<!tpu.dma_semaphore, #tpu.memory_space<semaphore_mem>>) src(%dma_wait3A_96 : memref<128xi32, #tpu.memory_space<hbm>>) dst(%arg6 : memref<128xi32, #tpu.memory_space<vmem>>)
      "tpu.region"() ({
        %run_scoped3A = tpu.sem_alloc : memref<!tpu.dma_semaphore, #tpu.memory_space<semaphore_mem>>
        %dma_start3A_124 = arith.constant 0 : i32
        %dma_start3A_125 = arith.constant 0 : i32
        %dma_start3A_126 = tpu.memref_slice %arg9[%dma_start3A_124, %dma_start3A_125] : memref<10240x128xf32, #tpu.memory_space<vmem_shared>> -> memref<10240x128xf32, #tpu.memory_space<vmem_shared>>
        tpu.enqueue_indirect_dma source(%arg8 : memref<128x128xf32, #tpu.memory_space<vmem>>) target(%dma_start3A_126 : memref<10240x128xf32, #tpu.memory_space<vmem_shared>>) offsets(%arg6 : memref<128xi32, #tpu.memory_space<vmem>>) semaphore(%run_scoped3A : memref<!tpu.dma_semaphore, #tpu.memory_space<semaphore_mem>>) {add = true}
        %dma_wait3A_127 = arith.constant 0 : i32
        %dma_wait3A_128 = arith.constant 0 : i32
        %dma_wait3A_129 = tpu.memref_slice %arg9[%dma_wait3A_127, %dma_wait3A_128] : memref<10240x128xf32, #tpu.memory_space<vmem_shared>> -> memref<10240x128xf32, #tpu.memory_space<vmem_shared>>
        tpu.wait_indirect_dma semaphore(%run_scoped3A : memref<!tpu.dma_semaphore, #tpu.memory_space<semaphore_mem>>) src(%arg8 : memref<128x128xf32, #tpu.memory_space<vmem>>) dst(%dma_wait3A_129 : memref<10240x128xf32, #tpu.memory_space<vmem_shared>>)
        tpu.yield
      }) : () -> ()
      %add3A_97 = arith.constant 1536 : i32
      %add3A_98 = arith.addi %add3A_30, %add3A_97 : i32
      %dma_start3A_99 = tpu.memref_slice %arg4[%add3A_98] : memref<327680xi32, #tpu.memory_space<hbm>> -> memref<128xi32, #tpu.memory_space<hbm>>
      %dma_start3A_100 = tpu.memref_slice %arg4[%add3A_98] : memref<327680xi32, #tpu.memory_space<hbm>> -> memref<128xi32, #tpu.memory_space<hbm>>
      tpu.enqueue_dma source(%dma_start3A_100 : memref<128xi32, #tpu.memory_space<hbm>>) target(%arg6 : memref<128xi32, #tpu.memory_space<vmem>>) target_semaphore(%arg10 : memref<!tpu.dma_semaphore, #tpu.memory_space<semaphore_mem>>)
      %dma_wait3A_101 = tpu.memref_slice %arg4[%add3A_92] : memref<327680xi32, #tpu.memory_space<hbm>> -> memref<128xi32, #tpu.memory_space<hbm>>
      %dma_wait3A_102 = tpu.memref_slice %arg4[%add3A_92] : memref<327680xi32, #tpu.memory_space<hbm>> -> memref<128xi32, #tpu.memory_space<hbm>>
      tpu.wait_dma2 semaphore(%arg11 : memref<!tpu.dma_semaphore, #tpu.memory_space<semaphore_mem>>) src(%dma_wait3A_102 : memref<128xi32, #tpu.memory_space<hbm>>) dst(%arg7 : memref<128xi32, #tpu.memory_space<vmem>>)
      "tpu.region"() ({
        %run_scoped3A = tpu.sem_alloc : memref<!tpu.dma_semaphore, #tpu.memory_space<semaphore_mem>>
        %dma_start3A_124 = arith.constant 0 : i32
        %dma_start3A_125 = arith.constant 0 : i32
        %dma_start3A_126 = tpu.memref_slice %arg9[%dma_start3A_124, %dma_start3A_125] : memref<10240x128xf32, #tpu.memory_space<vmem_shared>> -> memref<10240x128xf32, #tpu.memory_space<vmem_shared>>
        tpu.enqueue_indirect_dma source(%arg8 : memref<128x128xf32, #tpu.memory_space<vmem>>) target(%dma_start3A_126 : memref<10240x128xf32, #tpu.memory_space<vmem_shared>>) offsets(%arg7 : memref<128xi32, #tpu.memory_space<vmem>>) semaphore(%run_scoped3A : memref<!tpu.dma_semaphore, #tpu.memory_space<semaphore_mem>>) {add = true}
        %dma_wait3A_127 = arith.constant 0 : i32
        %dma_wait3A_128 = arith.constant 0 : i32
        %dma_wait3A_129 = tpu.memref_slice %arg9[%dma_wait3A_127, %dma_wait3A_128] : memref<10240x128xf32, #tpu.memory_space<vmem_shared>> -> memref<10240x128xf32, #tpu.memory_space<vmem_shared>>
        tpu.wait_indirect_dma semaphore(%run_scoped3A : memref<!tpu.dma_semaphore, #tpu.memory_space<semaphore_mem>>) src(%arg8 : memref<128x128xf32, #tpu.memory_space<vmem>>) dst(%dma_wait3A_129 : memref<10240x128xf32, #tpu.memory_space<vmem_shared>>)
        tpu.yield
      }) : () -> ()
      %add3A_103 = arith.constant 1664 : i32
      %add3A_104 = arith.addi %add3A_30, %add3A_103 : i32
      %dma_start3A_105 = tpu.memref_slice %arg4[%add3A_104] : memref<327680xi32, #tpu.memory_space<hbm>> -> memref<128xi32, #tpu.memory_space<hbm>>
      %dma_start3A_106 = tpu.memref_slice %arg4[%add3A_104] : memref<327680xi32, #tpu.memory_space<hbm>> -> memref<128xi32, #tpu.memory_space<hbm>>
      tpu.enqueue_dma source(%dma_start3A_106 : memref<128xi32, #tpu.memory_space<hbm>>) target(%arg7 : memref<128xi32, #tpu.memory_space<vmem>>) target_semaphore(%arg11 : memref<!tpu.dma_semaphore, #tpu.memory_space<semaphore_mem>>)
      %dma_wait3A_107 = tpu.memref_slice %arg4[%add3A_98] : memref<327680xi32, #tpu.memory_space<hbm>> -> memref<128xi32, #tpu.memory_space<hbm>>
      %dma_wait3A_108 = tpu.memref_slice %arg4[%add3A_98] : memref<327680xi32, #tpu.memory_space<hbm>> -> memref<128xi32, #tpu.memory_space<hbm>>
      tpu.wait_dma2 semaphore(%arg10 : memref<!tpu.dma_semaphore, #tpu.memory_space<semaphore_mem>>) src(%dma_wait3A_108 : memref<128xi32, #tpu.memory_space<hbm>>) dst(%arg6 : memref<128xi32, #tpu.memory_space<vmem>>)
      "tpu.region"() ({
        %run_scoped3A = tpu.sem_alloc : memref<!tpu.dma_semaphore, #tpu.memory_space<semaphore_mem>>
        %dma_start3A_124 = arith.constant 0 : i32
        %dma_start3A_125 = arith.constant 0 : i32
        %dma_start3A_126 = tpu.memref_slice %arg9[%dma_start3A_124, %dma_start3A_125] : memref<10240x128xf32, #tpu.memory_space<vmem_shared>> -> memref<10240x128xf32, #tpu.memory_space<vmem_shared>>
        tpu.enqueue_indirect_dma source(%arg8 : memref<128x128xf32, #tpu.memory_space<vmem>>) target(%dma_start3A_126 : memref<10240x128xf32, #tpu.memory_space<vmem_shared>>) offsets(%arg6 : memref<128xi32, #tpu.memory_space<vmem>>) semaphore(%run_scoped3A : memref<!tpu.dma_semaphore, #tpu.memory_space<semaphore_mem>>) {add = true}
        %dma_wait3A_127 = arith.constant 0 : i32
        %dma_wait3A_128 = arith.constant 0 : i32
        %dma_wait3A_129 = tpu.memref_slice %arg9[%dma_wait3A_127, %dma_wait3A_128] : memref<10240x128xf32, #tpu.memory_space<vmem_shared>> -> memref<10240x128xf32, #tpu.memory_space<vmem_shared>>
        tpu.wait_indirect_dma semaphore(%run_scoped3A : memref<!tpu.dma_semaphore, #tpu.memory_space<semaphore_mem>>) src(%arg8 : memref<128x128xf32, #tpu.memory_space<vmem>>) dst(%dma_wait3A_129 : memref<10240x128xf32, #tpu.memory_space<vmem_shared>>)
        tpu.yield
      }) : () -> ()
      %add3A_109 = arith.constant 1792 : i32
      %add3A_110 = arith.addi %add3A_30, %add3A_109 : i32
      %dma_start3A_111 = tpu.memref_slice %arg4[%add3A_110] : memref<327680xi32, #tpu.memory_space<hbm>> -> memref<128xi32, #tpu.memory_space<hbm>>
      %dma_start3A_112 = tpu.memref_slice %arg4[%add3A_110] : memref<327680xi32, #tpu.memory_space<hbm>> -> memref<128xi32, #tpu.memory_space<hbm>>
      tpu.enqueue_dma source(%dma_start3A_112 : memref<128xi32, #tpu.memory_space<hbm>>) target(%arg6 : memref<128xi32, #tpu.memory_space<vmem>>) target_semaphore(%arg10 : memref<!tpu.dma_semaphore, #tpu.memory_space<semaphore_mem>>)
      %dma_wait3A_113 = tpu.memref_slice %arg4[%add3A_104] : memref<327680xi32, #tpu.memory_space<hbm>> -> memref<128xi32, #tpu.memory_space<hbm>>
      %dma_wait3A_114 = tpu.memref_slice %arg4[%add3A_104] : memref<327680xi32, #tpu.memory_space<hbm>> -> memref<128xi32, #tpu.memory_space<hbm>>
      tpu.wait_dma2 semaphore(%arg11 : memref<!tpu.dma_semaphore, #tpu.memory_space<semaphore_mem>>) src(%dma_wait3A_114 : memref<128xi32, #tpu.memory_space<hbm>>) dst(%arg7 : memref<128xi32, #tpu.memory_space<vmem>>)
      "tpu.region"() ({
        %run_scoped3A = tpu.sem_alloc : memref<!tpu.dma_semaphore, #tpu.memory_space<semaphore_mem>>
        %dma_start3A_124 = arith.constant 0 : i32
        %dma_start3A_125 = arith.constant 0 : i32
        %dma_start3A_126 = tpu.memref_slice %arg9[%dma_start3A_124, %dma_start3A_125] : memref<10240x128xf32, #tpu.memory_space<vmem_shared>> -> memref<10240x128xf32, #tpu.memory_space<vmem_shared>>
        tpu.enqueue_indirect_dma source(%arg8 : memref<128x128xf32, #tpu.memory_space<vmem>>) target(%dma_start3A_126 : memref<10240x128xf32, #tpu.memory_space<vmem_shared>>) offsets(%arg7 : memref<128xi32, #tpu.memory_space<vmem>>) semaphore(%run_scoped3A : memref<!tpu.dma_semaphore, #tpu.memory_space<semaphore_mem>>) {add = true}
        %dma_wait3A_127 = arith.constant 0 : i32
        %dma_wait3A_128 = arith.constant 0 : i32
        %dma_wait3A_129 = tpu.memref_slice %arg9[%dma_wait3A_127, %dma_wait3A_128] : memref<10240x128xf32, #tpu.memory_space<vmem_shared>> -> memref<10240x128xf32, #tpu.memory_space<vmem_shared>>
        tpu.wait_indirect_dma semaphore(%run_scoped3A : memref<!tpu.dma_semaphore, #tpu.memory_space<semaphore_mem>>) src(%arg8 : memref<128x128xf32, #tpu.memory_space<vmem>>) dst(%dma_wait3A_129 : memref<10240x128xf32, #tpu.memory_space<vmem_shared>>)
        tpu.yield
      }) : () -> ()
      %add3A_115 = arith.constant 1920 : i32
      %add3A_116 = arith.addi %add3A_30, %add3A_115 : i32
      %dma_start3A_117 = tpu.memref_slice %arg4[%add3A_116] : memref<327680xi32, #tpu.memory_space<hbm>> -> memref<128xi32, #tpu.memory_space<hbm>>
      %dma_start3A_118 = tpu.memref_slice %arg4[%add3A_116] : memref<327680xi32, #tpu.memory_space<hbm>> -> memref<128xi32, #tpu.memory_space<hbm>>
      tpu.enqueue_dma source(%dma_start3A_118 : memref<128xi32, #tpu.memory_space<hbm>>) target(%arg7 : memref<128xi32, #tpu.memory_space<vmem>>) target_semaphore(%arg11 : memref<!tpu.dma_semaphore, #tpu.memory_space<semaphore_mem>>)
      %dma_wait3A_119 = tpu.memref_slice %arg4[%add3A_110] : memref<327680xi32, #tpu.memory_space<hbm>> -> memref<128xi32, #tpu.memory_space<hbm>>
      %dma_wait3A_120 = tpu.memref_slice %arg4[%add3A_110] : memref<327680xi32, #tpu.memory_space<hbm>> -> memref<128xi32, #tpu.memory_space<hbm>>
      tpu.wait_dma2 semaphore(%arg10 : memref<!tpu.dma_semaphore, #tpu.memory_space<semaphore_mem>>) src(%dma_wait3A_120 : memref<128xi32, #tpu.memory_space<hbm>>) dst(%arg6 : memref<128xi32, #tpu.memory_space<vmem>>)
      "tpu.region"() ({
        %run_scoped3A = tpu.sem_alloc : memref<!tpu.dma_semaphore, #tpu.memory_space<semaphore_mem>>
        %dma_start3A_124 = arith.constant 0 : i32
        %dma_start3A_125 = arith.constant 0 : i32
        %dma_start3A_126 = tpu.memref_slice %arg9[%dma_start3A_124, %dma_start3A_125] : memref<10240x128xf32, #tpu.memory_space<vmem_shared>> -> memref<10240x128xf32, #tpu.memory_space<vmem_shared>>
        tpu.enqueue_indirect_dma source(%arg8 : memref<128x128xf32, #tpu.memory_space<vmem>>) target(%dma_start3A_126 : memref<10240x128xf32, #tpu.memory_space<vmem_shared>>) offsets(%arg6 : memref<128xi32, #tpu.memory_space<vmem>>) semaphore(%run_scoped3A : memref<!tpu.dma_semaphore, #tpu.memory_space<semaphore_mem>>) {add = true}
        %dma_wait3A_127 = arith.constant 0 : i32
        %dma_wait3A_128 = arith.constant 0 : i32
        %dma_wait3A_129 = tpu.memref_slice %arg9[%dma_wait3A_127, %dma_wait3A_128] : memref<10240x128xf32, #tpu.memory_space<vmem_shared>> -> memref<10240x128xf32, #tpu.memory_space<vmem_shared>>
        tpu.wait_indirect_dma semaphore(%run_scoped3A : memref<!tpu.dma_semaphore, #tpu.memory_space<semaphore_mem>>) src(%arg8 : memref<128x128xf32, #tpu.memory_space<vmem>>) dst(%dma_wait3A_129 : memref<10240x128xf32, #tpu.memory_space<vmem_shared>>)
        tpu.yield
      }) : () -> ()
      %dma_wait3A_121 = tpu.memref_slice %arg4[%add3A_116] : memref<327680xi32, #tpu.memory_space<hbm>> -> memref<128xi32, #tpu.memory_space<hbm>>
      %dma_wait3A_122 = tpu.memref_slice %arg4[%add3A_116] : memref<327680xi32, #tpu.memory_space<hbm>> -> memref<128xi32, #tpu.memory_space<hbm>>
      tpu.wait_dma2 semaphore(%arg11 : memref<!tpu.dma_semaphore, #tpu.memory_space<semaphore_mem>>) src(%dma_wait3A_122 : memref<128xi32, #tpu.memory_space<hbm>>) dst(%arg7 : memref<128xi32, #tpu.memory_space<vmem>>)
      "tpu.region"() ({
        %run_scoped3A = tpu.sem_alloc : memref<!tpu.dma_semaphore, #tpu.memory_space<semaphore_mem>>
        %dma_start3A_124 = arith.constant 0 : i32
        %dma_start3A_125 = arith.constant 0 : i32
        %dma_start3A_126 = tpu.memref_slice %arg9[%dma_start3A_124, %dma_start3A_125] : memref<10240x128xf32, #tpu.memory_space<vmem_shared>> -> memref<10240x128xf32, #tpu.memory_space<vmem_shared>>
        tpu.enqueue_indirect_dma source(%arg8 : memref<128x128xf32, #tpu.memory_space<vmem>>) target(%dma_start3A_126 : memref<10240x128xf32, #tpu.memory_space<vmem_shared>>) offsets(%arg7 : memref<128xi32, #tpu.memory_space<vmem>>) semaphore(%run_scoped3A : memref<!tpu.dma_semaphore, #tpu.memory_space<semaphore_mem>>) {add = true}
        %dma_wait3A_127 = arith.constant 0 : i32
        %dma_wait3A_128 = arith.constant 0 : i32
        %dma_wait3A_129 = tpu.memref_slice %arg9[%dma_wait3A_127, %dma_wait3A_128] : memref<10240x128xf32, #tpu.memory_space<vmem_shared>> -> memref<10240x128xf32, #tpu.memory_space<vmem_shared>>
        tpu.wait_indirect_dma semaphore(%run_scoped3A : memref<!tpu.dma_semaphore, #tpu.memory_space<semaphore_mem>>) src(%arg8 : memref<128x128xf32, #tpu.memory_space<vmem>>) dst(%dma_wait3A_129 : memref<10240x128xf32, #tpu.memory_space<vmem_shared>>)
        tpu.yield
      }) : () -> ()
      %scan3A_123 = arith.constant 0 : i32
      scf.yield %scan3A_123 : i32
    }
    %scan3A_17 = arith.constant 5 : i32
    %barrier3A_18 = arith.constant 0 : index
    tpu.barrier barrier_id(%barrier3A_18)
    %scan3A_19 = arith.constant 0 : i32
    %scan3A_20 = arith.constant 0 : i32
    %scan3A_21 = arith.constant 5 : i32
    %scan3A_22 = arith.addi %scan3A_20, %scan3A_21 : i32
    %scan3A_23 = arith.constant 1 : i32
    %scan3A_24 = scf.for %scan3A_26 = %scan3A_20 to %scan3A_22 step %scan3A_23 iter_args(%scan3A_27 = %scan3A_19) -> (i32)  : i32 {
      %mul3A_28 = arith.constant 128 : i32
      %mul3A_29 = arith.muli %scan3A_26, %mul3A_28 : i32
      %add3A_30 = arith.addi %mul3A_0, %mul3A_29 : i32
      "tpu.region"() ({
        %run_scoped3A = tpu.sem_alloc : memref<!tpu.dma_semaphore, #tpu.memory_space<semaphore_mem>>
        %dma_start3A = arith.constant 0 : i32
        %dma_start3A_35 = tpu.memref_slice %arg9[%add3A_30, %dma_start3A] : memref<10240x128xf32, #tpu.memory_space<vmem_shared>> -> memref<128x128xf32, #tpu.memory_space<vmem_shared>>
        %dma_start3A_36 = arith.constant 0 : i32
        %dma_start3A_37 = tpu.memref_slice %arg9[%add3A_30, %dma_start3A_36] : memref<10240x128xf32, #tpu.memory_space<vmem_shared>> -> memref<128x128xf32, #tpu.memory_space<vmem_shared>>
        tpu.enqueue_dma source(%dma_start3A_37 : memref<128x128xf32, #tpu.memory_space<vmem_shared>>) target(%arg8 : memref<128x128xf32, #tpu.memory_space<vmem>>) target_semaphore(%run_scoped3A : memref<!tpu.dma_semaphore, #tpu.memory_space<semaphore_mem>>)
        %dma_wait3A = arith.constant 0 : i32
        %dma_wait3A_38 = tpu.memref_slice %arg9[%add3A_30, %dma_wait3A] : memref<10240x128xf32, #tpu.memory_space<vmem_shared>> -> memref<128x128xf32, #tpu.memory_space<vmem_shared>>
        %dma_wait3A_39 = arith.constant 0 : i32
        %dma_wait3A_40 = tpu.memref_slice %arg9[%add3A_30, %dma_wait3A_39] : memref<10240x128xf32, #tpu.memory_space<vmem_shared>> -> memref<128x128xf32, #tpu.memory_space<vmem_shared>>
        tpu.wait_dma2 semaphore(%run_scoped3A : memref<!tpu.dma_semaphore, #tpu.memory_space<semaphore_mem>>) src(%dma_wait3A_40 : memref<128x128xf32, #tpu.memory_space<vmem_shared>>) dst(%arg8 : memref<128x128xf32, #tpu.memory_space<vmem>>)
        tpu.yield
      }) : () -> ()
      %mul3A_31 = arith.constant 10240 : i32
      %mul3A_32 = arith.muli %arg0, %mul3A_31 : i32
      %add3A_33 = arith.addi %mul3A_32, %add3A_30 : i32
      "tpu.region"() ({
        %run_scoped3A = tpu.sem_alloc : memref<!tpu.dma_semaphore, #tpu.memory_space<semaphore_mem>>
        %dma_start3A = arith.constant 0 : i32
        %dma_start3A_35 = tpu.memref_slice %arg5[%add3A_33, %dma_start3A] : memref<20480x128xf32, #tpu.memory_space<hbm>> -> memref<128x128xf32, #tpu.memory_space<hbm>>
        %dma_start3A_36 = arith.constant 0 : i32
        %dma_start3A_37 = tpu.memref_slice %arg5[%add3A_33, %dma_start3A_36] : memref<20480x128xf32, #tpu.memory_space<hbm>> -> memref<128x128xf32, #tpu.memory_space<hbm>>
        tpu.enqueue_dma source(%arg8 : memref<128x128xf32, #tpu.memory_space<vmem>>) target(%dma_start3A_37 : memref<128x128xf32, #tpu.memory_space<hbm>>) target_semaphore(%run_scoped3A : memref<!tpu.dma_semaphore, #tpu.memory_space<semaphore_mem>>)
        %dma_wait3A = arith.constant 0 : i32
        %dma_wait3A_38 = tpu.memref_slice %arg5[%add3A_33, %dma_wait3A] : memref<20480x128xf32, #tpu.memory_space<hbm>> -> memref<128x128xf32, #tpu.memory_space<hbm>>
        %dma_wait3A_39 = arith.constant 0 : i32
        %dma_wait3A_40 = tpu.memref_slice %arg5[%add3A_33, %dma_wait3A_39] : memref<20480x128xf32, #tpu.memory_space<hbm>> -> memref<128x128xf32, #tpu.memory_space<hbm>>
        tpu.wait_dma2 semaphore(%run_scoped3A : memref<!tpu.dma_semaphore, #tpu.memory_space<semaphore_mem>>) src(%arg8 : memref<128x128xf32, #tpu.memory_space<vmem>>) dst(%dma_wait3A_40 : memref<128x128xf32, #tpu.memory_space<hbm>>)
        tpu.yield
      }) : () -> ()
      %scan3A_34 = arith.constant 0 : i32
      scf.yield %scan3A_34 : i32
    }
    %scan3A_25 = arith.constant 5 : i32
    return
  }
}

#map = affine_map<(d0, d1) -> (0, 0)>
#map1 = affine_map<(d0, d1) -> (0)>
module attributes {stable_mosaic.version = 14 : i64} {
  func.func @body(%arg0: i32, %arg1: i32, %arg2: memref<128x128xf32, #tpu.memory_space<hbm>>, %arg3: memref<327680xi32, #tpu.memory_space<hbm>>, %arg4: memref<327680xi32, #tpu.memory_space<hbm>>, %arg5: memref<10240x128xf32, #tpu.memory_space<hbm>>, %arg6: memref<20480x128xf32, #tpu.memory_space<hbm>>, %arg7: memref<128xi32, #tpu.memory_space<vmem>>, %arg8: memref<128xi32, #tpu.memory_space<vmem>>, %arg9: memref<2048xi32, #tpu.memory_space<vmem>>, %arg10: memref<128x128xf32, #tpu.memory_space<vmem>>, %arg11: memref<128x128xf32, #tpu.memory_space<vmem>>, %arg12: memref<10240x128xf32, #tpu.memory_space<vmem_shared>>, %arg13: memref<!tpu.dma_semaphore, #tpu.memory_space<semaphore_mem>>, %arg14: memref<!tpu.dma_semaphore, #tpu.memory_space<semaphore_mem>>, %arg15: memref<!tpu.dma_semaphore, #tpu.memory_space<semaphore_mem>>, %arg16: memref<!tpu.dma_semaphore, #tpu.memory_space<semaphore_mem>>) attributes {dimension_semantics = [#tpu.dimension_semantics<core_parallel>, #tpu.dimension_semantics<subcore_parallel>], iteration_bounds = array<i64: 2, 16>, scalar_prefetch = 0 : i64, scratch_operands = 10 : i64, tpu.core_type = #tpu.core_type<sc_vector_subcore>, window_params = [{transform_indices = #map}, {transform_indices = #map1}, {transform_indices = #map1}, {transform_indices = #map}, {transform_indices = #map}]} {
    "tpu.region"() ({
      %run_scoped3A = tpu.sem_alloc : memref<!tpu.dma_semaphore, #tpu.memory_space<semaphore_mem>>
      tpu.enqueue_dma source(%arg2 : memref<128x128xf32, #tpu.memory_space<hbm>>) target(%arg10 : memref<128x128xf32, #tpu.memory_space<vmem>>) target_semaphore(%run_scoped3A : memref<!tpu.dma_semaphore, #tpu.memory_space<semaphore_mem>>)
      tpu.wait_dma2 semaphore(%run_scoped3A : memref<!tpu.dma_semaphore, #tpu.memory_space<semaphore_mem>>) src(%arg2 : memref<128x128xf32, #tpu.memory_space<hbm>>) dst(%arg10 : memref<128x128xf32, #tpu.memory_space<vmem>>)
      tpu.yield
    }) : () -> ()
    %mul3A = arith.constant 640 : i32
    %mul3A_0 = arith.muli %arg1, %mul3A : i32
    %scan3A = arith.constant 0 : i32
    %scan3A_1 = arith.constant 0 : i32
    %scan3A_2 = arith.constant 5 : i32
    %scan3A_3 = arith.addi %scan3A_1, %scan3A_2 : i32
    %scan3A_4 = arith.constant 1 : i32
    %scan3A_5 = scf.for %scan3A_26 = %scan3A_1 to %scan3A_3 step %scan3A_4 iter_args(%scan3A_27 = %scan3A) -> (i32)  : i32 {
      %mul3A_28 = arith.constant 128 : i32
      %mul3A_29 = arith.muli %scan3A_26, %mul3A_28 : i32
      %add3A_30 = arith.addi %mul3A_0, %mul3A_29 : i32
      "tpu.region"() ({
        %run_scoped3A = tpu.sem_alloc : memref<!tpu.dma_semaphore, #tpu.memory_space<semaphore_mem>>
        %dma_start3A = arith.constant 0 : i32
        %dma_start3A_32 = tpu.memref_slice %arg12[%add3A_30, %dma_start3A] : memref<10240x128xf32, #tpu.memory_space<vmem_shared>> -> memref<128x128xf32, #tpu.memory_space<vmem_shared>>
        %dma_start3A_33 = arith.constant 0 : i32
        %dma_start3A_34 = tpu.memref_slice %arg12[%add3A_30, %dma_start3A_33] : memref<10240x128xf32, #tpu.memory_space<vmem_shared>> -> memref<128x128xf32, #tpu.memory_space<vmem_shared>>
        tpu.enqueue_dma source(%arg10 : memref<128x128xf32, #tpu.memory_space<vmem>>) target(%dma_start3A_34 : memref<128x128xf32, #tpu.memory_space<vmem_shared>>) target_semaphore(%run_scoped3A : memref<!tpu.dma_semaphore, #tpu.memory_space<semaphore_mem>>)
        %dma_wait3A = arith.constant 0 : i32
        %dma_wait3A_35 = tpu.memref_slice %arg12[%add3A_30, %dma_wait3A] : memref<10240x128xf32, #tpu.memory_space<vmem_shared>> -> memref<128x128xf32, #tpu.memory_space<vmem_shared>>
        %dma_wait3A_36 = arith.constant 0 : i32
        %dma_wait3A_37 = tpu.memref_slice %arg12[%add3A_30, %dma_wait3A_36] : memref<10240x128xf32, #tpu.memory_space<vmem_shared>> -> memref<128x128xf32, #tpu.memory_space<vmem_shared>>
        tpu.wait_dma2 semaphore(%run_scoped3A : memref<!tpu.dma_semaphore, #tpu.memory_space<semaphore_mem>>) src(%arg10 : memref<128x128xf32, #tpu.memory_space<vmem>>) dst(%dma_wait3A_37 : memref<128x128xf32, #tpu.memory_space<vmem_shared>>)
        tpu.yield
      }) : () -> ()
      %scan3A_31 = arith.constant 0 : i32
      scf.yield %scan3A_31 : i32
    }
    %scan3A_6 = arith.constant 5 : i32
    %barrier3A = arith.constant 0 : index
    tpu.barrier barrier_id(%barrier3A)
    %mul3A_7 = arith.constant 163840 : i32
    %mul3A_8 = arith.muli %arg0, %mul3A_7 : i32
    %mul3A_9 = arith.constant 10240 : i32
    %mul3A_10 = arith.muli %arg1, %mul3A_9 : i32
    %add3A = arith.addi %mul3A_8, %mul3A_10 : i32
    %scan3A_11 = arith.constant 0 : i32
    %scan3A_12 = arith.constant 0 : i32
    %scan3A_13 = arith.constant 5 : i32
    %scan3A_14 = arith.addi %scan3A_12, %scan3A_13 : i32
    %scan3A_15 = arith.constant 1 : i32
    %scan3A_16 = scf.for %scan3A_26 = %scan3A_12 to %scan3A_14 step %scan3A_15 iter_args(%scan3A_27 = %scan3A_11) -> (i32)  : i32 {
      %mul3A_28 = arith.constant 2048 : i32
      %mul3A_29 = arith.muli %scan3A_26, %mul3A_28 : i32
      %add3A_30 = arith.addi %add3A, %mul3A_29 : i32
      "tpu.region"() ({
        %run_scoped3A = tpu.sem_alloc : memref<!tpu.dma_semaphore, #tpu.memory_space<semaphore_mem>>
        %dma_start3A_284 = tpu.memref_slice %arg4[%add3A_30] : memref<327680xi32, #tpu.memory_space<hbm>> -> memref<2048xi32, #tpu.memory_space<hbm>>
        %dma_start3A_285 = tpu.memref_slice %arg4[%add3A_30] : memref<327680xi32, #tpu.memory_space<hbm>> -> memref<2048xi32, #tpu.memory_space<hbm>>
        tpu.enqueue_dma source(%dma_start3A_285 : memref<2048xi32, #tpu.memory_space<hbm>>) target(%arg9 : memref<2048xi32, #tpu.memory_space<vmem>>) target_semaphore(%run_scoped3A : memref<!tpu.dma_semaphore, #tpu.memory_space<semaphore_mem>>)
        %dma_wait3A_286 = tpu.memref_slice %arg4[%add3A_30] : memref<327680xi32, #tpu.memory_space<hbm>> -> memref<2048xi32, #tpu.memory_space<hbm>>
        %dma_wait3A_287 = tpu.memref_slice %arg4[%add3A_30] : memref<327680xi32, #tpu.memory_space<hbm>> -> memref<2048xi32, #tpu.memory_space<hbm>>
        tpu.wait_dma2 semaphore(%run_scoped3A : memref<!tpu.dma_semaphore, #tpu.memory_space<semaphore_mem>>) src(%dma_wait3A_287 : memref<2048xi32, #tpu.memory_space<hbm>>) dst(%arg9 : memref<2048xi32, #tpu.memory_space<vmem>>)
        tpu.yield
      }) : () -> ()
      %dma_start3A = tpu.memref_slice %arg3[%add3A_30] : memref<327680xi32, #tpu.memory_space<hbm>> -> memref<128xi32, #tpu.memory_space<hbm>>
      %dma_start3A_31 = tpu.memref_slice %arg3[%add3A_30] : memref<327680xi32, #tpu.memory_space<hbm>> -> memref<128xi32, #tpu.memory_space<hbm>>
      tpu.enqueue_dma source(%dma_start3A_31 : memref<128xi32, #tpu.memory_space<hbm>>) target(%arg7 : memref<128xi32, #tpu.memory_space<vmem>>) target_semaphore(%arg15 : memref<!tpu.dma_semaphore, #tpu.memory_space<semaphore_mem>>)
      %dma_start3A_32 = arith.constant 0 : i32
      %dma_start3A_33 = tpu.memref_slice %arg9[%dma_start3A_32] : memref<2048xi32, #tpu.memory_space<vmem>> -> memref<128xi32, #tpu.memory_space<vmem>>
      %dma_start3A_34 = arith.constant 0 : i32
      %dma_start3A_35 = arith.constant 0 : i32
      %dma_start3A_36 = tpu.memref_slice %arg5[%dma_start3A_34, %dma_start3A_35] : memref<10240x128xf32, #tpu.memory_space<hbm>> -> memref<10240x128xf32, #tpu.memory_space<hbm>>
      tpu.enqueue_indirect_dma source(%dma_start3A_36 : memref<10240x128xf32, #tpu.memory_space<hbm>>) target(%arg10 : memref<128x128xf32, #tpu.memory_space<vmem>>) offsets(%dma_start3A_33 : memref<128xi32, #tpu.memory_space<vmem>>) semaphore(%arg13 : memref<!tpu.dma_semaphore, #tpu.memory_space<semaphore_mem>>)
      %add3A_37 = arith.constant 128 : i32
      %add3A_38 = arith.addi %add3A_30, %add3A_37 : i32
      %dma_start3A_39 = tpu.memref_slice %arg3[%add3A_38] : memref<327680xi32, #tpu.memory_space<hbm>> -> memref<128xi32, #tpu.memory_space<hbm>>
      %dma_start3A_40 = tpu.memref_slice %arg3[%add3A_38] : memref<327680xi32, #tpu.memory_space<hbm>> -> memref<128xi32, #tpu.memory_space<hbm>>
      tpu.enqueue_dma source(%dma_start3A_40 : memref<128xi32, #tpu.memory_space<hbm>>) target(%arg8 : memref<128xi32, #tpu.memory_space<vmem>>) target_semaphore(%arg16 : memref<!tpu.dma_semaphore, #tpu.memory_space<semaphore_mem>>)
      %dma_start3A_41 = arith.constant 128 : i32
      %dma_start3A_42 = tpu.memref_slice %arg9[%dma_start3A_41] : memref<2048xi32, #tpu.memory_space<vmem>> -> memref<128xi32, #tpu.memory_space<vmem>>
      %dma_start3A_43 = arith.constant 0 : i32
      %dma_start3A_44 = arith.constant 0 : i32
      %dma_start3A_45 = tpu.memref_slice %arg5[%dma_start3A_43, %dma_start3A_44] : memref<10240x128xf32, #tpu.memory_space<hbm>> -> memref<10240x128xf32, #tpu.memory_space<hbm>>
      tpu.enqueue_indirect_dma source(%dma_start3A_45 : memref<10240x128xf32, #tpu.memory_space<hbm>>) target(%arg11 : memref<128x128xf32, #tpu.memory_space<vmem>>) offsets(%dma_start3A_42 : memref<128xi32, #tpu.memory_space<vmem>>) semaphore(%arg14 : memref<!tpu.dma_semaphore, #tpu.memory_space<semaphore_mem>>)
      %dma_wait3A = arith.constant 0 : i32
      %dma_wait3A_46 = tpu.memref_slice %arg9[%dma_wait3A] : memref<2048xi32, #tpu.memory_space<vmem>> -> memref<128xi32, #tpu.memory_space<vmem>>
      %dma_wait3A_47 = arith.constant 0 : i32
      %dma_wait3A_48 = arith.constant 0 : i32
      %dma_wait3A_49 = tpu.memref_slice %arg5[%dma_wait3A_47, %dma_wait3A_48] : memref<10240x128xf32, #tpu.memory_space<hbm>> -> memref<10240x128xf32, #tpu.memory_space<hbm>>
      tpu.wait_indirect_dma semaphore(%arg13 : memref<!tpu.dma_semaphore, #tpu.memory_space<semaphore_mem>>) src(%dma_wait3A_49 : memref<10240x128xf32, #tpu.memory_space<hbm>>) dst(%arg10 : memref<128x128xf32, #tpu.memory_space<vmem>>)
      %dma_wait3A_50 = tpu.memref_slice %arg3[%add3A_30] : memref<327680xi32, #tpu.memory_space<hbm>> -> memref<128xi32, #tpu.memory_space<hbm>>
      %dma_wait3A_51 = tpu.memref_slice %arg3[%add3A_30] : memref<327680xi32, #tpu.memory_space<hbm>> -> memref<128xi32, #tpu.memory_space<hbm>>
      tpu.wait_dma2 semaphore(%arg15 : memref<!tpu.dma_semaphore, #tpu.memory_space<semaphore_mem>>) src(%dma_wait3A_51 : memref<128xi32, #tpu.memory_space<hbm>>) dst(%arg7 : memref<128xi32, #tpu.memory_space<vmem>>)
      "tpu.region"() ({
        %run_scoped3A = tpu.sem_alloc : memref<!tpu.dma_semaphore, #tpu.memory_space<semaphore_mem>>
        %dma_start3A_284 = arith.constant 0 : i32
        %dma_start3A_285 = arith.constant 0 : i32
        %dma_start3A_286 = tpu.memref_slice %arg12[%dma_start3A_284, %dma_start3A_285] : memref<10240x128xf32, #tpu.memory_space<vmem_shared>> -> memref<10240x128xf32, #tpu.memory_space<vmem_shared>>
        tpu.enqueue_indirect_dma source(%arg10 : memref<128x128xf32, #tpu.memory_space<vmem>>) target(%dma_start3A_286 : memref<10240x128xf32, #tpu.memory_space<vmem_shared>>) offsets(%arg7 : memref<128xi32, #tpu.memory_space<vmem>>) semaphore(%run_scoped3A : memref<!tpu.dma_semaphore, #tpu.memory_space<semaphore_mem>>) {add = true}
        %dma_wait3A_287 = arith.constant 0 : i32
        %dma_wait3A_288 = arith.constant 0 : i32
        %dma_wait3A_289 = tpu.memref_slice %arg12[%dma_wait3A_287, %dma_wait3A_288] : memref<10240x128xf32, #tpu.memory_space<vmem_shared>> -> memref<10240x128xf32, #tpu.memory_space<vmem_shared>>
        tpu.wait_indirect_dma semaphore(%run_scoped3A : memref<!tpu.dma_semaphore, #tpu.memory_space<semaphore_mem>>) src(%arg10 : memref<128x128xf32, #tpu.memory_space<vmem>>) dst(%dma_wait3A_289 : memref<10240x128xf32, #tpu.memory_space<vmem_shared>>)
        tpu.yield
      }) : () -> ()
      %add3A_52 = arith.constant 256 : i32
      %add3A_53 = arith.addi %add3A_30, %add3A_52 : i32
      %dma_start3A_54 = tpu.memref_slice %arg3[%add3A_53] : memref<327680xi32, #tpu.memory_space<hbm>> -> memref<128xi32, #tpu.memory_space<hbm>>
      %dma_start3A_55 = tpu.memref_slice %arg3[%add3A_53] : memref<327680xi32, #tpu.memory_space<hbm>> -> memref<128xi32, #tpu.memory_space<hbm>>
      tpu.enqueue_dma source(%dma_start3A_55 : memref<128xi32, #tpu.memory_space<hbm>>) target(%arg7 : memref<128xi32, #tpu.memory_space<vmem>>) target_semaphore(%arg15 : memref<!tpu.dma_semaphore, #tpu.memory_space<semaphore_mem>>)
      %dma_start3A_56 = arith.constant 256 : i32
      %dma_start3A_57 = tpu.memref_slice %arg9[%dma_start3A_56] : memref<2048xi32, #tpu.memory_space<vmem>> -> memref<128xi32, #tpu.memory_space<vmem>>
      %dma_start3A_58 = arith.constant 0 : i32
      %dma_start3A_59 = arith.constant 0 : i32
      %dma_start3A_60 = tpu.memref_slice %arg5[%dma_start3A_58, %dma_start3A_59] : memref<10240x128xf32, #tpu.memory_space<hbm>> -> memref<10240x128xf32, #tpu.memory_space<hbm>>
      tpu.enqueue_indirect_dma source(%dma_start3A_60 : memref<10240x128xf32, #tpu.memory_space<hbm>>) target(%arg10 : memref<128x128xf32, #tpu.memory_space<vmem>>) offsets(%dma_start3A_57 : memref<128xi32, #tpu.memory_space<vmem>>) semaphore(%arg13 : memref<!tpu.dma_semaphore, #tpu.memory_space<semaphore_mem>>)
      %dma_wait3A_61 = arith.constant 128 : i32
      %dma_wait3A_62 = tpu.memref_slice %arg9[%dma_wait3A_61] : memref<2048xi32, #tpu.memory_space<vmem>> -> memref<128xi32, #tpu.memory_space<vmem>>
      %dma_wait3A_63 = arith.constant 0 : i32
      %dma_wait3A_64 = arith.constant 0 : i32
      %dma_wait3A_65 = tpu.memref_slice %arg5[%dma_wait3A_63, %dma_wait3A_64] : memref<10240x128xf32, #tpu.memory_space<hbm>> -> memref<10240x128xf32, #tpu.memory_space<hbm>>
      tpu.wait_indirect_dma semaphore(%arg14 : memref<!tpu.dma_semaphore, #tpu.memory_space<semaphore_mem>>) src(%dma_wait3A_65 : memref<10240x128xf32, #tpu.memory_space<hbm>>) dst(%arg11 : memref<128x128xf32, #tpu.memory_space<vmem>>)
      %dma_wait3A_66 = tpu.memref_slice %arg3[%add3A_38] : memref<327680xi32, #tpu.memory_space<hbm>> -> memref<128xi32, #tpu.memory_space<hbm>>
      %dma_wait3A_67 = tpu.memref_slice %arg3[%add3A_38] : memref<327680xi32, #tpu.memory_space<hbm>> -> memref<128xi32, #tpu.memory_space<hbm>>
      tpu.wait_dma2 semaphore(%arg16 : memref<!tpu.dma_semaphore, #tpu.memory_space<semaphore_mem>>) src(%dma_wait3A_67 : memref<128xi32, #tpu.memory_space<hbm>>) dst(%arg8 : memref<128xi32, #tpu.memory_space<vmem>>)
      "tpu.region"() ({
        %run_scoped3A = tpu.sem_alloc : memref<!tpu.dma_semaphore, #tpu.memory_space<semaphore_mem>>
        %dma_start3A_284 = arith.constant 0 : i32
        %dma_start3A_285 = arith.constant 0 : i32
        %dma_start3A_286 = tpu.memref_slice %arg12[%dma_start3A_284, %dma_start3A_285] : memref<10240x128xf32, #tpu.memory_space<vmem_shared>> -> memref<10240x128xf32, #tpu.memory_space<vmem_shared>>
        tpu.enqueue_indirect_dma source(%arg11 : memref<128x128xf32, #tpu.memory_space<vmem>>) target(%dma_start3A_286 : memref<10240x128xf32, #tpu.memory_space<vmem_shared>>) offsets(%arg8 : memref<128xi32, #tpu.memory_space<vmem>>) semaphore(%run_scoped3A : memref<!tpu.dma_semaphore, #tpu.memory_space<semaphore_mem>>) {add = true}
        %dma_wait3A_287 = arith.constant 0 : i32
        %dma_wait3A_288 = arith.constant 0 : i32
        %dma_wait3A_289 = tpu.memref_slice %arg12[%dma_wait3A_287, %dma_wait3A_288] : memref<10240x128xf32, #tpu.memory_space<vmem_shared>> -> memref<10240x128xf32, #tpu.memory_space<vmem_shared>>
        tpu.wait_indirect_dma semaphore(%run_scoped3A : memref<!tpu.dma_semaphore, #tpu.memory_space<semaphore_mem>>) src(%arg11 : memref<128x128xf32, #tpu.memory_space<vmem>>) dst(%dma_wait3A_289 : memref<10240x128xf32, #tpu.memory_space<vmem_shared>>)
        tpu.yield
      }) : () -> ()
      %add3A_68 = arith.constant 384 : i32
      %add3A_69 = arith.addi %add3A_30, %add3A_68 : i32
      %dma_start3A_70 = tpu.memref_slice %arg3[%add3A_69] : memref<327680xi32, #tpu.memory_space<hbm>> -> memref<128xi32, #tpu.memory_space<hbm>>
      %dma_start3A_71 = tpu.memref_slice %arg3[%add3A_69] : memref<327680xi32, #tpu.memory_space<hbm>> -> memref<128xi32, #tpu.memory_space<hbm>>
      tpu.enqueue_dma source(%dma_start3A_71 : memref<128xi32, #tpu.memory_space<hbm>>) target(%arg8 : memref<128xi32, #tpu.memory_space<vmem>>) target_semaphore(%arg16 : memref<!tpu.dma_semaphore, #tpu.memory_space<semaphore_mem>>)
      %dma_start3A_72 = arith.constant 384 : i32
      %dma_start3A_73 = tpu.memref_slice %arg9[%dma_start3A_72] : memref<2048xi32, #tpu.memory_space<vmem>> -> memref<128xi32, #tpu.memory_space<vmem>>
      %dma_start3A_74 = arith.constant 0 : i32
      %dma_start3A_75 = arith.constant 0 : i32
      %dma_start3A_76 = tpu.memref_slice %arg5[%dma_start3A_74, %dma_start3A_75] : memref<10240x128xf32, #tpu.memory_space<hbm>> -> memref<10240x128xf32, #tpu.memory_space<hbm>>
      tpu.enqueue_indirect_dma source(%dma_start3A_76 : memref<10240x128xf32, #tpu.memory_space<hbm>>) target(%arg11 : memref<128x128xf32, #tpu.memory_space<vmem>>) offsets(%dma_start3A_73 : memref<128xi32, #tpu.memory_space<vmem>>) semaphore(%arg14 : memref<!tpu.dma_semaphore, #tpu.memory_space<semaphore_mem>>)
      %dma_wait3A_77 = arith.constant 256 : i32
      %dma_wait3A_78 = tpu.memref_slice %arg9[%dma_wait3A_77] : memref<2048xi32, #tpu.memory_space<vmem>> -> memref<128xi32, #tpu.memory_space<vmem>>
      %dma_wait3A_79 = arith.constant 0 : i32
      %dma_wait3A_80 = arith.constant 0 : i32
      %dma_wait3A_81 = tpu.memref_slice %arg5[%dma_wait3A_79, %dma_wait3A_80] : memref<10240x128xf32, #tpu.memory_space<hbm>> -> memref<10240x128xf32, #tpu.memory_space<hbm>>
      tpu.wait_indirect_dma semaphore(%arg13 : memref<!tpu.dma_semaphore, #tpu.memory_space<semaphore_mem>>) src(%dma_wait3A_81 : memref<10240x128xf32, #tpu.memory_space<hbm>>) dst(%arg10 : memref<128x128xf32, #tpu.memory_space<vmem>>)
      %dma_wait3A_82 = tpu.memref_slice %arg3[%add3A_53] : memref<327680xi32, #tpu.memory_space<hbm>> -> memref<128xi32, #tpu.memory_space<hbm>>
      %dma_wait3A_83 = tpu.memref_slice %arg3[%add3A_53] : memref<327680xi32, #tpu.memory_space<hbm>> -> memref<128xi32, #tpu.memory_space<hbm>>
      tpu.wait_dma2 semaphore(%arg15 : memref<!tpu.dma_semaphore, #tpu.memory_space<semaphore_mem>>) src(%dma_wait3A_83 : memref<128xi32, #tpu.memory_space<hbm>>) dst(%arg7 : memref<128xi32, #tpu.memory_space<vmem>>)
      "tpu.region"() ({
        %run_scoped3A = tpu.sem_alloc : memref<!tpu.dma_semaphore, #tpu.memory_space<semaphore_mem>>
        %dma_start3A_284 = arith.constant 0 : i32
        %dma_start3A_285 = arith.constant 0 : i32
        %dma_start3A_286 = tpu.memref_slice %arg12[%dma_start3A_284, %dma_start3A_285] : memref<10240x128xf32, #tpu.memory_space<vmem_shared>> -> memref<10240x128xf32, #tpu.memory_space<vmem_shared>>
        tpu.enqueue_indirect_dma source(%arg10 : memref<128x128xf32, #tpu.memory_space<vmem>>) target(%dma_start3A_286 : memref<10240x128xf32, #tpu.memory_space<vmem_shared>>) offsets(%arg7 : memref<128xi32, #tpu.memory_space<vmem>>) semaphore(%run_scoped3A : memref<!tpu.dma_semaphore, #tpu.memory_space<semaphore_mem>>) {add = true}
        %dma_wait3A_287 = arith.constant 0 : i32
        %dma_wait3A_288 = arith.constant 0 : i32
        %dma_wait3A_289 = tpu.memref_slice %arg12[%dma_wait3A_287, %dma_wait3A_288] : memref<10240x128xf32, #tpu.memory_space<vmem_shared>> -> memref<10240x128xf32, #tpu.memory_space<vmem_shared>>
        tpu.wait_indirect_dma semaphore(%run_scoped3A : memref<!tpu.dma_semaphore, #tpu.memory_space<semaphore_mem>>) src(%arg10 : memref<128x128xf32, #tpu.memory_space<vmem>>) dst(%dma_wait3A_289 : memref<10240x128xf32, #tpu.memory_space<vmem_shared>>)
        tpu.yield
      }) : () -> ()
      %add3A_84 = arith.constant 512 : i32
      %add3A_85 = arith.addi %add3A_30, %add3A_84 : i32
      %dma_start3A_86 = tpu.memref_slice %arg3[%add3A_85] : memref<327680xi32, #tpu.memory_space<hbm>> -> memref<128xi32, #tpu.memory_space<hbm>>
      %dma_start3A_87 = tpu.memref_slice %arg3[%add3A_85] : memref<327680xi32, #tpu.memory_space<hbm>> -> memref<128xi32, #tpu.memory_space<hbm>>
      tpu.enqueue_dma source(%dma_start3A_87 : memref<128xi32, #tpu.memory_space<hbm>>) target(%arg7 : memref<128xi32, #tpu.memory_space<vmem>>) target_semaphore(%arg15 : memref<!tpu.dma_semaphore, #tpu.memory_space<semaphore_mem>>)
      %dma_start3A_88 = arith.constant 512 : i32
      %dma_start3A_89 = tpu.memref_slice %arg9[%dma_start3A_88] : memref<2048xi32, #tpu.memory_space<vmem>> -> memref<128xi32, #tpu.memory_space<vmem>>
      %dma_start3A_90 = arith.constant 0 : i32
      %dma_start3A_91 = arith.constant 0 : i32
      %dma_start3A_92 = tpu.memref_slice %arg5[%dma_start3A_90, %dma_start3A_91] : memref<10240x128xf32, #tpu.memory_space<hbm>> -> memref<10240x128xf32, #tpu.memory_space<hbm>>
      tpu.enqueue_indirect_dma source(%dma_start3A_92 : memref<10240x128xf32, #tpu.memory_space<hbm>>) target(%arg10 : memref<128x128xf32, #tpu.memory_space<vmem>>) offsets(%dma_start3A_89 : memref<128xi32, #tpu.memory_space<vmem>>) semaphore(%arg13 : memref<!tpu.dma_semaphore, #tpu.memory_space<semaphore_mem>>)
      %dma_wait3A_93 = arith.constant 384 : i32
      %dma_wait3A_94 = tpu.memref_slice %arg9[%dma_wait3A_93] : memref<2048xi32, #tpu.memory_space<vmem>> -> memref<128xi32, #tpu.memory_space<vmem>>
      %dma_wait3A_95 = arith.constant 0 : i32
      %dma_wait3A_96 = arith.constant 0 : i32
      %dma_wait3A_97 = tpu.memref_slice %arg5[%dma_wait3A_95, %dma_wait3A_96] : memref<10240x128xf32, #tpu.memory_space<hbm>> -> memref<10240x128xf32, #tpu.memory_space<hbm>>
      tpu.wait_indirect_dma semaphore(%arg14 : memref<!tpu.dma_semaphore, #tpu.memory_space<semaphore_mem>>) src(%dma_wait3A_97 : memref<10240x128xf32, #tpu.memory_space<hbm>>) dst(%arg11 : memref<128x128xf32, #tpu.memory_space<vmem>>)
      %dma_wait3A_98 = tpu.memref_slice %arg3[%add3A_69] : memref<327680xi32, #tpu.memory_space<hbm>> -> memref<128xi32, #tpu.memory_space<hbm>>
      %dma_wait3A_99 = tpu.memref_slice %arg3[%add3A_69] : memref<327680xi32, #tpu.memory_space<hbm>> -> memref<128xi32, #tpu.memory_space<hbm>>
      tpu.wait_dma2 semaphore(%arg16 : memref<!tpu.dma_semaphore, #tpu.memory_space<semaphore_mem>>) src(%dma_wait3A_99 : memref<128xi32, #tpu.memory_space<hbm>>) dst(%arg8 : memref<128xi32, #tpu.memory_space<vmem>>)
      "tpu.region"() ({
        %run_scoped3A = tpu.sem_alloc : memref<!tpu.dma_semaphore, #tpu.memory_space<semaphore_mem>>
        %dma_start3A_284 = arith.constant 0 : i32
        %dma_start3A_285 = arith.constant 0 : i32
        %dma_start3A_286 = tpu.memref_slice %arg12[%dma_start3A_284, %dma_start3A_285] : memref<10240x128xf32, #tpu.memory_space<vmem_shared>> -> memref<10240x128xf32, #tpu.memory_space<vmem_shared>>
        tpu.enqueue_indirect_dma source(%arg11 : memref<128x128xf32, #tpu.memory_space<vmem>>) target(%dma_start3A_286 : memref<10240x128xf32, #tpu.memory_space<vmem_shared>>) offsets(%arg8 : memref<128xi32, #tpu.memory_space<vmem>>) semaphore(%run_scoped3A : memref<!tpu.dma_semaphore, #tpu.memory_space<semaphore_mem>>) {add = true}
        %dma_wait3A_287 = arith.constant 0 : i32
        %dma_wait3A_288 = arith.constant 0 : i32
        %dma_wait3A_289 = tpu.memref_slice %arg12[%dma_wait3A_287, %dma_wait3A_288] : memref<10240x128xf32, #tpu.memory_space<vmem_shared>> -> memref<10240x128xf32, #tpu.memory_space<vmem_shared>>
        tpu.wait_indirect_dma semaphore(%run_scoped3A : memref<!tpu.dma_semaphore, #tpu.memory_space<semaphore_mem>>) src(%arg11 : memref<128x128xf32, #tpu.memory_space<vmem>>) dst(%dma_wait3A_289 : memref<10240x128xf32, #tpu.memory_space<vmem_shared>>)
        tpu.yield
      }) : () -> ()
      %add3A_100 = arith.constant 640 : i32
      %add3A_101 = arith.addi %add3A_30, %add3A_100 : i32
      %dma_start3A_102 = tpu.memref_slice %arg3[%add3A_101] : memref<327680xi32, #tpu.memory_space<hbm>> -> memref<128xi32, #tpu.memory_space<hbm>>
      %dma_start3A_103 = tpu.memref_slice %arg3[%add3A_101] : memref<327680xi32, #tpu.memory_space<hbm>> -> memref<128xi32, #tpu.memory_space<hbm>>
      tpu.enqueue_dma source(%dma_start3A_103 : memref<128xi32, #tpu.memory_space<hbm>>) target(%arg8 : memref<128xi32, #tpu.memory_space<vmem>>) target_semaphore(%arg16 : memref<!tpu.dma_semaphore, #tpu.memory_space<semaphore_mem>>)
      %dma_start3A_104 = arith.constant 640 : i32
      %dma_start3A_105 = tpu.memref_slice %arg9[%dma_start3A_104] : memref<2048xi32, #tpu.memory_space<vmem>> -> memref<128xi32, #tpu.memory_space<vmem>>
      %dma_start3A_106 = arith.constant 0 : i32
      %dma_start3A_107 = arith.constant 0 : i32
      %dma_start3A_108 = tpu.memref_slice %arg5[%dma_start3A_106, %dma_start3A_107] : memref<10240x128xf32, #tpu.memory_space<hbm>> -> memref<10240x128xf32, #tpu.memory_space<hbm>>
      tpu.enqueue_indirect_dma source(%dma_start3A_108 : memref<10240x128xf32, #tpu.memory_space<hbm>>) target(%arg11 : memref<128x128xf32, #tpu.memory_space<vmem>>) offsets(%dma_start3A_105 : memref<128xi32, #tpu.memory_space<vmem>>) semaphore(%arg14 : memref<!tpu.dma_semaphore, #tpu.memory_space<semaphore_mem>>)
      %dma_wait3A_109 = arith.constant 512 : i32
      %dma_wait3A_110 = tpu.memref_slice %arg9[%dma_wait3A_109] : memref<2048xi32, #tpu.memory_space<vmem>> -> memref<128xi32, #tpu.memory_space<vmem>>
      %dma_wait3A_111 = arith.constant 0 : i32
      %dma_wait3A_112 = arith.constant 0 : i32
      %dma_wait3A_113 = tpu.memref_slice %arg5[%dma_wait3A_111, %dma_wait3A_112] : memref<10240x128xf32, #tpu.memory_space<hbm>> -> memref<10240x128xf32, #tpu.memory_space<hbm>>
      tpu.wait_indirect_dma semaphore(%arg13 : memref<!tpu.dma_semaphore, #tpu.memory_space<semaphore_mem>>) src(%dma_wait3A_113 : memref<10240x128xf32, #tpu.memory_space<hbm>>) dst(%arg10 : memref<128x128xf32, #tpu.memory_space<vmem>>)
      %dma_wait3A_114 = tpu.memref_slice %arg3[%add3A_85] : memref<327680xi32, #tpu.memory_space<hbm>> -> memref<128xi32, #tpu.memory_space<hbm>>
      %dma_wait3A_115 = tpu.memref_slice %arg3[%add3A_85] : memref<327680xi32, #tpu.memory_space<hbm>> -> memref<128xi32, #tpu.memory_space<hbm>>
      tpu.wait_dma2 semaphore(%arg15 : memref<!tpu.dma_semaphore, #tpu.memory_space<semaphore_mem>>) src(%dma_wait3A_115 : memref<128xi32, #tpu.memory_space<hbm>>) dst(%arg7 : memref<128xi32, #tpu.memory_space<vmem>>)
      "tpu.region"() ({
        %run_scoped3A = tpu.sem_alloc : memref<!tpu.dma_semaphore, #tpu.memory_space<semaphore_mem>>
        %dma_start3A_284 = arith.constant 0 : i32
        %dma_start3A_285 = arith.constant 0 : i32
        %dma_start3A_286 = tpu.memref_slice %arg12[%dma_start3A_284, %dma_start3A_285] : memref<10240x128xf32, #tpu.memory_space<vmem_shared>> -> memref<10240x128xf32, #tpu.memory_space<vmem_shared>>
        tpu.enqueue_indirect_dma source(%arg10 : memref<128x128xf32, #tpu.memory_space<vmem>>) target(%dma_start3A_286 : memref<10240x128xf32, #tpu.memory_space<vmem_shared>>) offsets(%arg7 : memref<128xi32, #tpu.memory_space<vmem>>) semaphore(%run_scoped3A : memref<!tpu.dma_semaphore, #tpu.memory_space<semaphore_mem>>) {add = true}
        %dma_wait3A_287 = arith.constant 0 : i32
        %dma_wait3A_288 = arith.constant 0 : i32
        %dma_wait3A_289 = tpu.memref_slice %arg12[%dma_wait3A_287, %dma_wait3A_288] : memref<10240x128xf32, #tpu.memory_space<vmem_shared>> -> memref<10240x128xf32, #tpu.memory_space<vmem_shared>>
        tpu.wait_indirect_dma semaphore(%run_scoped3A : memref<!tpu.dma_semaphore, #tpu.memory_space<semaphore_mem>>) src(%arg10 : memref<128x128xf32, #tpu.memory_space<vmem>>) dst(%dma_wait3A_289 : memref<10240x128xf32, #tpu.memory_space<vmem_shared>>)
        tpu.yield
      }) : () -> ()
      %add3A_116 = arith.constant 768 : i32
      %add3A_117 = arith.addi %add3A_30, %add3A_116 : i32
      %dma_start3A_118 = tpu.memref_slice %arg3[%add3A_117] : memref<327680xi32, #tpu.memory_space<hbm>> -> memref<128xi32, #tpu.memory_space<hbm>>
      %dma_start3A_119 = tpu.memref_slice %arg3[%add3A_117] : memref<327680xi32, #tpu.memory_space<hbm>> -> memref<128xi32, #tpu.memory_space<hbm>>
      tpu.enqueue_dma source(%dma_start3A_119 : memref<128xi32, #tpu.memory_space<hbm>>) target(%arg7 : memref<128xi32, #tpu.memory_space<vmem>>) target_semaphore(%arg15 : memref<!tpu.dma_semaphore, #tpu.memory_space<semaphore_mem>>)
      %dma_start3A_120 = arith.constant 768 : i32
      %dma_start3A_121 = tpu.memref_slice %arg9[%dma_start3A_120] : memref<2048xi32, #tpu.memory_space<vmem>> -> memref<128xi32, #tpu.memory_space<vmem>>
      %dma_start3A_122 = arith.constant 0 : i32
      %dma_start3A_123 = arith.constant 0 : i32
      %dma_start3A_124 = tpu.memref_slice %arg5[%dma_start3A_122, %dma_start3A_123] : memref<10240x128xf32, #tpu.memory_space<hbm>> -> memref<10240x128xf32, #tpu.memory_space<hbm>>
      tpu.enqueue_indirect_dma source(%dma_start3A_124 : memref<10240x128xf32, #tpu.memory_space<hbm>>) target(%arg10 : memref<128x128xf32, #tpu.memory_space<vmem>>) offsets(%dma_start3A_121 : memref<128xi32, #tpu.memory_space<vmem>>) semaphore(%arg13 : memref<!tpu.dma_semaphore, #tpu.memory_space<semaphore_mem>>)
      %dma_wait3A_125 = arith.constant 640 : i32
      %dma_wait3A_126 = tpu.memref_slice %arg9[%dma_wait3A_125] : memref<2048xi32, #tpu.memory_space<vmem>> -> memref<128xi32, #tpu.memory_space<vmem>>
      %dma_wait3A_127 = arith.constant 0 : i32
      %dma_wait3A_128 = arith.constant 0 : i32
      %dma_wait3A_129 = tpu.memref_slice %arg5[%dma_wait3A_127, %dma_wait3A_128] : memref<10240x128xf32, #tpu.memory_space<hbm>> -> memref<10240x128xf32, #tpu.memory_space<hbm>>
      tpu.wait_indirect_dma semaphore(%arg14 : memref<!tpu.dma_semaphore, #tpu.memory_space<semaphore_mem>>) src(%dma_wait3A_129 : memref<10240x128xf32, #tpu.memory_space<hbm>>) dst(%arg11 : memref<128x128xf32, #tpu.memory_space<vmem>>)
      %dma_wait3A_130 = tpu.memref_slice %arg3[%add3A_101] : memref<327680xi32, #tpu.memory_space<hbm>> -> memref<128xi32, #tpu.memory_space<hbm>>
      %dma_wait3A_131 = tpu.memref_slice %arg3[%add3A_101] : memref<327680xi32, #tpu.memory_space<hbm>> -> memref<128xi32, #tpu.memory_space<hbm>>
      tpu.wait_dma2 semaphore(%arg16 : memref<!tpu.dma_semaphore, #tpu.memory_space<semaphore_mem>>) src(%dma_wait3A_131 : memref<128xi32, #tpu.memory_space<hbm>>) dst(%arg8 : memref<128xi32, #tpu.memory_space<vmem>>)
      "tpu.region"() ({
        %run_scoped3A = tpu.sem_alloc : memref<!tpu.dma_semaphore, #tpu.memory_space<semaphore_mem>>
        %dma_start3A_284 = arith.constant 0 : i32
        %dma_start3A_285 = arith.constant 0 : i32
        %dma_start3A_286 = tpu.memref_slice %arg12[%dma_start3A_284, %dma_start3A_285] : memref<10240x128xf32, #tpu.memory_space<vmem_shared>> -> memref<10240x128xf32, #tpu.memory_space<vmem_shared>>
        tpu.enqueue_indirect_dma source(%arg11 : memref<128x128xf32, #tpu.memory_space<vmem>>) target(%dma_start3A_286 : memref<10240x128xf32, #tpu.memory_space<vmem_shared>>) offsets(%arg8 : memref<128xi32, #tpu.memory_space<vmem>>) semaphore(%run_scoped3A : memref<!tpu.dma_semaphore, #tpu.memory_space<semaphore_mem>>) {add = true}
        %dma_wait3A_287 = arith.constant 0 : i32
        %dma_wait3A_288 = arith.constant 0 : i32
        %dma_wait3A_289 = tpu.memref_slice %arg12[%dma_wait3A_287, %dma_wait3A_288] : memref<10240x128xf32, #tpu.memory_space<vmem_shared>> -> memref<10240x128xf32, #tpu.memory_space<vmem_shared>>
        tpu.wait_indirect_dma semaphore(%run_scoped3A : memref<!tpu.dma_semaphore, #tpu.memory_space<semaphore_mem>>) src(%arg11 : memref<128x128xf32, #tpu.memory_space<vmem>>) dst(%dma_wait3A_289 : memref<10240x128xf32, #tpu.memory_space<vmem_shared>>)
        tpu.yield
      }) : () -> ()
      %add3A_132 = arith.constant 896 : i32
      %add3A_133 = arith.addi %add3A_30, %add3A_132 : i32
      %dma_start3A_134 = tpu.memref_slice %arg3[%add3A_133] : memref<327680xi32, #tpu.memory_space<hbm>> -> memref<128xi32, #tpu.memory_space<hbm>>
      %dma_start3A_135 = tpu.memref_slice %arg3[%add3A_133] : memref<327680xi32, #tpu.memory_space<hbm>> -> memref<128xi32, #tpu.memory_space<hbm>>
      tpu.enqueue_dma source(%dma_start3A_135 : memref<128xi32, #tpu.memory_space<hbm>>) target(%arg8 : memref<128xi32, #tpu.memory_space<vmem>>) target_semaphore(%arg16 : memref<!tpu.dma_semaphore, #tpu.memory_space<semaphore_mem>>)
      %dma_start3A_136 = arith.constant 896 : i32
      %dma_start3A_137 = tpu.memref_slice %arg9[%dma_start3A_136] : memref<2048xi32, #tpu.memory_space<vmem>> -> memref<128xi32, #tpu.memory_space<vmem>>
      %dma_start3A_138 = arith.constant 0 : i32
      %dma_start3A_139 = arith.constant 0 : i32
      %dma_start3A_140 = tpu.memref_slice %arg5[%dma_start3A_138, %dma_start3A_139] : memref<10240x128xf32, #tpu.memory_space<hbm>> -> memref<10240x128xf32, #tpu.memory_space<hbm>>
      tpu.enqueue_indirect_dma source(%dma_start3A_140 : memref<10240x128xf32, #tpu.memory_space<hbm>>) target(%arg11 : memref<128x128xf32, #tpu.memory_space<vmem>>) offsets(%dma_start3A_137 : memref<128xi32, #tpu.memory_space<vmem>>) semaphore(%arg14 : memref<!tpu.dma_semaphore, #tpu.memory_space<semaphore_mem>>)
      %dma_wait3A_141 = arith.constant 768 : i32
      %dma_wait3A_142 = tpu.memref_slice %arg9[%dma_wait3A_141] : memref<2048xi32, #tpu.memory_space<vmem>> -> memref<128xi32, #tpu.memory_space<vmem>>
      %dma_wait3A_143 = arith.constant 0 : i32
      %dma_wait3A_144 = arith.constant 0 : i32
      %dma_wait3A_145 = tpu.memref_slice %arg5[%dma_wait3A_143, %dma_wait3A_144] : memref<10240x128xf32, #tpu.memory_space<hbm>> -> memref<10240x128xf32, #tpu.memory_space<hbm>>
      tpu.wait_indirect_dma semaphore(%arg13 : memref<!tpu.dma_semaphore, #tpu.memory_space<semaphore_mem>>) src(%dma_wait3A_145 : memref<10240x128xf32, #tpu.memory_space<hbm>>) dst(%arg10 : memref<128x128xf32, #tpu.memory_space<vmem>>)
      %dma_wait3A_146 = tpu.memref_slice %arg3[%add3A_117] : memref<327680xi32, #tpu.memory_space<hbm>> -> memref<128xi32, #tpu.memory_space<hbm>>
      %dma_wait3A_147 = tpu.memref_slice %arg3[%add3A_117] : memref<327680xi32, #tpu.memory_space<hbm>> -> memref<128xi32, #tpu.memory_space<hbm>>
      tpu.wait_dma2 semaphore(%arg15 : memref<!tpu.dma_semaphore, #tpu.memory_space<semaphore_mem>>) src(%dma_wait3A_147 : memref<128xi32, #tpu.memory_space<hbm>>) dst(%arg7 : memref<128xi32, #tpu.memory_space<vmem>>)
      "tpu.region"() ({
        %run_scoped3A = tpu.sem_alloc : memref<!tpu.dma_semaphore, #tpu.memory_space<semaphore_mem>>
        %dma_start3A_284 = arith.constant 0 : i32
        %dma_start3A_285 = arith.constant 0 : i32
        %dma_start3A_286 = tpu.memref_slice %arg12[%dma_start3A_284, %dma_start3A_285] : memref<10240x128xf32, #tpu.memory_space<vmem_shared>> -> memref<10240x128xf32, #tpu.memory_space<vmem_shared>>
        tpu.enqueue_indirect_dma source(%arg10 : memref<128x128xf32, #tpu.memory_space<vmem>>) target(%dma_start3A_286 : memref<10240x128xf32, #tpu.memory_space<vmem_shared>>) offsets(%arg7 : memref<128xi32, #tpu.memory_space<vmem>>) semaphore(%run_scoped3A : memref<!tpu.dma_semaphore, #tpu.memory_space<semaphore_mem>>) {add = true}
        %dma_wait3A_287 = arith.constant 0 : i32
        %dma_wait3A_288 = arith.constant 0 : i32
        %dma_wait3A_289 = tpu.memref_slice %arg12[%dma_wait3A_287, %dma_wait3A_288] : memref<10240x128xf32, #tpu.memory_space<vmem_shared>> -> memref<10240x128xf32, #tpu.memory_space<vmem_shared>>
        tpu.wait_indirect_dma semaphore(%run_scoped3A : memref<!tpu.dma_semaphore, #tpu.memory_space<semaphore_mem>>) src(%arg10 : memref<128x128xf32, #tpu.memory_space<vmem>>) dst(%dma_wait3A_289 : memref<10240x128xf32, #tpu.memory_space<vmem_shared>>)
        tpu.yield
      }) : () -> ()
      %add3A_148 = arith.constant 1024 : i32
      %add3A_149 = arith.addi %add3A_30, %add3A_148 : i32
      %dma_start3A_150 = tpu.memref_slice %arg3[%add3A_149] : memref<327680xi32, #tpu.memory_space<hbm>> -> memref<128xi32, #tpu.memory_space<hbm>>
      %dma_start3A_151 = tpu.memref_slice %arg3[%add3A_149] : memref<327680xi32, #tpu.memory_space<hbm>> -> memref<128xi32, #tpu.memory_space<hbm>>
      tpu.enqueue_dma source(%dma_start3A_151 : memref<128xi32, #tpu.memory_space<hbm>>) target(%arg7 : memref<128xi32, #tpu.memory_space<vmem>>) target_semaphore(%arg15 : memref<!tpu.dma_semaphore, #tpu.memory_space<semaphore_mem>>)
      %dma_start3A_152 = arith.constant 1024 : i32
      %dma_start3A_153 = tpu.memref_slice %arg9[%dma_start3A_152] : memref<2048xi32, #tpu.memory_space<vmem>> -> memref<128xi32, #tpu.memory_space<vmem>>
      %dma_start3A_154 = arith.constant 0 : i32
      %dma_start3A_155 = arith.constant 0 : i32
      %dma_start3A_156 = tpu.memref_slice %arg5[%dma_start3A_154, %dma_start3A_155] : memref<10240x128xf32, #tpu.memory_space<hbm>> -> memref<10240x128xf32, #tpu.memory_space<hbm>>
      tpu.enqueue_indirect_dma source(%dma_start3A_156 : memref<10240x128xf32, #tpu.memory_space<hbm>>) target(%arg10 : memref<128x128xf32, #tpu.memory_space<vmem>>) offsets(%dma_start3A_153 : memref<128xi32, #tpu.memory_space<vmem>>) semaphore(%arg13 : memref<!tpu.dma_semaphore, #tpu.memory_space<semaphore_mem>>)
      %dma_wait3A_157 = arith.constant 896 : i32
      %dma_wait3A_158 = tpu.memref_slice %arg9[%dma_wait3A_157] : memref<2048xi32, #tpu.memory_space<vmem>> -> memref<128xi32, #tpu.memory_space<vmem>>
      %dma_wait3A_159 = arith.constant 0 : i32
      %dma_wait3A_160 = arith.constant 0 : i32
      %dma_wait3A_161 = tpu.memref_slice %arg5[%dma_wait3A_159, %dma_wait3A_160] : memref<10240x128xf32, #tpu.memory_space<hbm>> -> memref<10240x128xf32, #tpu.memory_space<hbm>>
      tpu.wait_indirect_dma semaphore(%arg14 : memref<!tpu.dma_semaphore, #tpu.memory_space<semaphore_mem>>) src(%dma_wait3A_161 : memref<10240x128xf32, #tpu.memory_space<hbm>>) dst(%arg11 : memref<128x128xf32, #tpu.memory_space<vmem>>)
      %dma_wait3A_162 = tpu.memref_slice %arg3[%add3A_133] : memref<327680xi32, #tpu.memory_space<hbm>> -> memref<128xi32, #tpu.memory_space<hbm>>
      %dma_wait3A_163 = tpu.memref_slice %arg3[%add3A_133] : memref<327680xi32, #tpu.memory_space<hbm>> -> memref<128xi32, #tpu.memory_space<hbm>>
      tpu.wait_dma2 semaphore(%arg16 : memref<!tpu.dma_semaphore, #tpu.memory_space<semaphore_mem>>) src(%dma_wait3A_163 : memref<128xi32, #tpu.memory_space<hbm>>) dst(%arg8 : memref<128xi32, #tpu.memory_space<vmem>>)
      "tpu.region"() ({
        %run_scoped3A = tpu.sem_alloc : memref<!tpu.dma_semaphore, #tpu.memory_space<semaphore_mem>>
        %dma_start3A_284 = arith.constant 0 : i32
        %dma_start3A_285 = arith.constant 0 : i32
        %dma_start3A_286 = tpu.memref_slice %arg12[%dma_start3A_284, %dma_start3A_285] : memref<10240x128xf32, #tpu.memory_space<vmem_shared>> -> memref<10240x128xf32, #tpu.memory_space<vmem_shared>>
        tpu.enqueue_indirect_dma source(%arg11 : memref<128x128xf32, #tpu.memory_space<vmem>>) target(%dma_start3A_286 : memref<10240x128xf32, #tpu.memory_space<vmem_shared>>) offsets(%arg8 : memref<128xi32, #tpu.memory_space<vmem>>) semaphore(%run_scoped3A : memref<!tpu.dma_semaphore, #tpu.memory_space<semaphore_mem>>) {add = true}
        %dma_wait3A_287 = arith.constant 0 : i32
        %dma_wait3A_288 = arith.constant 0 : i32
        %dma_wait3A_289 = tpu.memref_slice %arg12[%dma_wait3A_287, %dma_wait3A_288] : memref<10240x128xf32, #tpu.memory_space<vmem_shared>> -> memref<10240x128xf32, #tpu.memory_space<vmem_shared>>
        tpu.wait_indirect_dma semaphore(%run_scoped3A : memref<!tpu.dma_semaphore, #tpu.memory_space<semaphore_mem>>) src(%arg11 : memref<128x128xf32, #tpu.memory_space<vmem>>) dst(%dma_wait3A_289 : memref<10240x128xf32, #tpu.memory_space<vmem_shared>>)
        tpu.yield
      }) : () -> ()
      %add3A_164 = arith.constant 1152 : i32
      %add3A_165 = arith.addi %add3A_30, %add3A_164 : i32
      %dma_start3A_166 = tpu.memref_slice %arg3[%add3A_165] : memref<327680xi32, #tpu.memory_space<hbm>> -> memref<128xi32, #tpu.memory_space<hbm>>
      %dma_start3A_167 = tpu.memref_slice %arg3[%add3A_165] : memref<327680xi32, #tpu.memory_space<hbm>> -> memref<128xi32, #tpu.memory_space<hbm>>
      tpu.enqueue_dma source(%dma_start3A_167 : memref<128xi32, #tpu.memory_space<hbm>>) target(%arg8 : memref<128xi32, #tpu.memory_space<vmem>>) target_semaphore(%arg16 : memref<!tpu.dma_semaphore, #tpu.memory_space<semaphore_mem>>)
      %dma_start3A_168 = arith.constant 1152 : i32
      %dma_start3A_169 = tpu.memref_slice %arg9[%dma_start3A_168] : memref<2048xi32, #tpu.memory_space<vmem>> -> memref<128xi32, #tpu.memory_space<vmem>>
      %dma_start3A_170 = arith.constant 0 : i32
      %dma_start3A_171 = arith.constant 0 : i32
      %dma_start3A_172 = tpu.memref_slice %arg5[%dma_start3A_170, %dma_start3A_171] : memref<10240x128xf32, #tpu.memory_space<hbm>> -> memref<10240x128xf32, #tpu.memory_space<hbm>>
      tpu.enqueue_indirect_dma source(%dma_start3A_172 : memref<10240x128xf32, #tpu.memory_space<hbm>>) target(%arg11 : memref<128x128xf32, #tpu.memory_space<vmem>>) offsets(%dma_start3A_169 : memref<128xi32, #tpu.memory_space<vmem>>) semaphore(%arg14 : memref<!tpu.dma_semaphore, #tpu.memory_space<semaphore_mem>>)
      %dma_wait3A_173 = arith.constant 1024 : i32
      %dma_wait3A_174 = tpu.memref_slice %arg9[%dma_wait3A_173] : memref<2048xi32, #tpu.memory_space<vmem>> -> memref<128xi32, #tpu.memory_space<vmem>>
      %dma_wait3A_175 = arith.constant 0 : i32
      %dma_wait3A_176 = arith.constant 0 : i32
      %dma_wait3A_177 = tpu.memref_slice %arg5[%dma_wait3A_175, %dma_wait3A_176] : memref<10240x128xf32, #tpu.memory_space<hbm>> -> memref<10240x128xf32, #tpu.memory_space<hbm>>
      tpu.wait_indirect_dma semaphore(%arg13 : memref<!tpu.dma_semaphore, #tpu.memory_space<semaphore_mem>>) src(%dma_wait3A_177 : memref<10240x128xf32, #tpu.memory_space<hbm>>) dst(%arg10 : memref<128x128xf32, #tpu.memory_space<vmem>>)
      %dma_wait3A_178 = tpu.memref_slice %arg3[%add3A_149] : memref<327680xi32, #tpu.memory_space<hbm>> -> memref<128xi32, #tpu.memory_space<hbm>>
      %dma_wait3A_179 = tpu.memref_slice %arg3[%add3A_149] : memref<327680xi32, #tpu.memory_space<hbm>> -> memref<128xi32, #tpu.memory_space<hbm>>
      tpu.wait_dma2 semaphore(%arg15 : memref<!tpu.dma_semaphore, #tpu.memory_space<semaphore_mem>>) src(%dma_wait3A_179 : memref<128xi32, #tpu.memory_space<hbm>>) dst(%arg7 : memref<128xi32, #tpu.memory_space<vmem>>)
      "tpu.region"() ({
        %run_scoped3A = tpu.sem_alloc : memref<!tpu.dma_semaphore, #tpu.memory_space<semaphore_mem>>
        %dma_start3A_284 = arith.constant 0 : i32
        %dma_start3A_285 = arith.constant 0 : i32
        %dma_start3A_286 = tpu.memref_slice %arg12[%dma_start3A_284, %dma_start3A_285] : memref<10240x128xf32, #tpu.memory_space<vmem_shared>> -> memref<10240x128xf32, #tpu.memory_space<vmem_shared>>
        tpu.enqueue_indirect_dma source(%arg10 : memref<128x128xf32, #tpu.memory_space<vmem>>) target(%dma_start3A_286 : memref<10240x128xf32, #tpu.memory_space<vmem_shared>>) offsets(%arg7 : memref<128xi32, #tpu.memory_space<vmem>>) semaphore(%run_scoped3A : memref<!tpu.dma_semaphore, #tpu.memory_space<semaphore_mem>>) {add = true}
        %dma_wait3A_287 = arith.constant 0 : i32
        %dma_wait3A_288 = arith.constant 0 : i32
        %dma_wait3A_289 = tpu.memref_slice %arg12[%dma_wait3A_287, %dma_wait3A_288] : memref<10240x128xf32, #tpu.memory_space<vmem_shared>> -> memref<10240x128xf32, #tpu.memory_space<vmem_shared>>
        tpu.wait_indirect_dma semaphore(%run_scoped3A : memref<!tpu.dma_semaphore, #tpu.memory_space<semaphore_mem>>) src(%arg10 : memref<128x128xf32, #tpu.memory_space<vmem>>) dst(%dma_wait3A_289 : memref<10240x128xf32, #tpu.memory_space<vmem_shared>>)
        tpu.yield
      }) : () -> ()
      %add3A_180 = arith.constant 1280 : i32
      %add3A_181 = arith.addi %add3A_30, %add3A_180 : i32
      %dma_start3A_182 = tpu.memref_slice %arg3[%add3A_181] : memref<327680xi32, #tpu.memory_space<hbm>> -> memref<128xi32, #tpu.memory_space<hbm>>
      %dma_start3A_183 = tpu.memref_slice %arg3[%add3A_181] : memref<327680xi32, #tpu.memory_space<hbm>> -> memref<128xi32, #tpu.memory_space<hbm>>
      tpu.enqueue_dma source(%dma_start3A_183 : memref<128xi32, #tpu.memory_space<hbm>>) target(%arg7 : memref<128xi32, #tpu.memory_space<vmem>>) target_semaphore(%arg15 : memref<!tpu.dma_semaphore, #tpu.memory_space<semaphore_mem>>)
      %dma_start3A_184 = arith.constant 1280 : i32
      %dma_start3A_185 = tpu.memref_slice %arg9[%dma_start3A_184] : memref<2048xi32, #tpu.memory_space<vmem>> -> memref<128xi32, #tpu.memory_space<vmem>>
      %dma_start3A_186 = arith.constant 0 : i32
      %dma_start3A_187 = arith.constant 0 : i32
      %dma_start3A_188 = tpu.memref_slice %arg5[%dma_start3A_186, %dma_start3A_187] : memref<10240x128xf32, #tpu.memory_space<hbm>> -> memref<10240x128xf32, #tpu.memory_space<hbm>>
      tpu.enqueue_indirect_dma source(%dma_start3A_188 : memref<10240x128xf32, #tpu.memory_space<hbm>>) target(%arg10 : memref<128x128xf32, #tpu.memory_space<vmem>>) offsets(%dma_start3A_185 : memref<128xi32, #tpu.memory_space<vmem>>) semaphore(%arg13 : memref<!tpu.dma_semaphore, #tpu.memory_space<semaphore_mem>>)
      %dma_wait3A_189 = arith.constant 1152 : i32
      %dma_wait3A_190 = tpu.memref_slice %arg9[%dma_wait3A_189] : memref<2048xi32, #tpu.memory_space<vmem>> -> memref<128xi32, #tpu.memory_space<vmem>>
      %dma_wait3A_191 = arith.constant 0 : i32
      %dma_wait3A_192 = arith.constant 0 : i32
      %dma_wait3A_193 = tpu.memref_slice %arg5[%dma_wait3A_191, %dma_wait3A_192] : memref<10240x128xf32, #tpu.memory_space<hbm>> -> memref<10240x128xf32, #tpu.memory_space<hbm>>
      tpu.wait_indirect_dma semaphore(%arg14 : memref<!tpu.dma_semaphore, #tpu.memory_space<semaphore_mem>>) src(%dma_wait3A_193 : memref<10240x128xf32, #tpu.memory_space<hbm>>) dst(%arg11 : memref<128x128xf32, #tpu.memory_space<vmem>>)
      %dma_wait3A_194 = tpu.memref_slice %arg3[%add3A_165] : memref<327680xi32, #tpu.memory_space<hbm>> -> memref<128xi32, #tpu.memory_space<hbm>>
      %dma_wait3A_195 = tpu.memref_slice %arg3[%add3A_165] : memref<327680xi32, #tpu.memory_space<hbm>> -> memref<128xi32, #tpu.memory_space<hbm>>
      tpu.wait_dma2 semaphore(%arg16 : memref<!tpu.dma_semaphore, #tpu.memory_space<semaphore_mem>>) src(%dma_wait3A_195 : memref<128xi32, #tpu.memory_space<hbm>>) dst(%arg8 : memref<128xi32, #tpu.memory_space<vmem>>)
      "tpu.region"() ({
        %run_scoped3A = tpu.sem_alloc : memref<!tpu.dma_semaphore, #tpu.memory_space<semaphore_mem>>
        %dma_start3A_284 = arith.constant 0 : i32
        %dma_start3A_285 = arith.constant 0 : i32
        %dma_start3A_286 = tpu.memref_slice %arg12[%dma_start3A_284, %dma_start3A_285] : memref<10240x128xf32, #tpu.memory_space<vmem_shared>> -> memref<10240x128xf32, #tpu.memory_space<vmem_shared>>
        tpu.enqueue_indirect_dma source(%arg11 : memref<128x128xf32, #tpu.memory_space<vmem>>) target(%dma_start3A_286 : memref<10240x128xf32, #tpu.memory_space<vmem_shared>>) offsets(%arg8 : memref<128xi32, #tpu.memory_space<vmem>>) semaphore(%run_scoped3A : memref<!tpu.dma_semaphore, #tpu.memory_space<semaphore_mem>>) {add = true}
        %dma_wait3A_287 = arith.constant 0 : i32
        %dma_wait3A_288 = arith.constant 0 : i32
        %dma_wait3A_289 = tpu.memref_slice %arg12[%dma_wait3A_287, %dma_wait3A_288] : memref<10240x128xf32, #tpu.memory_space<vmem_shared>> -> memref<10240x128xf32, #tpu.memory_space<vmem_shared>>
        tpu.wait_indirect_dma semaphore(%run_scoped3A : memref<!tpu.dma_semaphore, #tpu.memory_space<semaphore_mem>>) src(%arg11 : memref<128x128xf32, #tpu.memory_space<vmem>>) dst(%dma_wait3A_289 : memref<10240x128xf32, #tpu.memory_space<vmem_shared>>)
        tpu.yield
      }) : () -> ()
      %add3A_196 = arith.constant 1408 : i32
      %add3A_197 = arith.addi %add3A_30, %add3A_196 : i32
      %dma_start3A_198 = tpu.memref_slice %arg3[%add3A_197] : memref<327680xi32, #tpu.memory_space<hbm>> -> memref<128xi32, #tpu.memory_space<hbm>>
      %dma_start3A_199 = tpu.memref_slice %arg3[%add3A_197] : memref<327680xi32, #tpu.memory_space<hbm>> -> memref<128xi32, #tpu.memory_space<hbm>>
      tpu.enqueue_dma source(%dma_start3A_199 : memref<128xi32, #tpu.memory_space<hbm>>) target(%arg8 : memref<128xi32, #tpu.memory_space<vmem>>) target_semaphore(%arg16 : memref<!tpu.dma_semaphore, #tpu.memory_space<semaphore_mem>>)
      %dma_start3A_200 = arith.constant 1408 : i32
      %dma_start3A_201 = tpu.memref_slice %arg9[%dma_start3A_200] : memref<2048xi32, #tpu.memory_space<vmem>> -> memref<128xi32, #tpu.memory_space<vmem>>
      %dma_start3A_202 = arith.constant 0 : i32
      %dma_start3A_203 = arith.constant 0 : i32
      %dma_start3A_204 = tpu.memref_slice %arg5[%dma_start3A_202, %dma_start3A_203] : memref<10240x128xf32, #tpu.memory_space<hbm>> -> memref<10240x128xf32, #tpu.memory_space<hbm>>
      tpu.enqueue_indirect_dma source(%dma_start3A_204 : memref<10240x128xf32, #tpu.memory_space<hbm>>) target(%arg11 : memref<128x128xf32, #tpu.memory_space<vmem>>) offsets(%dma_start3A_201 : memref<128xi32, #tpu.memory_space<vmem>>) semaphore(%arg14 : memref<!tpu.dma_semaphore, #tpu.memory_space<semaphore_mem>>)
      %dma_wait3A_205 = arith.constant 1280 : i32
      %dma_wait3A_206 = tpu.memref_slice %arg9[%dma_wait3A_205] : memref<2048xi32, #tpu.memory_space<vmem>> -> memref<128xi32, #tpu.memory_space<vmem>>
      %dma_wait3A_207 = arith.constant 0 : i32
      %dma_wait3A_208 = arith.constant 0 : i32
      %dma_wait3A_209 = tpu.memref_slice %arg5[%dma_wait3A_207, %dma_wait3A_208] : memref<10240x128xf32, #tpu.memory_space<hbm>> -> memref<10240x128xf32, #tpu.memory_space<hbm>>
      tpu.wait_indirect_dma semaphore(%arg13 : memref<!tpu.dma_semaphore, #tpu.memory_space<semaphore_mem>>) src(%dma_wait3A_209 : memref<10240x128xf32, #tpu.memory_space<hbm>>) dst(%arg10 : memref<128x128xf32, #tpu.memory_space<vmem>>)
      %dma_wait3A_210 = tpu.memref_slice %arg3[%add3A_181] : memref<327680xi32, #tpu.memory_space<hbm>> -> memref<128xi32, #tpu.memory_space<hbm>>
      %dma_wait3A_211 = tpu.memref_slice %arg3[%add3A_181] : memref<327680xi32, #tpu.memory_space<hbm>> -> memref<128xi32, #tpu.memory_space<hbm>>
      tpu.wait_dma2 semaphore(%arg15 : memref<!tpu.dma_semaphore, #tpu.memory_space<semaphore_mem>>) src(%dma_wait3A_211 : memref<128xi32, #tpu.memory_space<hbm>>) dst(%arg7 : memref<128xi32, #tpu.memory_space<vmem>>)
      "tpu.region"() ({
        %run_scoped3A = tpu.sem_alloc : memref<!tpu.dma_semaphore, #tpu.memory_space<semaphore_mem>>
        %dma_start3A_284 = arith.constant 0 : i32
        %dma_start3A_285 = arith.constant 0 : i32
        %dma_start3A_286 = tpu.memref_slice %arg12[%dma_start3A_284, %dma_start3A_285] : memref<10240x128xf32, #tpu.memory_space<vmem_shared>> -> memref<10240x128xf32, #tpu.memory_space<vmem_shared>>
        tpu.enqueue_indirect_dma source(%arg10 : memref<128x128xf32, #tpu.memory_space<vmem>>) target(%dma_start3A_286 : memref<10240x128xf32, #tpu.memory_space<vmem_shared>>) offsets(%arg7 : memref<128xi32, #tpu.memory_space<vmem>>) semaphore(%run_scoped3A : memref<!tpu.dma_semaphore, #tpu.memory_space<semaphore_mem>>) {add = true}
        %dma_wait3A_287 = arith.constant 0 : i32
        %dma_wait3A_288 = arith.constant 0 : i32
        %dma_wait3A_289 = tpu.memref_slice %arg12[%dma_wait3A_287, %dma_wait3A_288] : memref<10240x128xf32, #tpu.memory_space<vmem_shared>> -> memref<10240x128xf32, #tpu.memory_space<vmem_shared>>
        tpu.wait_indirect_dma semaphore(%run_scoped3A : memref<!tpu.dma_semaphore, #tpu.memory_space<semaphore_mem>>) src(%arg10 : memref<128x128xf32, #tpu.memory_space<vmem>>) dst(%dma_wait3A_289 : memref<10240x128xf32, #tpu.memory_space<vmem_shared>>)
        tpu.yield
      }) : () -> ()
      %add3A_212 = arith.constant 1536 : i32
      %add3A_213 = arith.addi %add3A_30, %add3A_212 : i32
      %dma_start3A_214 = tpu.memref_slice %arg3[%add3A_213] : memref<327680xi32, #tpu.memory_space<hbm>> -> memref<128xi32, #tpu.memory_space<hbm>>
      %dma_start3A_215 = tpu.memref_slice %arg3[%add3A_213] : memref<327680xi32, #tpu.memory_space<hbm>> -> memref<128xi32, #tpu.memory_space<hbm>>
      tpu.enqueue_dma source(%dma_start3A_215 : memref<128xi32, #tpu.memory_space<hbm>>) target(%arg7 : memref<128xi32, #tpu.memory_space<vmem>>) target_semaphore(%arg15 : memref<!tpu.dma_semaphore, #tpu.memory_space<semaphore_mem>>)
      %dma_start3A_216 = arith.constant 1536 : i32
      %dma_start3A_217 = tpu.memref_slice %arg9[%dma_start3A_216] : memref<2048xi32, #tpu.memory_space<vmem>> -> memref<128xi32, #tpu.memory_space<vmem>>
      %dma_start3A_218 = arith.constant 0 : i32
      %dma_start3A_219 = arith.constant 0 : i32
      %dma_start3A_220 = tpu.memref_slice %arg5[%dma_start3A_218, %dma_start3A_219] : memref<10240x128xf32, #tpu.memory_space<hbm>> -> memref<10240x128xf32, #tpu.memory_space<hbm>>
      tpu.enqueue_indirect_dma source(%dma_start3A_220 : memref<10240x128xf32, #tpu.memory_space<hbm>>) target(%arg10 : memref<128x128xf32, #tpu.memory_space<vmem>>) offsets(%dma_start3A_217 : memref<128xi32, #tpu.memory_space<vmem>>) semaphore(%arg13 : memref<!tpu.dma_semaphore, #tpu.memory_space<semaphore_mem>>)
      %dma_wait3A_221 = arith.constant 1408 : i32
      %dma_wait3A_222 = tpu.memref_slice %arg9[%dma_wait3A_221] : memref<2048xi32, #tpu.memory_space<vmem>> -> memref<128xi32, #tpu.memory_space<vmem>>
      %dma_wait3A_223 = arith.constant 0 : i32
      %dma_wait3A_224 = arith.constant 0 : i32
      %dma_wait3A_225 = tpu.memref_slice %arg5[%dma_wait3A_223, %dma_wait3A_224] : memref<10240x128xf32, #tpu.memory_space<hbm>> -> memref<10240x128xf32, #tpu.memory_space<hbm>>
      tpu.wait_indirect_dma semaphore(%arg14 : memref<!tpu.dma_semaphore, #tpu.memory_space<semaphore_mem>>) src(%dma_wait3A_225 : memref<10240x128xf32, #tpu.memory_space<hbm>>) dst(%arg11 : memref<128x128xf32, #tpu.memory_space<vmem>>)
      %dma_wait3A_226 = tpu.memref_slice %arg3[%add3A_197] : memref<327680xi32, #tpu.memory_space<hbm>> -> memref<128xi32, #tpu.memory_space<hbm>>
      %dma_wait3A_227 = tpu.memref_slice %arg3[%add3A_197] : memref<327680xi32, #tpu.memory_space<hbm>> -> memref<128xi32, #tpu.memory_space<hbm>>
      tpu.wait_dma2 semaphore(%arg16 : memref<!tpu.dma_semaphore, #tpu.memory_space<semaphore_mem>>) src(%dma_wait3A_227 : memref<128xi32, #tpu.memory_space<hbm>>) dst(%arg8 : memref<128xi32, #tpu.memory_space<vmem>>)
      "tpu.region"() ({
        %run_scoped3A = tpu.sem_alloc : memref<!tpu.dma_semaphore, #tpu.memory_space<semaphore_mem>>
        %dma_start3A_284 = arith.constant 0 : i32
        %dma_start3A_285 = arith.constant 0 : i32
        %dma_start3A_286 = tpu.memref_slice %arg12[%dma_start3A_284, %dma_start3A_285] : memref<10240x128xf32, #tpu.memory_space<vmem_shared>> -> memref<10240x128xf32, #tpu.memory_space<vmem_shared>>
        tpu.enqueue_indirect_dma source(%arg11 : memref<128x128xf32, #tpu.memory_space<vmem>>) target(%dma_start3A_286 : memref<10240x128xf32, #tpu.memory_space<vmem_shared>>) offsets(%arg8 : memref<128xi32, #tpu.memory_space<vmem>>) semaphore(%run_scoped3A : memref<!tpu.dma_semaphore, #tpu.memory_space<semaphore_mem>>) {add = true}
        %dma_wait3A_287 = arith.constant 0 : i32
        %dma_wait3A_288 = arith.constant 0 : i32
        %dma_wait3A_289 = tpu.memref_slice %arg12[%dma_wait3A_287, %dma_wait3A_288] : memref<10240x128xf32, #tpu.memory_space<vmem_shared>> -> memref<10240x128xf32, #tpu.memory_space<vmem_shared>>
        tpu.wait_indirect_dma semaphore(%run_scoped3A : memref<!tpu.dma_semaphore, #tpu.memory_space<semaphore_mem>>) src(%arg11 : memref<128x128xf32, #tpu.memory_space<vmem>>) dst(%dma_wait3A_289 : memref<10240x128xf32, #tpu.memory_space<vmem_shared>>)
        tpu.yield
      }) : () -> ()
      %add3A_228 = arith.constant 1664 : i32
      %add3A_229 = arith.addi %add3A_30, %add3A_228 : i32
      %dma_start3A_230 = tpu.memref_slice %arg3[%add3A_229] : memref<327680xi32, #tpu.memory_space<hbm>> -> memref<128xi32, #tpu.memory_space<hbm>>
      %dma_start3A_231 = tpu.memref_slice %arg3[%add3A_229] : memref<327680xi32, #tpu.memory_space<hbm>> -> memref<128xi32, #tpu.memory_space<hbm>>
      tpu.enqueue_dma source(%dma_start3A_231 : memref<128xi32, #tpu.memory_space<hbm>>) target(%arg8 : memref<128xi32, #tpu.memory_space<vmem>>) target_semaphore(%arg16 : memref<!tpu.dma_semaphore, #tpu.memory_space<semaphore_mem>>)
      %dma_start3A_232 = arith.constant 1664 : i32
      %dma_start3A_233 = tpu.memref_slice %arg9[%dma_start3A_232] : memref<2048xi32, #tpu.memory_space<vmem>> -> memref<128xi32, #tpu.memory_space<vmem>>
      %dma_start3A_234 = arith.constant 0 : i32
      %dma_start3A_235 = arith.constant 0 : i32
      %dma_start3A_236 = tpu.memref_slice %arg5[%dma_start3A_234, %dma_start3A_235] : memref<10240x128xf32, #tpu.memory_space<hbm>> -> memref<10240x128xf32, #tpu.memory_space<hbm>>
      tpu.enqueue_indirect_dma source(%dma_start3A_236 : memref<10240x128xf32, #tpu.memory_space<hbm>>) target(%arg11 : memref<128x128xf32, #tpu.memory_space<vmem>>) offsets(%dma_start3A_233 : memref<128xi32, #tpu.memory_space<vmem>>) semaphore(%arg14 : memref<!tpu.dma_semaphore, #tpu.memory_space<semaphore_mem>>)
      %dma_wait3A_237 = arith.constant 1536 : i32
      %dma_wait3A_238 = tpu.memref_slice %arg9[%dma_wait3A_237] : memref<2048xi32, #tpu.memory_space<vmem>> -> memref<128xi32, #tpu.memory_space<vmem>>
      %dma_wait3A_239 = arith.constant 0 : i32
      %dma_wait3A_240 = arith.constant 0 : i32
      %dma_wait3A_241 = tpu.memref_slice %arg5[%dma_wait3A_239, %dma_wait3A_240] : memref<10240x128xf32, #tpu.memory_space<hbm>> -> memref<10240x128xf32, #tpu.memory_space<hbm>>
      tpu.wait_indirect_dma semaphore(%arg13 : memref<!tpu.dma_semaphore, #tpu.memory_space<semaphore_mem>>) src(%dma_wait3A_241 : memref<10240x128xf32, #tpu.memory_space<hbm>>) dst(%arg10 : memref<128x128xf32, #tpu.memory_space<vmem>>)
      %dma_wait3A_242 = tpu.memref_slice %arg3[%add3A_213] : memref<327680xi32, #tpu.memory_space<hbm>> -> memref<128xi32, #tpu.memory_space<hbm>>
      %dma_wait3A_243 = tpu.memref_slice %arg3[%add3A_213] : memref<327680xi32, #tpu.memory_space<hbm>> -> memref<128xi32, #tpu.memory_space<hbm>>
      tpu.wait_dma2 semaphore(%arg15 : memref<!tpu.dma_semaphore, #tpu.memory_space<semaphore_mem>>) src(%dma_wait3A_243 : memref<128xi32, #tpu.memory_space<hbm>>) dst(%arg7 : memref<128xi32, #tpu.memory_space<vmem>>)
      "tpu.region"() ({
        %run_scoped3A = tpu.sem_alloc : memref<!tpu.dma_semaphore, #tpu.memory_space<semaphore_mem>>
        %dma_start3A_284 = arith.constant 0 : i32
        %dma_start3A_285 = arith.constant 0 : i32
        %dma_start3A_286 = tpu.memref_slice %arg12[%dma_start3A_284, %dma_start3A_285] : memref<10240x128xf32, #tpu.memory_space<vmem_shared>> -> memref<10240x128xf32, #tpu.memory_space<vmem_shared>>
        tpu.enqueue_indirect_dma source(%arg10 : memref<128x128xf32, #tpu.memory_space<vmem>>) target(%dma_start3A_286 : memref<10240x128xf32, #tpu.memory_space<vmem_shared>>) offsets(%arg7 : memref<128xi32, #tpu.memory_space<vmem>>) semaphore(%run_scoped3A : memref<!tpu.dma_semaphore, #tpu.memory_space<semaphore_mem>>) {add = true}
        %dma_wait3A_287 = arith.constant 0 : i32
        %dma_wait3A_288 = arith.constant 0 : i32
        %dma_wait3A_289 = tpu.memref_slice %arg12[%dma_wait3A_287, %dma_wait3A_288] : memref<10240x128xf32, #tpu.memory_space<vmem_shared>> -> memref<10240x128xf32, #tpu.memory_space<vmem_shared>>
        tpu.wait_indirect_dma semaphore(%run_scoped3A : memref<!tpu.dma_semaphore, #tpu.memory_space<semaphore_mem>>) src(%arg10 : memref<128x128xf32, #tpu.memory_space<vmem>>) dst(%dma_wait3A_289 : memref<10240x128xf32, #tpu.memory_space<vmem_shared>>)
        tpu.yield
      }) : () -> ()
      %add3A_244 = arith.constant 1792 : i32
      %add3A_245 = arith.addi %add3A_30, %add3A_244 : i32
      %dma_start3A_246 = tpu.memref_slice %arg3[%add3A_245] : memref<327680xi32, #tpu.memory_space<hbm>> -> memref<128xi32, #tpu.memory_space<hbm>>
      %dma_start3A_247 = tpu.memref_slice %arg3[%add3A_245] : memref<327680xi32, #tpu.memory_space<hbm>> -> memref<128xi32, #tpu.memory_space<hbm>>
      tpu.enqueue_dma source(%dma_start3A_247 : memref<128xi32, #tpu.memory_space<hbm>>) target(%arg7 : memref<128xi32, #tpu.memory_space<vmem>>) target_semaphore(%arg15 : memref<!tpu.dma_semaphore, #tpu.memory_space<semaphore_mem>>)
      %dma_start3A_248 = arith.constant 1792 : i32
      %dma_start3A_249 = tpu.memref_slice %arg9[%dma_start3A_248] : memref<2048xi32, #tpu.memory_space<vmem>> -> memref<128xi32, #tpu.memory_space<vmem>>
      %dma_start3A_250 = arith.constant 0 : i32
      %dma_start3A_251 = arith.constant 0 : i32
      %dma_start3A_252 = tpu.memref_slice %arg5[%dma_start3A_250, %dma_start3A_251] : memref<10240x128xf32, #tpu.memory_space<hbm>> -> memref<10240x128xf32, #tpu.memory_space<hbm>>
      tpu.enqueue_indirect_dma source(%dma_start3A_252 : memref<10240x128xf32, #tpu.memory_space<hbm>>) target(%arg10 : memref<128x128xf32, #tpu.memory_space<vmem>>) offsets(%dma_start3A_249 : memref<128xi32, #tpu.memory_space<vmem>>) semaphore(%arg13 : memref<!tpu.dma_semaphore, #tpu.memory_space<semaphore_mem>>)
      %dma_wait3A_253 = arith.constant 1664 : i32
      %dma_wait3A_254 = tpu.memref_slice %arg9[%dma_wait3A_253] : memref<2048xi32, #tpu.memory_space<vmem>> -> memref<128xi32, #tpu.memory_space<vmem>>
      %dma_wait3A_255 = arith.constant 0 : i32
      %dma_wait3A_256 = arith.constant 0 : i32
      %dma_wait3A_257 = tpu.memref_slice %arg5[%dma_wait3A_255, %dma_wait3A_256] : memref<10240x128xf32, #tpu.memory_space<hbm>> -> memref<10240x128xf32, #tpu.memory_space<hbm>>
      tpu.wait_indirect_dma semaphore(%arg14 : memref<!tpu.dma_semaphore, #tpu.memory_space<semaphore_mem>>) src(%dma_wait3A_257 : memref<10240x128xf32, #tpu.memory_space<hbm>>) dst(%arg11 : memref<128x128xf32, #tpu.memory_space<vmem>>)
      %dma_wait3A_258 = tpu.memref_slice %arg3[%add3A_229] : memref<327680xi32, #tpu.memory_space<hbm>> -> memref<128xi32, #tpu.memory_space<hbm>>
      %dma_wait3A_259 = tpu.memref_slice %arg3[%add3A_229] : memref<327680xi32, #tpu.memory_space<hbm>> -> memref<128xi32, #tpu.memory_space<hbm>>
      tpu.wait_dma2 semaphore(%arg16 : memref<!tpu.dma_semaphore, #tpu.memory_space<semaphore_mem>>) src(%dma_wait3A_259 : memref<128xi32, #tpu.memory_space<hbm>>) dst(%arg8 : memref<128xi32, #tpu.memory_space<vmem>>)
      "tpu.region"() ({
        %run_scoped3A = tpu.sem_alloc : memref<!tpu.dma_semaphore, #tpu.memory_space<semaphore_mem>>
        %dma_start3A_284 = arith.constant 0 : i32
        %dma_start3A_285 = arith.constant 0 : i32
        %dma_start3A_286 = tpu.memref_slice %arg12[%dma_start3A_284, %dma_start3A_285] : memref<10240x128xf32, #tpu.memory_space<vmem_shared>> -> memref<10240x128xf32, #tpu.memory_space<vmem_shared>>
        tpu.enqueue_indirect_dma source(%arg11 : memref<128x128xf32, #tpu.memory_space<vmem>>) target(%dma_start3A_286 : memref<10240x128xf32, #tpu.memory_space<vmem_shared>>) offsets(%arg8 : memref<128xi32, #tpu.memory_space<vmem>>) semaphore(%run_scoped3A : memref<!tpu.dma_semaphore, #tpu.memory_space<semaphore_mem>>) {add = true}
        %dma_wait3A_287 = arith.constant 0 : i32
        %dma_wait3A_288 = arith.constant 0 : i32
        %dma_wait3A_289 = tpu.memref_slice %arg12[%dma_wait3A_287, %dma_wait3A_288] : memref<10240x128xf32, #tpu.memory_space<vmem_shared>> -> memref<10240x128xf32, #tpu.memory_space<vmem_shared>>
        tpu.wait_indirect_dma semaphore(%run_scoped3A : memref<!tpu.dma_semaphore, #tpu.memory_space<semaphore_mem>>) src(%arg11 : memref<128x128xf32, #tpu.memory_space<vmem>>) dst(%dma_wait3A_289 : memref<10240x128xf32, #tpu.memory_space<vmem_shared>>)
        tpu.yield
      }) : () -> ()
      %add3A_260 = arith.constant 1920 : i32
      %add3A_261 = arith.addi %add3A_30, %add3A_260 : i32
      %dma_start3A_262 = tpu.memref_slice %arg3[%add3A_261] : memref<327680xi32, #tpu.memory_space<hbm>> -> memref<128xi32, #tpu.memory_space<hbm>>
      %dma_start3A_263 = tpu.memref_slice %arg3[%add3A_261] : memref<327680xi32, #tpu.memory_space<hbm>> -> memref<128xi32, #tpu.memory_space<hbm>>
      tpu.enqueue_dma source(%dma_start3A_263 : memref<128xi32, #tpu.memory_space<hbm>>) target(%arg8 : memref<128xi32, #tpu.memory_space<vmem>>) target_semaphore(%arg16 : memref<!tpu.dma_semaphore, #tpu.memory_space<semaphore_mem>>)
      %dma_start3A_264 = arith.constant 1920 : i32
      %dma_start3A_265 = tpu.memref_slice %arg9[%dma_start3A_264] : memref<2048xi32, #tpu.memory_space<vmem>> -> memref<128xi32, #tpu.memory_space<vmem>>
      %dma_start3A_266 = arith.constant 0 : i32
      %dma_start3A_267 = arith.constant 0 : i32
      %dma_start3A_268 = tpu.memref_slice %arg5[%dma_start3A_266, %dma_start3A_267] : memref<10240x128xf32, #tpu.memory_space<hbm>> -> memref<10240x128xf32, #tpu.memory_space<hbm>>
      tpu.enqueue_indirect_dma source(%dma_start3A_268 : memref<10240x128xf32, #tpu.memory_space<hbm>>) target(%arg11 : memref<128x128xf32, #tpu.memory_space<vmem>>) offsets(%dma_start3A_265 : memref<128xi32, #tpu.memory_space<vmem>>) semaphore(%arg14 : memref<!tpu.dma_semaphore, #tpu.memory_space<semaphore_mem>>)
      %dma_wait3A_269 = arith.constant 1792 : i32
      %dma_wait3A_270 = tpu.memref_slice %arg9[%dma_wait3A_269] : memref<2048xi32, #tpu.memory_space<vmem>> -> memref<128xi32, #tpu.memory_space<vmem>>
      %dma_wait3A_271 = arith.constant 0 : i32
      %dma_wait3A_272 = arith.constant 0 : i32
      %dma_wait3A_273 = tpu.memref_slice %arg5[%dma_wait3A_271, %dma_wait3A_272] : memref<10240x128xf32, #tpu.memory_space<hbm>> -> memref<10240x128xf32, #tpu.memory_space<hbm>>
      tpu.wait_indirect_dma semaphore(%arg13 : memref<!tpu.dma_semaphore, #tpu.memory_space<semaphore_mem>>) src(%dma_wait3A_273 : memref<10240x128xf32, #tpu.memory_space<hbm>>) dst(%arg10 : memref<128x128xf32, #tpu.memory_space<vmem>>)
      %dma_wait3A_274 = tpu.memref_slice %arg3[%add3A_245] : memref<327680xi32, #tpu.memory_space<hbm>> -> memref<128xi32, #tpu.memory_space<hbm>>
      %dma_wait3A_275 = tpu.memref_slice %arg3[%add3A_245] : memref<327680xi32, #tpu.memory_space<hbm>> -> memref<128xi32, #tpu.memory_space<hbm>>
      tpu.wait_dma2 semaphore(%arg15 : memref<!tpu.dma_semaphore, #tpu.memory_space<semaphore_mem>>) src(%dma_wait3A_275 : memref<128xi32, #tpu.memory_space<hbm>>) dst(%arg7 : memref<128xi32, #tpu.memory_space<vmem>>)
      "tpu.region"() ({
        %run_scoped3A = tpu.sem_alloc : memref<!tpu.dma_semaphore, #tpu.memory_space<semaphore_mem>>
        %dma_start3A_284 = arith.constant 0 : i32
        %dma_start3A_285 = arith.constant 0 : i32
        %dma_start3A_286 = tpu.memref_slice %arg12[%dma_start3A_284, %dma_start3A_285] : memref<10240x128xf32, #tpu.memory_space<vmem_shared>> -> memref<10240x128xf32, #tpu.memory_space<vmem_shared>>
        tpu.enqueue_indirect_dma source(%arg10 : memref<128x128xf32, #tpu.memory_space<vmem>>) target(%dma_start3A_286 : memref<10240x128xf32, #tpu.memory_space<vmem_shared>>) offsets(%arg7 : memref<128xi32, #tpu.memory_space<vmem>>) semaphore(%run_scoped3A : memref<!tpu.dma_semaphore, #tpu.memory_space<semaphore_mem>>) {add = true}
        %dma_wait3A_287 = arith.constant 0 : i32
        %dma_wait3A_288 = arith.constant 0 : i32
        %dma_wait3A_289 = tpu.memref_slice %arg12[%dma_wait3A_287, %dma_wait3A_288] : memref<10240x128xf32, #tpu.memory_space<vmem_shared>> -> memref<10240x128xf32, #tpu.memory_space<vmem_shared>>
        tpu.wait_indirect_dma semaphore(%run_scoped3A : memref<!tpu.dma_semaphore, #tpu.memory_space<semaphore_mem>>) src(%arg10 : memref<128x128xf32, #tpu.memory_space<vmem>>) dst(%dma_wait3A_289 : memref<10240x128xf32, #tpu.memory_space<vmem_shared>>)
        tpu.yield
      }) : () -> ()
      %dma_wait3A_276 = arith.constant 1920 : i32
      %dma_wait3A_277 = tpu.memref_slice %arg9[%dma_wait3A_276] : memref<2048xi32, #tpu.memory_space<vmem>> -> memref<128xi32, #tpu.memory_space<vmem>>
      %dma_wait3A_278 = arith.constant 0 : i32
      %dma_wait3A_279 = arith.constant 0 : i32
      %dma_wait3A_280 = tpu.memref_slice %arg5[%dma_wait3A_278, %dma_wait3A_279] : memref<10240x128xf32, #tpu.memory_space<hbm>> -> memref<10240x128xf32, #tpu.memory_space<hbm>>
      tpu.wait_indirect_dma semaphore(%arg14 : memref<!tpu.dma_semaphore, #tpu.memory_space<semaphore_mem>>) src(%dma_wait3A_280 : memref<10240x128xf32, #tpu.memory_space<hbm>>) dst(%arg11 : memref<128x128xf32, #tpu.memory_space<vmem>>)
      %dma_wait3A_281 = tpu.memref_slice %arg3[%add3A_261] : memref<327680xi32, #tpu.memory_space<hbm>> -> memref<128xi32, #tpu.memory_space<hbm>>
      %dma_wait3A_282 = tpu.memref_slice %arg3[%add3A_261] : memref<327680xi32, #tpu.memory_space<hbm>> -> memref<128xi32, #tpu.memory_space<hbm>>
      tpu.wait_dma2 semaphore(%arg16 : memref<!tpu.dma_semaphore, #tpu.memory_space<semaphore_mem>>) src(%dma_wait3A_282 : memref<128xi32, #tpu.memory_space<hbm>>) dst(%arg8 : memref<128xi32, #tpu.memory_space<vmem>>)
      "tpu.region"() ({
        %run_scoped3A = tpu.sem_alloc : memref<!tpu.dma_semaphore, #tpu.memory_space<semaphore_mem>>
        %dma_start3A_284 = arith.constant 0 : i32
        %dma_start3A_285 = arith.constant 0 : i32
        %dma_start3A_286 = tpu.memref_slice %arg12[%dma_start3A_284, %dma_start3A_285] : memref<10240x128xf32, #tpu.memory_space<vmem_shared>> -> memref<10240x128xf32, #tpu.memory_space<vmem_shared>>
        tpu.enqueue_indirect_dma source(%arg11 : memref<128x128xf32, #tpu.memory_space<vmem>>) target(%dma_start3A_286 : memref<10240x128xf32, #tpu.memory_space<vmem_shared>>) offsets(%arg8 : memref<128xi32, #tpu.memory_space<vmem>>) semaphore(%run_scoped3A : memref<!tpu.dma_semaphore, #tpu.memory_space<semaphore_mem>>) {add = true}
        %dma_wait3A_287 = arith.constant 0 : i32
        %dma_wait3A_288 = arith.constant 0 : i32
        %dma_wait3A_289 = tpu.memref_slice %arg12[%dma_wait3A_287, %dma_wait3A_288] : memref<10240x128xf32, #tpu.memory_space<vmem_shared>> -> memref<10240x128xf32, #tpu.memory_space<vmem_shared>>
        tpu.wait_indirect_dma semaphore(%run_scoped3A : memref<!tpu.dma_semaphore, #tpu.memory_space<semaphore_mem>>) src(%arg11 : memref<128x128xf32, #tpu.memory_space<vmem>>) dst(%dma_wait3A_289 : memref<10240x128xf32, #tpu.memory_space<vmem_shared>>)
        tpu.yield
      }) : () -> ()
      %scan3A_283 = arith.constant 0 : i32
      scf.yield %scan3A_283 : i32
    }
    %scan3A_17 = arith.constant 5 : i32
    %barrier3A_18 = arith.constant 0 : index
    tpu.barrier barrier_id(%barrier3A_18)
    %scan3A_19 = arith.constant 0 : i32
    %scan3A_20 = arith.constant 0 : i32
    %scan3A_21 = arith.constant 5 : i32
    %scan3A_22 = arith.addi %scan3A_20, %scan3A_21 : i32
    %scan3A_23 = arith.constant 1 : i32
    %scan3A_24 = scf.for %scan3A_26 = %scan3A_20 to %scan3A_22 step %scan3A_23 iter_args(%scan3A_27 = %scan3A_19) -> (i32)  : i32 {
      %mul3A_28 = arith.constant 128 : i32
      %mul3A_29 = arith.muli %scan3A_26, %mul3A_28 : i32
      %add3A_30 = arith.addi %mul3A_0, %mul3A_29 : i32
      "tpu.region"() ({
        %run_scoped3A = tpu.sem_alloc : memref<!tpu.dma_semaphore, #tpu.memory_space<semaphore_mem>>
        %dma_start3A = arith.constant 0 : i32
        %dma_start3A_35 = tpu.memref_slice %arg12[%add3A_30, %dma_start3A] : memref<10240x128xf32, #tpu.memory_space<vmem_shared>> -> memref<128x128xf32, #tpu.memory_space<vmem_shared>>
        %dma_start3A_36 = arith.constant 0 : i32
        %dma_start3A_37 = tpu.memref_slice %arg12[%add3A_30, %dma_start3A_36] : memref<10240x128xf32, #tpu.memory_space<vmem_shared>> -> memref<128x128xf32, #tpu.memory_space<vmem_shared>>
        tpu.enqueue_dma source(%dma_start3A_37 : memref<128x128xf32, #tpu.memory_space<vmem_shared>>) target(%arg10 : memref<128x128xf32, #tpu.memory_space<vmem>>) target_semaphore(%run_scoped3A : memref<!tpu.dma_semaphore, #tpu.memory_space<semaphore_mem>>)
        %dma_wait3A = arith.constant 0 : i32
        %dma_wait3A_38 = tpu.memref_slice %arg12[%add3A_30, %dma_wait3A] : memref<10240x128xf32, #tpu.memory_space<vmem_shared>> -> memref<128x128xf32, #tpu.memory_space<vmem_shared>>
        %dma_wait3A_39 = arith.constant 0 : i32
        %dma_wait3A_40 = tpu.memref_slice %arg12[%add3A_30, %dma_wait3A_39] : memref<10240x128xf32, #tpu.memory_space<vmem_shared>> -> memref<128x128xf32, #tpu.memory_space<vmem_shared>>
        tpu.wait_dma2 semaphore(%run_scoped3A : memref<!tpu.dma_semaphore, #tpu.memory_space<semaphore_mem>>) src(%dma_wait3A_40 : memref<128x128xf32, #tpu.memory_space<vmem_shared>>) dst(%arg10 : memref<128x128xf32, #tpu.memory_space<vmem>>)
        tpu.yield
      }) : () -> ()
      %mul3A_31 = arith.constant 10240 : i32
      %mul3A_32 = arith.muli %arg0, %mul3A_31 : i32
      %add3A_33 = arith.addi %mul3A_32, %add3A_30 : i32
      "tpu.region"() ({
        %run_scoped3A = tpu.sem_alloc : memref<!tpu.dma_semaphore, #tpu.memory_space<semaphore_mem>>
        %dma_start3A = arith.constant 0 : i32
        %dma_start3A_35 = tpu.memref_slice %arg6[%add3A_33, %dma_start3A] : memref<20480x128xf32, #tpu.memory_space<hbm>> -> memref<128x128xf32, #tpu.memory_space<hbm>>
        %dma_start3A_36 = arith.constant 0 : i32
        %dma_start3A_37 = tpu.memref_slice %arg6[%add3A_33, %dma_start3A_36] : memref<20480x128xf32, #tpu.memory_space<hbm>> -> memref<128x128xf32, #tpu.memory_space<hbm>>
        tpu.enqueue_dma source(%arg10 : memref<128x128xf32, #tpu.memory_space<vmem>>) target(%dma_start3A_37 : memref<128x128xf32, #tpu.memory_space<hbm>>) target_semaphore(%run_scoped3A : memref<!tpu.dma_semaphore, #tpu.memory_space<semaphore_mem>>)
        %dma_wait3A = arith.constant 0 : i32
        %dma_wait3A_38 = tpu.memref_slice %arg6[%add3A_33, %dma_wait3A] : memref<20480x128xf32, #tpu.memory_space<hbm>> -> memref<128x128xf32, #tpu.memory_space<hbm>>
        %dma_wait3A_39 = arith.constant 0 : i32
        %dma_wait3A_40 = tpu.memref_slice %arg6[%add3A_33, %dma_wait3A_39] : memref<20480x128xf32, #tpu.memory_space<hbm>> -> memref<128x128xf32, #tpu.memory_space<hbm>>
        tpu.wait_dma2 semaphore(%run_scoped3A : memref<!tpu.dma_semaphore, #tpu.memory_space<semaphore_mem>>) src(%arg10 : memref<128x128xf32, #tpu.memory_space<vmem>>) dst(%dma_wait3A_40 : memref<128x128xf32, #tpu.memory_space<hbm>>)
        tpu.yield
      }) : () -> ()
      %scan3A_34 = arith.constant 0 : i32
      scf.yield %scan3A_34 : i32
    }
    %scan3A_25 = arith.constant 5 : i32
    return
  }
}

#map = affine_map<(d0, d1) -> (0, 0)>
#map1 = affine_map<(d0, d1) -> (0)>
module attributes {stable_mosaic.version = 14 : i64} {
  func.func @body(%arg0: i32, %arg1: i32, %arg2: memref<128x128xf32, #tpu.memory_space<hbm>>, %arg3: memref<327680xi32, #tpu.memory_space<hbm>>, %arg4: memref<327680xi32, #tpu.memory_space<hbm>>, %arg5: memref<10240x128xf32, #tpu.memory_space<hbm>>, %arg6: memref<20480x128xf32, #tpu.memory_space<hbm>>, %arg7: memref<128xi32, #tpu.memory_space<vmem>>, %arg8: memref<128xi32, #tpu.memory_space<vmem>>, %arg9: memref<2048xi32, #tpu.memory_space<vmem>>, %arg10: memref<128x128xf32, #tpu.memory_space<vmem>>, %arg11: memref<128x128xf32, #tpu.memory_space<vmem>>, %arg12: memref<10240x128xf32, #tpu.memory_space<vmem_shared>>, %arg13: memref<!tpu.dma_semaphore, #tpu.memory_space<semaphore_mem>>, %arg14: memref<!tpu.dma_semaphore, #tpu.memory_space<semaphore_mem>>, %arg15: memref<!tpu.dma_semaphore, #tpu.memory_space<semaphore_mem>>, %arg16: memref<!tpu.dma_semaphore, #tpu.memory_space<semaphore_mem>>) attributes {dimension_semantics = [#tpu.dimension_semantics<core_parallel>, #tpu.dimension_semantics<subcore_parallel>], iteration_bounds = array<i64: 2, 16>, scalar_prefetch = 0 : i64, scratch_operands = 10 : i64, tpu.core_type = #tpu.core_type<sc_vector_subcore>, window_params = [{transform_indices = #map}, {transform_indices = #map1}, {transform_indices = #map1}, {transform_indices = #map}, {transform_indices = #map}]} {
    "tpu.region"() ({
      %run_scoped3A = tpu.sem_alloc : memref<!tpu.dma_semaphore, #tpu.memory_space<semaphore_mem>>
      tpu.enqueue_dma source(%arg2 : memref<128x128xf32, #tpu.memory_space<hbm>>) target(%arg10 : memref<128x128xf32, #tpu.memory_space<vmem>>) target_semaphore(%run_scoped3A : memref<!tpu.dma_semaphore, #tpu.memory_space<semaphore_mem>>)
      tpu.wait_dma2 semaphore(%run_scoped3A : memref<!tpu.dma_semaphore, #tpu.memory_space<semaphore_mem>>) src(%arg2 : memref<128x128xf32, #tpu.memory_space<hbm>>) dst(%arg10 : memref<128x128xf32, #tpu.memory_space<vmem>>)
      tpu.yield
    }) : () -> ()
    %mul3A = arith.constant 640 : i32
    %mul3A_0 = arith.muli %arg1, %mul3A : i32
    %scan3A = arith.constant 0 : i32
    %scan3A_1 = arith.constant 0 : i32
    %scan3A_2 = arith.constant 5 : i32
    %scan3A_3 = arith.addi %scan3A_1, %scan3A_2 : i32
    %scan3A_4 = arith.constant 1 : i32
    %scan3A_5 = scf.for %scan3A_26 = %scan3A_1 to %scan3A_3 step %scan3A_4 iter_args(%scan3A_27 = %scan3A) -> (i32)  : i32 {
      %mul3A_28 = arith.constant 128 : i32
      %mul3A_29 = arith.muli %scan3A_26, %mul3A_28 : i32
      %add3A_30 = arith.addi %mul3A_0, %mul3A_29 : i32
      "tpu.region"() ({
        %run_scoped3A = tpu.sem_alloc : memref<!tpu.dma_semaphore, #tpu.memory_space<semaphore_mem>>
        %dma_start3A = arith.constant 0 : i32
        %dma_start3A_32 = tpu.memref_slice %arg12[%add3A_30, %dma_start3A] : memref<10240x128xf32, #tpu.memory_space<vmem_shared>> -> memref<128x128xf32, #tpu.memory_space<vmem_shared>>
        %dma_start3A_33 = arith.constant 0 : i32
        %dma_start3A_34 = tpu.memref_slice %arg12[%add3A_30, %dma_start3A_33] : memref<10240x128xf32, #tpu.memory_space<vmem_shared>> -> memref<128x128xf32, #tpu.memory_space<vmem_shared>>
        tpu.enqueue_dma source(%arg10 : memref<128x128xf32, #tpu.memory_space<vmem>>) target(%dma_start3A_34 : memref<128x128xf32, #tpu.memory_space<vmem_shared>>) target_semaphore(%run_scoped3A : memref<!tpu.dma_semaphore, #tpu.memory_space<semaphore_mem>>)
        %dma_wait3A = arith.constant 0 : i32
        %dma_wait3A_35 = tpu.memref_slice %arg12[%add3A_30, %dma_wait3A] : memref<10240x128xf32, #tpu.memory_space<vmem_shared>> -> memref<128x128xf32, #tpu.memory_space<vmem_shared>>
        %dma_wait3A_36 = arith.constant 0 : i32
        %dma_wait3A_37 = tpu.memref_slice %arg12[%add3A_30, %dma_wait3A_36] : memref<10240x128xf32, #tpu.memory_space<vmem_shared>> -> memref<128x128xf32, #tpu.memory_space<vmem_shared>>
        tpu.wait_dma2 semaphore(%run_scoped3A : memref<!tpu.dma_semaphore, #tpu.memory_space<semaphore_mem>>) src(%arg10 : memref<128x128xf32, #tpu.memory_space<vmem>>) dst(%dma_wait3A_37 : memref<128x128xf32, #tpu.memory_space<vmem_shared>>)
        tpu.yield
      }) : () -> ()
      %scan3A_31 = arith.constant 0 : i32
      scf.yield %scan3A_31 : i32
    }
    %scan3A_6 = arith.constant 5 : i32
    %barrier3A = arith.constant 0 : index
    tpu.barrier barrier_id(%barrier3A)
    %mul3A_7 = arith.constant 163840 : i32
    %mul3A_8 = arith.muli %arg0, %mul3A_7 : i32
    %mul3A_9 = arith.constant 10240 : i32
    %mul3A_10 = arith.muli %arg1, %mul3A_9 : i32
    %add3A = arith.addi %mul3A_8, %mul3A_10 : i32
    %scan3A_11 = arith.constant 0 : i32
    %scan3A_12 = arith.constant 0 : i32
    %scan3A_13 = arith.constant 5 : i32
    %scan3A_14 = arith.addi %scan3A_12, %scan3A_13 : i32
    %scan3A_15 = arith.constant 1 : i32
    %scan3A_16 = scf.for %scan3A_26 = %scan3A_12 to %scan3A_14 step %scan3A_15 iter_args(%scan3A_27 = %scan3A_11) -> (i32)  : i32 {
      %mul3A_28 = arith.constant 2048 : i32
      %mul3A_29 = arith.muli %scan3A_26, %mul3A_28 : i32
      %add3A_30 = arith.addi %add3A, %mul3A_29 : i32
      "tpu.region"() ({
        %run_scoped3A = tpu.sem_alloc : memref<!tpu.dma_semaphore, #tpu.memory_space<semaphore_mem>>
        %dma_start3A_284 = tpu.memref_slice %arg4[%add3A_30] : memref<327680xi32, #tpu.memory_space<hbm>> -> memref<2048xi32, #tpu.memory_space<hbm>>
        %dma_start3A_285 = tpu.memref_slice %arg4[%add3A_30] : memref<327680xi32, #tpu.memory_space<hbm>> -> memref<2048xi32, #tpu.memory_space<hbm>>
        tpu.enqueue_dma source(%dma_start3A_285 : memref<2048xi32, #tpu.memory_space<hbm>>) target(%arg9 : memref<2048xi32, #tpu.memory_space<vmem>>) target_semaphore(%run_scoped3A : memref<!tpu.dma_semaphore, #tpu.memory_space<semaphore_mem>>)
        %dma_wait3A_286 = tpu.memref_slice %arg4[%add3A_30] : memref<327680xi32, #tpu.memory_space<hbm>> -> memref<2048xi32, #tpu.memory_space<hbm>>
        %dma_wait3A_287 = tpu.memref_slice %arg4[%add3A_30] : memref<327680xi32, #tpu.memory_space<hbm>> -> memref<2048xi32, #tpu.memory_space<hbm>>
        tpu.wait_dma2 semaphore(%run_scoped3A : memref<!tpu.dma_semaphore, #tpu.memory_space<semaphore_mem>>) src(%dma_wait3A_287 : memref<2048xi32, #tpu.memory_space<hbm>>) dst(%arg9 : memref<2048xi32, #tpu.memory_space<vmem>>)
        tpu.yield
      }) : () -> ()
      %dma_start3A = tpu.memref_slice %arg3[%add3A_30] : memref<327680xi32, #tpu.memory_space<hbm>> -> memref<128xi32, #tpu.memory_space<hbm>>
      %dma_start3A_31 = tpu.memref_slice %arg3[%add3A_30] : memref<327680xi32, #tpu.memory_space<hbm>> -> memref<128xi32, #tpu.memory_space<hbm>>
      tpu.enqueue_dma source(%dma_start3A_31 : memref<128xi32, #tpu.memory_space<hbm>>) target(%arg7 : memref<128xi32, #tpu.memory_space<vmem>>) target_semaphore(%arg15 : memref<!tpu.dma_semaphore, #tpu.memory_space<semaphore_mem>>)
      %dma_start3A_32 = arith.constant 0 : i32
      %dma_start3A_33 = tpu.memref_slice %arg9[%dma_start3A_32] : memref<2048xi32, #tpu.memory_space<vmem>> -> memref<128xi32, #tpu.memory_space<vmem>>
      %dma_start3A_34 = arith.constant 0 : i32
      %dma_start3A_35 = arith.constant 0 : i32
      %dma_start3A_36 = tpu.memref_slice %arg5[%dma_start3A_34, %dma_start3A_35] : memref<10240x128xf32, #tpu.memory_space<hbm>> -> memref<10240x128xf32, #tpu.memory_space<hbm>>
      tpu.enqueue_indirect_dma source(%dma_start3A_36 : memref<10240x128xf32, #tpu.memory_space<hbm>>) target(%arg10 : memref<128x128xf32, #tpu.memory_space<vmem>>) offsets(%dma_start3A_33 : memref<128xi32, #tpu.memory_space<vmem>>) semaphore(%arg13 : memref<!tpu.dma_semaphore, #tpu.memory_space<semaphore_mem>>)
      %add3A_37 = arith.constant 128 : i32
      %add3A_38 = arith.addi %add3A_30, %add3A_37 : i32
      %dma_start3A_39 = tpu.memref_slice %arg3[%add3A_38] : memref<327680xi32, #tpu.memory_space<hbm>> -> memref<128xi32, #tpu.memory_space<hbm>>
      %dma_start3A_40 = tpu.memref_slice %arg3[%add3A_38] : memref<327680xi32, #tpu.memory_space<hbm>> -> memref<128xi32, #tpu.memory_space<hbm>>
      tpu.enqueue_dma source(%dma_start3A_40 : memref<128xi32, #tpu.memory_space<hbm>>) target(%arg8 : memref<128xi32, #tpu.memory_space<vmem>>) target_semaphore(%arg16 : memref<!tpu.dma_semaphore, #tpu.memory_space<semaphore_mem>>)
      %dma_start3A_41 = arith.constant 128 : i32
      %dma_start3A_42 = tpu.memref_slice %arg9[%dma_start3A_41] : memref<2048xi32, #tpu.memory_space<vmem>> -> memref<128xi32, #tpu.memory_space<vmem>>
      %dma_start3A_43 = arith.constant 0 : i32
      %dma_start3A_44 = arith.constant 0 : i32
      %dma_start3A_45 = tpu.memref_slice %arg5[%dma_start3A_43, %dma_start3A_44] : memref<10240x128xf32, #tpu.memory_space<hbm>> -> memref<10240x128xf32, #tpu.memory_space<hbm>>
      tpu.enqueue_indirect_dma source(%dma_start3A_45 : memref<10240x128xf32, #tpu.memory_space<hbm>>) target(%arg11 : memref<128x128xf32, #tpu.memory_space<vmem>>) offsets(%dma_start3A_42 : memref<128xi32, #tpu.memory_space<vmem>>) semaphore(%arg14 : memref<!tpu.dma_semaphore, #tpu.memory_space<semaphore_mem>>)
      %dma_wait3A = arith.constant 0 : i32
      %dma_wait3A_46 = tpu.memref_slice %arg9[%dma_wait3A] : memref<2048xi32, #tpu.memory_space<vmem>> -> memref<128xi32, #tpu.memory_space<vmem>>
      %dma_wait3A_47 = arith.constant 0 : i32
      %dma_wait3A_48 = arith.constant 0 : i32
      %dma_wait3A_49 = tpu.memref_slice %arg5[%dma_wait3A_47, %dma_wait3A_48] : memref<10240x128xf32, #tpu.memory_space<hbm>> -> memref<10240x128xf32, #tpu.memory_space<hbm>>
      tpu.wait_indirect_dma semaphore(%arg13 : memref<!tpu.dma_semaphore, #tpu.memory_space<semaphore_mem>>) src(%dma_wait3A_49 : memref<10240x128xf32, #tpu.memory_space<hbm>>) dst(%arg10 : memref<128x128xf32, #tpu.memory_space<vmem>>)
      %dma_wait3A_50 = tpu.memref_slice %arg3[%add3A_30] : memref<327680xi32, #tpu.memory_space<hbm>> -> memref<128xi32, #tpu.memory_space<hbm>>
      %dma_wait3A_51 = tpu.memref_slice %arg3[%add3A_30] : memref<327680xi32, #tpu.memory_space<hbm>> -> memref<128xi32, #tpu.memory_space<hbm>>
      tpu.wait_dma2 semaphore(%arg15 : memref<!tpu.dma_semaphore, #tpu.memory_space<semaphore_mem>>) src(%dma_wait3A_51 : memref<128xi32, #tpu.memory_space<hbm>>) dst(%arg7 : memref<128xi32, #tpu.memory_space<vmem>>)
      "tpu.region"() ({
        %run_scoped3A = tpu.sem_alloc : memref<!tpu.dma_semaphore, #tpu.memory_space<semaphore_mem>>
        %dma_start3A_284 = arith.constant 0 : i32
        %dma_start3A_285 = arith.constant 0 : i32
        %dma_start3A_286 = tpu.memref_slice %arg12[%dma_start3A_284, %dma_start3A_285] : memref<10240x128xf32, #tpu.memory_space<vmem_shared>> -> memref<10240x128xf32, #tpu.memory_space<vmem_shared>>
        tpu.enqueue_indirect_dma source(%arg10 : memref<128x128xf32, #tpu.memory_space<vmem>>) target(%dma_start3A_286 : memref<10240x128xf32, #tpu.memory_space<vmem_shared>>) offsets(%arg7 : memref<128xi32, #tpu.memory_space<vmem>>) semaphore(%run_scoped3A : memref<!tpu.dma_semaphore, #tpu.memory_space<semaphore_mem>>) {add = true}
        %dma_wait3A_287 = arith.constant 0 : i32
        %dma_wait3A_288 = arith.constant 0 : i32
        %dma_wait3A_289 = tpu.memref_slice %arg12[%dma_wait3A_287, %dma_wait3A_288] : memref<10240x128xf32, #tpu.memory_space<vmem_shared>> -> memref<10240x128xf32, #tpu.memory_space<vmem_shared>>
        tpu.wait_indirect_dma semaphore(%run_scoped3A : memref<!tpu.dma_semaphore, #tpu.memory_space<semaphore_mem>>) src(%arg10 : memref<128x128xf32, #tpu.memory_space<vmem>>) dst(%dma_wait3A_289 : memref<10240x128xf32, #tpu.memory_space<vmem_shared>>)
        tpu.yield
      }) : () -> ()
      %add3A_52 = arith.constant 256 : i32
      %add3A_53 = arith.addi %add3A_30, %add3A_52 : i32
      %dma_start3A_54 = tpu.memref_slice %arg3[%add3A_53] : memref<327680xi32, #tpu.memory_space<hbm>> -> memref<128xi32, #tpu.memory_space<hbm>>
      %dma_start3A_55 = tpu.memref_slice %arg3[%add3A_53] : memref<327680xi32, #tpu.memory_space<hbm>> -> memref<128xi32, #tpu.memory_space<hbm>>
      tpu.enqueue_dma source(%dma_start3A_55 : memref<128xi32, #tpu.memory_space<hbm>>) target(%arg7 : memref<128xi32, #tpu.memory_space<vmem>>) target_semaphore(%arg15 : memref<!tpu.dma_semaphore, #tpu.memory_space<semaphore_mem>>)
      %dma_start3A_56 = arith.constant 256 : i32
      %dma_start3A_57 = tpu.memref_slice %arg9[%dma_start3A_56] : memref<2048xi32, #tpu.memory_space<vmem>> -> memref<128xi32, #tpu.memory_space<vmem>>
      %dma_start3A_58 = arith.constant 0 : i32
      %dma_start3A_59 = arith.constant 0 : i32
      %dma_start3A_60 = tpu.memref_slice %arg5[%dma_start3A_58, %dma_start3A_59] : memref<10240x128xf32, #tpu.memory_space<hbm>> -> memref<10240x128xf32, #tpu.memory_space<hbm>>
      tpu.enqueue_indirect_dma source(%dma_start3A_60 : memref<10240x128xf32, #tpu.memory_space<hbm>>) target(%arg10 : memref<128x128xf32, #tpu.memory_space<vmem>>) offsets(%dma_start3A_57 : memref<128xi32, #tpu.memory_space<vmem>>) semaphore(%arg13 : memref<!tpu.dma_semaphore, #tpu.memory_space<semaphore_mem>>)
      %dma_wait3A_61 = arith.constant 128 : i32
      %dma_wait3A_62 = tpu.memref_slice %arg9[%dma_wait3A_61] : memref<2048xi32, #tpu.memory_space<vmem>> -> memref<128xi32, #tpu.memory_space<vmem>>
      %dma_wait3A_63 = arith.constant 0 : i32
      %dma_wait3A_64 = arith.constant 0 : i32
      %dma_wait3A_65 = tpu.memref_slice %arg5[%dma_wait3A_63, %dma_wait3A_64] : memref<10240x128xf32, #tpu.memory_space<hbm>> -> memref<10240x128xf32, #tpu.memory_space<hbm>>
      tpu.wait_indirect_dma semaphore(%arg14 : memref<!tpu.dma_semaphore, #tpu.memory_space<semaphore_mem>>) src(%dma_wait3A_65 : memref<10240x128xf32, #tpu.memory_space<hbm>>) dst(%arg11 : memref<128x128xf32, #tpu.memory_space<vmem>>)
      %dma_wait3A_66 = tpu.memref_slice %arg3[%add3A_38] : memref<327680xi32, #tpu.memory_space<hbm>> -> memref<128xi32, #tpu.memory_space<hbm>>
      %dma_wait3A_67 = tpu.memref_slice %arg3[%add3A_38] : memref<327680xi32, #tpu.memory_space<hbm>> -> memref<128xi32, #tpu.memory_space<hbm>>
      tpu.wait_dma2 semaphore(%arg16 : memref<!tpu.dma_semaphore, #tpu.memory_space<semaphore_mem>>) src(%dma_wait3A_67 : memref<128xi32, #tpu.memory_space<hbm>>) dst(%arg8 : memref<128xi32, #tpu.memory_space<vmem>>)
      "tpu.region"() ({
        %run_scoped3A = tpu.sem_alloc : memref<!tpu.dma_semaphore, #tpu.memory_space<semaphore_mem>>
        %dma_start3A_284 = arith.constant 0 : i32
        %dma_start3A_285 = arith.constant 0 : i32
        %dma_start3A_286 = tpu.memref_slice %arg12[%dma_start3A_284, %dma_start3A_285] : memref<10240x128xf32, #tpu.memory_space<vmem_shared>> -> memref<10240x128xf32, #tpu.memory_space<vmem_shared>>
        tpu.enqueue_indirect_dma source(%arg11 : memref<128x128xf32, #tpu.memory_space<vmem>>) target(%dma_start3A_286 : memref<10240x128xf32, #tpu.memory_space<vmem_shared>>) offsets(%arg8 : memref<128xi32, #tpu.memory_space<vmem>>) semaphore(%run_scoped3A : memref<!tpu.dma_semaphore, #tpu.memory_space<semaphore_mem>>) {add = true}
        %dma_wait3A_287 = arith.constant 0 : i32
        %dma_wait3A_288 = arith.constant 0 : i32
        %dma_wait3A_289 = tpu.memref_slice %arg12[%dma_wait3A_287, %dma_wait3A_288] : memref<10240x128xf32, #tpu.memory_space<vmem_shared>> -> memref<10240x128xf32, #tpu.memory_space<vmem_shared>>
        tpu.wait_indirect_dma semaphore(%run_scoped3A : memref<!tpu.dma_semaphore, #tpu.memory_space<semaphore_mem>>) src(%arg11 : memref<128x128xf32, #tpu.memory_space<vmem>>) dst(%dma_wait3A_289 : memref<10240x128xf32, #tpu.memory_space<vmem_shared>>)
        tpu.yield
      }) : () -> ()
      %add3A_68 = arith.constant 384 : i32
      %add3A_69 = arith.addi %add3A_30, %add3A_68 : i32
      %dma_start3A_70 = tpu.memref_slice %arg3[%add3A_69] : memref<327680xi32, #tpu.memory_space<hbm>> -> memref<128xi32, #tpu.memory_space<hbm>>
      %dma_start3A_71 = tpu.memref_slice %arg3[%add3A_69] : memref<327680xi32, #tpu.memory_space<hbm>> -> memref<128xi32, #tpu.memory_space<hbm>>
      tpu.enqueue_dma source(%dma_start3A_71 : memref<128xi32, #tpu.memory_space<hbm>>) target(%arg8 : memref<128xi32, #tpu.memory_space<vmem>>) target_semaphore(%arg16 : memref<!tpu.dma_semaphore, #tpu.memory_space<semaphore_mem>>)
      %dma_start3A_72 = arith.constant 384 : i32
      %dma_start3A_73 = tpu.memref_slice %arg9[%dma_start3A_72] : memref<2048xi32, #tpu.memory_space<vmem>> -> memref<128xi32, #tpu.memory_space<vmem>>
      %dma_start3A_74 = arith.constant 0 : i32
      %dma_start3A_75 = arith.constant 0 : i32
      %dma_start3A_76 = tpu.memref_slice %arg5[%dma_start3A_74, %dma_start3A_75] : memref<10240x128xf32, #tpu.memory_space<hbm>> -> memref<10240x128xf32, #tpu.memory_space<hbm>>
      tpu.enqueue_indirect_dma source(%dma_start3A_76 : memref<10240x128xf32, #tpu.memory_space<hbm>>) target(%arg11 : memref<128x128xf32, #tpu.memory_space<vmem>>) offsets(%dma_start3A_73 : memref<128xi32, #tpu.memory_space<vmem>>) semaphore(%arg14 : memref<!tpu.dma_semaphore, #tpu.memory_space<semaphore_mem>>)
      %dma_wait3A_77 = arith.constant 256 : i32
      %dma_wait3A_78 = tpu.memref_slice %arg9[%dma_wait3A_77] : memref<2048xi32, #tpu.memory_space<vmem>> -> memref<128xi32, #tpu.memory_space<vmem>>
      %dma_wait3A_79 = arith.constant 0 : i32
      %dma_wait3A_80 = arith.constant 0 : i32
      %dma_wait3A_81 = tpu.memref_slice %arg5[%dma_wait3A_79, %dma_wait3A_80] : memref<10240x128xf32, #tpu.memory_space<hbm>> -> memref<10240x128xf32, #tpu.memory_space<hbm>>
      tpu.wait_indirect_dma semaphore(%arg13 : memref<!tpu.dma_semaphore, #tpu.memory_space<semaphore_mem>>) src(%dma_wait3A_81 : memref<10240x128xf32, #tpu.memory_space<hbm>>) dst(%arg10 : memref<128x128xf32, #tpu.memory_space<vmem>>)
      %dma_wait3A_82 = tpu.memref_slice %arg3[%add3A_53] : memref<327680xi32, #tpu.memory_space<hbm>> -> memref<128xi32, #tpu.memory_space<hbm>>
      %dma_wait3A_83 = tpu.memref_slice %arg3[%add3A_53] : memref<327680xi32, #tpu.memory_space<hbm>> -> memref<128xi32, #tpu.memory_space<hbm>>
      tpu.wait_dma2 semaphore(%arg15 : memref<!tpu.dma_semaphore, #tpu.memory_space<semaphore_mem>>) src(%dma_wait3A_83 : memref<128xi32, #tpu.memory_space<hbm>>) dst(%arg7 : memref<128xi32, #tpu.memory_space<vmem>>)
      "tpu.region"() ({
        %run_scoped3A = tpu.sem_alloc : memref<!tpu.dma_semaphore, #tpu.memory_space<semaphore_mem>>
        %dma_start3A_284 = arith.constant 0 : i32
        %dma_start3A_285 = arith.constant 0 : i32
        %dma_start3A_286 = tpu.memref_slice %arg12[%dma_start3A_284, %dma_start3A_285] : memref<10240x128xf32, #tpu.memory_space<vmem_shared>> -> memref<10240x128xf32, #tpu.memory_space<vmem_shared>>
        tpu.enqueue_indirect_dma source(%arg10 : memref<128x128xf32, #tpu.memory_space<vmem>>) target(%dma_start3A_286 : memref<10240x128xf32, #tpu.memory_space<vmem_shared>>) offsets(%arg7 : memref<128xi32, #tpu.memory_space<vmem>>) semaphore(%run_scoped3A : memref<!tpu.dma_semaphore, #tpu.memory_space<semaphore_mem>>) {add = true}
        %dma_wait3A_287 = arith.constant 0 : i32
        %dma_wait3A_288 = arith.constant 0 : i32
        %dma_wait3A_289 = tpu.memref_slice %arg12[%dma_wait3A_287, %dma_wait3A_288] : memref<10240x128xf32, #tpu.memory_space<vmem_shared>> -> memref<10240x128xf32, #tpu.memory_space<vmem_shared>>
        tpu.wait_indirect_dma semaphore(%run_scoped3A : memref<!tpu.dma_semaphore, #tpu.memory_space<semaphore_mem>>) src(%arg10 : memref<128x128xf32, #tpu.memory_space<vmem>>) dst(%dma_wait3A_289 : memref<10240x128xf32, #tpu.memory_space<vmem_shared>>)
        tpu.yield
      }) : () -> ()
      %add3A_84 = arith.constant 512 : i32
      %add3A_85 = arith.addi %add3A_30, %add3A_84 : i32
      %dma_start3A_86 = tpu.memref_slice %arg3[%add3A_85] : memref<327680xi32, #tpu.memory_space<hbm>> -> memref<128xi32, #tpu.memory_space<hbm>>
      %dma_start3A_87 = tpu.memref_slice %arg3[%add3A_85] : memref<327680xi32, #tpu.memory_space<hbm>> -> memref<128xi32, #tpu.memory_space<hbm>>
      tpu.enqueue_dma source(%dma_start3A_87 : memref<128xi32, #tpu.memory_space<hbm>>) target(%arg7 : memref<128xi32, #tpu.memory_space<vmem>>) target_semaphore(%arg15 : memref<!tpu.dma_semaphore, #tpu.memory_space<semaphore_mem>>)
      %dma_start3A_88 = arith.constant 512 : i32
      %dma_start3A_89 = tpu.memref_slice %arg9[%dma_start3A_88] : memref<2048xi32, #tpu.memory_space<vmem>> -> memref<128xi32, #tpu.memory_space<vmem>>
      %dma_start3A_90 = arith.constant 0 : i32
      %dma_start3A_91 = arith.constant 0 : i32
      %dma_start3A_92 = tpu.memref_slice %arg5[%dma_start3A_90, %dma_start3A_91] : memref<10240x128xf32, #tpu.memory_space<hbm>> -> memref<10240x128xf32, #tpu.memory_space<hbm>>
      tpu.enqueue_indirect_dma source(%dma_start3A_92 : memref<10240x128xf32, #tpu.memory_space<hbm>>) target(%arg10 : memref<128x128xf32, #tpu.memory_space<vmem>>) offsets(%dma_start3A_89 : memref<128xi32, #tpu.memory_space<vmem>>) semaphore(%arg13 : memref<!tpu.dma_semaphore, #tpu.memory_space<semaphore_mem>>)
      %dma_wait3A_93 = arith.constant 384 : i32
      %dma_wait3A_94 = tpu.memref_slice %arg9[%dma_wait3A_93] : memref<2048xi32, #tpu.memory_space<vmem>> -> memref<128xi32, #tpu.memory_space<vmem>>
      %dma_wait3A_95 = arith.constant 0 : i32
      %dma_wait3A_96 = arith.constant 0 : i32
      %dma_wait3A_97 = tpu.memref_slice %arg5[%dma_wait3A_95, %dma_wait3A_96] : memref<10240x128xf32, #tpu.memory_space<hbm>> -> memref<10240x128xf32, #tpu.memory_space<hbm>>
      tpu.wait_indirect_dma semaphore(%arg14 : memref<!tpu.dma_semaphore, #tpu.memory_space<semaphore_mem>>) src(%dma_wait3A_97 : memref<10240x128xf32, #tpu.memory_space<hbm>>) dst(%arg11 : memref<128x128xf32, #tpu.memory_space<vmem>>)
      %dma_wait3A_98 = tpu.memref_slice %arg3[%add3A_69] : memref<327680xi32, #tpu.memory_space<hbm>> -> memref<128xi32, #tpu.memory_space<hbm>>
      %dma_wait3A_99 = tpu.memref_slice %arg3[%add3A_69] : memref<327680xi32, #tpu.memory_space<hbm>> -> memref<128xi32, #tpu.memory_space<hbm>>
      tpu.wait_dma2 semaphore(%arg16 : memref<!tpu.dma_semaphore, #tpu.memory_space<semaphore_mem>>) src(%dma_wait3A_99 : memref<128xi32, #tpu.memory_space<hbm>>) dst(%arg8 : memref<128xi32, #tpu.memory_space<vmem>>)
      "tpu.region"() ({
        %run_scoped3A = tpu.sem_alloc : memref<!tpu.dma_semaphore, #tpu.memory_space<semaphore_mem>>
        %dma_start3A_284 = arith.constant 0 : i32
        %dma_start3A_285 = arith.constant 0 : i32
        %dma_start3A_286 = tpu.memref_slice %arg12[%dma_start3A_284, %dma_start3A_285] : memref<10240x128xf32, #tpu.memory_space<vmem_shared>> -> memref<10240x128xf32, #tpu.memory_space<vmem_shared>>
        tpu.enqueue_indirect_dma source(%arg11 : memref<128x128xf32, #tpu.memory_space<vmem>>) target(%dma_start3A_286 : memref<10240x128xf32, #tpu.memory_space<vmem_shared>>) offsets(%arg8 : memref<128xi32, #tpu.memory_space<vmem>>) semaphore(%run_scoped3A : memref<!tpu.dma_semaphore, #tpu.memory_space<semaphore_mem>>) {add = true}
        %dma_wait3A_287 = arith.constant 0 : i32
        %dma_wait3A_288 = arith.constant 0 : i32
        %dma_wait3A_289 = tpu.memref_slice %arg12[%dma_wait3A_287, %dma_wait3A_288] : memref<10240x128xf32, #tpu.memory_space<vmem_shared>> -> memref<10240x128xf32, #tpu.memory_space<vmem_shared>>
        tpu.wait_indirect_dma semaphore(%run_scoped3A : memref<!tpu.dma_semaphore, #tpu.memory_space<semaphore_mem>>) src(%arg11 : memref<128x128xf32, #tpu.memory_space<vmem>>) dst(%dma_wait3A_289 : memref<10240x128xf32, #tpu.memory_space<vmem_shared>>)
        tpu.yield
      }) : () -> ()
      %add3A_100 = arith.constant 640 : i32
      %add3A_101 = arith.addi %add3A_30, %add3A_100 : i32
      %dma_start3A_102 = tpu.memref_slice %arg3[%add3A_101] : memref<327680xi32, #tpu.memory_space<hbm>> -> memref<128xi32, #tpu.memory_space<hbm>>
      %dma_start3A_103 = tpu.memref_slice %arg3[%add3A_101] : memref<327680xi32, #tpu.memory_space<hbm>> -> memref<128xi32, #tpu.memory_space<hbm>>
      tpu.enqueue_dma source(%dma_start3A_103 : memref<128xi32, #tpu.memory_space<hbm>>) target(%arg8 : memref<128xi32, #tpu.memory_space<vmem>>) target_semaphore(%arg16 : memref<!tpu.dma_semaphore, #tpu.memory_space<semaphore_mem>>)
      %dma_start3A_104 = arith.constant 640 : i32
      %dma_start3A_105 = tpu.memref_slice %arg9[%dma_start3A_104] : memref<2048xi32, #tpu.memory_space<vmem>> -> memref<128xi32, #tpu.memory_space<vmem>>
      %dma_start3A_106 = arith.constant 0 : i32
      %dma_start3A_107 = arith.constant 0 : i32
      %dma_start3A_108 = tpu.memref_slice %arg5[%dma_start3A_106, %dma_start3A_107] : memref<10240x128xf32, #tpu.memory_space<hbm>> -> memref<10240x128xf32, #tpu.memory_space<hbm>>
      tpu.enqueue_indirect_dma source(%dma_start3A_108 : memref<10240x128xf32, #tpu.memory_space<hbm>>) target(%arg11 : memref<128x128xf32, #tpu.memory_space<vmem>>) offsets(%dma_start3A_105 : memref<128xi32, #tpu.memory_space<vmem>>) semaphore(%arg14 : memref<!tpu.dma_semaphore, #tpu.memory_space<semaphore_mem>>)
      %dma_wait3A_109 = arith.constant 512 : i32
      %dma_wait3A_110 = tpu.memref_slice %arg9[%dma_wait3A_109] : memref<2048xi32, #tpu.memory_space<vmem>> -> memref<128xi32, #tpu.memory_space<vmem>>
      %dma_wait3A_111 = arith.constant 0 : i32
      %dma_wait3A_112 = arith.constant 0 : i32
      %dma_wait3A_113 = tpu.memref_slice %arg5[%dma_wait3A_111, %dma_wait3A_112] : memref<10240x128xf32, #tpu.memory_space<hbm>> -> memref<10240x128xf32, #tpu.memory_space<hbm>>
      tpu.wait_indirect_dma semaphore(%arg13 : memref<!tpu.dma_semaphore, #tpu.memory_space<semaphore_mem>>) src(%dma_wait3A_113 : memref<10240x128xf32, #tpu.memory_space<hbm>>) dst(%arg10 : memref<128x128xf32, #tpu.memory_space<vmem>>)
      %dma_wait3A_114 = tpu.memref_slice %arg3[%add3A_85] : memref<327680xi32, #tpu.memory_space<hbm>> -> memref<128xi32, #tpu.memory_space<hbm>>
      %dma_wait3A_115 = tpu.memref_slice %arg3[%add3A_85] : memref<327680xi32, #tpu.memory_space<hbm>> -> memref<128xi32, #tpu.memory_space<hbm>>
      tpu.wait_dma2 semaphore(%arg15 : memref<!tpu.dma_semaphore, #tpu.memory_space<semaphore_mem>>) src(%dma_wait3A_115 : memref<128xi32, #tpu.memory_space<hbm>>) dst(%arg7 : memref<128xi32, #tpu.memory_space<vmem>>)
      "tpu.region"() ({
        %run_scoped3A = tpu.sem_alloc : memref<!tpu.dma_semaphore, #tpu.memory_space<semaphore_mem>>
        %dma_start3A_284 = arith.constant 0 : i32
        %dma_start3A_285 = arith.constant 0 : i32
        %dma_start3A_286 = tpu.memref_slice %arg12[%dma_start3A_284, %dma_start3A_285] : memref<10240x128xf32, #tpu.memory_space<vmem_shared>> -> memref<10240x128xf32, #tpu.memory_space<vmem_shared>>
        tpu.enqueue_indirect_dma source(%arg10 : memref<128x128xf32, #tpu.memory_space<vmem>>) target(%dma_start3A_286 : memref<10240x128xf32, #tpu.memory_space<vmem_shared>>) offsets(%arg7 : memref<128xi32, #tpu.memory_space<vmem>>) semaphore(%run_scoped3A : memref<!tpu.dma_semaphore, #tpu.memory_space<semaphore_mem>>) {add = true}
        %dma_wait3A_287 = arith.constant 0 : i32
        %dma_wait3A_288 = arith.constant 0 : i32
        %dma_wait3A_289 = tpu.memref_slice %arg12[%dma_wait3A_287, %dma_wait3A_288] : memref<10240x128xf32, #tpu.memory_space<vmem_shared>> -> memref<10240x128xf32, #tpu.memory_space<vmem_shared>>
        tpu.wait_indirect_dma semaphore(%run_scoped3A : memref<!tpu.dma_semaphore, #tpu.memory_space<semaphore_mem>>) src(%arg10 : memref<128x128xf32, #tpu.memory_space<vmem>>) dst(%dma_wait3A_289 : memref<10240x128xf32, #tpu.memory_space<vmem_shared>>)
        tpu.yield
      }) : () -> ()
      %add3A_116 = arith.constant 768 : i32
      %add3A_117 = arith.addi %add3A_30, %add3A_116 : i32
      %dma_start3A_118 = tpu.memref_slice %arg3[%add3A_117] : memref<327680xi32, #tpu.memory_space<hbm>> -> memref<128xi32, #tpu.memory_space<hbm>>
      %dma_start3A_119 = tpu.memref_slice %arg3[%add3A_117] : memref<327680xi32, #tpu.memory_space<hbm>> -> memref<128xi32, #tpu.memory_space<hbm>>
      tpu.enqueue_dma source(%dma_start3A_119 : memref<128xi32, #tpu.memory_space<hbm>>) target(%arg7 : memref<128xi32, #tpu.memory_space<vmem>>) target_semaphore(%arg15 : memref<!tpu.dma_semaphore, #tpu.memory_space<semaphore_mem>>)
      %dma_start3A_120 = arith.constant 768 : i32
      %dma_start3A_121 = tpu.memref_slice %arg9[%dma_start3A_120] : memref<2048xi32, #tpu.memory_space<vmem>> -> memref<128xi32, #tpu.memory_space<vmem>>
      %dma_start3A_122 = arith.constant 0 : i32
      %dma_start3A_123 = arith.constant 0 : i32
      %dma_start3A_124 = tpu.memref_slice %arg5[%dma_start3A_122, %dma_start3A_123] : memref<10240x128xf32, #tpu.memory_space<hbm>> -> memref<10240x128xf32, #tpu.memory_space<hbm>>
      tpu.enqueue_indirect_dma source(%dma_start3A_124 : memref<10240x128xf32, #tpu.memory_space<hbm>>) target(%arg10 : memref<128x128xf32, #tpu.memory_space<vmem>>) offsets(%dma_start3A_121 : memref<128xi32, #tpu.memory_space<vmem>>) semaphore(%arg13 : memref<!tpu.dma_semaphore, #tpu.memory_space<semaphore_mem>>)
      %dma_wait3A_125 = arith.constant 640 : i32
      %dma_wait3A_126 = tpu.memref_slice %arg9[%dma_wait3A_125] : memref<2048xi32, #tpu.memory_space<vmem>> -> memref<128xi32, #tpu.memory_space<vmem>>
      %dma_wait3A_127 = arith.constant 0 : i32
      %dma_wait3A_128 = arith.constant 0 : i32
      %dma_wait3A_129 = tpu.memref_slice %arg5[%dma_wait3A_127, %dma_wait3A_128] : memref<10240x128xf32, #tpu.memory_space<hbm>> -> memref<10240x128xf32, #tpu.memory_space<hbm>>
      tpu.wait_indirect_dma semaphore(%arg14 : memref<!tpu.dma_semaphore, #tpu.memory_space<semaphore_mem>>) src(%dma_wait3A_129 : memref<10240x128xf32, #tpu.memory_space<hbm>>) dst(%arg11 : memref<128x128xf32, #tpu.memory_space<vmem>>)
      %dma_wait3A_130 = tpu.memref_slice %arg3[%add3A_101] : memref<327680xi32, #tpu.memory_space<hbm>> -> memref<128xi32, #tpu.memory_space<hbm>>
      %dma_wait3A_131 = tpu.memref_slice %arg3[%add3A_101] : memref<327680xi32, #tpu.memory_space<hbm>> -> memref<128xi32, #tpu.memory_space<hbm>>
      tpu.wait_dma2 semaphore(%arg16 : memref<!tpu.dma_semaphore, #tpu.memory_space<semaphore_mem>>) src(%dma_wait3A_131 : memref<128xi32, #tpu.memory_space<hbm>>) dst(%arg8 : memref<128xi32, #tpu.memory_space<vmem>>)
      "tpu.region"() ({
        %run_scoped3A = tpu.sem_alloc : memref<!tpu.dma_semaphore, #tpu.memory_space<semaphore_mem>>
        %dma_start3A_284 = arith.constant 0 : i32
        %dma_start3A_285 = arith.constant 0 : i32
        %dma_start3A_286 = tpu.memref_slice %arg12[%dma_start3A_284, %dma_start3A_285] : memref<10240x128xf32, #tpu.memory_space<vmem_shared>> -> memref<10240x128xf32, #tpu.memory_space<vmem_shared>>
        tpu.enqueue_indirect_dma source(%arg11 : memref<128x128xf32, #tpu.memory_space<vmem>>) target(%dma_start3A_286 : memref<10240x128xf32, #tpu.memory_space<vmem_shared>>) offsets(%arg8 : memref<128xi32, #tpu.memory_space<vmem>>) semaphore(%run_scoped3A : memref<!tpu.dma_semaphore, #tpu.memory_space<semaphore_mem>>) {add = true}
        %dma_wait3A_287 = arith.constant 0 : i32
        %dma_wait3A_288 = arith.constant 0 : i32
        %dma_wait3A_289 = tpu.memref_slice %arg12[%dma_wait3A_287, %dma_wait3A_288] : memref<10240x128xf32, #tpu.memory_space<vmem_shared>> -> memref<10240x128xf32, #tpu.memory_space<vmem_shared>>
        tpu.wait_indirect_dma semaphore(%run_scoped3A : memref<!tpu.dma_semaphore, #tpu.memory_space<semaphore_mem>>) src(%arg11 : memref<128x128xf32, #tpu.memory_space<vmem>>) dst(%dma_wait3A_289 : memref<10240x128xf32, #tpu.memory_space<vmem_shared>>)
        tpu.yield
      }) : () -> ()
      %add3A_132 = arith.constant 896 : i32
      %add3A_133 = arith.addi %add3A_30, %add3A_132 : i32
      %dma_start3A_134 = tpu.memref_slice %arg3[%add3A_133] : memref<327680xi32, #tpu.memory_space<hbm>> -> memref<128xi32, #tpu.memory_space<hbm>>
      %dma_start3A_135 = tpu.memref_slice %arg3[%add3A_133] : memref<327680xi32, #tpu.memory_space<hbm>> -> memref<128xi32, #tpu.memory_space<hbm>>
      tpu.enqueue_dma source(%dma_start3A_135 : memref<128xi32, #tpu.memory_space<hbm>>) target(%arg8 : memref<128xi32, #tpu.memory_space<vmem>>) target_semaphore(%arg16 : memref<!tpu.dma_semaphore, #tpu.memory_space<semaphore_mem>>)
      %dma_start3A_136 = arith.constant 896 : i32
      %dma_start3A_137 = tpu.memref_slice %arg9[%dma_start3A_136] : memref<2048xi32, #tpu.memory_space<vmem>> -> memref<128xi32, #tpu.memory_space<vmem>>
      %dma_start3A_138 = arith.constant 0 : i32
      %dma_start3A_139 = arith.constant 0 : i32
      %dma_start3A_140 = tpu.memref_slice %arg5[%dma_start3A_138, %dma_start3A_139] : memref<10240x128xf32, #tpu.memory_space<hbm>> -> memref<10240x128xf32, #tpu.memory_space<hbm>>
      tpu.enqueue_indirect_dma source(%dma_start3A_140 : memref<10240x128xf32, #tpu.memory_space<hbm>>) target(%arg11 : memref<128x128xf32, #tpu.memory_space<vmem>>) offsets(%dma_start3A_137 : memref<128xi32, #tpu.memory_space<vmem>>) semaphore(%arg14 : memref<!tpu.dma_semaphore, #tpu.memory_space<semaphore_mem>>)
      %dma_wait3A_141 = arith.constant 768 : i32
      %dma_wait3A_142 = tpu.memref_slice %arg9[%dma_wait3A_141] : memref<2048xi32, #tpu.memory_space<vmem>> -> memref<128xi32, #tpu.memory_space<vmem>>
      %dma_wait3A_143 = arith.constant 0 : i32
      %dma_wait3A_144 = arith.constant 0 : i32
      %dma_wait3A_145 = tpu.memref_slice %arg5[%dma_wait3A_143, %dma_wait3A_144] : memref<10240x128xf32, #tpu.memory_space<hbm>> -> memref<10240x128xf32, #tpu.memory_space<hbm>>
      tpu.wait_indirect_dma semaphore(%arg13 : memref<!tpu.dma_semaphore, #tpu.memory_space<semaphore_mem>>) src(%dma_wait3A_145 : memref<10240x128xf32, #tpu.memory_space<hbm>>) dst(%arg10 : memref<128x128xf32, #tpu.memory_space<vmem>>)
      %dma_wait3A_146 = tpu.memref_slice %arg3[%add3A_117] : memref<327680xi32, #tpu.memory_space<hbm>> -> memref<128xi32, #tpu.memory_space<hbm>>
      %dma_wait3A_147 = tpu.memref_slice %arg3[%add3A_117] : memref<327680xi32, #tpu.memory_space<hbm>> -> memref<128xi32, #tpu.memory_space<hbm>>
      tpu.wait_dma2 semaphore(%arg15 : memref<!tpu.dma_semaphore, #tpu.memory_space<semaphore_mem>>) src(%dma_wait3A_147 : memref<128xi32, #tpu.memory_space<hbm>>) dst(%arg7 : memref<128xi32, #tpu.memory_space<vmem>>)
      "tpu.region"() ({
        %run_scoped3A = tpu.sem_alloc : memref<!tpu.dma_semaphore, #tpu.memory_space<semaphore_mem>>
        %dma_start3A_284 = arith.constant 0 : i32
        %dma_start3A_285 = arith.constant 0 : i32
        %dma_start3A_286 = tpu.memref_slice %arg12[%dma_start3A_284, %dma_start3A_285] : memref<10240x128xf32, #tpu.memory_space<vmem_shared>> -> memref<10240x128xf32, #tpu.memory_space<vmem_shared>>
        tpu.enqueue_indirect_dma source(%arg10 : memref<128x128xf32, #tpu.memory_space<vmem>>) target(%dma_start3A_286 : memref<10240x128xf32, #tpu.memory_space<vmem_shared>>) offsets(%arg7 : memref<128xi32, #tpu.memory_space<vmem>>) semaphore(%run_scoped3A : memref<!tpu.dma_semaphore, #tpu.memory_space<semaphore_mem>>) {add = true}
        %dma_wait3A_287 = arith.constant 0 : i32
        %dma_wait3A_288 = arith.constant 0 : i32
        %dma_wait3A_289 = tpu.memref_slice %arg12[%dma_wait3A_287, %dma_wait3A_288] : memref<10240x128xf32, #tpu.memory_space<vmem_shared>> -> memref<10240x128xf32, #tpu.memory_space<vmem_shared>>
        tpu.wait_indirect_dma semaphore(%run_scoped3A : memref<!tpu.dma_semaphore, #tpu.memory_space<semaphore_mem>>) src(%arg10 : memref<128x128xf32, #tpu.memory_space<vmem>>) dst(%dma_wait3A_289 : memref<10240x128xf32, #tpu.memory_space<vmem_shared>>)
        tpu.yield
      }) : () -> ()
      %add3A_148 = arith.constant 1024 : i32
      %add3A_149 = arith.addi %add3A_30, %add3A_148 : i32
      %dma_start3A_150 = tpu.memref_slice %arg3[%add3A_149] : memref<327680xi32, #tpu.memory_space<hbm>> -> memref<128xi32, #tpu.memory_space<hbm>>
      %dma_start3A_151 = tpu.memref_slice %arg3[%add3A_149] : memref<327680xi32, #tpu.memory_space<hbm>> -> memref<128xi32, #tpu.memory_space<hbm>>
      tpu.enqueue_dma source(%dma_start3A_151 : memref<128xi32, #tpu.memory_space<hbm>>) target(%arg7 : memref<128xi32, #tpu.memory_space<vmem>>) target_semaphore(%arg15 : memref<!tpu.dma_semaphore, #tpu.memory_space<semaphore_mem>>)
      %dma_start3A_152 = arith.constant 1024 : i32
      %dma_start3A_153 = tpu.memref_slice %arg9[%dma_start3A_152] : memref<2048xi32, #tpu.memory_space<vmem>> -> memref<128xi32, #tpu.memory_space<vmem>>
      %dma_start3A_154 = arith.constant 0 : i32
      %dma_start3A_155 = arith.constant 0 : i32
      %dma_start3A_156 = tpu.memref_slice %arg5[%dma_start3A_154, %dma_start3A_155] : memref<10240x128xf32, #tpu.memory_space<hbm>> -> memref<10240x128xf32, #tpu.memory_space<hbm>>
      tpu.enqueue_indirect_dma source(%dma_start3A_156 : memref<10240x128xf32, #tpu.memory_space<hbm>>) target(%arg10 : memref<128x128xf32, #tpu.memory_space<vmem>>) offsets(%dma_start3A_153 : memref<128xi32, #tpu.memory_space<vmem>>) semaphore(%arg13 : memref<!tpu.dma_semaphore, #tpu.memory_space<semaphore_mem>>)
      %dma_wait3A_157 = arith.constant 896 : i32
      %dma_wait3A_158 = tpu.memref_slice %arg9[%dma_wait3A_157] : memref<2048xi32, #tpu.memory_space<vmem>> -> memref<128xi32, #tpu.memory_space<vmem>>
      %dma_wait3A_159 = arith.constant 0 : i32
      %dma_wait3A_160 = arith.constant 0 : i32
      %dma_wait3A_161 = tpu.memref_slice %arg5[%dma_wait3A_159, %dma_wait3A_160] : memref<10240x128xf32, #tpu.memory_space<hbm>> -> memref<10240x128xf32, #tpu.memory_space<hbm>>
      tpu.wait_indirect_dma semaphore(%arg14 : memref<!tpu.dma_semaphore, #tpu.memory_space<semaphore_mem>>) src(%dma_wait3A_161 : memref<10240x128xf32, #tpu.memory_space<hbm>>) dst(%arg11 : memref<128x128xf32, #tpu.memory_space<vmem>>)
      %dma_wait3A_162 = tpu.memref_slice %arg3[%add3A_133] : memref<327680xi32, #tpu.memory_space<hbm>> -> memref<128xi32, #tpu.memory_space<hbm>>
      %dma_wait3A_163 = tpu.memref_slice %arg3[%add3A_133] : memref<327680xi32, #tpu.memory_space<hbm>> -> memref<128xi32, #tpu.memory_space<hbm>>
      tpu.wait_dma2 semaphore(%arg16 : memref<!tpu.dma_semaphore, #tpu.memory_space<semaphore_mem>>) src(%dma_wait3A_163 : memref<128xi32, #tpu.memory_space<hbm>>) dst(%arg8 : memref<128xi32, #tpu.memory_space<vmem>>)
      "tpu.region"() ({
        %run_scoped3A = tpu.sem_alloc : memref<!tpu.dma_semaphore, #tpu.memory_space<semaphore_mem>>
        %dma_start3A_284 = arith.constant 0 : i32
        %dma_start3A_285 = arith.constant 0 : i32
        %dma_start3A_286 = tpu.memref_slice %arg12[%dma_start3A_284, %dma_start3A_285] : memref<10240x128xf32, #tpu.memory_space<vmem_shared>> -> memref<10240x128xf32, #tpu.memory_space<vmem_shared>>
        tpu.enqueue_indirect_dma source(%arg11 : memref<128x128xf32, #tpu.memory_space<vmem>>) target(%dma_start3A_286 : memref<10240x128xf32, #tpu.memory_space<vmem_shared>>) offsets(%arg8 : memref<128xi32, #tpu.memory_space<vmem>>) semaphore(%run_scoped3A : memref<!tpu.dma_semaphore, #tpu.memory_space<semaphore_mem>>) {add = true}
        %dma_wait3A_287 = arith.constant 0 : i32
        %dma_wait3A_288 = arith.constant 0 : i32
        %dma_wait3A_289 = tpu.memref_slice %arg12[%dma_wait3A_287, %dma_wait3A_288] : memref<10240x128xf32, #tpu.memory_space<vmem_shared>> -> memref<10240x128xf32, #tpu.memory_space<vmem_shared>>
        tpu.wait_indirect_dma semaphore(%run_scoped3A : memref<!tpu.dma_semaphore, #tpu.memory_space<semaphore_mem>>) src(%arg11 : memref<128x128xf32, #tpu.memory_space<vmem>>) dst(%dma_wait3A_289 : memref<10240x128xf32, #tpu.memory_space<vmem_shared>>)
        tpu.yield
      }) : () -> ()
      %add3A_164 = arith.constant 1152 : i32
      %add3A_165 = arith.addi %add3A_30, %add3A_164 : i32
      %dma_start3A_166 = tpu.memref_slice %arg3[%add3A_165] : memref<327680xi32, #tpu.memory_space<hbm>> -> memref<128xi32, #tpu.memory_space<hbm>>
      %dma_start3A_167 = tpu.memref_slice %arg3[%add3A_165] : memref<327680xi32, #tpu.memory_space<hbm>> -> memref<128xi32, #tpu.memory_space<hbm>>
      tpu.enqueue_dma source(%dma_start3A_167 : memref<128xi32, #tpu.memory_space<hbm>>) target(%arg8 : memref<128xi32, #tpu.memory_space<vmem>>) target_semaphore(%arg16 : memref<!tpu.dma_semaphore, #tpu.memory_space<semaphore_mem>>)
      %dma_start3A_168 = arith.constant 1152 : i32
      %dma_start3A_169 = tpu.memref_slice %arg9[%dma_start3A_168] : memref<2048xi32, #tpu.memory_space<vmem>> -> memref<128xi32, #tpu.memory_space<vmem>>
      %dma_start3A_170 = arith.constant 0 : i32
      %dma_start3A_171 = arith.constant 0 : i32
      %dma_start3A_172 = tpu.memref_slice %arg5[%dma_start3A_170, %dma_start3A_171] : memref<10240x128xf32, #tpu.memory_space<hbm>> -> memref<10240x128xf32, #tpu.memory_space<hbm>>
      tpu.enqueue_indirect_dma source(%dma_start3A_172 : memref<10240x128xf32, #tpu.memory_space<hbm>>) target(%arg11 : memref<128x128xf32, #tpu.memory_space<vmem>>) offsets(%dma_start3A_169 : memref<128xi32, #tpu.memory_space<vmem>>) semaphore(%arg14 : memref<!tpu.dma_semaphore, #tpu.memory_space<semaphore_mem>>)
      %dma_wait3A_173 = arith.constant 1024 : i32
      %dma_wait3A_174 = tpu.memref_slice %arg9[%dma_wait3A_173] : memref<2048xi32, #tpu.memory_space<vmem>> -> memref<128xi32, #tpu.memory_space<vmem>>
      %dma_wait3A_175 = arith.constant 0 : i32
      %dma_wait3A_176 = arith.constant 0 : i32
      %dma_wait3A_177 = tpu.memref_slice %arg5[%dma_wait3A_175, %dma_wait3A_176] : memref<10240x128xf32, #tpu.memory_space<hbm>> -> memref<10240x128xf32, #tpu.memory_space<hbm>>
      tpu.wait_indirect_dma semaphore(%arg13 : memref<!tpu.dma_semaphore, #tpu.memory_space<semaphore_mem>>) src(%dma_wait3A_177 : memref<10240x128xf32, #tpu.memory_space<hbm>>) dst(%arg10 : memref<128x128xf32, #tpu.memory_space<vmem>>)
      %dma_wait3A_178 = tpu.memref_slice %arg3[%add3A_149] : memref<327680xi32, #tpu.memory_space<hbm>> -> memref<128xi32, #tpu.memory_space<hbm>>
      %dma_wait3A_179 = tpu.memref_slice %arg3[%add3A_149] : memref<327680xi32, #tpu.memory_space<hbm>> -> memref<128xi32, #tpu.memory_space<hbm>>
      tpu.wait_dma2 semaphore(%arg15 : memref<!tpu.dma_semaphore, #tpu.memory_space<semaphore_mem>>) src(%dma_wait3A_179 : memref<128xi32, #tpu.memory_space<hbm>>) dst(%arg7 : memref<128xi32, #tpu.memory_space<vmem>>)
      "tpu.region"() ({
        %run_scoped3A = tpu.sem_alloc : memref<!tpu.dma_semaphore, #tpu.memory_space<semaphore_mem>>
        %dma_start3A_284 = arith.constant 0 : i32
        %dma_start3A_285 = arith.constant 0 : i32
        %dma_start3A_286 = tpu.memref_slice %arg12[%dma_start3A_284, %dma_start3A_285] : memref<10240x128xf32, #tpu.memory_space<vmem_shared>> -> memref<10240x128xf32, #tpu.memory_space<vmem_shared>>
        tpu.enqueue_indirect_dma source(%arg10 : memref<128x128xf32, #tpu.memory_space<vmem>>) target(%dma_start3A_286 : memref<10240x128xf32, #tpu.memory_space<vmem_shared>>) offsets(%arg7 : memref<128xi32, #tpu.memory_space<vmem>>) semaphore(%run_scoped3A : memref<!tpu.dma_semaphore, #tpu.memory_space<semaphore_mem>>) {add = true}
        %dma_wait3A_287 = arith.constant 0 : i32
        %dma_wait3A_288 = arith.constant 0 : i32
        %dma_wait3A_289 = tpu.memref_slice %arg12[%dma_wait3A_287, %dma_wait3A_288] : memref<10240x128xf32, #tpu.memory_space<vmem_shared>> -> memref<10240x128xf32, #tpu.memory_space<vmem_shared>>
        tpu.wait_indirect_dma semaphore(%run_scoped3A : memref<!tpu.dma_semaphore, #tpu.memory_space<semaphore_mem>>) src(%arg10 : memref<128x128xf32, #tpu.memory_space<vmem>>) dst(%dma_wait3A_289 : memref<10240x128xf32, #tpu.memory_space<vmem_shared>>)
        tpu.yield
      }) : () -> ()
      %add3A_180 = arith.constant 1280 : i32
      %add3A_181 = arith.addi %add3A_30, %add3A_180 : i32
      %dma_start3A_182 = tpu.memref_slice %arg3[%add3A_181] : memref<327680xi32, #tpu.memory_space<hbm>> -> memref<128xi32, #tpu.memory_space<hbm>>
      %dma_start3A_183 = tpu.memref_slice %arg3[%add3A_181] : memref<327680xi32, #tpu.memory_space<hbm>> -> memref<128xi32, #tpu.memory_space<hbm>>
      tpu.enqueue_dma source(%dma_start3A_183 : memref<128xi32, #tpu.memory_space<hbm>>) target(%arg7 : memref<128xi32, #tpu.memory_space<vmem>>) target_semaphore(%arg15 : memref<!tpu.dma_semaphore, #tpu.memory_space<semaphore_mem>>)
      %dma_start3A_184 = arith.constant 1280 : i32
      %dma_start3A_185 = tpu.memref_slice %arg9[%dma_start3A_184] : memref<2048xi32, #tpu.memory_space<vmem>> -> memref<128xi32, #tpu.memory_space<vmem>>
      %dma_start3A_186 = arith.constant 0 : i32
      %dma_start3A_187 = arith.constant 0 : i32
      %dma_start3A_188 = tpu.memref_slice %arg5[%dma_start3A_186, %dma_start3A_187] : memref<10240x128xf32, #tpu.memory_space<hbm>> -> memref<10240x128xf32, #tpu.memory_space<hbm>>
      tpu.enqueue_indirect_dma source(%dma_start3A_188 : memref<10240x128xf32, #tpu.memory_space<hbm>>) target(%arg10 : memref<128x128xf32, #tpu.memory_space<vmem>>) offsets(%dma_start3A_185 : memref<128xi32, #tpu.memory_space<vmem>>) semaphore(%arg13 : memref<!tpu.dma_semaphore, #tpu.memory_space<semaphore_mem>>)
      %dma_wait3A_189 = arith.constant 1152 : i32
      %dma_wait3A_190 = tpu.memref_slice %arg9[%dma_wait3A_189] : memref<2048xi32, #tpu.memory_space<vmem>> -> memref<128xi32, #tpu.memory_space<vmem>>
      %dma_wait3A_191 = arith.constant 0 : i32
      %dma_wait3A_192 = arith.constant 0 : i32
      %dma_wait3A_193 = tpu.memref_slice %arg5[%dma_wait3A_191, %dma_wait3A_192] : memref<10240x128xf32, #tpu.memory_space<hbm>> -> memref<10240x128xf32, #tpu.memory_space<hbm>>
      tpu.wait_indirect_dma semaphore(%arg14 : memref<!tpu.dma_semaphore, #tpu.memory_space<semaphore_mem>>) src(%dma_wait3A_193 : memref<10240x128xf32, #tpu.memory_space<hbm>>) dst(%arg11 : memref<128x128xf32, #tpu.memory_space<vmem>>)
      %dma_wait3A_194 = tpu.memref_slice %arg3[%add3A_165] : memref<327680xi32, #tpu.memory_space<hbm>> -> memref<128xi32, #tpu.memory_space<hbm>>
      %dma_wait3A_195 = tpu.memref_slice %arg3[%add3A_165] : memref<327680xi32, #tpu.memory_space<hbm>> -> memref<128xi32, #tpu.memory_space<hbm>>
      tpu.wait_dma2 semaphore(%arg16 : memref<!tpu.dma_semaphore, #tpu.memory_space<semaphore_mem>>) src(%dma_wait3A_195 : memref<128xi32, #tpu.memory_space<hbm>>) dst(%arg8 : memref<128xi32, #tpu.memory_space<vmem>>)
      "tpu.region"() ({
        %run_scoped3A = tpu.sem_alloc : memref<!tpu.dma_semaphore, #tpu.memory_space<semaphore_mem>>
        %dma_start3A_284 = arith.constant 0 : i32
        %dma_start3A_285 = arith.constant 0 : i32
        %dma_start3A_286 = tpu.memref_slice %arg12[%dma_start3A_284, %dma_start3A_285] : memref<10240x128xf32, #tpu.memory_space<vmem_shared>> -> memref<10240x128xf32, #tpu.memory_space<vmem_shared>>
        tpu.enqueue_indirect_dma source(%arg11 : memref<128x128xf32, #tpu.memory_space<vmem>>) target(%dma_start3A_286 : memref<10240x128xf32, #tpu.memory_space<vmem_shared>>) offsets(%arg8 : memref<128xi32, #tpu.memory_space<vmem>>) semaphore(%run_scoped3A : memref<!tpu.dma_semaphore, #tpu.memory_space<semaphore_mem>>) {add = true}
        %dma_wait3A_287 = arith.constant 0 : i32
        %dma_wait3A_288 = arith.constant 0 : i32
        %dma_wait3A_289 = tpu.memref_slice %arg12[%dma_wait3A_287, %dma_wait3A_288] : memref<10240x128xf32, #tpu.memory_space<vmem_shared>> -> memref<10240x128xf32, #tpu.memory_space<vmem_shared>>
        tpu.wait_indirect_dma semaphore(%run_scoped3A : memref<!tpu.dma_semaphore, #tpu.memory_space<semaphore_mem>>) src(%arg11 : memref<128x128xf32, #tpu.memory_space<vmem>>) dst(%dma_wait3A_289 : memref<10240x128xf32, #tpu.memory_space<vmem_shared>>)
        tpu.yield
      }) : () -> ()
      %add3A_196 = arith.constant 1408 : i32
      %add3A_197 = arith.addi %add3A_30, %add3A_196 : i32
      %dma_start3A_198 = tpu.memref_slice %arg3[%add3A_197] : memref<327680xi32, #tpu.memory_space<hbm>> -> memref<128xi32, #tpu.memory_space<hbm>>
      %dma_start3A_199 = tpu.memref_slice %arg3[%add3A_197] : memref<327680xi32, #tpu.memory_space<hbm>> -> memref<128xi32, #tpu.memory_space<hbm>>
      tpu.enqueue_dma source(%dma_start3A_199 : memref<128xi32, #tpu.memory_space<hbm>>) target(%arg8 : memref<128xi32, #tpu.memory_space<vmem>>) target_semaphore(%arg16 : memref<!tpu.dma_semaphore, #tpu.memory_space<semaphore_mem>>)
      %dma_start3A_200 = arith.constant 1408 : i32
      %dma_start3A_201 = tpu.memref_slice %arg9[%dma_start3A_200] : memref<2048xi32, #tpu.memory_space<vmem>> -> memref<128xi32, #tpu.memory_space<vmem>>
      %dma_start3A_202 = arith.constant 0 : i32
      %dma_start3A_203 = arith.constant 0 : i32
      %dma_start3A_204 = tpu.memref_slice %arg5[%dma_start3A_202, %dma_start3A_203] : memref<10240x128xf32, #tpu.memory_space<hbm>> -> memref<10240x128xf32, #tpu.memory_space<hbm>>
      tpu.enqueue_indirect_dma source(%dma_start3A_204 : memref<10240x128xf32, #tpu.memory_space<hbm>>) target(%arg11 : memref<128x128xf32, #tpu.memory_space<vmem>>) offsets(%dma_start3A_201 : memref<128xi32, #tpu.memory_space<vmem>>) semaphore(%arg14 : memref<!tpu.dma_semaphore, #tpu.memory_space<semaphore_mem>>)
      %dma_wait3A_205 = arith.constant 1280 : i32
      %dma_wait3A_206 = tpu.memref_slice %arg9[%dma_wait3A_205] : memref<2048xi32, #tpu.memory_space<vmem>> -> memref<128xi32, #tpu.memory_space<vmem>>
      %dma_wait3A_207 = arith.constant 0 : i32
      %dma_wait3A_208 = arith.constant 0 : i32
      %dma_wait3A_209 = tpu.memref_slice %arg5[%dma_wait3A_207, %dma_wait3A_208] : memref<10240x128xf32, #tpu.memory_space<hbm>> -> memref<10240x128xf32, #tpu.memory_space<hbm>>
      tpu.wait_indirect_dma semaphore(%arg13 : memref<!tpu.dma_semaphore, #tpu.memory_space<semaphore_mem>>) src(%dma_wait3A_209 : memref<10240x128xf32, #tpu.memory_space<hbm>>) dst(%arg10 : memref<128x128xf32, #tpu.memory_space<vmem>>)
      %dma_wait3A_210 = tpu.memref_slice %arg3[%add3A_181] : memref<327680xi32, #tpu.memory_space<hbm>> -> memref<128xi32, #tpu.memory_space<hbm>>
      %dma_wait3A_211 = tpu.memref_slice %arg3[%add3A_181] : memref<327680xi32, #tpu.memory_space<hbm>> -> memref<128xi32, #tpu.memory_space<hbm>>
      tpu.wait_dma2 semaphore(%arg15 : memref<!tpu.dma_semaphore, #tpu.memory_space<semaphore_mem>>) src(%dma_wait3A_211 : memref<128xi32, #tpu.memory_space<hbm>>) dst(%arg7 : memref<128xi32, #tpu.memory_space<vmem>>)
      "tpu.region"() ({
        %run_scoped3A = tpu.sem_alloc : memref<!tpu.dma_semaphore, #tpu.memory_space<semaphore_mem>>
        %dma_start3A_284 = arith.constant 0 : i32
        %dma_start3A_285 = arith.constant 0 : i32
        %dma_start3A_286 = tpu.memref_slice %arg12[%dma_start3A_284, %dma_start3A_285] : memref<10240x128xf32, #tpu.memory_space<vmem_shared>> -> memref<10240x128xf32, #tpu.memory_space<vmem_shared>>
        tpu.enqueue_indirect_dma source(%arg10 : memref<128x128xf32, #tpu.memory_space<vmem>>) target(%dma_start3A_286 : memref<10240x128xf32, #tpu.memory_space<vmem_shared>>) offsets(%arg7 : memref<128xi32, #tpu.memory_space<vmem>>) semaphore(%run_scoped3A : memref<!tpu.dma_semaphore, #tpu.memory_space<semaphore_mem>>) {add = true}
        %dma_wait3A_287 = arith.constant 0 : i32
        %dma_wait3A_288 = arith.constant 0 : i32
        %dma_wait3A_289 = tpu.memref_slice %arg12[%dma_wait3A_287, %dma_wait3A_288] : memref<10240x128xf32, #tpu.memory_space<vmem_shared>> -> memref<10240x128xf32, #tpu.memory_space<vmem_shared>>
        tpu.wait_indirect_dma semaphore(%run_scoped3A : memref<!tpu.dma_semaphore, #tpu.memory_space<semaphore_mem>>) src(%arg10 : memref<128x128xf32, #tpu.memory_space<vmem>>) dst(%dma_wait3A_289 : memref<10240x128xf32, #tpu.memory_space<vmem_shared>>)
        tpu.yield
      }) : () -> ()
      %add3A_212 = arith.constant 1536 : i32
      %add3A_213 = arith.addi %add3A_30, %add3A_212 : i32
      %dma_start3A_214 = tpu.memref_slice %arg3[%add3A_213] : memref<327680xi32, #tpu.memory_space<hbm>> -> memref<128xi32, #tpu.memory_space<hbm>>
      %dma_start3A_215 = tpu.memref_slice %arg3[%add3A_213] : memref<327680xi32, #tpu.memory_space<hbm>> -> memref<128xi32, #tpu.memory_space<hbm>>
      tpu.enqueue_dma source(%dma_start3A_215 : memref<128xi32, #tpu.memory_space<hbm>>) target(%arg7 : memref<128xi32, #tpu.memory_space<vmem>>) target_semaphore(%arg15 : memref<!tpu.dma_semaphore, #tpu.memory_space<semaphore_mem>>)
      %dma_start3A_216 = arith.constant 1536 : i32
      %dma_start3A_217 = tpu.memref_slice %arg9[%dma_start3A_216] : memref<2048xi32, #tpu.memory_space<vmem>> -> memref<128xi32, #tpu.memory_space<vmem>>
      %dma_start3A_218 = arith.constant 0 : i32
      %dma_start3A_219 = arith.constant 0 : i32
      %dma_start3A_220 = tpu.memref_slice %arg5[%dma_start3A_218, %dma_start3A_219] : memref<10240x128xf32, #tpu.memory_space<hbm>> -> memref<10240x128xf32, #tpu.memory_space<hbm>>
      tpu.enqueue_indirect_dma source(%dma_start3A_220 : memref<10240x128xf32, #tpu.memory_space<hbm>>) target(%arg10 : memref<128x128xf32, #tpu.memory_space<vmem>>) offsets(%dma_start3A_217 : memref<128xi32, #tpu.memory_space<vmem>>) semaphore(%arg13 : memref<!tpu.dma_semaphore, #tpu.memory_space<semaphore_mem>>)
      %dma_wait3A_221 = arith.constant 1408 : i32
      %dma_wait3A_222 = tpu.memref_slice %arg9[%dma_wait3A_221] : memref<2048xi32, #tpu.memory_space<vmem>> -> memref<128xi32, #tpu.memory_space<vmem>>
      %dma_wait3A_223 = arith.constant 0 : i32
      %dma_wait3A_224 = arith.constant 0 : i32
      %dma_wait3A_225 = tpu.memref_slice %arg5[%dma_wait3A_223, %dma_wait3A_224] : memref<10240x128xf32, #tpu.memory_space<hbm>> -> memref<10240x128xf32, #tpu.memory_space<hbm>>
      tpu.wait_indirect_dma semaphore(%arg14 : memref<!tpu.dma_semaphore, #tpu.memory_space<semaphore_mem>>) src(%dma_wait3A_225 : memref<10240x128xf32, #tpu.memory_space<hbm>>) dst(%arg11 : memref<128x128xf32, #tpu.memory_space<vmem>>)
      %dma_wait3A_226 = tpu.memref_slice %arg3[%add3A_197] : memref<327680xi32, #tpu.memory_space<hbm>> -> memref<128xi32, #tpu.memory_space<hbm>>
      %dma_wait3A_227 = tpu.memref_slice %arg3[%add3A_197] : memref<327680xi32, #tpu.memory_space<hbm>> -> memref<128xi32, #tpu.memory_space<hbm>>
      tpu.wait_dma2 semaphore(%arg16 : memref<!tpu.dma_semaphore, #tpu.memory_space<semaphore_mem>>) src(%dma_wait3A_227 : memref<128xi32, #tpu.memory_space<hbm>>) dst(%arg8 : memref<128xi32, #tpu.memory_space<vmem>>)
      "tpu.region"() ({
        %run_scoped3A = tpu.sem_alloc : memref<!tpu.dma_semaphore, #tpu.memory_space<semaphore_mem>>
        %dma_start3A_284 = arith.constant 0 : i32
        %dma_start3A_285 = arith.constant 0 : i32
        %dma_start3A_286 = tpu.memref_slice %arg12[%dma_start3A_284, %dma_start3A_285] : memref<10240x128xf32, #tpu.memory_space<vmem_shared>> -> memref<10240x128xf32, #tpu.memory_space<vmem_shared>>
        tpu.enqueue_indirect_dma source(%arg11 : memref<128x128xf32, #tpu.memory_space<vmem>>) target(%dma_start3A_286 : memref<10240x128xf32, #tpu.memory_space<vmem_shared>>) offsets(%arg8 : memref<128xi32, #tpu.memory_space<vmem>>) semaphore(%run_scoped3A : memref<!tpu.dma_semaphore, #tpu.memory_space<semaphore_mem>>) {add = true}
        %dma_wait3A_287 = arith.constant 0 : i32
        %dma_wait3A_288 = arith.constant 0 : i32
        %dma_wait3A_289 = tpu.memref_slice %arg12[%dma_wait3A_287, %dma_wait3A_288] : memref<10240x128xf32, #tpu.memory_space<vmem_shared>> -> memref<10240x128xf32, #tpu.memory_space<vmem_shared>>
        tpu.wait_indirect_dma semaphore(%run_scoped3A : memref<!tpu.dma_semaphore, #tpu.memory_space<semaphore_mem>>) src(%arg11 : memref<128x128xf32, #tpu.memory_space<vmem>>) dst(%dma_wait3A_289 : memref<10240x128xf32, #tpu.memory_space<vmem_shared>>)
        tpu.yield
      }) : () -> ()
      %add3A_228 = arith.constant 1664 : i32
      %add3A_229 = arith.addi %add3A_30, %add3A_228 : i32
      %dma_start3A_230 = tpu.memref_slice %arg3[%add3A_229] : memref<327680xi32, #tpu.memory_space<hbm>> -> memref<128xi32, #tpu.memory_space<hbm>>
      %dma_start3A_231 = tpu.memref_slice %arg3[%add3A_229] : memref<327680xi32, #tpu.memory_space<hbm>> -> memref<128xi32, #tpu.memory_space<hbm>>
      tpu.enqueue_dma source(%dma_start3A_231 : memref<128xi32, #tpu.memory_space<hbm>>) target(%arg8 : memref<128xi32, #tpu.memory_space<vmem>>) target_semaphore(%arg16 : memref<!tpu.dma_semaphore, #tpu.memory_space<semaphore_mem>>)
      %dma_start3A_232 = arith.constant 1664 : i32
      %dma_start3A_233 = tpu.memref_slice %arg9[%dma_start3A_232] : memref<2048xi32, #tpu.memory_space<vmem>> -> memref<128xi32, #tpu.memory_space<vmem>>
      %dma_start3A_234 = arith.constant 0 : i32
      %dma_start3A_235 = arith.constant 0 : i32
      %dma_start3A_236 = tpu.memref_slice %arg5[%dma_start3A_234, %dma_start3A_235] : memref<10240x128xf32, #tpu.memory_space<hbm>> -> memref<10240x128xf32, #tpu.memory_space<hbm>>
      tpu.enqueue_indirect_dma source(%dma_start3A_236 : memref<10240x128xf32, #tpu.memory_space<hbm>>) target(%arg11 : memref<128x128xf32, #tpu.memory_space<vmem>>) offsets(%dma_start3A_233 : memref<128xi32, #tpu.memory_space<vmem>>) semaphore(%arg14 : memref<!tpu.dma_semaphore, #tpu.memory_space<semaphore_mem>>)
      %dma_wait3A_237 = arith.constant 1536 : i32
      %dma_wait3A_238 = tpu.memref_slice %arg9[%dma_wait3A_237] : memref<2048xi32, #tpu.memory_space<vmem>> -> memref<128xi32, #tpu.memory_space<vmem>>
      %dma_wait3A_239 = arith.constant 0 : i32
      %dma_wait3A_240 = arith.constant 0 : i32
      %dma_wait3A_241 = tpu.memref_slice %arg5[%dma_wait3A_239, %dma_wait3A_240] : memref<10240x128xf32, #tpu.memory_space<hbm>> -> memref<10240x128xf32, #tpu.memory_space<hbm>>
      tpu.wait_indirect_dma semaphore(%arg13 : memref<!tpu.dma_semaphore, #tpu.memory_space<semaphore_mem>>) src(%dma_wait3A_241 : memref<10240x128xf32, #tpu.memory_space<hbm>>) dst(%arg10 : memref<128x128xf32, #tpu.memory_space<vmem>>)
      %dma_wait3A_242 = tpu.memref_slice %arg3[%add3A_213] : memref<327680xi32, #tpu.memory_space<hbm>> -> memref<128xi32, #tpu.memory_space<hbm>>
      %dma_wait3A_243 = tpu.memref_slice %arg3[%add3A_213] : memref<327680xi32, #tpu.memory_space<hbm>> -> memref<128xi32, #tpu.memory_space<hbm>>
      tpu.wait_dma2 semaphore(%arg15 : memref<!tpu.dma_semaphore, #tpu.memory_space<semaphore_mem>>) src(%dma_wait3A_243 : memref<128xi32, #tpu.memory_space<hbm>>) dst(%arg7 : memref<128xi32, #tpu.memory_space<vmem>>)
      "tpu.region"() ({
        %run_scoped3A = tpu.sem_alloc : memref<!tpu.dma_semaphore, #tpu.memory_space<semaphore_mem>>
        %dma_start3A_284 = arith.constant 0 : i32
        %dma_start3A_285 = arith.constant 0 : i32
        %dma_start3A_286 = tpu.memref_slice %arg12[%dma_start3A_284, %dma_start3A_285] : memref<10240x128xf32, #tpu.memory_space<vmem_shared>> -> memref<10240x128xf32, #tpu.memory_space<vmem_shared>>
        tpu.enqueue_indirect_dma source(%arg10 : memref<128x128xf32, #tpu.memory_space<vmem>>) target(%dma_start3A_286 : memref<10240x128xf32, #tpu.memory_space<vmem_shared>>) offsets(%arg7 : memref<128xi32, #tpu.memory_space<vmem>>) semaphore(%run_scoped3A : memref<!tpu.dma_semaphore, #tpu.memory_space<semaphore_mem>>) {add = true}
        %dma_wait3A_287 = arith.constant 0 : i32
        %dma_wait3A_288 = arith.constant 0 : i32
        %dma_wait3A_289 = tpu.memref_slice %arg12[%dma_wait3A_287, %dma_wait3A_288] : memref<10240x128xf32, #tpu.memory_space<vmem_shared>> -> memref<10240x128xf32, #tpu.memory_space<vmem_shared>>
        tpu.wait_indirect_dma semaphore(%run_scoped3A : memref<!tpu.dma_semaphore, #tpu.memory_space<semaphore_mem>>) src(%arg10 : memref<128x128xf32, #tpu.memory_space<vmem>>) dst(%dma_wait3A_289 : memref<10240x128xf32, #tpu.memory_space<vmem_shared>>)
        tpu.yield
      }) : () -> ()
      %add3A_244 = arith.constant 1792 : i32
      %add3A_245 = arith.addi %add3A_30, %add3A_244 : i32
      %dma_start3A_246 = tpu.memref_slice %arg3[%add3A_245] : memref<327680xi32, #tpu.memory_space<hbm>> -> memref<128xi32, #tpu.memory_space<hbm>>
      %dma_start3A_247 = tpu.memref_slice %arg3[%add3A_245] : memref<327680xi32, #tpu.memory_space<hbm>> -> memref<128xi32, #tpu.memory_space<hbm>>
      tpu.enqueue_dma source(%dma_start3A_247 : memref<128xi32, #tpu.memory_space<hbm>>) target(%arg7 : memref<128xi32, #tpu.memory_space<vmem>>) target_semaphore(%arg15 : memref<!tpu.dma_semaphore, #tpu.memory_space<semaphore_mem>>)
      %dma_start3A_248 = arith.constant 1792 : i32
      %dma_start3A_249 = tpu.memref_slice %arg9[%dma_start3A_248] : memref<2048xi32, #tpu.memory_space<vmem>> -> memref<128xi32, #tpu.memory_space<vmem>>
      %dma_start3A_250 = arith.constant 0 : i32
      %dma_start3A_251 = arith.constant 0 : i32
      %dma_start3A_252 = tpu.memref_slice %arg5[%dma_start3A_250, %dma_start3A_251] : memref<10240x128xf32, #tpu.memory_space<hbm>> -> memref<10240x128xf32, #tpu.memory_space<hbm>>
      tpu.enqueue_indirect_dma source(%dma_start3A_252 : memref<10240x128xf32, #tpu.memory_space<hbm>>) target(%arg10 : memref<128x128xf32, #tpu.memory_space<vmem>>) offsets(%dma_start3A_249 : memref<128xi32, #tpu.memory_space<vmem>>) semaphore(%arg13 : memref<!tpu.dma_semaphore, #tpu.memory_space<semaphore_mem>>)
      %dma_wait3A_253 = arith.constant 1664 : i32
      %dma_wait3A_254 = tpu.memref_slice %arg9[%dma_wait3A_253] : memref<2048xi32, #tpu.memory_space<vmem>> -> memref<128xi32, #tpu.memory_space<vmem>>
      %dma_wait3A_255 = arith.constant 0 : i32
      %dma_wait3A_256 = arith.constant 0 : i32
      %dma_wait3A_257 = tpu.memref_slice %arg5[%dma_wait3A_255, %dma_wait3A_256] : memref<10240x128xf32, #tpu.memory_space<hbm>> -> memref<10240x128xf32, #tpu.memory_space<hbm>>
      tpu.wait_indirect_dma semaphore(%arg14 : memref<!tpu.dma_semaphore, #tpu.memory_space<semaphore_mem>>) src(%dma_wait3A_257 : memref<10240x128xf32, #tpu.memory_space<hbm>>) dst(%arg11 : memref<128x128xf32, #tpu.memory_space<vmem>>)
      %dma_wait3A_258 = tpu.memref_slice %arg3[%add3A_229] : memref<327680xi32, #tpu.memory_space<hbm>> -> memref<128xi32, #tpu.memory_space<hbm>>
      %dma_wait3A_259 = tpu.memref_slice %arg3[%add3A_229] : memref<327680xi32, #tpu.memory_space<hbm>> -> memref<128xi32, #tpu.memory_space<hbm>>
      tpu.wait_dma2 semaphore(%arg16 : memref<!tpu.dma_semaphore, #tpu.memory_space<semaphore_mem>>) src(%dma_wait3A_259 : memref<128xi32, #tpu.memory_space<hbm>>) dst(%arg8 : memref<128xi32, #tpu.memory_space<vmem>>)
      "tpu.region"() ({
        %run_scoped3A = tpu.sem_alloc : memref<!tpu.dma_semaphore, #tpu.memory_space<semaphore_mem>>
        %dma_start3A_284 = arith.constant 0 : i32
        %dma_start3A_285 = arith.constant 0 : i32
        %dma_start3A_286 = tpu.memref_slice %arg12[%dma_start3A_284, %dma_start3A_285] : memref<10240x128xf32, #tpu.memory_space<vmem_shared>> -> memref<10240x128xf32, #tpu.memory_space<vmem_shared>>
        tpu.enqueue_indirect_dma source(%arg11 : memref<128x128xf32, #tpu.memory_space<vmem>>) target(%dma_start3A_286 : memref<10240x128xf32, #tpu.memory_space<vmem_shared>>) offsets(%arg8 : memref<128xi32, #tpu.memory_space<vmem>>) semaphore(%run_scoped3A : memref<!tpu.dma_semaphore, #tpu.memory_space<semaphore_mem>>) {add = true}
        %dma_wait3A_287 = arith.constant 0 : i32
        %dma_wait3A_288 = arith.constant 0 : i32
        %dma_wait3A_289 = tpu.memref_slice %arg12[%dma_wait3A_287, %dma_wait3A_288] : memref<10240x128xf32, #tpu.memory_space<vmem_shared>> -> memref<10240x128xf32, #tpu.memory_space<vmem_shared>>
        tpu.wait_indirect_dma semaphore(%run_scoped3A : memref<!tpu.dma_semaphore, #tpu.memory_space<semaphore_mem>>) src(%arg11 : memref<128x128xf32, #tpu.memory_space<vmem>>) dst(%dma_wait3A_289 : memref<10240x128xf32, #tpu.memory_space<vmem_shared>>)
        tpu.yield
      }) : () -> ()
      %add3A_260 = arith.constant 1920 : i32
      %add3A_261 = arith.addi %add3A_30, %add3A_260 : i32
      %dma_start3A_262 = tpu.memref_slice %arg3[%add3A_261] : memref<327680xi32, #tpu.memory_space<hbm>> -> memref<128xi32, #tpu.memory_space<hbm>>
      %dma_start3A_263 = tpu.memref_slice %arg3[%add3A_261] : memref<327680xi32, #tpu.memory_space<hbm>> -> memref<128xi32, #tpu.memory_space<hbm>>
      tpu.enqueue_dma source(%dma_start3A_263 : memref<128xi32, #tpu.memory_space<hbm>>) target(%arg8 : memref<128xi32, #tpu.memory_space<vmem>>) target_semaphore(%arg16 : memref<!tpu.dma_semaphore, #tpu.memory_space<semaphore_mem>>)
      %dma_start3A_264 = arith.constant 1920 : i32
      %dma_start3A_265 = tpu.memref_slice %arg9[%dma_start3A_264] : memref<2048xi32, #tpu.memory_space<vmem>> -> memref<128xi32, #tpu.memory_space<vmem>>
      %dma_start3A_266 = arith.constant 0 : i32
      %dma_start3A_267 = arith.constant 0 : i32
      %dma_start3A_268 = tpu.memref_slice %arg5[%dma_start3A_266, %dma_start3A_267] : memref<10240x128xf32, #tpu.memory_space<hbm>> -> memref<10240x128xf32, #tpu.memory_space<hbm>>
      tpu.enqueue_indirect_dma source(%dma_start3A_268 : memref<10240x128xf32, #tpu.memory_space<hbm>>) target(%arg11 : memref<128x128xf32, #tpu.memory_space<vmem>>) offsets(%dma_start3A_265 : memref<128xi32, #tpu.memory_space<vmem>>) semaphore(%arg14 : memref<!tpu.dma_semaphore, #tpu.memory_space<semaphore_mem>>)
      %dma_wait3A_269 = arith.constant 1792 : i32
      %dma_wait3A_270 = tpu.memref_slice %arg9[%dma_wait3A_269] : memref<2048xi32, #tpu.memory_space<vmem>> -> memref<128xi32, #tpu.memory_space<vmem>>
      %dma_wait3A_271 = arith.constant 0 : i32
      %dma_wait3A_272 = arith.constant 0 : i32
      %dma_wait3A_273 = tpu.memref_slice %arg5[%dma_wait3A_271, %dma_wait3A_272] : memref<10240x128xf32, #tpu.memory_space<hbm>> -> memref<10240x128xf32, #tpu.memory_space<hbm>>
      tpu.wait_indirect_dma semaphore(%arg13 : memref<!tpu.dma_semaphore, #tpu.memory_space<semaphore_mem>>) src(%dma_wait3A_273 : memref<10240x128xf32, #tpu.memory_space<hbm>>) dst(%arg10 : memref<128x128xf32, #tpu.memory_space<vmem>>)
      %dma_wait3A_274 = tpu.memref_slice %arg3[%add3A_245] : memref<327680xi32, #tpu.memory_space<hbm>> -> memref<128xi32, #tpu.memory_space<hbm>>
      %dma_wait3A_275 = tpu.memref_slice %arg3[%add3A_245] : memref<327680xi32, #tpu.memory_space<hbm>> -> memref<128xi32, #tpu.memory_space<hbm>>
      tpu.wait_dma2 semaphore(%arg15 : memref<!tpu.dma_semaphore, #tpu.memory_space<semaphore_mem>>) src(%dma_wait3A_275 : memref<128xi32, #tpu.memory_space<hbm>>) dst(%arg7 : memref<128xi32, #tpu.memory_space<vmem>>)
      "tpu.region"() ({
        %run_scoped3A = tpu.sem_alloc : memref<!tpu.dma_semaphore, #tpu.memory_space<semaphore_mem>>
        %dma_start3A_284 = arith.constant 0 : i32
        %dma_start3A_285 = arith.constant 0 : i32
        %dma_start3A_286 = tpu.memref_slice %arg12[%dma_start3A_284, %dma_start3A_285] : memref<10240x128xf32, #tpu.memory_space<vmem_shared>> -> memref<10240x128xf32, #tpu.memory_space<vmem_shared>>
        tpu.enqueue_indirect_dma source(%arg10 : memref<128x128xf32, #tpu.memory_space<vmem>>) target(%dma_start3A_286 : memref<10240x128xf32, #tpu.memory_space<vmem_shared>>) offsets(%arg7 : memref<128xi32, #tpu.memory_space<vmem>>) semaphore(%run_scoped3A : memref<!tpu.dma_semaphore, #tpu.memory_space<semaphore_mem>>) {add = true}
        %dma_wait3A_287 = arith.constant 0 : i32
        %dma_wait3A_288 = arith.constant 0 : i32
        %dma_wait3A_289 = tpu.memref_slice %arg12[%dma_wait3A_287, %dma_wait3A_288] : memref<10240x128xf32, #tpu.memory_space<vmem_shared>> -> memref<10240x128xf32, #tpu.memory_space<vmem_shared>>
        tpu.wait_indirect_dma semaphore(%run_scoped3A : memref<!tpu.dma_semaphore, #tpu.memory_space<semaphore_mem>>) src(%arg10 : memref<128x128xf32, #tpu.memory_space<vmem>>) dst(%dma_wait3A_289 : memref<10240x128xf32, #tpu.memory_space<vmem_shared>>)
        tpu.yield
      }) : () -> ()
      %dma_wait3A_276 = arith.constant 1920 : i32
      %dma_wait3A_277 = tpu.memref_slice %arg9[%dma_wait3A_276] : memref<2048xi32, #tpu.memory_space<vmem>> -> memref<128xi32, #tpu.memory_space<vmem>>
      %dma_wait3A_278 = arith.constant 0 : i32
      %dma_wait3A_279 = arith.constant 0 : i32
      %dma_wait3A_280 = tpu.memref_slice %arg5[%dma_wait3A_278, %dma_wait3A_279] : memref<10240x128xf32, #tpu.memory_space<hbm>> -> memref<10240x128xf32, #tpu.memory_space<hbm>>
      tpu.wait_indirect_dma semaphore(%arg14 : memref<!tpu.dma_semaphore, #tpu.memory_space<semaphore_mem>>) src(%dma_wait3A_280 : memref<10240x128xf32, #tpu.memory_space<hbm>>) dst(%arg11 : memref<128x128xf32, #tpu.memory_space<vmem>>)
      %dma_wait3A_281 = tpu.memref_slice %arg3[%add3A_261] : memref<327680xi32, #tpu.memory_space<hbm>> -> memref<128xi32, #tpu.memory_space<hbm>>
      %dma_wait3A_282 = tpu.memref_slice %arg3[%add3A_261] : memref<327680xi32, #tpu.memory_space<hbm>> -> memref<128xi32, #tpu.memory_space<hbm>>
      tpu.wait_dma2 semaphore(%arg16 : memref<!tpu.dma_semaphore, #tpu.memory_space<semaphore_mem>>) src(%dma_wait3A_282 : memref<128xi32, #tpu.memory_space<hbm>>) dst(%arg8 : memref<128xi32, #tpu.memory_space<vmem>>)
      "tpu.region"() ({
        %run_scoped3A = tpu.sem_alloc : memref<!tpu.dma_semaphore, #tpu.memory_space<semaphore_mem>>
        %dma_start3A_284 = arith.constant 0 : i32
        %dma_start3A_285 = arith.constant 0 : i32
        %dma_start3A_286 = tpu.memref_slice %arg12[%dma_start3A_284, %dma_start3A_285] : memref<10240x128xf32, #tpu.memory_space<vmem_shared>> -> memref<10240x128xf32, #tpu.memory_space<vmem_shared>>
        tpu.enqueue_indirect_dma source(%arg11 : memref<128x128xf32, #tpu.memory_space<vmem>>) target(%dma_start3A_286 : memref<10240x128xf32, #tpu.memory_space<vmem_shared>>) offsets(%arg8 : memref<128xi32, #tpu.memory_space<vmem>>) semaphore(%run_scoped3A : memref<!tpu.dma_semaphore, #tpu.memory_space<semaphore_mem>>) {add = true}
        %dma_wait3A_287 = arith.constant 0 : i32
        %dma_wait3A_288 = arith.constant 0 : i32
        %dma_wait3A_289 = tpu.memref_slice %arg12[%dma_wait3A_287, %dma_wait3A_288] : memref<10240x128xf32, #tpu.memory_space<vmem_shared>> -> memref<10240x128xf32, #tpu.memory_space<vmem_shared>>
        tpu.wait_indirect_dma semaphore(%run_scoped3A : memref<!tpu.dma_semaphore, #tpu.memory_space<semaphore_mem>>) src(%arg11 : memref<128x128xf32, #tpu.memory_space<vmem>>) dst(%dma_wait3A_289 : memref<10240x128xf32, #tpu.memory_space<vmem_shared>>)
        tpu.yield
      }) : () -> ()
      %scan3A_283 = arith.constant 0 : i32
      scf.yield %scan3A_283 : i32
    }
    %scan3A_17 = arith.constant 5 : i32
    %barrier3A_18 = arith.constant 0 : index
    tpu.barrier barrier_id(%barrier3A_18)
    %scan3A_19 = arith.constant 0 : i32
    %scan3A_20 = arith.constant 0 : i32
    %scan3A_21 = arith.constant 5 : i32
    %scan3A_22 = arith.addi %scan3A_20, %scan3A_21 : i32
    %scan3A_23 = arith.constant 1 : i32
    %scan3A_24 = scf.for %scan3A_26 = %scan3A_20 to %scan3A_22 step %scan3A_23 iter_args(%scan3A_27 = %scan3A_19) -> (i32)  : i32 {
      %mul3A_28 = arith.constant 128 : i32
      %mul3A_29 = arith.muli %scan3A_26, %mul3A_28 : i32
      %add3A_30 = arith.addi %mul3A_0, %mul3A_29 : i32
      "tpu.region"() ({
        %run_scoped3A = tpu.sem_alloc : memref<!tpu.dma_semaphore, #tpu.memory_space<semaphore_mem>>
        %dma_start3A = arith.constant 0 : i32
        %dma_start3A_35 = tpu.memref_slice %arg12[%add3A_30, %dma_start3A] : memref<10240x128xf32, #tpu.memory_space<vmem_shared>> -> memref<128x128xf32, #tpu.memory_space<vmem_shared>>
        %dma_start3A_36 = arith.constant 0 : i32
        %dma_start3A_37 = tpu.memref_slice %arg12[%add3A_30, %dma_start3A_36] : memref<10240x128xf32, #tpu.memory_space<vmem_shared>> -> memref<128x128xf32, #tpu.memory_space<vmem_shared>>
        tpu.enqueue_dma source(%dma_start3A_37 : memref<128x128xf32, #tpu.memory_space<vmem_shared>>) target(%arg10 : memref<128x128xf32, #tpu.memory_space<vmem>>) target_semaphore(%run_scoped3A : memref<!tpu.dma_semaphore, #tpu.memory_space<semaphore_mem>>)
        %dma_wait3A = arith.constant 0 : i32
        %dma_wait3A_38 = tpu.memref_slice %arg12[%add3A_30, %dma_wait3A] : memref<10240x128xf32, #tpu.memory_space<vmem_shared>> -> memref<128x128xf32, #tpu.memory_space<vmem_shared>>
        %dma_wait3A_39 = arith.constant 0 : i32
        %dma_wait3A_40 = tpu.memref_slice %arg12[%add3A_30, %dma_wait3A_39] : memref<10240x128xf32, #tpu.memory_space<vmem_shared>> -> memref<128x128xf32, #tpu.memory_space<vmem_shared>>
        tpu.wait_dma2 semaphore(%run_scoped3A : memref<!tpu.dma_semaphore, #tpu.memory_space<semaphore_mem>>) src(%dma_wait3A_40 : memref<128x128xf32, #tpu.memory_space<vmem_shared>>) dst(%arg10 : memref<128x128xf32, #tpu.memory_space<vmem>>)
        tpu.yield
      }) : () -> ()
      %mul3A_31 = arith.constant 10240 : i32
      %mul3A_32 = arith.muli %arg0, %mul3A_31 : i32
      %add3A_33 = arith.addi %mul3A_32, %add3A_30 : i32
      "tpu.region"() ({
        %run_scoped3A = tpu.sem_alloc : memref<!tpu.dma_semaphore, #tpu.memory_space<semaphore_mem>>
        %dma_start3A = arith.constant 0 : i32
        %dma_start3A_35 = tpu.memref_slice %arg6[%add3A_33, %dma_start3A] : memref<20480x128xf32, #tpu.memory_space<hbm>> -> memref<128x128xf32, #tpu.memory_space<hbm>>
        %dma_start3A_36 = arith.constant 0 : i32
        %dma_start3A_37 = tpu.memref_slice %arg6[%add3A_33, %dma_start3A_36] : memref<20480x128xf32, #tpu.memory_space<hbm>> -> memref<128x128xf32, #tpu.memory_space<hbm>>
        tpu.enqueue_dma source(%arg10 : memref<128x128xf32, #tpu.memory_space<vmem>>) target(%dma_start3A_37 : memref<128x128xf32, #tpu.memory_space<hbm>>) target_semaphore(%run_scoped3A : memref<!tpu.dma_semaphore, #tpu.memory_space<semaphore_mem>>)
        %dma_wait3A = arith.constant 0 : i32
        %dma_wait3A_38 = tpu.memref_slice %arg6[%add3A_33, %dma_wait3A] : memref<20480x128xf32, #tpu.memory_space<hbm>> -> memref<128x128xf32, #tpu.memory_space<hbm>>
        %dma_wait3A_39 = arith.constant 0 : i32
        %dma_wait3A_40 = tpu.memref_slice %arg6[%add3A_33, %dma_wait3A_39] : memref<20480x128xf32, #tpu.memory_space<hbm>> -> memref<128x128xf32, #tpu.memory_space<hbm>>
        tpu.wait_dma2 semaphore(%run_scoped3A : memref<!tpu.dma_semaphore, #tpu.memory_space<semaphore_mem>>) src(%arg10 : memref<128x128xf32, #tpu.memory_space<vmem>>) dst(%dma_wait3A_40 : memref<128x128xf32, #tpu.memory_space<hbm>>)
        tpu.yield
      }) : () -> ()
      %scan3A_34 = arith.constant 0 : i32
      scf.yield %scan3A_34 : i32
    }
    %scan3A_25 = arith.constant 5 : i32
    return
  }
}

module attributes {stable_mosaic.version = 14 : i64} {
  func.func @body(%arg0: memref<10000x128xf32, #tpu.memory_space<vmem>>, %arg1: memref<128x128xf32, #tpu.memory_space<vmem>>, %arg2: memref<10240x128xf32, #tpu.memory_space<vmem>>) attributes {dimension_semantics = [], scalar_prefetch = 0 : i64, scratch_operands = 0 : i64, tpu.core_type = #tpu.core_type<tc>} {
    %get3A = arith.constant 0 : index
    %get3A_0 = arith.constant 0 : index
    %get3A_1 = vector.load %arg0[%get3A, %get3A_0] : memref<10000x128xf32, #tpu.memory_space<vmem>>, vector<10000x128xf32>
    %get3A_2 = arith.constant 0 : index
    %get3A_3 = arith.constant 0 : index
    %get3A_4 = vector.load %arg1[%get3A_2, %get3A_3] : memref<128x128xf32, #tpu.memory_space<vmem>>, vector<128x128xf32>
    %dot_general3A = arith.constant dense<0.000000e+00> : vector<10000x128xf32>
    %dot_general3A_5 = tpu.matmul %get3A_1, %get3A_4, %dot_general3A {dimension_numbers = #tpu.dot_dimension_numbers<[1], [0], [0], [1], [0, 0, 1, 1], [], []>, transpose_lhs_hint = false} : vector<10000x128xf32>, vector<128x128xf32>, vector<10000x128xf32> -> vector<10000x128xf32>
    %swap3A = arith.constant 0 : index
    %swap3A_6 = arith.constant 0 : index
    %swap3A_7 = vector.load %arg2[%swap3A, %swap3A_6] : memref<10240x128xf32, #tpu.memory_space<vmem>>, vector<10000x128xf32>
    tpu.vector_store %arg2[%swap3A, %swap3A_6], %dot_general3A_5 {strides = array<i32>} : memref<10240x128xf32, #tpu.memory_space<vmem>>, vector<10000x128xf32>,
    %broadcast_in_dim3A = arith.constant 0.000000e+00 : f32
    %broadcast_in_dim3A_8 = vector.broadcast %broadcast_in_dim3A : f32 to vector<240x128xf32>
    %swap3A_9 = arith.constant 10000 : index
    %swap3A_10 = arith.constant 0 : index
    %swap3A_11 = vector.load %arg2[%swap3A_9, %swap3A_10] : memref<10240x128xf32, #tpu.memory_space<vmem>>, vector<240x128xf32>
    tpu.vector_store %arg2[%swap3A_9, %swap3A_10], %broadcast_in_dim3A_8 {strides = array<i32>} : memref<10240x128xf32, #tpu.memory_space<vmem>>, vector<240x128xf32>,
    return
  }
}

module attributes {stable_mosaic.version = 14 : i64} {
  func.func @body(%arg0: memref<20480x128xf32, #tpu.memory_space<vmem>>, %arg1: memref<10240x128xf32, #tpu.memory_space<vmem>>, %arg2: memref<20480x128xf32, #tpu.memory_space<vmem>>, %arg3: memref<1x128xf32, #tpu.memory_space<vmem>>, %arg4: memref<128x128xf32, #tpu.memory_space<vmem>>, %arg5: memref<10240x128xf32, #tpu.memory_space<vmem>>) attributes {dimension_semantics = [], scalar_prefetch = 0 : i64, scratch_operands = 0 : i64, tpu.core_type = #tpu.core_type<tc>} {
    %get3A = arith.constant 0 : index
    %get3A_0 = arith.constant 0 : index
    %get3A_1 = vector.load %arg2[%get3A, %get3A_0] : memref<20480x128xf32, #tpu.memory_space<vmem>>, vector<10240x1xf32>
    %get3A_2 = arith.constant 10240 : index
    %get3A_3 = arith.constant 0 : index
    %get3A_4 = vector.load %arg2[%get3A_2, %get3A_3] : memref<20480x128xf32, #tpu.memory_space<vmem>>, vector<10240x1xf32>
    %add3A = arith.addf %get3A_1, %get3A_4 : vector<10240x1xf32>
    %add3A_5 = arith.constant 1.000000e+00 : f32
    %add3A_6 = vector.broadcast %add3A_5 : f32 to vector<10240x1xf32>
    %add3A_7 = arith.addf %add3A, %add3A_6 : vector<10240x1xf32>
    %div3A = arith.constant 1.000000e+00 : f32
    %div3A_8 = vector.broadcast %div3A : f32 to vector<10240x1xf32>
    %div3A_9 = arith.divf %div3A_8, %add3A_7 : vector<10240x1xf32>
    %get3A_10 = arith.constant 0 : index
    %get3A_11 = arith.constant 0 : index
    %get3A_12 = vector.load %arg0[%get3A_10, %get3A_11] : memref<20480x128xf32, #tpu.memory_space<vmem>>, vector<10240x128xf32>
    %get3A_13 = arith.constant 10240 : index
    %get3A_14 = arith.constant 0 : index
    %get3A_15 = vector.load %arg0[%get3A_13, %get3A_14] : memref<20480x128xf32, #tpu.memory_space<vmem>>, vector<10240x128xf32>
    %add3A_16 = arith.addf %get3A_12, %get3A_15 : vector<10240x128xf32>
    %get3A_17 = arith.constant 0 : index
    %get3A_18 = arith.constant 0 : index
    %get3A_19 = vector.load %arg1[%get3A_17, %get3A_18] : memref<10240x128xf32, #tpu.memory_space<vmem>>, vector<10240x128xf32>
    %add3A_20 = arith.addf %add3A_16, %get3A_19 : vector<10240x128xf32>
    %mul3A = vector.broadcast %div3A_9 : vector<10240x1xf32> to vector<10240x128xf32>
    %mul3A_21 = arith.mulf %add3A_20, %mul3A : vector<10240x128xf32>
    %get3A_22 = arith.constant 0 : index
    %get3A_23 = arith.constant 0 : index
    %get3A_24 = vector.load %arg3[%get3A_22, %get3A_23] : memref<1x128xf32, #tpu.memory_space<vmem>>, vector<1x128xf32>
    %add3A_25 = vector.broadcast %get3A_24 : vector<1x128xf32> to vector<10240x128xf32>
    %add3A_26 = arith.addf %mul3A_21, %add3A_25 : vector<10240x128xf32>
    %max3A = arith.constant 0.000000e+00 : f32
    %max3A_27 = vector.broadcast %max3A : f32 to vector<10240x128xf32>
    %max3A_28 = arith.maximumf %add3A_26, %max3A_27 : vector<10240x128xf32>
    %get3A_29 = arith.constant 0 : index
    %get3A_30 = arith.constant 0 : index
    %get3A_31 = vector.load %arg4[%get3A_29, %get3A_30] : memref<128x128xf32, #tpu.memory_space<vmem>>, vector<128x128xf32>
    %dot_general3A = arith.constant dense<0.000000e+00> : vector<10240x128xf32>
    %dot_general3A_32 = tpu.matmul %max3A_28, %get3A_31, %dot_general3A {dimension_numbers = #tpu.dot_dimension_numbers<[1], [0], [0], [1], [0, 0, 1, 1], [], []>, transpose_lhs_hint = false} : vector<10240x128xf32>, vector<128x128xf32>, vector<10240x128xf32> -> vector<10240x128xf32>
    %swap3A = arith.constant 0 : index
    %swap3A_33 = arith.constant 0 : index
    %swap3A_34 = vector.load %arg5[%swap3A, %swap3A_33] : memref<10240x128xf32, #tpu.memory_space<vmem>>, vector<10240x128xf32>
    tpu.vector_store %arg5[%swap3A, %swap3A_33], %dot_general3A_32 {strides = array<i32>} : memref<10240x128xf32, #tpu.memory_space<vmem>>, vector<10240x128xf32>,
    return
  }
}

module attributes {stable_mosaic.version = 14 : i64} {
  func.func @body(%arg0: memref<20480x128xf32, #tpu.memory_space<vmem>>, %arg1: memref<10240x128xf32, #tpu.memory_space<vmem>>, %arg2: memref<20480x128xf32, #tpu.memory_space<vmem>>, %arg3: memref<1x128xf32, #tpu.memory_space<vmem>>, %arg4: memref<128x128xf32, #tpu.memory_space<vmem>>, %arg5: memref<1x128xf32, #tpu.memory_space<vmem>>, %arg6: memref<128x64xf32, #tpu.memory_space<vmem>>, %arg7: memref<1x64xf32, #tpu.memory_space<vmem>>, %arg8: memref<10000x64xf32, #tpu.memory_space<vmem>>) attributes {dimension_semantics = [], scalar_prefetch = 0 : i64, scratch_operands = 0 : i64, tpu.core_type = #tpu.core_type<tc>} {
    %get3A = arith.constant 0 : index
    %get3A_0 = arith.constant 0 : index
    %get3A_1 = vector.load %arg2[%get3A, %get3A_0] : memref<20480x128xf32, #tpu.memory_space<vmem>>, vector<10000x1xf32>
    %get3A_2 = arith.constant 10240 : index
    %get3A_3 = arith.constant 0 : index
    %get3A_4 = vector.load %arg2[%get3A_2, %get3A_3] : memref<20480x128xf32, #tpu.memory_space<vmem>>, vector<10000x1xf32>
    %add3A = arith.addf %get3A_1, %get3A_4 : vector<10000x1xf32>
    %add3A_5 = arith.constant 1.000000e+00 : f32
    %add3A_6 = vector.broadcast %add3A_5 : f32 to vector<10000x1xf32>
    %add3A_7 = arith.addf %add3A, %add3A_6 : vector<10000x1xf32>
    %div3A = arith.constant 1.000000e+00 : f32
    %div3A_8 = vector.broadcast %div3A : f32 to vector<10000x1xf32>
    %div3A_9 = arith.divf %div3A_8, %add3A_7 : vector<10000x1xf32>
    %get3A_10 = arith.constant 0 : index
    %get3A_11 = arith.constant 0 : index
    %get3A_12 = vector.load %arg0[%get3A_10, %get3A_11] : memref<20480x128xf32, #tpu.memory_space<vmem>>, vector<10000x128xf32>
    %get3A_13 = arith.constant 10240 : index
    %get3A_14 = arith.constant 0 : index
    %get3A_15 = vector.load %arg0[%get3A_13, %get3A_14] : memref<20480x128xf32, #tpu.memory_space<vmem>>, vector<10000x128xf32>
    %add3A_16 = arith.addf %get3A_12, %get3A_15 : vector<10000x128xf32>
    %get3A_17 = arith.constant 0 : index
    %get3A_18 = arith.constant 0 : index
    %get3A_19 = vector.load %arg1[%get3A_17, %get3A_18] : memref<10240x128xf32, #tpu.memory_space<vmem>>, vector<10000x128xf32>
    %add3A_20 = arith.addf %add3A_16, %get3A_19 : vector<10000x128xf32>
    %mul3A = vector.broadcast %div3A_9 : vector<10000x1xf32> to vector<10000x128xf32>
    %mul3A_21 = arith.mulf %add3A_20, %mul3A : vector<10000x128xf32>
    %get3A_22 = arith.constant 0 : index
    %get3A_23 = arith.constant 0 : index
    %get3A_24 = vector.load %arg3[%get3A_22, %get3A_23] : memref<1x128xf32, #tpu.memory_space<vmem>>, vector<1x128xf32>
    %add3A_25 = vector.broadcast %get3A_24 : vector<1x128xf32> to vector<10000x128xf32>
    %add3A_26 = arith.addf %mul3A_21, %add3A_25 : vector<10000x128xf32>
    %max3A = arith.constant 0.000000e+00 : f32
    %max3A_27 = vector.broadcast %max3A : f32 to vector<10000x128xf32>
    %max3A_28 = arith.maximumf %add3A_26, %max3A_27 : vector<10000x128xf32>
    %get3A_29 = arith.constant 0 : index
    %get3A_30 = arith.constant 0 : index
    %get3A_31 = vector.load %arg4[%get3A_29, %get3A_30] : memref<128x128xf32, #tpu.memory_space<vmem>>, vector<128x128xf32>
    %dot_general3A = arith.constant dense<0.000000e+00> : vector<10000x128xf32>
    %dot_general3A_32 = tpu.matmul %max3A_28, %get3A_31, %dot_general3A {dimension_numbers = #tpu.dot_dimension_numbers<[1], [0], [0], [1], [0, 0, 1, 1], [], []>, transpose_lhs_hint = false} : vector<10000x128xf32>, vector<128x128xf32>, vector<10000x128xf32> -> vector<10000x128xf32>
    %get3A_33 = arith.constant 0 : index
    %get3A_34 = arith.constant 0 : index
    %get3A_35 = vector.load %arg5[%get3A_33, %get3A_34] : memref<1x128xf32, #tpu.memory_space<vmem>>, vector<1x128xf32>
    %add3A_36 = vector.broadcast %get3A_35 : vector<1x128xf32> to vector<10000x128xf32>
    %add3A_37 = arith.addf %dot_general3A_32, %add3A_36 : vector<10000x128xf32>
    %get3A_38 = arith.constant 0 : index
    %get3A_39 = arith.constant 0 : index
    %get3A_40 = vector.load %arg6[%get3A_38, %get3A_39] : memref<128x64xf32, #tpu.memory_space<vmem>>, vector<128x64xf32>
    %dot_general3A_41 = arith.constant dense<0.000000e+00> : vector<10000x64xf32>
    %dot_general3A_42 = tpu.matmul %add3A_37, %get3A_40, %dot_general3A_41 {dimension_numbers = #tpu.dot_dimension_numbers<[1], [0], [0], [1], [0, 0, 1, 1], [], []>, transpose_lhs_hint = false} : vector<10000x128xf32>, vector<128x64xf32>, vector<10000x64xf32> -> vector<10000x64xf32>
    %get3A_43 = arith.constant 0 : index
    %get3A_44 = arith.constant 0 : index
    %get3A_45 = vector.load %arg7[%get3A_43, %get3A_44] : memref<1x64xf32, #tpu.memory_space<vmem>>, vector<1x64xf32>
    %add3A_46 = vector.broadcast %get3A_45 : vector<1x64xf32> to vector<10000x64xf32>
    %add3A_47 = arith.addf %dot_general3A_42, %add3A_46 : vector<10000x64xf32>
    %swap3A = arith.constant 0 : index
    %swap3A_48 = arith.constant 0 : index
    %swap3A_49 = vector.load %arg8[%swap3A, %swap3A_48] : memref<10000x64xf32, #tpu.memory_space<vmem>>, vector<10000x64xf32>
    tpu.vector_store %arg8[%swap3A, %swap3A_48], %add3A_47 {strides = array<i32>} : memref<10000x64xf32, #tpu.memory_space<vmem>>, vector<10000x64xf32>,
    return
  }
}

</mosaic_0001>

<sc_bundles>
// kernel: kernel.11.cloned.1.call-start
scs
__scs_entry_jumppad:
0x0: {  	(pc) =	sbr.rel $0x88, $3  }
0x1: {  	(tag) =	ssettag $0x0;
	lr =	simm.s32 $0x1  }
0x2: {  	[smem:$0x3F97] =	sst lr;
	_ =	strace $0xD0000000  }
0x3: {  	_ = 	snop  }
0x4: {  	_ = 	snop  }
0x5: {  	_ = 	snop  }
0x6: {  	_ = 	snop  }
0x7: {  	_ = 	snop  }
__scs_overlays_trampoline_lowered:
0x8: {  	[smem:$0x3FA6] =	sst s0  }
0x9: {  	[smem:$0x3FA7] =	sst s1  }
0xa: {  	[smem:$0x3FA8] =	sst s2  }
0xb: {  	[smem:$0x3FA9] =	sst s3  }
0xc: {  	[smem:$0x3FAA] =	sst s4  }
0xd: {  	[smem:$0x3FAB] =	sst s5  }
0xe: {  	[smem:$0x3FAC] =	sst s6  }
0xf: {  	[smem:$0x3FAD] =	sst s7  }
0x10: {  	[smem:$0x3FAE] =	sst s8  }
0x11: {  	[smem:$0x3FAF] =	sst s9;
	s0 =	simm.s32 @!p0 $0x0  }
0x12: {  	s1 =	sld [smem:$0x3F95];
	s0 =	simm.s32 @p0 $0x1  }
0x13: {  	[smem:$0x3FB0] =	sst s0;
	s0 =	simm.s32 @!p1 $0x0  }
0x14: {  	s2 =	sld [smem:$0x3F94];
	s0 =	simm.s32 @p1 $0x1  }
0x15: {  	[smem:$0x3FB1] =	sst s0;
	s0 =	simm.s32 @!p2 $0x0  }
0x16: {  	s3 =	sld [smem:$0x3FDB];
	s0 =	simm.s32 @p2 $0x1  }
0x17: {  	s4 =	simm.s32 $0x1BF5;
	[smem:$0x3FB3] =	sst s0  }
0x18: {  	s0 =	sld [smem:$0x3F96];
	_ =	swait.ge [sflag:s4], $0x0  }
0x19: {  	s7 =	sld [smem:$0x3F97]  }
0x1a: {  	s8 =	sadd.s32 $0xFFFFE003, lr  }
0x1b: {  	s9 =	sadd.s32 $0xFFFFFEF7, lr;
	s5 =	simm.s32 $0xFFFFFFFF;
	p2 =	slt.u32 s8, $0xFFFFF086  }
0x1c: {  	p1 =	slt.u32 s9, $0xF7A;
	s5 =	simm.s32 @!p2 $0x0  }
0x1d: {  	s5 =	simm.s32 @p1 $0x1;
	p0 =	seq.s32 s7, s2  }
0x1e: {  	s7 =	smul.u32 @!p0 $0xF7A, s2;
	p2 =	seq.s32 @!p0 s5, $0x0  }
0x1f: {  	s9 =	smul.u32 $0xF7A, s1;
	s8 =	simm.s32 @!p0 $0x1BF5;
	p2 =	por !p2, p0  }
0x20: {  	[sflag:s8] =	ssyncset.s32 @!p0 $0xFFFFF086;
	s6 =	sadd.s32 @!p0 s3, s7;
	s7 =	simm.s32 @!p0 $0x108  }
0x21: {  	s3 =	sadd.s32 s3, s9;
	s6 =	sadd.s32 @!p0 $0x88, s6;
	s7 =	simm.s32 @p2 $0x1082  }
0x22: {  	[simem:s7], [sflag:s8] =	dma.local @!p0 [hbm:s6], $0xF7A  }
0x23: {  	s9 =	sor.u32 $0xD0000000, s2;
	s6 =	simm.s32 $0x108;
	_ =	swait.ge @!p0 [sflag:s8], $0x0  }
0x24: {  	s3 =	sadd.s32 $0x88, s3;
	s6 =	simm.s32 @!p1 $0x1082;
	[sflag:s4] =	ssyncset.s32 $0xFFFFF086  }
0x25: {  	[simem:s6], [sflag:s4] =	dma.local [hbm:s3], $0xF7A  }
0x26: {  	[smem:$0x3F97] =	sst s1;
	(tag) =	ssettag s2;
	_ =	strace s9  }
0x27: {  	s1 =	sld [smem:$0x3FA7]  }
0x28: {  	s2 =	sld [smem:$0x3FA8]  }
0x29: {  	s4 =	sld [smem:$0x3FAA]  }
0x2a: {  	p0 =	seq.s32 s5, $0x0;
	s5 =	sld [smem:$0x3FAB]  }
0x2b: {  	s6 =	sld [smem:$0x3FAC]  }
0x2c: {  	s7 =	sld [smem:$0x3FAD]  }
0x2d: {  	s3 =	simm.s32 $0x108;
	s8 =	sld [smem:$0x3FAE]  }
0x2e: {  	s3 =	simm.s32 @!p0 $0x1082;
	s9 =	sld [smem:$0x3FAF]  }
0x2f: {  	lr =	sadd.s32 s0, s3;
	s0 =	sld [smem:$0x3FA6]  }
0x30: {  	s3 =	sld [smem:$0x3FA9]  }
0x31: {  	[smem:$0x3FB2] =	sst s10  }
0x32: {  	s10 =	sld [smem:$0x3FB0];
	_ =	sdelay $0x3  }
0x33: {  	p0 =	seq.s32 s10, $0x1;
	s10 =	sld [smem:$0x3FB2];
	_ =	sdelay $0x3  }
0x34: {  	[smem:$0x3FB2] =	sst s10  }
0x35: {  	s10 =	sld [smem:$0x3FB1];
	_ =	sdelay $0x3  }
0x36: {  	p1 =	seq.s32 s10, $0x1;
	s10 =	sld [smem:$0x3FB2];
	_ =	sdelay $0x3  }
0x37: {  	[smem:$0x3FB2] =	sst s10  }
0x38: {  	s10 =	sld [smem:$0x3FB3]  }
0x39: {  	_ = 	snop;
	(pc) =	sbr.ind lr, $3  }
0x3a: {  	_ = 	snop  }
0x3b: {  	_ = 	snop  }
0x3c: {  	p2 =	seq.s32 s10, $0x1;
	s10 =	sld [smem:$0x3FB2]  }
0x3d: {  	_ =	shalt  }
0x3e: {  	_ =	shalt  }
0x3f: {  	_ =	shalt  }
0x40: {  	_ =	shalt  }
0x41: {  	_ =	shalt  }
0x42: {  	_ =	shalt  }
0x43: {  	_ =	shalt  }
0x44: {  	_ =	shalt  }
0x45: {  	_ =	shalt  }
0x46: {  	_ =	shalt  }
0x47: {  	_ =	shalt  }
0x48: {  	_ =	shalt  }
0x49: {  	_ =	shalt  }
0x4a: {  	_ =	shalt  }
0x4b: {  	_ =	shalt  }
0x4c: {  	_ =	shalt  }
0x4d: {  	_ =	shalt  }
0x4e: {  	_ =	shalt  }
0x4f: {  	_ =	shalt  }
0x50: {  	_ =	shalt  }
0x51: {  	_ =	shalt  }
0x52: {  	_ =	shalt  }
0x53: {  	_ =	shalt  }
0x54: {  	_ =	shalt  }
0x55: {  	_ =	shalt  }
0x56: {  	_ =	shalt  }
0x57: {  	_ =	shalt  }
0x58: {  	_ =	shalt  }
0x59: {  	_ =	shalt  }
0x5a: {  	_ =	shalt  }
0x5b: {  	_ =	shalt  }
0x5c: {  	_ =	shalt  }
0x5d: {  	_ =	shalt  }
0x5e: {  	_ =	shalt  }
0x5f: {  	_ =	shalt  }
0x60: {  	_ =	shalt  }
0x61: {  	_ =	shalt  }
0x62: {  	_ =	shalt  }
0x63: {  	_ =	shalt  }
0x64: {  	_ =	shalt  }
0x65: {  	_ =	shalt  }
0x66: {  	_ =	shalt  }
0x67: {  	_ =	shalt  }
0x68: {  	_ =	shalt  }
0x69: {  	_ =	shalt  }
0x6a: {  	_ =	shalt  }
0x6b: {  	_ =	shalt  }
0x6c: {  	_ =	shalt  }
0x6d: {  	_ =	shalt  }
0x6e: {  	_ =	shalt  }
0x6f: {  	_ =	shalt  }
0x70: {  	_ =	shalt  }
0x71: {  	_ =	shalt  }
0x72: {  	_ =	shalt  }
0x73: {  	_ =	shalt  }
0x74: {  	_ =	shalt  }
0x75: {  	_ =	shalt  }
0x76: {  	_ =	shalt  }
0x77: {  	_ =	shalt  }
0x78: {  	_ =	shalt  }
0x79: {  	_ =	shalt  }
0x7a: {  	_ =	shalt  }
0x7b: {  	_ =	shalt  }
0x7c: {  	_ =	shalt  }
0x7d: {  	_ =	shalt  }
0x7e: {  	_ =	shalt  }
0x7f: {  	_ =	shalt  }
0x80: {  	_ =	shalt  }
0x81: {  	_ =	shalt  }
0x82: {  	_ =	shalt  }
0x83: {  	_ =	shalt  }
0x84: {  	_ =	shalt  }
0x85: {  	_ =	shalt  }
0x86: {  	_ =	shalt  }
0x87: {  	_ =	shalt  }
.Lfunc_end0:
.L_simem_size_0:
called_computation.1_lowered:
.L_overlay_start_0:
0x88: {  	s2 =	sld [smem:$0x3FD9]  }
0x89: {  	s3 =	sld [smem:$0x3FFE];
	_ =	sdelay $0x1  }
0x8a: {  	s1 =	srdreg.scid  }
0x8b: {  	s0 =	sand.u32 $0x1, s1  }
0x8c: {  	s17 =	sshll.u32 s0, $0xA;
	s2 =	sadd.s32 s3, s2  }
0x8d: {  	s2 =	sadd.s32 s2, s17  }
0x8e: {  	[smem:$0x3FBE] =	sst s2  }
0x8f: {  	_ = 	snop  }
0x90: {  	s2 =	sld [smem:$0x3FD0];
	(tm) =	ssettm $0x1  }
0x91: {  	s18 =	sld [smem:$0x3FFB];
	_ =	sdelay $0x3  }
0x92: {  	_ =	strace s18  }
0x93: {  	s3 =	sld [smem:$0x3FFC];
	_ =	sdelay $0x3  }
0x94: {  	_ =	strace s3  }
0x95: {  	s3 =	sld [smem:$0x3FFD];
	_ =	sdelay $0x3  }
0x96: {  	_ =	strace s3  }
0x97: {  	_ =	strace $0x8FFFFFFF  }
0x98: {  	s19 =	sld [smem:$0x3FDB];
	_ =	sdelay $0x1  }
0x99: {  	s4 =	simm.s32 $_scs_section_size  }
0x9a: {  	s5 =	simm.s32 $_size__tile_overlayer_lowered;
	s6 =	simm.s32 $_tile_overlayer_lowered  }
0x9b: {  	s22 =	simm.s32 $0x1BFF;
	s21 =	sshll.u32 s6, $0x1;
	s3 =	sadd.s32 s4, s19  }
0x9c: {  	s7 =	simm.s32 $0x0;
	s20 =	sshll.u32 s5, $0x1;
	s5 =	sadd.s32 s21, s3  }
0x9d: {  	[timem:s7], [sflag:s22] =	dma.local [hbm:s5], s20  }
0x9e: {  	_ =	swait.ge [sflag:s22], s20  }
0x9f: {  	s4 =	ssub.s32 $0x0, s20;
	[sflag:s22] =	ssyncset.done $0x0  }
0xa0: {  	[sflag:s22] =	ssyncadd.s32 s4;
	_ =	sdelay $0x1  }
0xa1: {  	s23 =	simm.s32 $0x1B8B  }
0xa2: {  	_ =	swait.ge [sflag:s23], $0x1  }
0xa3: {  	[sflag:s23] =	ssyncset.done $0x0  }
0xa4: {  	s25 =	simm.s32 $0x1B8E;
	s24 =	sld [smem:$0x3FFE];
	[sflag:s23] =	ssyncadd.s32 $0xFFFFFFFF  }
0xa5: {  	s26 =	simm.s32 $execute0_lowered;
	[smem:$0x3FD2] =	sst s25  }
0xa6: {  	s5 =	sshll.u32 s26, $0x1;
	_ =	strace $0x80000046;
	[dreg:$0x1] =	wrdreg $0xFFFFFFFF  }
0xa7: {  	s28 =	simm.s32 $_size_execute0_lowered;
	s3 =	sadd.s32 s3, s5;
	[dreg:$0x0] =	wrdreg $0x0  }
0xa8: {  	s5 =	sshll.u32 s28, $0x1;
	[dreg:$0x2] =	wrdreg s3  }
0xa9: {  	[dreg:$0x3] =	wrdreg s5  }
0xaa: {  	[dreg:$0x4] =	wrdreg $0xC0  }
0xab: {  	_ =	task [dreg:s7], $0x5FFFF  }
0xac: {  	[dreg:$0x1] =	wrdreg $0xFFFFFFFF  }
0xad: {  	[dreg:$0x0] =	wrdreg $0x60  }
0xae: {  	[dreg:$0x2] =	wrdreg s24  }
0xaf: {  	[dreg:$0x3] =	wrdreg s2  }
0xb0: {  	[dreg:$0x4] =	wrdreg $0x89000  }
0xb1: {  	[dreg:$0x5] =	wrdreg $0xA  }
0xb2: {  	_ =	task.clear_ibuf [dreg:s7], $0x6FFFF;
	_ =	strace $0x90000046  }
0xb3: {  	s29 =	simm.s32 $0xA;
	_ =	strace $0x80000048  }
0xb4: {  	_ =	swait.ge [sflag:s29], $0x1  }
0xb5: {  	[sflag:s29] =	ssyncadd.s32 $0xFFFFFFFF  }
0xb6: {  	_ =	strace $0x90000048  }
0xb7: {  	_ =	sfence  }
0xb8: {  	s30 =	sld [smem:$0x0];
	_ =	sdelay $0x2  }
0xb9: {  	s31 =	sshll.u32 s1, $0xD;
	s1 =	sshrl.u32 s1, $0x2  }
0xba: {  	s3 =	sand.u32 $0x4000, s31;
	s1 =	sadd.s32 s1, s30  }
0xbb: {  	s0 =	sor.u32 s3, s0;
	s1 =	sshll.u32 s1, $0x11  }
0xbc: {  	s0 =	sor.u32 s1, s0  }
0xbd: {  	s0 =	sadd.s32 $0x8F2B, s0  }
0xbe: {  	[sflag:s0] =	ssyncadd.remote.s32 $0x1  }
0xbf: {  	_ =	sfence.sel $0xFFFF  }
0xc0: {  	[dreg:$0x0] =	wrdreg $0xFFFFFFFF;
	(pc) =	sbr.abs _section_cstart, $3  }
0xc1: {  	[dreg:$0x1] =	wrdreg $0xFFFFFFFF  }
0xc2: {  	_ =	task.clear_ibuf [dreg:s7], $0x2FFFF;
	_ =	strace $0x9FFFFFFF  }
0xc3: {  	(tm) =	ssettm $0x7FFFFFFF  }
tec
execute0_lowered:
.L_overlay_start_1:
0x0: {  	(tag) =	ssettag $0x1  }
0x1: {  	s0 =	rddreg [dreg:$0x0];
	s1 =	srdreg.scid  }
0x2: {  	s4 =	rddreg [dreg:$0x1];
	s11 =	stileid.u32  }
0x3: {  	s2 =	rddreg [dreg:$0x2];
	s3 =	simm.s32 $0x0;
	s23 =	simm.s32 $0x180  }
0x4: {  	s25 =	simm.s32 $0x200;
	s26 =	simm.s32 $0x280;
	s28 =	simm.s32 $0x3  }
0x5: {  	s29 =	simm.s32 $0x2;
	s30 =	simm.s32 $0x4;
	s31 =	simm.s32 $0x780  }
0x6: {  	s6 =	smul.u32 $0x2800, s11;
	[smem:$0x7FF] =	sst s3;
	s12 =	sadd.s32 $0x34800, s0  }
0x7: {  	s9 =	smul.u32 $0x50000, s11;
	_ =	strace $0x80000047;
	[dreg:$0x12] =	wrdreg s12  }
0x8: {  	s1 =	sand.u32 $0x1, s1;
	s19 =	smul.u32 $0x280, s11;
	[dreg:$0x6] =	wrdreg s23  }
0x9: {  	s5 =	smul.u32 $0x28000, s1;
	s13 =	ssub.s32 $0x2, s1;
	[dreg:$0x7] =	wrdreg s25  }
0xa: {  	s1 =	smul.u32 $0x2800, s1;
	[dreg:$0x8] =	wrdreg s26;
	s23 =	simm.s32 $0x580  }
0xb: {  	s25 =	simm.s32 $0x680;
	s26 =	simm.s32 $0x700;
	[dreg:$0xe] =	wrdreg s23  }
0xc: {  	s10 =	sshrl.u32 s13, $0x1;
	s14 =	sshrl.u32 s9, $0x2;
	[dreg:$0x10] =	wrdreg s25  }
0xd: {  	s9 =	sadd.s32 $0x200, s19;
	s23 =	simm.s32 $0x100;
	[dreg:$0x11] =	wrdreg s26  }
0xe: {  	s25 =	simm.s32 $0x4900;
	s26 =	simm.s32 $0x1;
	s5 =	sadd.s32 s6, s5  }
0xf: {  	s10 =	ssub.s32 s13, s10;
	s6 =	sadd.s32 s14, s2;
	s11 =	sadd.s32 s1, s19  }
0x10: {  	s14 =	sadd.s32 $0x80, s19;
	s7 =	sshrl.u32 s5, $0x3;
	s5 =	sadd.s32 $0xC800, s0  }
0x11: {  	s15 =	smax.u32 s10, $0x1;
	s16 =	sadd.s32 $0x4000, s6;
	s17 =	sadd.s32 $0x8000, s6  }
0x12: {  	s18 =	sadd.s32 $0xC000, s6;
	s12 =	sshll.u32 s11, $0x4;
	[dreg:$0x13] =	wrdreg s15  }
0x13: {  	s11 =	sadd.s32 $0x10000, s6;
	s13 =	sshll.u32 s14, $0x7;
	[dreg:$0x14] =	wrdreg s16  }
0x14: {  	s14 =	sadd.s32 s1, s14;
	s10 =	simm.s32 $0x380;
	[dreg:$0x15] =	wrdreg s17  }
0x15: {  	s8 =	sadd.s32 s7, s0;
	s0 =	sadd.s32 $0x35000, s0;
	[dreg:$0x16] =	wrdreg s18  }
0x16: {  	s13 =	sadd.s32 s13, s2;
	s15 =	sadd.s32 $0x100, s19;
	s14 =	sshll.u32 s14, $0x4  }
0x17: {  	s18 =	sadd.s32 $0x180, s19;
	s4 =	sadd.s32 s7, s4;
	s19 =	sshll.u32 s9, $0x7  }
0x18: {  	[dreg:$0xa] =	wrdreg s10;
	s12 =	sadd.s32 s0, s12;
	s16 =	sshll.u32 s15, $0x7  }
0x19: {  	s17 =	sadd.s32 s1, s15;
	s14 =	sadd.s32 s0, s14;
	s21 =	sshll.u32 s18, $0x7  }
0x1a: {  	[dreg:$0x4] =	wrdreg s4;
	s22 =	sadd.s32 $0x2800, s8;
	s24 =	sadd.s32 s1, s18  }
0x1b: {  	s8 =	simm.s32 $0x300;
	s19 =	sadd.s32 s19, s2;
	s1 =	sadd.s32 s1, s9  }
0x1c: {  	s4 =	simm.s32 $0x0;
	s15 =	sadd.s32 s16, s2;
	s20 =	sshll.u32 s17, $0x4  }
0x1d: {  	s17 =	sadd.s32 s21, s2;
	[dreg:$0x5] =	wrdreg s22;
	s7 =	sshll.u32 s24, $0x4  }
0x1e: {  	[dreg:$0x9] =	wrdreg s8;
	s21 =	simm.s32 $0x480;
	s22 =	simm.s32 $0x500  }
0x1f: {  	s1 =	sshll.u32 s1, $0x4;
	s24 =	simm.s32 $0x600;
	[dreg:$0xc] =	wrdreg s21  }
0x20: {  	s16 =	sadd.s32 s0, s20;
	s18 =	sadd.s32 s0, s7;
	[dreg:$0xd] =	wrdreg s22  }
0x21: {  	s20 =	simm.s32 $0x400;
	s21 =	simm.s32 $0x900;
	[dreg:$0xf] =	wrdreg s24  }
0x22: {  	s22 =	simm.s32 $0x5;
	s24 =	simm.s32 $0x80;
	[dreg:$0xb] =	wrdreg s20  }
0x23: {  	s20 =	sadd.s32 s0, s1;
	s1 =	simm.s32 $0x800;
	s0 =	simm.s32 $0x880  }
.LBB2_1:
0x24: {  	s7 =	rddreg [dreg:$0x12]  }
0x25: {  	[tilespmem:s21], [sflag:$0x5] =	stream.linear.gather [hbm4b:s7+s3], $0x4000, $0x38;
	[tilespmem:$0x1C900] =	vst v63  }
0x26: {  	_ =	swait.ge [sflag:s22], $0x4000  }
0x27: {  	[sflag:s22] =	ssyncset.done $0x0  }
0x28: {  	[sflag:s22] =	ssyncadd.s32 $0xFFFFC000  }
0x29: {  	[spmem:s6] =	stream.linear.scatter [tilespmem:s21], [sflag:$0x5], $0x4000, $0x38;
	[tilespmem:$0x1C900] =	vst v63  }
0x2a: {  	_ =	swait.ge [sflag:s22], $0x4000  }
0x2b: {  	[sflag:s22] =	ssyncset.done $0x0  }
0x2c: {  	s10 =	rddreg [dreg:$0x14];
	[sflag:s22] =	ssyncadd.s32 $0xFFFFC000  }
0x2d: {  	[spmem:s10] =	stream.linear.scatter [tilespmem:s21], [sflag:$0x5], $0x4000, $0x38;
	[tilespmem:$0x1C900] =	vst v63  }
0x2e: {  	_ =	swait.ge [sflag:s22], $0x4000  }
0x2f: {  	[sflag:s22] =	ssyncset.done $0x0  }
0x30: {  	s8 =	rddreg [dreg:$0x15];
	[sflag:s22] =	ssyncadd.s32 $0xFFFFC000  }
0x31: {  	[spmem:s8] =	stream.linear.scatter [tilespmem:s21], [sflag:$0x5], $0x4000, $0x38;
	[tilespmem:$0x1C900] =	vst v63  }
0x32: {  	_ =	swait.ge [sflag:s22], $0x4000  }
0x33: {  	[sflag:s22] =	ssyncset.done $0x0  }
0x34: {  	s9 =	rddreg [dreg:$0x16];
	[sflag:s22] =	ssyncadd.s32 $0xFFFFC000  }
0x35: {  	[spmem:s9] =	stream.linear.scatter [tilespmem:s21], [sflag:$0x5], $0x4000, $0x38;
	[tilespmem:$0x1C900] =	vst v63  }
0x36: {  	_ =	swait.ge [sflag:s22], $0x4000  }
0x37: {  	[sflag:s22] =	ssyncset.done $0x0  }
0x38: {  	[sflag:s22] =	ssyncadd.s32 $0xFFFFC000  }
0x39: {  	[spmem:s11] =	stream.linear.scatter [tilespmem:s21], [sflag:$0x5], $0x4000, $0x38;
	[tilespmem:$0x1C900] =	vst v63  }
0x3a: {  	_ =	swait.ge [sflag:s22], $0x4000  }
0x3b: {  	[sflag:s22] =	ssyncset.done $0x0  }
0x3c: {  	[sflag:s22] =	ssyncadd.s32 $0xFFFFC000  }
0x3d: {  	[bflag:$0x0] =	sbarrier.arrive $0xFFFF  }
0x3e: {  	s10 =	rddreg [dreg:$0x5]  }
0x3f: {  	s7 =	sadd.s32 $0x0, s10  }
0x40: {  	[tilespmem:s23], [sflag:$0x5] =	stream.linear.gather [hbm4b:s7+s3], $0x800, $0x38;
	[tilespmem:$0x1C900] =	vst v63  }
0x41: {  	_ =	swait.ge [sflag:s22], $0x800  }
0x42: {  	s8 =	rddreg [dreg:$0x4];
	[sflag:s22] =	ssyncset.done $0x0  }
0x43: {  	[sflag:s22] =	ssyncadd.s32 $0xFFFFF800;
	s7 =	sadd.s32 $0x0, s8  }
0x44: {  	[tilespmem:s3], [sflag:$0x3] =	stream.linear.gather [hbm4b:s7+s3], $0x80, $0x38;
	[tilespmem:$0x1C900] =	vst v63  }
0x45: {  	_ = 	snop  }
0x46: {  	[tilespmem:s21], [sflag:$0x1] =	stream.indirect.gather [hbm4b:s5+s24], $0x80, s23, s24, $0xb8;
	[tilespmem:$0x1C900] =	vst v63  }
0x47: {  	s8 =	sadd.s32 $0x10, s7  }
0x48: {  	[tilespmem:s24], [sflag:$0x4] =	stream.linear.gather [hbm4b:s8+s3], $0x80, $0x38;
	[tilespmem:$0x1C900] =	vst v63  }
0x49: {  	s9 =	rddreg [dreg:$0x6]  }
0x4a: {  	[tilespmem:s25], [sflag:$0x2] =	stream.indirect.gather [hbm4b:s5+s24], $0x80, s9, s24, $0xb8;
	[tilespmem:$0x1C900] =	vst v63  }
0x4b: {  	_ =	swait.ge [sflag:s26], $0x4000  }
0x4c: {  	[sflag:s26] =	ssyncset.done $0x0  }
0x4d: {  	[sflag:s26] =	ssyncadd.s32 $0xFFFFC000  }
0x4e: {  	_ =	swait.ge [sflag:s28], $0x80  }
0x4f: {  	[sflag:s28] =	ssyncset.done $0x0  }
0x50: {  	[sflag:s28] =	ssyncadd.s32 $0xFFFFFF80  }
0x51: {  	[spmem:s2] =	stream.indirect.scatter.add.f32 [tilespmem:s21], [sflag:$0x5], $0x80, s3, s24, $0xb8;
	[tilespmem:$0x1C900] =	vst v63  }
0x52: {  	_ =	swait.ge [sflag:s22], $0x4000  }
0x53: {  	[sflag:s22] =	ssyncset.done $0x0  }
0x54: {  	s9 =	sadd.s32 $0x20, s7;
	[sflag:s22] =	ssyncadd.s32 $0xFFFFC000  }
0x55: {  	[tilespmem:s3], [sflag:$0x3] =	stream.linear.gather [hbm4b:s9+s3], $0x80, $0x38;
	[tilespmem:$0x1C900] =	vst v63  }
0x56: {  	s10 =	rddreg [dreg:$0x7]  }
0x57: {  	[tilespmem:s21], [sflag:$0x1] =	stream.indirect.gather [hbm4b:s5+s24], $0x80, s10, s24, $0xb8;
	[tilespmem:$0x1C900] =	vst v63  }
0x58: {  	_ =	swait.ge [sflag:s29], $0x4000  }
0x59: {  	[sflag:s29] =	ssyncset.done $0x0  }
0x5a: {  	[sflag:s29] =	ssyncadd.s32 $0xFFFFC000  }
0x5b: {  	_ =	swait.ge [sflag:s30], $0x80  }
0x5c: {  	[sflag:s30] =	ssyncset.done $0x0  }
0x5d: {  	[sflag:s30] =	ssyncadd.s32 $0xFFFFFF80  }
0x5e: {  	[spmem:s2] =	stream.indirect.scatter.add.f32 [tilespmem:s25], [sflag:$0x5], $0x80, s24, s24, $0xb8;
	[tilespmem:$0x1C900] =	vst v63  }
0x5f: {  	_ =	swait.ge [sflag:s22], $0x4000  }
0x60: {  	[sflag:s22] =	ssyncset.done $0x0  }
0x61: {  	s9 =	sadd.s32 $0x30, s7;
	[sflag:s22] =	ssyncadd.s32 $0xFFFFC000  }
0x62: {  	[tilespmem:s24], [sflag:$0x4] =	stream.linear.gather [hbm4b:s9+s3], $0x80, $0x38;
	[tilespmem:$0x1C900] =	vst v63  }
0x63: {  	s10 =	rddreg [dreg:$0x8]  }
0x64: {  	[tilespmem:s25], [sflag:$0x2] =	stream.indirect.gather [hbm4b:s5+s24], $0x80, s10, s24, $0xb8;
	[tilespmem:$0x1C900] =	vst v63  }
0x65: {  	_ =	swait.ge [sflag:s26], $0x4000  }
0x66: {  	[sflag:s26] =	ssyncset.done $0x0  }
0x67: {  	[sflag:s26] =	ssyncadd.s32 $0xFFFFC000  }
0x68: {  	_ =	swait.ge [sflag:s28], $0x80  }
0x69: {  	[sflag:s28] =	ssyncset.done $0x0  }
0x6a: {  	[sflag:s28] =	ssyncadd.s32 $0xFFFFFF80  }
0x6b: {  	[spmem:s2] =	stream.indirect.scatter.add.f32 [tilespmem:s21], [sflag:$0x5], $0x80, s3, s24, $0xb8;
	[tilespmem:$0x1C900] =	vst v63  }
0x6c: {  	_ =	swait.ge [sflag:s22], $0x4000  }
0x6d: {  	[sflag:s22] =	ssyncset.done $0x0  }
0x6e: {  	s9 =	sadd.s32 $0x40, s7;
	[sflag:s22] =	ssyncadd.s32 $0xFFFFC000  }
0x6f: {  	[tilespmem:s3], [sflag:$0x3] =	stream.linear.gather [hbm4b:s9+s3], $0x80, $0x38;
	[tilespmem:$0x1C900] =	vst v63  }
0x70: {  	s10 =	rddreg [dreg:$0x9]  }
0x71: {  	[tilespmem:s21], [sflag:$0x1] =	stream.indirect.gather [hbm4b:s5+s24], $0x80, s10, s24, $0xb8;
	[tilespmem:$0x1C900] =	vst v63  }
0x72: {  	_ =	swait.ge [sflag:s29], $0x4000  }
0x73: {  	[sflag:s29] =	ssyncset.done $0x0  }
0x74: {  	[sflag:s29] =	ssyncadd.s32 $0xFFFFC000  }
0x75: {  	_ =	swait.ge [sflag:s30], $0x80  }
0x76: {  	[sflag:s30] =	ssyncset.done $0x0  }
0x77: {  	[sflag:s30] =	ssyncadd.s32 $0xFFFFFF80  }
0x78: {  	[spmem:s2] =	stream.indirect.scatter.add.f32 [tilespmem:s25], [sflag:$0x5], $0x80, s24, s24, $0xb8;
	[tilespmem:$0x1C900] =	vst v63  }
0x79: {  	_ =	swait.ge [sflag:s22], $0x4000  }
0x7a: {  	[sflag:s22] =	ssyncset.done $0x0  }
0x7b: {  	s9 =	sadd.s32 $0x50, s7;
	[sflag:s22] =	ssyncadd.s32 $0xFFFFC000  }
0x7c: {  	[tilespmem:s24], [sflag:$0x4] =	stream.linear.gather [hbm4b:s9+s3], $0x80, $0x38;
	[tilespmem:$0x1C900] =	vst v63  }
0x7d: {  	s10 =	rddreg [dreg:$0xa]  }
0x7e: {  	[tilespmem:s25], [sflag:$0x2] =	stream.indirect.gather [hbm4b:s5+s24], $0x80, s10, s24, $0xb8;
	[tilespmem:$0x1C900] =	vst v63  }
0x7f: {  	_ =	swait.ge [sflag:s26], $0x4000  }
0x80: {  	[sflag:s26] =	ssyncset.done $0x0  }
0x81: {  	[sflag:s26] =	ssyncadd.s32 $0xFFFFC000  }
0x82: {  	_ =	swait.ge [sflag:s28], $0x80  }
0x83: {  	[sflag:s28] =	ssyncset.done $0x0  }
0x84: {  	[sflag:s28] =	ssyncadd.s32 $0xFFFFFF80  }
0x85: {  	[spmem:s2] =	stream.indirect.scatter.add.f32 [tilespmem:s21], [sflag:$0x5], $0x80, s3, s24, $0xb8;
	[tilespmem:$0x1C900] =	vst v63  }
0x86: {  	_ =	swait.ge [sflag:s22], $0x4000  }
0x87: {  	[sflag:s22] =	ssyncset.done $0x0  }
0x88: {  	s9 =	sadd.s32 $0x60, s7;
	[sflag:s22] =	ssyncadd.s32 $0xFFFFC000  }
0x89: {  	[tilespmem:s3], [sflag:$0x3] =	stream.linear.gather [hbm4b:s9+s3], $0x80, $0x38;
	[tilespmem:$0x1C900] =	vst v63  }
0x8a: {  	s10 =	rddreg [dreg:$0xb]  }
0x8b: {  	[tilespmem:s21], [sflag:$0x1] =	stream.indirect.gather [hbm4b:s5+s24], $0x80, s10, s24, $0xb8;
	[tilespmem:$0x1C900] =	vst v63  }
0x8c: {  	_ =	swait.ge [sflag:s29], $0x4000  }
0x8d: {  	[sflag:s29] =	ssyncset.done $0x0  }
0x8e: {  	[sflag:s29] =	ssyncadd.s32 $0xFFFFC000  }
0x8f: {  	_ =	swait.ge [sflag:s30], $0x80  }
0x90: {  	[sflag:s30] =	ssyncset.done $0x0  }
0x91: {  	[sflag:s30] =	ssyncadd.s32 $0xFFFFFF80  }
0x92: {  	[spmem:s2] =	stream.indirect.scatter.add.f32 [tilespmem:s25], [sflag:$0x5], $0x80, s24, s24, $0xb8;
	[tilespmem:$0x1C900] =	vst v63  }
0x93: {  	_ =	swait.ge [sflag:s22], $0x4000  }
0x94: {  	[sflag:s22] =	ssyncset.done $0x0  }
0x95: {  	s9 =	sadd.s32 $0x70, s7;
	[sflag:s22] =	ssyncadd.s32 $0xFFFFC000  }
0x96: {  	[tilespmem:s24], [sflag:$0x4] =	stream.linear.gather [hbm4b:s9+s3], $0x80, $0x38;
	[tilespmem:$0x1C900] =	vst v63  }
0x97: {  	s10 =	rddreg [dreg:$0xc]  }
0x98: {  	[tilespmem:s25], [sflag:$0x2] =	stream.indirect.gather [hbm4b:s5+s24], $0x80, s10, s24, $0xb8;
	[tilespmem:$0x1C900] =	vst v63  }
0x99: {  	_ =	swait.ge [sflag:s26], $0x4000  }
0x9a: {  	[sflag:s26] =	ssyncset.done $0x0  }
0x9b: {  	[sflag:s26] =	ssyncadd.s32 $0xFFFFC000  }
0x9c: {  	_ =	swait.ge [sflag:s28], $0x80  }
0x9d: {  	[sflag:s28] =	ssyncset.done $0x0  }
0x9e: {  	[sflag:s28] =	ssyncadd.s32 $0xFFFFFF80  }
0x9f: {  	[spmem:s2] =	stream.indirect.scatter.add.f32 [tilespmem:s21], [sflag:$0x5], $0x80, s3, s24, $0xb8;
	[tilespmem:$0x1C900] =	vst v63  }
0xa0: {  	_ =	swait.ge [sflag:s22], $0x4000  }
0xa1: {  	[sflag:s22] =	ssyncset.done $0x0  }
0xa2: {  	s9 =	sadd.s32 $0x80, s7;
	[sflag:s22] =	ssyncadd.s32 $0xFFFFC000  }
0xa3: {  	[tilespmem:s3], [sflag:$0x3] =	stream.linear.gather [hbm4b:s9+s3], $0x80, $0x38;
	[tilespmem:$0x1C900] =	vst v63  }
0xa4: {  	s10 =	rddreg [dreg:$0xd]  }
0xa5: {  	[tilespmem:s21], [sflag:$0x1] =	stream.indirect.gather [hbm4b:s5+s24], $0x80, s10, s24, $0xb8;
	[tilespmem:$0x1C900] =	vst v63  }
0xa6: {  	_ =	swait.ge [sflag:s29], $0x4000  }
0xa7: {  	[sflag:s29] =	ssyncset.done $0x0  }
0xa8: {  	[sflag:s29] =	ssyncadd.s32 $0xFFFFC000  }
0xa9: {  	_ =	swait.ge [sflag:s30], $0x80  }
0xaa: {  	[sflag:s30] =	ssyncset.done $0x0  }
0xab: {  	[sflag:s30] =	ssyncadd.s32 $0xFFFFFF80  }
0xac: {  	[spmem:s2] =	stream.indirect.scatter.add.f32 [tilespmem:s25], [sflag:$0x5], $0x80, s24, s24, $0xb8;
	[tilespmem:$0x1C900] =	vst v63  }
0xad: {  	_ =	swait.ge [sflag:s22], $0x4000  }
0xae: {  	[sflag:s22] =	ssyncset.done $0x0  }
0xaf: {  	s9 =	sadd.s32 $0x90, s7;
	[sflag:s22] =	ssyncadd.s32 $0xFFFFC000  }
0xb0: {  	[tilespmem:s24], [sflag:$0x4] =	stream.linear.gather [hbm4b:s9+s3], $0x80, $0x38;
	[tilespmem:$0x1C900] =	vst v63  }
0xb1: {  	s10 =	rddreg [dreg:$0xe]  }
0xb2: {  	[tilespmem:s25], [sflag:$0x2] =	stream.indirect.gather [hbm4b:s5+s24], $0x80, s10, s24, $0xb8;
	[tilespmem:$0x1C900] =	vst v63  }
0xb3: {  	_ =	swait.ge [sflag:s26], $0x4000  }
0xb4: {  	[sflag:s26] =	ssyncset.done $0x0  }
0xb5: {  	[sflag:s26] =	ssyncadd.s32 $0xFFFFC000  }
0xb6: {  	_ =	swait.ge [sflag:s28], $0x80  }
0xb7: {  	[sflag:s28] =	ssyncset.done $0x0  }
0xb8: {  	[sflag:s28] =	ssyncadd.s32 $0xFFFFFF80  }
0xb9: {  	[spmem:s2] =	stream.indirect.scatter.add.f32 [tilespmem:s21], [sflag:$0x5], $0x80, s3, s24, $0xb8;
	[tilespmem:$0x1C900] =	vst v63  }
0xba: {  	_ =	swait.ge [sflag:s22], $0x4000  }
0xbb: {  	[sflag:s22] =	ssyncset.done $0x0  }
0xbc: {  	s9 =	sadd.s32 $0xA0, s7;
	[sflag:s22] =	ssyncadd.s32 $0xFFFFC000  }
0xbd: {  	[tilespmem:s3], [sflag:$0x3] =	stream.linear.gather [hbm4b:s9+s3], $0x80, $0x38;
	[tilespmem:$0x1C900] =	vst v63  }
0xbe: {  	s10 =	rddreg [dreg:$0xf]  }
0xbf: {  	[tilespmem:s21], [sflag:$0x1] =	stream.indirect.gather [hbm4b:s5+s24], $0x80, s10, s24, $0xb8;
	[tilespmem:$0x1C900] =	vst v63  }
0xc0: {  	_ =	swait.ge [sflag:s29], $0x4000  }
0xc1: {  	[sflag:s29] =	ssyncset.done $0x0  }
0xc2: {  	[sflag:s29] =	ssyncadd.s32 $0xFFFFC000  }
0xc3: {  	_ =	swait.ge [sflag:s30], $0x80  }
0xc4: {  	[sflag:s30] =	ssyncset.done $0x0  }
0xc5: {  	[sflag:s30] =	ssyncadd.s32 $0xFFFFFF80  }
0xc6: {  	[spmem:s2] =	stream.indirect.scatter.add.f32 [tilespmem:s25], [sflag:$0x5], $0x80, s24, s24, $0xb8;
	[tilespmem:$0x1C900] =	vst v63  }
0xc7: {  	_ =	swait.ge [sflag:s22], $0x4000  }
0xc8: {  	[sflag:s22] =	ssyncset.done $0x0  }
0xc9: {  	s9 =	sadd.s32 $0xB0, s7;
	[sflag:s22] =	ssyncadd.s32 $0xFFFFC000  }
0xca: {  	[tilespmem:s24], [sflag:$0x4] =	stream.linear.gather [hbm4b:s9+s3], $0x80, $0x38;
	[tilespmem:$0x1C900] =	vst v63  }
0xcb: {  	s10 =	rddreg [dreg:$0x10]  }
0xcc: {  	[tilespmem:s25], [sflag:$0x2] =	stream.indirect.gather [hbm4b:s5+s24], $0x80, s10, s24, $0xb8;
	[tilespmem:$0x1C900] =	vst v63  }
0xcd: {  	_ =	swait.ge [sflag:s26], $0x4000  }
0xce: {  	[sflag:s26] =	ssyncset.done $0x0  }
0xcf: {  	[sflag:s26] =	ssyncadd.s32 $0xFFFFC000  }
0xd0: {  	_ =	swait.ge [sflag:s28], $0x80  }
0xd1: {  	[sflag:s28] =	ssyncset.done $0x0  }
0xd2: {  	[sflag:s28] =	ssyncadd.s32 $0xFFFFFF80  }
0xd3: {  	[spmem:s2] =	stream.indirect.scatter.add.f32 [tilespmem:s21], [sflag:$0x5], $0x80, s3, s24, $0xb8;
	[tilespmem:$0x1C900] =	vst v63  }
0xd4: {  	_ =	swait.ge [sflag:s22], $0x4000  }
0xd5: {  	[sflag:s22] =	ssyncset.done $0x0  }
0xd6: {  	s9 =	sadd.s32 $0xC0, s7;
	[sflag:s22] =	ssyncadd.s32 $0xFFFFC000  }
0xd7: {  	[tilespmem:s3], [sflag:$0x3] =	stream.linear.gather [hbm4b:s9+s3], $0x80, $0x38;
	[tilespmem:$0x1C900] =	vst v63  }
0xd8: {  	s10 =	rddreg [dreg:$0x11]  }
0xd9: {  	[tilespmem:s21], [sflag:$0x1] =	stream.indirect.gather [hbm4b:s5+s24], $0x80, s10, s24, $0xb8;
	[tilespmem:$0x1C900] =	vst v63  }
0xda: {  	_ =	swait.ge [sflag:s29], $0x4000  }
0xdb: {  	[sflag:s29] =	ssyncset.done $0x0  }
0xdc: {  	[sflag:s29] =	ssyncadd.s32 $0xFFFFC000  }
0xdd: {  	_ =	swait.ge [sflag:s30], $0x80  }
0xde: {  	[sflag:s30] =	ssyncset.done $0x0  }
0xdf: {  	[sflag:s30] =	ssyncadd.s32 $0xFFFFFF80  }
0xe0: {  	[spmem:s2] =	stream.indirect.scatter.add.f32 [tilespmem:s25], [sflag:$0x5], $0x80, s24, s24, $0xb8;
	[tilespmem:$0x1C900] =	vst v63  }
0xe1: {  	_ =	swait.ge [sflag:s22], $0x4000  }
0xe2: {  	[sflag:s22] =	ssyncset.done $0x0  }
0xe3: {  	s9 =	sadd.s32 $0xD0, s7;
	[sflag:s22] =	ssyncadd.s32 $0xFFFFC000  }
0xe4: {  	[tilespmem:s24], [sflag:$0x4] =	stream.linear.gather [hbm4b:s9+s3], $0x80, $0x38;
	[tilespmem:$0x1C900] =	vst v63  }
0xe5: {  	_ = 	snop  }
0xe6: {  	[tilespmem:s25], [sflag:$0x2] =	stream.indirect.gather [hbm4b:s5+s24], $0x80, s31, s24, $0xb8;
	[tilespmem:$0x1C900] =	vst v63  }
0xe7: {  	_ =	swait.ge [sflag:s26], $0x4000  }
0xe8: {  	[sflag:s26] =	ssyncset.done $0x0  }
0xe9: {  	[sflag:s26] =	ssyncadd.s32 $0xFFFFC000  }
0xea: {  	_ =	swait.ge [sflag:s28], $0x80  }
0xeb: {  	[sflag:s28] =	ssyncset.done $0x0  }
0xec: {  	[sflag:s28] =	ssyncadd.s32 $0xFFFFFF80  }
0xed: {  	[spmem:s2] =	stream.indirect.scatter.add.f32 [tilespmem:s21], [sflag:$0x5], $0x80, s3, s24, $0xb8;
	[tilespmem:$0x1C900] =	vst v63  }
0xee: {  	_ =	swait.ge [sflag:s22], $0x4000  }
0xef: {  	[sflag:s22] =	ssyncset.done $0x0  }
0xf0: {  	s10 =	sadd.s32 $0xE0, s7;
	[sflag:s22] =	ssyncadd.s32 $0xFFFFC000  }
0xf1: {  	[tilespmem:s3], [sflag:$0x3] =	stream.linear.gather [hbm4b:s10+s3], $0x80, $0x38;
	[tilespmem:$0x1C900] =	vst v63  }
0xf2: {  	_ = 	snop  }
0xf3: {  	[tilespmem:s21], [sflag:$0x1] =	stream.indirect.gather [hbm4b:s5+s24], $0x80, s1, s24, $0xb8;
	[tilespmem:$0x1C900] =	vst v63  }
0xf4: {  	_ =	swait.ge [sflag:s29], $0x4000  }
0xf5: {  	[sflag:s29] =	ssyncset.done $0x0  }
0xf6: {  	[sflag:s29] =	ssyncadd.s32 $0xFFFFC000  }
0xf7: {  	_ =	swait.ge [sflag:s30], $0x80  }
0xf8: {  	[sflag:s30] =	ssyncset.done $0x0  }
0xf9: {  	[sflag:s30] =	ssyncadd.s32 $0xFFFFFF80  }
0xfa: {  	[spmem:s2] =	stream.indirect.scatter.add.f32 [tilespmem:s25], [sflag:$0x5], $0x80, s24, s24, $0xb8;
	[tilespmem:$0x1C900] =	vst v63  }
0xfb: {  	_ =	swait.ge [sflag:s22], $0x4000  }
0xfc: {  	[sflag:s22] =	ssyncset.done $0x0  }
0xfd: {  	s7 =	sadd.s32 $0xF0, s7;
	[sflag:s22] =	ssyncadd.s32 $0xFFFFC000  }
0xfe: {  	[tilespmem:s24], [sflag:$0x4] =	stream.linear.gather [hbm4b:s7+s3], $0x80, $0x38;
	[tilespmem:$0x1C900] =	vst v63  }
0xff: {  	_ = 	snop  }
0x100: {  	[tilespmem:s25], [sflag:$0x2] =	stream.indirect.gather [hbm4b:s5+s24], $0x80, s0, s24, $0xb8;
	[tilespmem:$0x1C900] =	vst v63  }
0x101: {  	_ =	swait.ge [sflag:s26], $0x4000  }
0x102: {  	[sflag:s26] =	ssyncset.done $0x0  }
0x103: {  	[sflag:s26] =	ssyncadd.s32 $0xFFFFC000  }
0x104: {  	_ =	swait.ge [sflag:s28], $0x80  }
0x105: {  	[sflag:s28] =	ssyncset.done $0x0  }
0x106: {  	[sflag:s28] =	ssyncadd.s32 $0xFFFFFF80  }
0x107: {  	[spmem:s2] =	stream.indirect.scatter.add.f32 [tilespmem:s21], [sflag:$0x5], $0x80, s3, s24, $0xb8;
	[tilespmem:$0x1C900] =	vst v63  }
0x108: {  	_ =	swait.ge [sflag:s22], $0x4000  }
0x109: {  	[sflag:s22] =	ssyncset.done $0x0  }
0x10a: {  	[sflag:s22] =	ssyncadd.s32 $0xFFFFC000  }
0x10b: {  	_ =	swait.ge [sflag:s29], $0x4000  }
0x10c: {  	[sflag:s29] =	ssyncset.done $0x0  }
0x10d: {  	[sflag:s29] =	ssyncadd.s32 $0xFFFFC000  }
0x10e: {  	_ =	swait.ge [sflag:s30], $0x80  }
0x10f: {  	[sflag:s30] =	ssyncset.done $0x0  }
0x110: {  	[sflag:s30] =	ssyncadd.s32 $0xFFFFFF80  }
0x111: {  	[spmem:s2] =	stream.indirect.scatter.add.f32 [tilespmem:s25], [sflag:$0x5], $0x80, s24, s24, $0xb8;
	[tilespmem:$0x1C900] =	vst v63  }
0x112: {  	s7 =	simm.s32 $0x100;
	_ =	swait.ge [sflag:s22], $0x4000  }
.LBB2_2:
0x113: {  	s8 =	rddreg [dreg:$0x5];
	s9 =	smov.u32 s7;
	[sflag:s22] =	ssyncset.done $0x0  }
0x114: {  	s8 =	sadd.s32 s9, s8;
	[sflag:s22] =	ssyncadd.s32 $0xFFFFC000  }
0x115: {  	[tilespmem:s23], [sflag:$0x5] =	stream.linear.gather [hbm4b:s8+s3], $0x800, $0x38;
	[tilespmem:$0x1C900] =	vst v63  }
0x116: {  	_ =	swait.ge [sflag:s22], $0x800  }
0x117: {  	s10 =	rddreg [dreg:$0x4];
	[sflag:s22] =	ssyncset.done $0x0  }
0x118: {  	[sflag:s22] =	ssyncadd.s32 $0xFFFFF800;
	s8 =	sadd.s32 s9, s10  }
0x119: {  	[tilespmem:s3], [sflag:$0x3] =	stream.linear.gather [hbm4b:s8+s3], $0x80, $0x38;
	[tilespmem:$0x1C900] =	vst v63  }
0x11a: {  	_ = 	snop  }
0x11b: {  	[tilespmem:s21], [sflag:$0x1] =	stream.indirect.gather [hbm4b:s5+s24], $0x80, s23, s24, $0xb8;
	[tilespmem:$0x1C900] =	vst v63  }
0x11c: {  	s9 =	sadd.s32 $0x10, s8  }
0x11d: {  	[tilespmem:s24], [sflag:$0x4] =	stream.linear.gather [hbm4b:s9+s3], $0x80, $0x38;
	[tilespmem:$0x1C900] =	vst v63  }
0x11e: {  	s10 =	rddreg [dreg:$0x6]  }
0x11f: {  	[tilespmem:s25], [sflag:$0x2] =	stream.indirect.gather [hbm4b:s5+s24], $0x80, s10, s24, $0xb8;
	[tilespmem:$0x1C900] =	vst v63  }
0x120: {  	_ =	swait.ge [sflag:s26], $0x4000  }
0x121: {  	[sflag:s26] =	ssyncset.done $0x0  }
0x122: {  	[sflag:s26] =	ssyncadd.s32 $0xFFFFC000  }
0x123: {  	_ =	swait.ge [sflag:s28], $0x80  }
0x124: {  	[sflag:s28] =	ssyncset.done $0x0  }
0x125: {  	[sflag:s28] =	ssyncadd.s32 $0xFFFFFF80  }
0x126: {  	[spmem:s2] =	stream.indirect.scatter.add.f32 [tilespmem:s21], [sflag:$0x5], $0x80, s3, s24, $0xb8;
	[tilespmem:$0x1C900] =	vst v63  }
0x127: {  	_ =	swait.ge [sflag:s22], $0x4000  }
0x128: {  	[sflag:s22] =	ssyncset.done $0x0  }
0x129: {  	s9 =	sadd.s32 $0x20, s8;
	[sflag:s22] =	ssyncadd.s32 $0xFFFFC000  }
0x12a: {  	[tilespmem:s3], [sflag:$0x3] =	stream.linear.gather [hbm4b:s9+s3], $0x80, $0x38;
	[tilespmem:$0x1C900] =	vst v63  }
0x12b: {  	s10 =	rddreg [dreg:$0x7]  }
0x12c: {  	[tilespmem:s21], [sflag:$0x1] =	stream.indirect.gather [hbm4b:s5+s24], $0x80, s10, s24, $0xb8;
	[tilespmem:$0x1C900] =	vst v63  }
0x12d: {  	_ =	swait.ge [sflag:s29], $0x4000  }
0x12e: {  	[sflag:s29] =	ssyncset.done $0x0  }
0x12f: {  	[sflag:s29] =	ssyncadd.s32 $0xFFFFC000  }
0x130: {  	_ =	swait.ge [sflag:s30], $0x80  }
0x131: {  	[sflag:s30] =	ssyncset.done $0x0  }
0x132: {  	[sflag:s30] =	ssyncadd.s32 $0xFFFFFF80  }
0x133: {  	[spmem:s2] =	stream.indirect.scatter.add.f32 [tilespmem:s25], [sflag:$0x5], $0x80, s24, s24, $0xb8;
	[tilespmem:$0x1C900] =	vst v63  }
0x134: {  	_ =	swait.ge [sflag:s22], $0x4000  }
0x135: {  	[sflag:s22] =	ssyncset.done $0x0  }
0x136: {  	s9 =	sadd.s32 $0x30, s8;
	[sflag:s22] =	ssyncadd.s32 $0xFFFFC000  }
0x137: {  	[tilespmem:s24], [sflag:$0x4] =	stream.linear.gather [hbm4b:s9+s3], $0x80, $0x38;
	[tilespmem:$0x1C900] =	vst v63  }
0x138: {  	s10 =	rddreg [dreg:$0x8]  }
0x139: {  	[tilespmem:s25], [sflag:$0x2] =	stream.indirect.gather [hbm4b:s5+s24], $0x80, s10, s24, $0xb8;
	[tilespmem:$0x1C900] =	vst v63  }
0x13a: {  	_ =	swait.ge [sflag:s26], $0x4000  }
0x13b: {  	[sflag:s26] =	ssyncset.done $0x0  }
0x13c: {  	[sflag:s26] =	ssyncadd.s32 $0xFFFFC000  }
0x13d: {  	_ =	swait.ge [sflag:s28], $0x80  }
0x13e: {  	[sflag:s28] =	ssyncset.done $0x0  }
0x13f: {  	[sflag:s28] =	ssyncadd.s32 $0xFFFFFF80  }
0x140: {  	[spmem:s2] =	stream.indirect.scatter.add.f32 [tilespmem:s21], [sflag:$0x5], $0x80, s3, s24, $0xb8;
	[tilespmem:$0x1C900] =	vst v63  }
0x141: {  	_ =	swait.ge [sflag:s22], $0x4000  }
0x142: {  	[sflag:s22] =	ssyncset.done $0x0  }
0x143: {  	s9 =	sadd.s32 $0x40, s8;
	[sflag:s22] =	ssyncadd.s32 $0xFFFFC000  }
0x144: {  	[tilespmem:s3], [sflag:$0x3] =	stream.linear.gather [hbm4b:s9+s3], $0x80, $0x38;
	[tilespmem:$0x1C900] =	vst v63  }
0x145: {  	s10 =	rddreg [dreg:$0x9]  }
0x146: {  	[tilespmem:s21], [sflag:$0x1] =	stream.indirect.gather [hbm4b:s5+s24], $0x80, s10, s24, $0xb8;
	[tilespmem:$0x1C900] =	vst v63  }
0x147: {  	_ =	swait.ge [sflag:s29], $0x4000  }
0x148: {  	[sflag:s29] =	ssyncset.done $0x0  }
0x149: {  	[sflag:s29] =	ssyncadd.s32 $0xFFFFC000  }
0x14a: {  	_ =	swait.ge [sflag:s30], $0x80  }
0x14b: {  	[sflag:s30] =	ssyncset.done $0x0  }
0x14c: {  	[sflag:s30] =	ssyncadd.s32 $0xFFFFFF80  }
0x14d: {  	[spmem:s2] =	stream.indirect.scatter.add.f32 [tilespmem:s25], [sflag:$0x5], $0x80, s24, s24, $0xb8;
	[tilespmem:$0x1C900] =	vst v63  }
0x14e: {  	_ =	swait.ge [sflag:s22], $0x4000  }
0x14f: {  	[sflag:s22] =	ssyncset.done $0x0  }
0x150: {  	s9 =	sadd.s32 $0x50, s8;
	[sflag:s22] =	ssyncadd.s32 $0xFFFFC000  }
0x151: {  	[tilespmem:s24], [sflag:$0x4] =	stream.linear.gather [hbm4b:s9+s3], $0x80, $0x38;
	[tilespmem:$0x1C900] =	vst v63  }
0x152: {  	s10 =	rddreg [dreg:$0xa]  }
0x153: {  	[tilespmem:s25], [sflag:$0x2] =	stream.indirect.gather [hbm4b:s5+s24], $0x80, s10, s24, $0xb8;
	[tilespmem:$0x1C900] =	vst v63  }
0x154: {  	_ =	swait.ge [sflag:s26], $0x4000  }
0x155: {  	[sflag:s26] =	ssyncset.done $0x0  }
0x156: {  	[sflag:s26] =	ssyncadd.s32 $0xFFFFC000  }
0x157: {  	_ =	swait.ge [sflag:s28], $0x80  }
0x158: {  	[sflag:s28] =	ssyncset.done $0x0  }
0x159: {  	[sflag:s28] =	ssyncadd.s32 $0xFFFFFF80  }
0x15a: {  	[spmem:s2] =	stream.indirect.scatter.add.f32 [tilespmem:s21], [sflag:$0x5], $0x80, s3, s24, $0xb8;
	[tilespmem:$0x1C900] =	vst v63  }
0x15b: {  	_ =	swait.ge [sflag:s22], $0x4000  }
0x15c: {  	[sflag:s22] =	ssyncset.done $0x0  }
0x15d: {  	s9 =	sadd.s32 $0x60, s8;
	[sflag:s22] =	ssyncadd.s32 $0xFFFFC000  }
0x15e: {  	[tilespmem:s3], [sflag:$0x3] =	stream.linear.gather [hbm4b:s9+s3], $0x80, $0x38;
	[tilespmem:$0x1C900] =	vst v63  }
0x15f: {  	s10 =	rddreg [dreg:$0xb]  }
0x160: {  	[tilespmem:s21], [sflag:$0x1] =	stream.indirect.gather [hbm4b:s5+s24], $0x80, s10, s24, $0xb8;
	[tilespmem:$0x1C900] =	vst v63  }
0x161: {  	_ =	swait.ge [sflag:s29], $0x4000  }
0x162: {  	[sflag:s29] =	ssyncset.done $0x0  }
0x163: {  	[sflag:s29] =	ssyncadd.s32 $0xFFFFC000  }
0x164: {  	_ =	swait.ge [sflag:s30], $0x80  }
0x165: {  	[sflag:s30] =	ssyncset.done $0x0  }
0x166: {  	[sflag:s30] =	ssyncadd.s32 $0xFFFFFF80  }
0x167: {  	[spmem:s2] =	stream.indirect.scatter.add.f32 [tilespmem:s25], [sflag:$0x5], $0x80, s24, s24, $0xb8;
	[tilespmem:$0x1C900] =	vst v63  }
0x168: {  	_ =	swait.ge [sflag:s22], $0x4000  }
0x169: {  	[sflag:s22] =	ssyncset.done $0x0  }
0x16a: {  	s9 =	sadd.s32 $0x70, s8;
	[sflag:s22] =	ssyncadd.s32 $0xFFFFC000  }
0x16b: {  	[tilespmem:s24], [sflag:$0x4] =	stream.linear.gather [hbm4b:s9+s3], $0x80, $0x38;
	[tilespmem:$0x1C900] =	vst v63  }
0x16c: {  	s10 =	rddreg [dreg:$0xc]  }
0x16d: {  	[tilespmem:s25], [sflag:$0x2] =	stream.indirect.gather [hbm4b:s5+s24], $0x80, s10, s24, $0xb8;
	[tilespmem:$0x1C900] =	vst v63  }
0x16e: {  	_ =	swait.ge [sflag:s26], $0x4000  }
0x16f: {  	[sflag:s26] =	ssyncset.done $0x0  }
0x170: {  	[sflag:s26] =	ssyncadd.s32 $0xFFFFC000  }
0x171: {  	_ =	swait.ge [sflag:s28], $0x80  }
0x172: {  	[sflag:s28] =	ssyncset.done $0x0  }
0x173: {  	[sflag:s28] =	ssyncadd.s32 $0xFFFFFF80  }
0x174: {  	[spmem:s2] =	stream.indirect.scatter.add.f32 [tilespmem:s21], [sflag:$0x5], $0x80, s3, s24, $0xb8;
	[tilespmem:$0x1C900] =	vst v63  }
0x175: {  	_ =	swait.ge [sflag:s22], $0x4000  }
0x176: {  	[sflag:s22] =	ssyncset.done $0x0  }
0x177: {  	s9 =	sadd.s32 $0x80, s8;
	[sflag:s22] =	ssyncadd.s32 $0xFFFFC000  }
0x178: {  	[tilespmem:s3], [sflag:$0x3] =	stream.linear.gather [hbm4b:s9+s3], $0x80, $0x38;
	[tilespmem:$0x1C900] =	vst v63  }
0x179: {  	s10 =	rddreg [dreg:$0xd]  }
0x17a: {  	[tilespmem:s21], [sflag:$0x1] =	stream.indirect.gather [hbm4b:s5+s24], $0x80, s10, s24, $0xb8;
	[tilespmem:$0x1C900] =	vst v63  }
0x17b: {  	_ =	swait.ge [sflag:s29], $0x4000  }
0x17c: {  	[sflag:s29] =	ssyncset.done $0x0  }
0x17d: {  	[sflag:s29] =	ssyncadd.s32 $0xFFFFC000  }
0x17e: {  	_ =	swait.ge [sflag:s30], $0x80  }
0x17f: {  	[sflag:s30] =	ssyncset.done $0x0  }
0x180: {  	[sflag:s30] =	ssyncadd.s32 $0xFFFFFF80  }
0x181: {  	[spmem:s2] =	stream.indirect.scatter.add.f32 [tilespmem:s25], [sflag:$0x5], $0x80, s24, s24, $0xb8;
	[tilespmem:$0x1C900] =	vst v63  }
0x182: {  	_ =	swait.ge [sflag:s22], $0x4000  }
0x183: {  	[sflag:s22] =	ssyncset.done $0x0  }
0x184: {  	s9 =	sadd.s32 $0x90, s8;
	[sflag:s22] =	ssyncadd.s32 $0xFFFFC000  }
0x185: {  	[tilespmem:s24], [sflag:$0x4] =	stream.linear.gather [hbm4b:s9+s3], $0x80, $0x38;
	[tilespmem:$0x1C900] =	vst v63  }
0x186: {  	s10 =	rddreg [dreg:$0xe]  }
0x187: {  	[tilespmem:s25], [sflag:$0x2] =	stream.indirect.gather [hbm4b:s5+s24], $0x80, s10, s24, $0xb8;
	[tilespmem:$0x1C900] =	vst v63  }
0x188: {  	_ =	swait.ge [sflag:s26], $0x4000  }
0x189: {  	[sflag:s26] =	ssyncset.done $0x0  }
0x18a: {  	[sflag:s26] =	ssyncadd.s32 $0xFFFFC000  }
0x18b: {  	_ =	swait.ge [sflag:s28], $0x80  }
0x18c: {  	[sflag:s28] =	ssyncset.done $0x0  }
0x18d: {  	[sflag:s28] =	ssyncadd.s32 $0xFFFFFF80  }
0x18e: {  	[spmem:s2] =	stream.indirect.scatter.add.f32 [tilespmem:s21], [sflag:$0x5], $0x80, s3, s24, $0xb8;
	[tilespmem:$0x1C900] =	vst v63  }
0x18f: {  	_ =	swait.ge [sflag:s22], $0x4000  }
0x190: {  	[sflag:s22] =	ssyncset.done $0x0  }
0x191: {  	s9 =	sadd.s32 $0xA0, s8;
	[sflag:s22] =	ssyncadd.s32 $0xFFFFC000  }
0x192: {  	[tilespmem:s3], [sflag:$0x3] =	stream.linear.gather [hbm4b:s9+s3], $0x80, $0x38;
	[tilespmem:$0x1C900] =	vst v63  }
0x193: {  	s10 =	rddreg [dreg:$0xf]  }
0x194: {  	[tilespmem:s21], [sflag:$0x1] =	stream.indirect.gather [hbm4b:s5+s24], $0x80, s10, s24, $0xb8;
	[tilespmem:$0x1C900] =	vst v63  }
0x195: {  	_ =	swait.ge [sflag:s29], $0x4000  }
0x196: {  	[sflag:s29] =	ssyncset.done $0x0  }
0x197: {  	[sflag:s29] =	ssyncadd.s32 $0xFFFFC000  }
0x198: {  	_ =	swait.ge [sflag:s30], $0x80  }
0x199: {  	[sflag:s30] =	ssyncset.done $0x0  }
0x19a: {  	[sflag:s30] =	ssyncadd.s32 $0xFFFFFF80  }
0x19b: {  	[spmem:s2] =	stream.indirect.scatter.add.f32 [tilespmem:s25], [sflag:$0x5], $0x80, s24, s24, $0xb8;
	[tilespmem:$0x1C900] =	vst v63  }
0x19c: {  	_ =	swait.ge [sflag:s22], $0x4000  }
0x19d: {  	[sflag:s22] =	ssyncset.done $0x0  }
0x19e: {  	s9 =	sadd.s32 $0xB0, s8;
	[sflag:s22] =	ssyncadd.s32 $0xFFFFC000  }
0x19f: {  	[tilespmem:s24], [sflag:$0x4] =	stream.linear.gather [hbm4b:s9+s3], $0x80, $0x38;
	[tilespmem:$0x1C900] =	vst v63  }
0x1a0: {  	s10 =	rddreg [dreg:$0x10]  }
0x1a1: {  	[tilespmem:s25], [sflag:$0x2] =	stream.indirect.gather [hbm4b:s5+s24], $0x80, s10, s24, $0xb8;
	[tilespmem:$0x1C900] =	vst v63  }
0x1a2: {  	_ =	swait.ge [sflag:s26], $0x4000  }
0x1a3: {  	[sflag:s26] =	ssyncset.done $0x0  }
0x1a4: {  	[sflag:s26] =	ssyncadd.s32 $0xFFFFC000  }
0x1a5: {  	_ =	swait.ge [sflag:s28], $0x80  }
0x1a6: {  	[sflag:s28] =	ssyncset.done $0x0  }
0x1a7: {  	[sflag:s28] =	ssyncadd.s32 $0xFFFFFF80  }
0x1a8: {  	[spmem:s2] =	stream.indirect.scatter.add.f32 [tilespmem:s21], [sflag:$0x5], $0x80, s3, s24, $0xb8;
	[tilespmem:$0x1C900] =	vst v63  }
0x1a9: {  	_ =	swait.ge [sflag:s22], $0x4000  }
0x1aa: {  	[sflag:s22] =	ssyncset.done $0x0  }
0x1ab: {  	s9 =	sadd.s32 $0xC0, s8;
	[sflag:s22] =	ssyncadd.s32 $0xFFFFC000  }
0x1ac: {  	[tilespmem:s3], [sflag:$0x3] =	stream.linear.gather [hbm4b:s9+s3], $0x80, $0x38;
	[tilespmem:$0x1C900] =	vst v63  }
0x1ad: {  	s10 =	rddreg [dreg:$0x11]  }
0x1ae: {  	[tilespmem:s21], [sflag:$0x1] =	stream.indirect.gather [hbm4b:s5+s24], $0x80, s10, s24, $0xb8;
	[tilespmem:$0x1C900] =	vst v63  }
0x1af: {  	_ =	swait.ge [sflag:s29], $0x4000  }
0x1b0: {  	[sflag:s29] =	ssyncset.done $0x0  }
0x1b1: {  	[sflag:s29] =	ssyncadd.s32 $0xFFFFC000  }
0x1b2: {  	_ =	swait.ge [sflag:s30], $0x80  }
0x1b3: {  	[sflag:s30] =	ssyncset.done $0x0  }
0x1b4: {  	[sflag:s30] =	ssyncadd.s32 $0xFFFFFF80  }
0x1b5: {  	[spmem:s2] =	stream.indirect.scatter.add.f32 [tilespmem:s25], [sflag:$0x5], $0x80, s24, s24, $0xb8;
	[tilespmem:$0x1C900] =	vst v63  }
0x1b6: {  	_ =	swait.ge [sflag:s22], $0x4000  }
0x1b7: {  	[sflag:s22] =	ssyncset.done $0x0  }
0x1b8: {  	s10 =	sadd.s32 $0xD0, s8;
	[sflag:s22] =	ssyncadd.s32 $0xFFFFC000  }
0x1b9: {  	[tilespmem:s24], [sflag:$0x4] =	stream.linear.gather [hbm4b:s10+s3], $0x80, $0x38;
	[tilespmem:$0x1C900] =	vst v63  }
0x1ba: {  	_ = 	snop  }
0x1bb: {  	[tilespmem:s25], [sflag:$0x2] =	stream.indirect.gather [hbm4b:s5+s24], $0x80, s31, s24, $0xb8;
	[tilespmem:$0x1C900] =	vst v63  }
0x1bc: {  	_ =	swait.ge [sflag:s26], $0x4000  }
0x1bd: {  	[sflag:s26] =	ssyncset.done $0x0  }
0x1be: {  	[sflag:s26] =	ssyncadd.s32 $0xFFFFC000  }
0x1bf: {  	_ =	swait.ge [sflag:s28], $0x80  }
0x1c0: {  	[sflag:s28] =	ssyncset.done $0x0  }
0x1c1: {  	[sflag:s28] =	ssyncadd.s32 $0xFFFFFF80  }
0x1c2: {  	[spmem:s2] =	stream.indirect.scatter.add.f32 [tilespmem:s21], [sflag:$0x5], $0x80, s3, s24, $0xb8;
	[tilespmem:$0x1C900] =	vst v63  }
0x1c3: {  	_ =	swait.ge [sflag:s22], $0x4000  }
0x1c4: {  	[sflag:s22] =	ssyncset.done $0x0  }
0x1c5: {  	s10 =	sadd.s32 $0xE0, s8;
	[sflag:s22] =	ssyncadd.s32 $0xFFFFC000  }
0x1c6: {  	[tilespmem:s3], [sflag:$0x3] =	stream.linear.gather [hbm4b:s10+s3], $0x80, $0x38;
	[tilespmem:$0x1C900] =	vst v63  }
0x1c7: {  	_ = 	snop  }
0x1c8: {  	[tilespmem:s21], [sflag:$0x1] =	stream.indirect.gather [hbm4b:s5+s24], $0x80, s1, s24, $0xb8;
	[tilespmem:$0x1C900] =	vst v63  }
0x1c9: {  	_ =	swait.ge [sflag:s29], $0x4000  }
0x1ca: {  	[sflag:s29] =	ssyncset.done $0x0  }
0x1cb: {  	[sflag:s29] =	ssyncadd.s32 $0xFFFFC000  }
0x1cc: {  	_ =	swait.ge [sflag:s30], $0x80  }
0x1cd: {  	[sflag:s30] =	ssyncset.done $0x0  }
0x1ce: {  	[sflag:s30] =	ssyncadd.s32 $0xFFFFFF80  }
0x1cf: {  	[spmem:s2] =	stream.indirect.scatter.add.f32 [tilespmem:s25], [sflag:$0x5], $0x80, s24, s24, $0xb8;
	[tilespmem:$0x1C900] =	vst v63  }
0x1d0: {  	_ =	swait.ge [sflag:s22], $0x4000  }
0x1d1: {  	[sflag:s22] =	ssyncset.done $0x0  }
0x1d2: {  	s8 =	sadd.s32 $0xF0, s8;
	[sflag:s22] =	ssyncadd.s32 $0xFFFFC000  }
0x1d3: {  	[tilespmem:s24], [sflag:$0x4] =	stream.linear.gather [hbm4b:s8+s3], $0x80, $0x38;
	[tilespmem:$0x1C900] =	vst v63  }
0x1d4: {  	_ = 	snop  }
0x1d5: {  	[tilespmem:s25], [sflag:$0x2] =	stream.indirect.gather [hbm4b:s5+s24], $0x80, s0, s24, $0xb8;
	[tilespmem:$0x1C900] =	vst v63  }
0x1d6: {  	_ =	swait.ge [sflag:s26], $0x4000  }
0x1d7: {  	[sflag:s26] =	ssyncset.done $0x0  }
0x1d8: {  	[sflag:s26] =	ssyncadd.s32 $0xFFFFC000  }
0x1d9: {  	_ =	swait.ge [sflag:s28], $0x80  }
0x1da: {  	[sflag:s28] =	ssyncset.done $0x0  }
0x1db: {  	[sflag:s28] =	ssyncadd.s32 $0xFFFFFF80  }
0x1dc: {  	[spmem:s2] =	stream.indirect.scatter.add.f32 [tilespmem:s21], [sflag:$0x5], $0x80, s3, s24, $0xb8;
	[tilespmem:$0x1C900] =	vst v63  }
0x1dd: {  	_ =	swait.ge [sflag:s22], $0x4000  }
0x1de: {  	[sflag:s22] =	ssyncset.done $0x0  }
0x1df: {  	[sflag:s22] =	ssyncadd.s32 $0xFFFFC000  }
0x1e0: {  	_ =	swait.ge [sflag:s29], $0x4000  }
0x1e1: {  	[sflag:s29] =	ssyncset.done $0x0  }
0x1e2: {  	p0 =	sne.s32 s7, $0x400;
	[sflag:s29] =	ssyncadd.s32 $0xFFFFC000  }
.Ltmp0:
0x1e3: {  	_ =	swait.ge [sflag:s30], $0x80;
	(pc) =	sbr.rel @p0 .LBB2_2-.Ltmp0, $4  }
0x1e4: {  	[sflag:s30] =	ssyncset.done $0x0  }
0x1e5: {  	[sflag:s30] =	ssyncadd.s32 $0xFFFFFF80  }
0x1e6: {  	[spmem:s2] =	stream.indirect.scatter.add.f32 [tilespmem:s25], [sflag:$0x5], $0x80, s24, s24, $0xb8;
	[tilespmem:$0x1C900] =	vst v63  }
0x1e7: {  	s7 =	sadd.s32 $0x100, s7;
	_ =	swait.ge [sflag:s22], $0x4000  }
0x1e8: {  	[sflag:s22] =	ssyncset.done $0x0  }
0x1e9: {  	[sflag:s22] =	ssyncadd.s32 $0xFFFFC000  }
0x1ea: {  	[bflag:$0x0] =	sbarrier.arrive $0xFFFF  }
0x1eb: {  	[tilespmem:s21], [sflag:$0x5] =	stream.linear.gather [spmem:s6], $0x4000, $0x38;
	[tilespmem:$0x1C900] =	vst v63  }
0x1ec: {  	_ =	swait.ge [sflag:s22], $0x4000  }
0x1ed: {  	[sflag:s22] =	ssyncset.done $0x0  }
0x1ee: {  	[sflag:s22] =	ssyncadd.s32 $0xFFFFC000  }
0x1ef: {  	[hbm4b:s12+s3] =	stream.linear.scatter [tilespmem:s21], [sflag:$0x5], $0x4000, $0x38;
	[tilespmem:$0x1C900] =	vst v63  }
0x1f0: {  	_ =	swait.ge [sflag:s22], $0x4000  }
0x1f1: {  	[sflag:s22] =	ssyncset.done $0x0  }
0x1f2: {  	[sflag:s22] =	ssyncadd.s32 $0xFFFFC000  }
0x1f3: {  	[tilespmem:s21], [sflag:$0x5] =	stream.linear.gather [spmem:s13], $0x4000, $0x38;
	[tilespmem:$0x1C900] =	vst v63  }
0x1f4: {  	_ =	swait.ge [sflag:s22], $0x4000  }
0x1f5: {  	[sflag:s22] =	ssyncset.done $0x0  }
0x1f6: {  	[sflag:s22] =	ssyncadd.s32 $0xFFFFC000  }
0x1f7: {  	[hbm4b:s14+s3] =	stream.linear.scatter [tilespmem:s21], [sflag:$0x5], $0x4000, $0x38;
	[tilespmem:$0x1C900] =	vst v63  }
0x1f8: {  	_ =	swait.ge [sflag:s22], $0x4000  }
0x1f9: {  	[sflag:s22] =	ssyncset.done $0x0  }
0x1fa: {  	[sflag:s22] =	ssyncadd.s32 $0xFFFFC000  }
0x1fb: {  	[tilespmem:s21], [sflag:$0x5] =	stream.linear.gather [spmem:s15], $0x4000, $0x38;
	[tilespmem:$0x1C900] =	vst v63  }
0x1fc: {  	_ =	swait.ge [sflag:s22], $0x4000  }
0x1fd: {  	[sflag:s22] =	ssyncset.done $0x0  }
0x1fe: {  	[sflag:s22] =	ssyncadd.s32 $0xFFFFC000  }
0x1ff: {  	[hbm4b:s16+s3] =	stream.linear.scatter [tilespmem:s21], [sflag:$0x5], $0x4000, $0x38;
	[tilespmem:$0x1C900] =	vst v63  }
0x200: {  	_ =	swait.ge [sflag:s22], $0x4000  }
0x201: {  	[sflag:s22] =	ssyncset.done $0x0  }
0x202: {  	[sflag:s22] =	ssyncadd.s32 $0xFFFFC000  }
0x203: {  	[tilespmem:s21], [sflag:$0x5] =	stream.linear.gather [spmem:s17], $0x4000, $0x38;
	[tilespmem:$0x1C900] =	vst v63  }
0x204: {  	_ =	swait.ge [sflag:s22], $0x4000  }
0x205: {  	[sflag:s22] =	ssyncset.done $0x0  }
0x206: {  	[sflag:s22] =	ssyncadd.s32 $0xFFFFC000  }
0x207: {  	[hbm4b:s18+s3] =	stream.linear.scatter [tilespmem:s21], [sflag:$0x5], $0x4000, $0x38;
	[tilespmem:$0x1C900] =	vst v63  }
0x208: {  	_ =	swait.ge [sflag:s22], $0x4000  }
0x209: {  	[sflag:s22] =	ssyncset.done $0x0  }
0x20a: {  	[sflag:s22] =	ssyncadd.s32 $0xFFFFC000  }
0x20b: {  	[tilespmem:s21], [sflag:$0x5] =	stream.linear.gather [spmem:s19], $0x4000, $0x38;
	[tilespmem:$0x1C900] =	vst v63  }
0x20c: {  	_ =	swait.ge [sflag:s22], $0x4000  }
0x20d: {  	[sflag:s22] =	ssyncset.done $0x0  }
0x20e: {  	[sflag:s22] =	ssyncadd.s32 $0xFFFFC000  }
0x20f: {  	[hbm4b:s20+s3] =	stream.linear.scatter [tilespmem:s21], [sflag:$0x5], $0x4000, $0x38;
	[tilespmem:$0x1C900] =	vst v63  }
0x210: {  	_ =	swait.ge [sflag:s22], $0x4000  }
0x211: {  	s4 =	sadd.s32 $0x1, s4;
	s7 =	rddreg [dreg:$0x13]  }
0x212: {  	p0 =	sne.s32 s4, s7  }
.Ltmp1:
0x213: {  	_ = 	snop;
	(pc) =	sbr.rel @p0 .LBB2_1-.Ltmp1, $3  }
0x214: {  	_ =	sdelay $0x1  }
0x215: {  	[sflag:s22] =	ssyncset.done $0x0  }
0x216: {  	[sflag:s22] =	ssyncadd.s32 $0xFFFFC000  }
0x217: {  	_ =	sfence.sel $0x180000  }
0x218: {  	[bflag:$0x0] =	sbarrier.arrive $0xFFFF  }
0x219: {  	_ =	strace $0x90000047  }
0x21a: {  	s0 =	stileid.u32;
	[bflag:$0x2] =	sbarrier.arrive $0xFFFF  }
0x21b: {  	p0 =	sne.s32 s0, $0x0;
	s0 =	rddreg [dreg:$0x3]  }
0x21c: {  	s0 =	sadd.s32 @!p0 $0x100000, s0  }
0x21d: {  	[sflag:s0] =	ssyncadd.tile.s32 @!p0 $0x1;
	_ =	shalt  }
.Lfunc_end2:
_tile_overlayer_lowered:
.L_overlay_start_2:
0x21e: {  	(tag) =	ssettag $0x2  }
0x21f: {  	s0 =	rddreg [dreg:$0x0];
	s2 =	stileid.u32  }
0x220: {  	s1 =	rddreg [dreg:$0x1];
	p0 =	sne.s32 s2, $0x0  }
0x221: {  	s3 =	rddreg [dreg:$0x2];
	[bflag:$0x3] =	sbarrier.arrive $0xFFFF;
	s2 =	simm.s32 @!p0 $0x1C05  }
0x222: {  	[timem:s3], [sflag:s2] =	dma.local @!p0 [hbm:s0], s1  }
0x223: {  	s0 =	simm.s32 @!p0 $0x5  }
0x224: {  	_ =	swait.ge @!p0 [sflag:s0], s1  }
0x225: {  	s1 =	ssub.s32 @!p0 $0x0, s1;
	[sflag:s0] =	ssyncset.done @!p0 $0x0  }
0x226: {  	[sflag:s0] =	ssyncadd.s32 @!p0 s1  }
0x227: {  	[bflag:$0x3] =	sbarrier.arrive $0xFFFF  }
0x228: {  	_ =	shalt  }

// kernel: kernel.14.cloned.1.call-start
scs
__scs_entry_jumppad:
0x0: {  	(pc) =	sbr.rel $0x88, $3  }
0x1: {  	(tag) =	ssettag $0x0;
	lr =	simm.s32 $0x1  }
0x2: {  	[smem:$0x3F97] =	sst lr;
	_ =	strace $0xD0000000  }
0x3: {  	_ = 	snop  }
0x4: {  	_ = 	snop  }
0x5: {  	_ = 	snop  }
0x6: {  	_ = 	snop  }
0x7: {  	_ = 	snop  }
__scs_overlays_trampoline_lowered:
0x8: {  	[smem:$0x3FA6] =	sst s0  }
0x9: {  	[smem:$0x3FA7] =	sst s1  }
0xa: {  	[smem:$0x3FA8] =	sst s2  }
0xb: {  	[smem:$0x3FA9] =	sst s3  }
0xc: {  	[smem:$0x3FAA] =	sst s4  }
0xd: {  	[smem:$0x3FAB] =	sst s5  }
0xe: {  	[smem:$0x3FAC] =	sst s6  }
0xf: {  	[smem:$0x3FAD] =	sst s7  }
0x10: {  	[smem:$0x3FAE] =	sst s8  }
0x11: {  	[smem:$0x3FAF] =	sst s9;
	s0 =	simm.s32 @!p0 $0x0  }
0x12: {  	s1 =	sld [smem:$0x3F95];
	s0 =	simm.s32 @p0 $0x1  }
0x13: {  	[smem:$0x3FB0] =	sst s0;
	s0 =	simm.s32 @!p1 $0x0  }
0x14: {  	s2 =	sld [smem:$0x3F94];
	s0 =	simm.s32 @p1 $0x1  }
0x15: {  	[smem:$0x3FB1] =	sst s0;
	s0 =	simm.s32 @!p2 $0x0  }
0x16: {  	s3 =	sld [smem:$0x3FDB];
	s0 =	simm.s32 @p2 $0x1  }
0x17: {  	s4 =	simm.s32 $0x1BF5;
	[smem:$0x3FB3] =	sst s0  }
0x18: {  	s0 =	sld [smem:$0x3F96];
	_ =	swait.ge [sflag:s4], $0x0  }
0x19: {  	s7 =	sld [smem:$0x3F97]  }
0x1a: {  	s8 =	sadd.s32 $0xFFFFE003, lr  }
0x1b: {  	s9 =	sadd.s32 $0xFFFFFEF7, lr;
	s5 =	simm.s32 $0xFFFFFFFF;
	p2 =	slt.u32 s8, $0xFFFFF086  }
0x1c: {  	p1 =	slt.u32 s9, $0xF7A;
	s5 =	simm.s32 @!p2 $0x0  }
0x1d: {  	s5 =	simm.s32 @p1 $0x1;
	p0 =	seq.s32 s7, s2  }
0x1e: {  	s7 =	smul.u32 @!p0 $0xF7A, s2;
	p2 =	seq.s32 @!p0 s5, $0x0  }
0x1f: {  	s9 =	smul.u32 $0xF7A, s1;
	s8 =	simm.s32 @!p0 $0x1BF5;
	p2 =	por !p2, p0  }
0x20: {  	[sflag:s8] =	ssyncset.s32 @!p0 $0xFFFFF086;
	s6 =	sadd.s32 @!p0 s3, s7;
	s7 =	simm.s32 @!p0 $0x108  }
0x21: {  	s3 =	sadd.s32 s3, s9;
	s6 =	sadd.s32 @!p0 $0x88, s6;
	s7 =	simm.s32 @p2 $0x1082  }
0x22: {  	[simem:s7], [sflag:s8] =	dma.local @!p0 [hbm:s6], $0xF7A  }
0x23: {  	s9 =	sor.u32 $0xD0000000, s2;
	s6 =	simm.s32 $0x108;
	_ =	swait.ge @!p0 [sflag:s8], $0x0  }
0x24: {  	s3 =	sadd.s32 $0x88, s3;
	s6 =	simm.s32 @!p1 $0x1082;
	[sflag:s4] =	ssyncset.s32 $0xFFFFF086  }
0x25: {  	[simem:s6], [sflag:s4] =	dma.local [hbm:s3], $0xF7A  }
0x26: {  	[smem:$0x3F97] =	sst s1;
	(tag) =	ssettag s2;
	_ =	strace s9  }
0x27: {  	s1 =	sld [smem:$0x3FA7]  }
0x28: {  	s2 =	sld [smem:$0x3FA8]  }
0x29: {  	s4 =	sld [smem:$0x3FAA]  }
0x2a: {  	p0 =	seq.s32 s5, $0x0;
	s5 =	sld [smem:$0x3FAB]  }
0x2b: {  	s6 =	sld [smem:$0x3FAC]  }
0x2c: {  	s7 =	sld [smem:$0x3FAD]  }
0x2d: {  	s3 =	simm.s32 $0x108;
	s8 =	sld [smem:$0x3FAE]  }
0x2e: {  	s3 =	simm.s32 @!p0 $0x1082;
	s9 =	sld [smem:$0x3FAF]  }
0x2f: {  	lr =	sadd.s32 s0, s3;
	s0 =	sld [smem:$0x3FA6]  }
0x30: {  	s3 =	sld [smem:$0x3FA9]  }
0x31: {  	[smem:$0x3FB2] =	sst s10  }
0x32: {  	s10 =	sld [smem:$0x3FB0];
	_ =	sdelay $0x3  }
0x33: {  	p0 =	seq.s32 s10, $0x1;
	s10 =	sld [smem:$0x3FB2];
	_ =	sdelay $0x3  }
0x34: {  	[smem:$0x3FB2] =	sst s10  }
0x35: {  	s10 =	sld [smem:$0x3FB1];
	_ =	sdelay $0x3  }
0x36: {  	p1 =	seq.s32 s10, $0x1;
	s10 =	sld [smem:$0x3FB2];
	_ =	sdelay $0x3  }
0x37: {  	[smem:$0x3FB2] =	sst s10  }
0x38: {  	s10 =	sld [smem:$0x3FB3]  }
0x39: {  	_ = 	snop;
	(pc) =	sbr.ind lr, $3  }
0x3a: {  	_ = 	snop  }
0x3b: {  	_ = 	snop  }
0x3c: {  	p2 =	seq.s32 s10, $0x1;
	s10 =	sld [smem:$0x3FB2]  }
0x3d: {  	_ =	shalt  }
0x3e: {  	_ =	shalt  }
0x3f: {  	_ =	shalt  }
0x40: {  	_ =	shalt  }
0x41: {  	_ =	shalt  }
0x42: {  	_ =	shalt  }
0x43: {  	_ =	shalt  }
0x44: {  	_ =	shalt  }
0x45: {  	_ =	shalt  }
0x46: {  	_ =	shalt  }
0x47: {  	_ =	shalt  }
0x48: {  	_ =	shalt  }
0x49: {  	_ =	shalt  }
0x4a: {  	_ =	shalt  }
0x4b: {  	_ =	shalt  }
0x4c: {  	_ =	shalt  }
0x4d: {  	_ =	shalt  }
0x4e: {  	_ =	shalt  }
0x4f: {  	_ =	shalt  }
0x50: {  	_ =	shalt  }
0x51: {  	_ =	shalt  }
0x52: {  	_ =	shalt  }
0x53: {  	_ =	shalt  }
0x54: {  	_ =	shalt  }
0x55: {  	_ =	shalt  }
0x56: {  	_ =	shalt  }
0x57: {  	_ =	shalt  }
0x58: {  	_ =	shalt  }
0x59: {  	_ =	shalt  }
0x5a: {  	_ =	shalt  }
0x5b: {  	_ =	shalt  }
0x5c: {  	_ =	shalt  }
0x5d: {  	_ =	shalt  }
0x5e: {  	_ =	shalt  }
0x5f: {  	_ =	shalt  }
0x60: {  	_ =	shalt  }
0x61: {  	_ =	shalt  }
0x62: {  	_ =	shalt  }
0x63: {  	_ =	shalt  }
0x64: {  	_ =	shalt  }
0x65: {  	_ =	shalt  }
0x66: {  	_ =	shalt  }
0x67: {  	_ =	shalt  }
0x68: {  	_ =	shalt  }
0x69: {  	_ =	shalt  }
0x6a: {  	_ =	shalt  }
0x6b: {  	_ =	shalt  }
0x6c: {  	_ =	shalt  }
0x6d: {  	_ =	shalt  }
0x6e: {  	_ =	shalt  }
0x6f: {  	_ =	shalt  }
0x70: {  	_ =	shalt  }
0x71: {  	_ =	shalt  }
0x72: {  	_ =	shalt  }
0x73: {  	_ =	shalt  }
0x74: {  	_ =	shalt  }
0x75: {  	_ =	shalt  }
0x76: {  	_ =	shalt  }
0x77: {  	_ =	shalt  }
0x78: {  	_ =	shalt  }
0x79: {  	_ =	shalt  }
0x7a: {  	_ =	shalt  }
0x7b: {  	_ =	shalt  }
0x7c: {  	_ =	shalt  }
0x7d: {  	_ =	shalt  }
0x7e: {  	_ =	shalt  }
0x7f: {  	_ =	shalt  }
0x80: {  	_ =	shalt  }
0x81: {  	_ =	shalt  }
0x82: {  	_ =	shalt  }
0x83: {  	_ =	shalt  }
0x84: {  	_ =	shalt  }
0x85: {  	_ =	shalt  }
0x86: {  	_ =	shalt  }
0x87: {  	_ =	shalt  }
.Lfunc_end0:
.L_simem_size_0:
called_computation.2_lowered:
.L_overlay_start_0:
0x88: {  	s2 =	sld [smem:$0x3FD9]  }
0x89: {  	s3 =	sld [smem:$0x3FFE];
	_ =	sdelay $0x1  }
0x8a: {  	s1 =	srdreg.scid  }
0x8b: {  	s0 =	sand.u32 $0x1, s1  }
0x8c: {  	s17 =	sshll.u32 s0, $0xA;
	s2 =	sadd.s32 s3, s2  }
0x8d: {  	s2 =	sadd.s32 s2, s17  }
0x8e: {  	[smem:$0x3FBE] =	sst s2  }
0x8f: {  	_ = 	snop  }
0x90: {  	s2 =	sld [smem:$0x3FD0];
	(tm) =	ssettm $0x1  }
0x91: {  	s18 =	sld [smem:$0x3FFB];
	_ =	sdelay $0x3  }
0x92: {  	_ =	strace s18  }
0x93: {  	s3 =	sld [smem:$0x3FFC];
	_ =	sdelay $0x3  }
0x94: {  	_ =	strace s3  }
0x95: {  	s3 =	sld [smem:$0x3FFD];
	_ =	sdelay $0x3  }
0x96: {  	_ =	strace s3  }
0x97: {  	_ =	strace $0x8FFFFFFF  }
0x98: {  	s19 =	sld [smem:$0x3FDB];
	_ =	sdelay $0x1  }
0x99: {  	s4 =	simm.s32 $_scs_section_size  }
0x9a: {  	s5 =	simm.s32 $_size__tile_overlayer_lowered;
	s6 =	simm.s32 $_tile_overlayer_lowered  }
0x9b: {  	s22 =	simm.s32 $0x1BFF;
	s21 =	sshll.u32 s6, $0x1;
	s3 =	sadd.s32 s4, s19  }
0x9c: {  	s7 =	simm.s32 $0x0;
	s20 =	sshll.u32 s5, $0x1;
	s5 =	sadd.s32 s21, s3  }
0x9d: {  	[timem:s7], [sflag:s22] =	dma.local [hbm:s5], s20  }
0x9e: {  	_ =	swait.ge [sflag:s22], s20  }
0x9f: {  	s4 =	ssub.s32 $0x0, s20;
	[sflag:s22] =	ssyncset.done $0x0  }
0xa0: {  	[sflag:s22] =	ssyncadd.s32 s4;
	_ =	sdelay $0x1  }
0xa1: {  	s23 =	simm.s32 $0x1B8B  }
0xa2: {  	_ =	swait.ge [sflag:s23], $0x1  }
0xa3: {  	[sflag:s23] =	ssyncset.done $0x0  }
0xa4: {  	s25 =	simm.s32 $0x1B8E;
	s24 =	sld [smem:$0x3FFE];
	[sflag:s23] =	ssyncadd.s32 $0xFFFFFFFF  }
0xa5: {  	s26 =	simm.s32 $execute0_lowered;
	[smem:$0x3FD2] =	sst s25  }
0xa6: {  	s5 =	sshll.u32 s26, $0x1;
	_ =	strace $0x8000004C;
	[dreg:$0x1] =	wrdreg $0xFFFFFFFF  }
0xa7: {  	s28 =	simm.s32 $_size_execute0_lowered;
	s3 =	sadd.s32 s3, s5;
	[dreg:$0x0] =	wrdreg $0x0  }
0xa8: {  	s5 =	sshll.u32 s28, $0x1;
	[dreg:$0x2] =	wrdreg s3  }
0xa9: {  	[dreg:$0x3] =	wrdreg s5  }
0xaa: {  	[dreg:$0x4] =	wrdreg $0xC0  }
0xab: {  	_ =	task [dreg:s7], $0x5FFFF  }
0xac: {  	[dreg:$0x1] =	wrdreg $0xFFFFFFFF  }
0xad: {  	[dreg:$0x0] =	wrdreg $0x60  }
0xae: {  	[dreg:$0x2] =	wrdreg s24  }
0xaf: {  	[dreg:$0x3] =	wrdreg s2  }
0xb0: {  	[dreg:$0x4] =	wrdreg $0x89000  }
0xb1: {  	[dreg:$0x5] =	wrdreg $0x9  }
0xb2: {  	_ =	task.clear_ibuf [dreg:s7], $0x6FFFF;
	_ =	strace $0x9000004C  }
0xb3: {  	s29 =	simm.s32 $0x9;
	_ =	strace $0x8000004E  }
0xb4: {  	_ =	swait.ge [sflag:s29], $0x1  }
0xb5: {  	[sflag:s29] =	ssyncadd.s32 $0xFFFFFFFF  }
0xb6: {  	_ =	strace $0x9000004E  }
0xb7: {  	_ =	sfence  }
0xb8: {  	s30 =	sld [smem:$0x0];
	_ =	sdelay $0x2  }
0xb9: {  	s31 =	sshll.u32 s1, $0xD;
	s1 =	sshrl.u32 s1, $0x2  }
0xba: {  	s3 =	sand.u32 $0x4000, s31;
	s1 =	sadd.s32 s1, s30  }
0xbb: {  	s0 =	sor.u32 s3, s0;
	s1 =	sshll.u32 s1, $0x11  }
0xbc: {  	s0 =	sor.u32 s1, s0  }
0xbd: {  	s0 =	sadd.s32 $0x8F2B, s0  }
0xbe: {  	[sflag:s0] =	ssyncadd.remote.s32 $0x1  }
0xbf: {  	_ =	sfence.sel $0xFFFF  }
0xc0: {  	[dreg:$0x0] =	wrdreg $0xFFFFFFFF;
	(pc) =	sbr.abs _section_cstart, $3  }
0xc1: {  	[dreg:$0x1] =	wrdreg $0xFFFFFFFF  }
0xc2: {  	_ =	task.clear_ibuf [dreg:s7], $0x2FFFF;
	_ =	strace $0x9FFFFFFF  }
0xc3: {  	(tm) =	ssettm $0x7FFFFFFF  }
tec
execute0_lowered:
.L_overlay_start_1:
0x0: {  	(tag) =	ssettag $0x1  }
0x1: {  	s0 =	rddreg [dreg:$0x0];
	s1 =	srdreg.scid  }
0x2: {  	s4 =	rddreg [dreg:$0x1];
	s11 =	stileid.u32  }
0x3: {  	s2 =	rddreg [dreg:$0x2];
	s3 =	simm.s32 $0x0;
	s23 =	simm.s32 $0x180  }
0x4: {  	s25 =	simm.s32 $0x200;
	s26 =	simm.s32 $0x280;
	s28 =	simm.s32 $0x3  }
0x5: {  	s29 =	simm.s32 $0x2;
	s30 =	simm.s32 $0x4;
	s31 =	simm.s32 $0x780  }
0x6: {  	s6 =	smul.u32 $0x2800, s11;
	[smem:$0x7FF] =	sst s3;
	s12 =	sadd.s32 $0x34800, s0  }
0x7: {  	s9 =	smul.u32 $0x50000, s11;
	_ =	strace $0x8000004D;
	[dreg:$0x12] =	wrdreg s12  }
0x8: {  	s1 =	sand.u32 $0x1, s1;
	s19 =	smul.u32 $0x280, s11;
	[dreg:$0x6] =	wrdreg s23  }
0x9: {  	s5 =	smul.u32 $0x28000, s1;
	s13 =	ssub.s32 $0x2, s1;
	[dreg:$0x7] =	wrdreg s25  }
0xa: {  	s1 =	smul.u32 $0x2800, s1;
	[dreg:$0x8] =	wrdreg s26;
	s23 =	simm.s32 $0x580  }
0xb: {  	s25 =	simm.s32 $0x680;
	s26 =	simm.s32 $0x700;
	[dreg:$0xe] =	wrdreg s23  }
0xc: {  	s10 =	sshrl.u32 s13, $0x1;
	s14 =	sshrl.u32 s9, $0x2;
	[dreg:$0x10] =	wrdreg s25  }
0xd: {  	s9 =	sadd.s32 $0x200, s19;
	s23 =	simm.s32 $0x100;
	[dreg:$0x11] =	wrdreg s26  }
0xe: {  	s25 =	simm.s32 $0x4900;
	s26 =	simm.s32 $0x1;
	s5 =	sadd.s32 s6, s5  }
0xf: {  	s10 =	ssub.s32 s13, s10;
	s6 =	sadd.s32 s14, s2;
	s11 =	sadd.s32 s1, s19  }
0x10: {  	s14 =	sadd.s32 $0x80, s19;
	s7 =	sshrl.u32 s5, $0x3;
	s5 =	sadd.s32 $0xC800, s0  }
0x11: {  	s15 =	smax.u32 s10, $0x1;
	s16 =	sadd.s32 $0x4000, s6;
	s17 =	sadd.s32 $0x8000, s6  }
0x12: {  	s18 =	sadd.s32 $0xC000, s6;
	s12 =	sshll.u32 s11, $0x4;
	[dreg:$0x13] =	wrdreg s15  }
0x13: {  	s11 =	sadd.s32 $0x10000, s6;
	s13 =	sshll.u32 s14, $0x7;
	[dreg:$0x14] =	wrdreg s16  }
0x14: {  	s14 =	sadd.s32 s1, s14;
	s10 =	simm.s32 $0x380;
	[dreg:$0x15] =	wrdreg s17  }
0x15: {  	s8 =	sadd.s32 s7, s0;
	s0 =	sadd.s32 $0x35000, s0;
	[dreg:$0x16] =	wrdreg s18  }
0x16: {  	s13 =	sadd.s32 s13, s2;
	s15 =	sadd.s32 $0x100, s19;
	s14 =	sshll.u32 s14, $0x4  }
0x17: {  	s18 =	sadd.s32 $0x180, s19;
	s4 =	sadd.s32 s7, s4;
	s19 =	sshll.u32 s9, $0x7  }
0x18: {  	[dreg:$0xa] =	wrdreg s10;
	s12 =	sadd.s32 s0, s12;
	s16 =	sshll.u32 s15, $0x7  }
0x19: {  	s17 =	sadd.s32 s1, s15;
	s14 =	sadd.s32 s0, s14;
	s21 =	sshll.u32 s18, $0x7  }
0x1a: {  	[dreg:$0x4] =	wrdreg s4;
	s22 =	sadd.s32 $0x2800, s8;
	s24 =	sadd.s32 s1, s18  }
0x1b: {  	s8 =	simm.s32 $0x300;
	s19 =	sadd.s32 s19, s2;
	s1 =	sadd.s32 s1, s9  }
0x1c: {  	s4 =	simm.s32 $0x0;
	s15 =	sadd.s32 s16, s2;
	s20 =	sshll.u32 s17, $0x4  }
0x1d: {  	s17 =	sadd.s32 s21, s2;
	[dreg:$0x5] =	wrdreg s22;
	s7 =	sshll.u32 s24, $0x4  }
0x1e: {  	[dreg:$0x9] =	wrdreg s8;
	s21 =	simm.s32 $0x480;
	s22 =	simm.s32 $0x500  }
0x1f: {  	s1 =	sshll.u32 s1, $0x4;
	s24 =	simm.s32 $0x600;
	[dreg:$0xc] =	wrdreg s21  }
0x20: {  	s16 =	sadd.s32 s0, s20;
	s18 =	sadd.s32 s0, s7;
	[dreg:$0xd] =	wrdreg s22  }
0x21: {  	s20 =	simm.s32 $0x400;
	s21 =	simm.s32 $0x900;
	[dreg:$0xf] =	wrdreg s24  }
0x22: {  	s22 =	simm.s32 $0x5;
	s24 =	simm.s32 $0x80;
	[dreg:$0xb] =	wrdreg s20  }
0x23: {  	s20 =	sadd.s32 s0, s1;
	s1 =	simm.s32 $0x800;
	s0 =	simm.s32 $0x880  }
.LBB2_1:
0x24: {  	s7 =	rddreg [dreg:$0x12]  }
0x25: {  	[tilespmem:s21], [sflag:$0x5] =	stream.linear.gather [hbm4b:s7+s3], $0x4000, $0x38;
	[tilespmem:$0x1C900] =	vst v63  }
0x26: {  	_ =	swait.ge [sflag:s22], $0x4000  }
0x27: {  	[sflag:s22] =	ssyncset.done $0x0  }
0x28: {  	[sflag:s22] =	ssyncadd.s32 $0xFFFFC000  }
0x29: {  	[spmem:s6] =	stream.linear.scatter [tilespmem:s21], [sflag:$0x5], $0x4000, $0x38;
	[tilespmem:$0x1C900] =	vst v63  }
0x2a: {  	_ =	swait.ge [sflag:s22], $0x4000  }
0x2b: {  	[sflag:s22] =	ssyncset.done $0x0  }
0x2c: {  	s10 =	rddreg [dreg:$0x14];
	[sflag:s22] =	ssyncadd.s32 $0xFFFFC000  }
0x2d: {  	[spmem:s10] =	stream.linear.scatter [tilespmem:s21], [sflag:$0x5], $0x4000, $0x38;
	[tilespmem:$0x1C900] =	vst v63  }
0x2e: {  	_ =	swait.ge [sflag:s22], $0x4000  }
0x2f: {  	[sflag:s22] =	ssyncset.done $0x0  }
0x30: {  	s8 =	rddreg [dreg:$0x15];
	[sflag:s22] =	ssyncadd.s32 $0xFFFFC000  }
0x31: {  	[spmem:s8] =	stream.linear.scatter [tilespmem:s21], [sflag:$0x5], $0x4000, $0x38;
	[tilespmem:$0x1C900] =	vst v63  }
0x32: {  	_ =	swait.ge [sflag:s22], $0x4000  }
0x33: {  	[sflag:s22] =	ssyncset.done $0x0  }
0x34: {  	s9 =	rddreg [dreg:$0x16];
	[sflag:s22] =	ssyncadd.s32 $0xFFFFC000  }
0x35: {  	[spmem:s9] =	stream.linear.scatter [tilespmem:s21], [sflag:$0x5], $0x4000, $0x38;
	[tilespmem:$0x1C900] =	vst v63  }
0x36: {  	_ =	swait.ge [sflag:s22], $0x4000  }
0x37: {  	[sflag:s22] =	ssyncset.done $0x0  }
0x38: {  	[sflag:s22] =	ssyncadd.s32 $0xFFFFC000  }
0x39: {  	[spmem:s11] =	stream.linear.scatter [tilespmem:s21], [sflag:$0x5], $0x4000, $0x38;
	[tilespmem:$0x1C900] =	vst v63  }
0x3a: {  	_ =	swait.ge [sflag:s22], $0x4000  }
0x3b: {  	[sflag:s22] =	ssyncset.done $0x0  }
0x3c: {  	[sflag:s22] =	ssyncadd.s32 $0xFFFFC000  }
0x3d: {  	[bflag:$0x0] =	sbarrier.arrive $0xFFFF  }
0x3e: {  	s10 =	rddreg [dreg:$0x5]  }
0x3f: {  	s7 =	sadd.s32 $0x0, s10  }
0x40: {  	[tilespmem:s23], [sflag:$0x5] =	stream.linear.gather [hbm4b:s7+s3], $0x800, $0x38;
	[tilespmem:$0x1C900] =	vst v63  }
0x41: {  	_ =	swait.ge [sflag:s22], $0x800  }
0x42: {  	s8 =	rddreg [dreg:$0x4];
	[sflag:s22] =	ssyncset.done $0x0  }
0x43: {  	[sflag:s22] =	ssyncadd.s32 $0xFFFFF800;
	s7 =	sadd.s32 $0x0, s8  }
0x44: {  	[tilespmem:s3], [sflag:$0x3] =	stream.linear.gather [hbm4b:s7+s3], $0x80, $0x38;
	[tilespmem:$0x1C900] =	vst v63  }
0x45: {  	_ = 	snop  }
0x46: {  	[tilespmem:s21], [sflag:$0x1] =	stream.indirect.gather [hbm4b:s5+s24], $0x80, s23, s24, $0xb8;
	[tilespmem:$0x1C900] =	vst v63  }
0x47: {  	s8 =	sadd.s32 $0x10, s7  }
0x48: {  	[tilespmem:s24], [sflag:$0x4] =	stream.linear.gather [hbm4b:s8+s3], $0x80, $0x38;
	[tilespmem:$0x1C900] =	vst v63  }
0x49: {  	s9 =	rddreg [dreg:$0x6]  }
0x4a: {  	[tilespmem:s25], [sflag:$0x2] =	stream.indirect.gather [hbm4b:s5+s24], $0x80, s9, s24, $0xb8;
	[tilespmem:$0x1C900] =	vst v63  }
0x4b: {  	_ =	swait.ge [sflag:s26], $0x4000  }
0x4c: {  	[sflag:s26] =	ssyncset.done $0x0  }
0x4d: {  	[sflag:s26] =	ssyncadd.s32 $0xFFFFC000  }
0x4e: {  	_ =	swait.ge [sflag:s28], $0x80  }
0x4f: {  	[sflag:s28] =	ssyncset.done $0x0  }
0x50: {  	[sflag:s28] =	ssyncadd.s32 $0xFFFFFF80  }
0x51: {  	[spmem:s2] =	stream.indirect.scatter.add.f32 [tilespmem:s21], [sflag:$0x5], $0x80, s3, s24, $0xb8;
	[tilespmem:$0x1C900] =	vst v63  }
0x52: {  	_ =	swait.ge [sflag:s22], $0x4000  }
0x53: {  	[sflag:s22] =	ssyncset.done $0x0  }
0x54: {  	s9 =	sadd.s32 $0x20, s7;
	[sflag:s22] =	ssyncadd.s32 $0xFFFFC000  }
0x55: {  	[tilespmem:s3], [sflag:$0x3] =	stream.linear.gather [hbm4b:s9+s3], $0x80, $0x38;
	[tilespmem:$0x1C900] =	vst v63  }
0x56: {  	s10 =	rddreg [dreg:$0x7]  }
0x57: {  	[tilespmem:s21], [sflag:$0x1] =	stream.indirect.gather [hbm4b:s5+s24], $0x80, s10, s24, $0xb8;
	[tilespmem:$0x1C900] =	vst v63  }
0x58: {  	_ =	swait.ge [sflag:s29], $0x4000  }
0x59: {  	[sflag:s29] =	ssyncset.done $0x0  }
0x5a: {  	[sflag:s29] =	ssyncadd.s32 $0xFFFFC000  }
0x5b: {  	_ =	swait.ge [sflag:s30], $0x80  }
0x5c: {  	[sflag:s30] =	ssyncset.done $0x0  }
0x5d: {  	[sflag:s30] =	ssyncadd.s32 $0xFFFFFF80  }
0x5e: {  	[spmem:s2] =	stream.indirect.scatter.add.f32 [tilespmem:s25], [sflag:$0x5], $0x80, s24, s24, $0xb8;
	[tilespmem:$0x1C900] =	vst v63  }
0x5f: {  	_ =	swait.ge [sflag:s22], $0x4000  }
0x60: {  	[sflag:s22] =	ssyncset.done $0x0  }
0x61: {  	s9 =	sadd.s32 $0x30, s7;
	[sflag:s22] =	ssyncadd.s32 $0xFFFFC000  }
0x62: {  	[tilespmem:s24], [sflag:$0x4] =	stream.linear.gather [hbm4b:s9+s3], $0x80, $0x38;
	[tilespmem:$0x1C900] =	vst v63  }
0x63: {  	s10 =	rddreg [dreg:$0x8]  }
0x64: {  	[tilespmem:s25], [sflag:$0x2] =	stream.indirect.gather [hbm4b:s5+s24], $0x80, s10, s24, $0xb8;
	[tilespmem:$0x1C900] =	vst v63  }
0x65: {  	_ =	swait.ge [sflag:s26], $0x4000  }
0x66: {  	[sflag:s26] =	ssyncset.done $0x0  }
0x67: {  	[sflag:s26] =	ssyncadd.s32 $0xFFFFC000  }
0x68: {  	_ =	swait.ge [sflag:s28], $0x80  }
0x69: {  	[sflag:s28] =	ssyncset.done $0x0  }
0x6a: {  	[sflag:s28] =	ssyncadd.s32 $0xFFFFFF80  }
0x6b: {  	[spmem:s2] =	stream.indirect.scatter.add.f32 [tilespmem:s21], [sflag:$0x5], $0x80, s3, s24, $0xb8;
	[tilespmem:$0x1C900] =	vst v63  }
0x6c: {  	_ =	swait.ge [sflag:s22], $0x4000  }
0x6d: {  	[sflag:s22] =	ssyncset.done $0x0  }
0x6e: {  	s9 =	sadd.s32 $0x40, s7;
	[sflag:s22] =	ssyncadd.s32 $0xFFFFC000  }
0x6f: {  	[tilespmem:s3], [sflag:$0x3] =	stream.linear.gather [hbm4b:s9+s3], $0x80, $0x38;
	[tilespmem:$0x1C900] =	vst v63  }
0x70: {  	s10 =	rddreg [dreg:$0x9]  }
0x71: {  	[tilespmem:s21], [sflag:$0x1] =	stream.indirect.gather [hbm4b:s5+s24], $0x80, s10, s24, $0xb8;
	[tilespmem:$0x1C900] =	vst v63  }
0x72: {  	_ =	swait.ge [sflag:s29], $0x4000  }
0x73: {  	[sflag:s29] =	ssyncset.done $0x0  }
0x74: {  	[sflag:s29] =	ssyncadd.s32 $0xFFFFC000  }
0x75: {  	_ =	swait.ge [sflag:s30], $0x80  }
0x76: {  	[sflag:s30] =	ssyncset.done $0x0  }
0x77: {  	[sflag:s30] =	ssyncadd.s32 $0xFFFFFF80  }
0x78: {  	[spmem:s2] =	stream.indirect.scatter.add.f32 [tilespmem:s25], [sflag:$0x5], $0x80, s24, s24, $0xb8;
	[tilespmem:$0x1C900] =	vst v63  }
0x79: {  	_ =	swait.ge [sflag:s22], $0x4000  }
0x7a: {  	[sflag:s22] =	ssyncset.done $0x0  }
0x7b: {  	s9 =	sadd.s32 $0x50, s7;
	[sflag:s22] =	ssyncadd.s32 $0xFFFFC000  }
0x7c: {  	[tilespmem:s24], [sflag:$0x4] =	stream.linear.gather [hbm4b:s9+s3], $0x80, $0x38;
	[tilespmem:$0x1C900] =	vst v63  }
0x7d: {  	s10 =	rddreg [dreg:$0xa]  }
0x7e: {  	[tilespmem:s25], [sflag:$0x2] =	stream.indirect.gather [hbm4b:s5+s24], $0x80, s10, s24, $0xb8;
	[tilespmem:$0x1C900] =	vst v63  }
0x7f: {  	_ =	swait.ge [sflag:s26], $0x4000  }
0x80: {  	[sflag:s26] =	ssyncset.done $0x0  }
0x81: {  	[sflag:s26] =	ssyncadd.s32 $0xFFFFC000  }
0x82: {  	_ =	swait.ge [sflag:s28], $0x80  }
0x83: {  	[sflag:s28] =	ssyncset.done $0x0  }
0x84: {  	[sflag:s28] =	ssyncadd.s32 $0xFFFFFF80  }
0x85: {  	[spmem:s2] =	stream.indirect.scatter.add.f32 [tilespmem:s21], [sflag:$0x5], $0x80, s3, s24, $0xb8;
	[tilespmem:$0x1C900] =	vst v63  }
0x86: {  	_ =	swait.ge [sflag:s22], $0x4000  }
0x87: {  	[sflag:s22] =	ssyncset.done $0x0  }
0x88: {  	s9 =	sadd.s32 $0x60, s7;
	[sflag:s22] =	ssyncadd.s32 $0xFFFFC000  }
0x89: {  	[tilespmem:s3], [sflag:$0x3] =	stream.linear.gather [hbm4b:s9+s3], $0x80, $0x38;
	[tilespmem:$0x1C900] =	vst v63  }
0x8a: {  	s10 =	rddreg [dreg:$0xb]  }
0x8b: {  	[tilespmem:s21], [sflag:$0x1] =	stream.indirect.gather [hbm4b:s5+s24], $0x80, s10, s24, $0xb8;
	[tilespmem:$0x1C900] =	vst v63  }
0x8c: {  	_ =	swait.ge [sflag:s29], $0x4000  }
0x8d: {  	[sflag:s29] =	ssyncset.done $0x0  }
0x8e: {  	[sflag:s29] =	ssyncadd.s32 $0xFFFFC000  }
0x8f: {  	_ =	swait.ge [sflag:s30], $0x80  }
0x90: {  	[sflag:s30] =	ssyncset.done $0x0  }
0x91: {  	[sflag:s30] =	ssyncadd.s32 $0xFFFFFF80  }
0x92: {  	[spmem:s2] =	stream.indirect.scatter.add.f32 [tilespmem:s25], [sflag:$0x5], $0x80, s24, s24, $0xb8;
	[tilespmem:$0x1C900] =	vst v63  }
0x93: {  	_ =	swait.ge [sflag:s22], $0x4000  }
0x94: {  	[sflag:s22] =	ssyncset.done $0x0  }
0x95: {  	s9 =	sadd.s32 $0x70, s7;
	[sflag:s22] =	ssyncadd.s32 $0xFFFFC000  }
0x96: {  	[tilespmem:s24], [sflag:$0x4] =	stream.linear.gather [hbm4b:s9+s3], $0x80, $0x38;
	[tilespmem:$0x1C900] =	vst v63  }
0x97: {  	s10 =	rddreg [dreg:$0xc]  }
0x98: {  	[tilespmem:s25], [sflag:$0x2] =	stream.indirect.gather [hbm4b:s5+s24], $0x80, s10, s24, $0xb8;
	[tilespmem:$0x1C900] =	vst v63  }
0x99: {  	_ =	swait.ge [sflag:s26], $0x4000  }
0x9a: {  	[sflag:s26] =	ssyncset.done $0x0  }
0x9b: {  	[sflag:s26] =	ssyncadd.s32 $0xFFFFC000  }
0x9c: {  	_ =	swait.ge [sflag:s28], $0x80  }
0x9d: {  	[sflag:s28] =	ssyncset.done $0x0  }
0x9e: {  	[sflag:s28] =	ssyncadd.s32 $0xFFFFFF80  }
0x9f: {  	[spmem:s2] =	stream.indirect.scatter.add.f32 [tilespmem:s21], [sflag:$0x5], $0x80, s3, s24, $0xb8;
	[tilespmem:$0x1C900] =	vst v63  }
0xa0: {  	_ =	swait.ge [sflag:s22], $0x4000  }
0xa1: {  	[sflag:s22] =	ssyncset.done $0x0  }
0xa2: {  	s9 =	sadd.s32 $0x80, s7;
	[sflag:s22] =	ssyncadd.s32 $0xFFFFC000  }
0xa3: {  	[tilespmem:s3], [sflag:$0x3] =	stream.linear.gather [hbm4b:s9+s3], $0x80, $0x38;
	[tilespmem:$0x1C900] =	vst v63  }
0xa4: {  	s10 =	rddreg [dreg:$0xd]  }
0xa5: {  	[tilespmem:s21], [sflag:$0x1] =	stream.indirect.gather [hbm4b:s5+s24], $0x80, s10, s24, $0xb8;
	[tilespmem:$0x1C900] =	vst v63  }
0xa6: {  	_ =	swait.ge [sflag:s29], $0x4000  }
0xa7: {  	[sflag:s29] =	ssyncset.done $0x0  }
0xa8: {  	[sflag:s29] =	ssyncadd.s32 $0xFFFFC000  }
0xa9: {  	_ =	swait.ge [sflag:s30], $0x80  }
0xaa: {  	[sflag:s30] =	ssyncset.done $0x0  }
0xab: {  	[sflag:s30] =	ssyncadd.s32 $0xFFFFFF80  }
0xac: {  	[spmem:s2] =	stream.indirect.scatter.add.f32 [tilespmem:s25], [sflag:$0x5], $0x80, s24, s24, $0xb8;
	[tilespmem:$0x1C900] =	vst v63  }
0xad: {  	_ =	swait.ge [sflag:s22], $0x4000  }
0xae: {  	[sflag:s22] =	ssyncset.done $0x0  }
0xaf: {  	s9 =	sadd.s32 $0x90, s7;
	[sflag:s22] =	ssyncadd.s32 $0xFFFFC000  }
0xb0: {  	[tilespmem:s24], [sflag:$0x4] =	stream.linear.gather [hbm4b:s9+s3], $0x80, $0x38;
	[tilespmem:$0x1C900] =	vst v63  }
0xb1: {  	s10 =	rddreg [dreg:$0xe]  }
0xb2: {  	[tilespmem:s25], [sflag:$0x2] =	stream.indirect.gather [hbm4b:s5+s24], $0x80, s10, s24, $0xb8;
	[tilespmem:$0x1C900] =	vst v63  }
0xb3: {  	_ =	swait.ge [sflag:s26], $0x4000  }
0xb4: {  	[sflag:s26] =	ssyncset.done $0x0  }
0xb5: {  	[sflag:s26] =	ssyncadd.s32 $0xFFFFC000  }
0xb6: {  	_ =	swait.ge [sflag:s28], $0x80  }
0xb7: {  	[sflag:s28] =	ssyncset.done $0x0  }
0xb8: {  	[sflag:s28] =	ssyncadd.s32 $0xFFFFFF80  }
0xb9: {  	[spmem:s2] =	stream.indirect.scatter.add.f32 [tilespmem:s21], [sflag:$0x5], $0x80, s3, s24, $0xb8;
	[tilespmem:$0x1C900] =	vst v63  }
0xba: {  	_ =	swait.ge [sflag:s22], $0x4000  }
0xbb: {  	[sflag:s22] =	ssyncset.done $0x0  }
0xbc: {  	s9 =	sadd.s32 $0xA0, s7;
	[sflag:s22] =	ssyncadd.s32 $0xFFFFC000  }
0xbd: {  	[tilespmem:s3], [sflag:$0x3] =	stream.linear.gather [hbm4b:s9+s3], $0x80, $0x38;
	[tilespmem:$0x1C900] =	vst v63  }
0xbe: {  	s10 =	rddreg [dreg:$0xf]  }
0xbf: {  	[tilespmem:s21], [sflag:$0x1] =	stream.indirect.gather [hbm4b:s5+s24], $0x80, s10, s24, $0xb8;
	[tilespmem:$0x1C900] =	vst v63  }
0xc0: {  	_ =	swait.ge [sflag:s29], $0x4000  }
0xc1: {  	[sflag:s29] =	ssyncset.done $0x0  }
0xc2: {  	[sflag:s29] =	ssyncadd.s32 $0xFFFFC000  }
0xc3: {  	_ =	swait.ge [sflag:s30], $0x80  }
0xc4: {  	[sflag:s30] =	ssyncset.done $0x0  }
0xc5: {  	[sflag:s30] =	ssyncadd.s32 $0xFFFFFF80  }
0xc6: {  	[spmem:s2] =	stream.indirect.scatter.add.f32 [tilespmem:s25], [sflag:$0x5], $0x80, s24, s24, $0xb8;
	[tilespmem:$0x1C900] =	vst v63  }
0xc7: {  	_ =	swait.ge [sflag:s22], $0x4000  }
0xc8: {  	[sflag:s22] =	ssyncset.done $0x0  }
0xc9: {  	s9 =	sadd.s32 $0xB0, s7;
	[sflag:s22] =	ssyncadd.s32 $0xFFFFC000  }
0xca: {  	[tilespmem:s24], [sflag:$0x4] =	stream.linear.gather [hbm4b:s9+s3], $0x80, $0x38;
	[tilespmem:$0x1C900] =	vst v63  }
0xcb: {  	s10 =	rddreg [dreg:$0x10]  }
0xcc: {  	[tilespmem:s25], [sflag:$0x2] =	stream.indirect.gather [hbm4b:s5+s24], $0x80, s10, s24, $0xb8;
	[tilespmem:$0x1C900] =	vst v63  }
0xcd: {  	_ =	swait.ge [sflag:s26], $0x4000  }
0xce: {  	[sflag:s26] =	ssyncset.done $0x0  }
0xcf: {  	[sflag:s26] =	ssyncadd.s32 $0xFFFFC000  }
0xd0: {  	_ =	swait.ge [sflag:s28], $0x80  }
0xd1: {  	[sflag:s28] =	ssyncset.done $0x0  }
0xd2: {  	[sflag:s28] =	ssyncadd.s32 $0xFFFFFF80  }
0xd3: {  	[spmem:s2] =	stream.indirect.scatter.add.f32 [tilespmem:s21], [sflag:$0x5], $0x80, s3, s24, $0xb8;
	[tilespmem:$0x1C900] =	vst v63  }
0xd4: {  	_ =	swait.ge [sflag:s22], $0x4000  }
0xd5: {  	[sflag:s22] =	ssyncset.done $0x0  }
0xd6: {  	s9 =	sadd.s32 $0xC0, s7;
	[sflag:s22] =	ssyncadd.s32 $0xFFFFC000  }
0xd7: {  	[tilespmem:s3], [sflag:$0x3] =	stream.linear.gather [hbm4b:s9+s3], $0x80, $0x38;
	[tilespmem:$0x1C900] =	vst v63  }
0xd8: {  	s10 =	rddreg [dreg:$0x11]  }
0xd9: {  	[tilespmem:s21], [sflag:$0x1] =	stream.indirect.gather [hbm4b:s5+s24], $0x80, s10, s24, $0xb8;
	[tilespmem:$0x1C900] =	vst v63  }
0xda: {  	_ =	swait.ge [sflag:s29], $0x4000  }
0xdb: {  	[sflag:s29] =	ssyncset.done $0x0  }
0xdc: {  	[sflag:s29] =	ssyncadd.s32 $0xFFFFC000  }
0xdd: {  	_ =	swait.ge [sflag:s30], $0x80  }
0xde: {  	[sflag:s30] =	ssyncset.done $0x0  }
0xdf: {  	[sflag:s30] =	ssyncadd.s32 $0xFFFFFF80  }
0xe0: {  	[spmem:s2] =	stream.indirect.scatter.add.f32 [tilespmem:s25], [sflag:$0x5], $0x80, s24, s24, $0xb8;
	[tilespmem:$0x1C900] =	vst v63  }
0xe1: {  	_ =	swait.ge [sflag:s22], $0x4000  }
0xe2: {  	[sflag:s22] =	ssyncset.done $0x0  }
0xe3: {  	s9 =	sadd.s32 $0xD0, s7;
	[sflag:s22] =	ssyncadd.s32 $0xFFFFC000  }
0xe4: {  	[tilespmem:s24], [sflag:$0x4] =	stream.linear.gather [hbm4b:s9+s3], $0x80, $0x38;
	[tilespmem:$0x1C900] =	vst v63  }
0xe5: {  	_ = 	snop  }
0xe6: {  	[tilespmem:s25], [sflag:$0x2] =	stream.indirect.gather [hbm4b:s5+s24], $0x80, s31, s24, $0xb8;
	[tilespmem:$0x1C900] =	vst v63  }
0xe7: {  	_ =	swait.ge [sflag:s26], $0x4000  }
0xe8: {  	[sflag:s26] =	ssyncset.done $0x0  }
0xe9: {  	[sflag:s26] =	ssyncadd.s32 $0xFFFFC000  }
0xea: {  	_ =	swait.ge [sflag:s28], $0x80  }
0xeb: {  	[sflag:s28] =	ssyncset.done $0x0  }
0xec: {  	[sflag:s28] =	ssyncadd.s32 $0xFFFFFF80  }
0xed: {  	[spmem:s2] =	stream.indirect.scatter.add.f32 [tilespmem:s21], [sflag:$0x5], $0x80, s3, s24, $0xb8;
	[tilespmem:$0x1C900] =	vst v63  }
0xee: {  	_ =	swait.ge [sflag:s22], $0x4000  }
0xef: {  	[sflag:s22] =	ssyncset.done $0x0  }
0xf0: {  	s10 =	sadd.s32 $0xE0, s7;
	[sflag:s22] =	ssyncadd.s32 $0xFFFFC000  }
0xf1: {  	[tilespmem:s3], [sflag:$0x3] =	stream.linear.gather [hbm4b:s10+s3], $0x80, $0x38;
	[tilespmem:$0x1C900] =	vst v63  }
0xf2: {  	_ = 	snop  }
0xf3: {  	[tilespmem:s21], [sflag:$0x1] =	stream.indirect.gather [hbm4b:s5+s24], $0x80, s1, s24, $0xb8;
	[tilespmem:$0x1C900] =	vst v63  }
0xf4: {  	_ =	swait.ge [sflag:s29], $0x4000  }
0xf5: {  	[sflag:s29] =	ssyncset.done $0x0  }
0xf6: {  	[sflag:s29] =	ssyncadd.s32 $0xFFFFC000  }
0xf7: {  	_ =	swait.ge [sflag:s30], $0x80  }
0xf8: {  	[sflag:s30] =	ssyncset.done $0x0  }
0xf9: {  	[sflag:s30] =	ssyncadd.s32 $0xFFFFFF80  }
0xfa: {  	[spmem:s2] =	stream.indirect.scatter.add.f32 [tilespmem:s25], [sflag:$0x5], $0x80, s24, s24, $0xb8;
	[tilespmem:$0x1C900] =	vst v63  }
0xfb: {  	_ =	swait.ge [sflag:s22], $0x4000  }
0xfc: {  	[sflag:s22] =	ssyncset.done $0x0  }
0xfd: {  	s7 =	sadd.s32 $0xF0, s7;
	[sflag:s22] =	ssyncadd.s32 $0xFFFFC000  }
0xfe: {  	[tilespmem:s24], [sflag:$0x4] =	stream.linear.gather [hbm4b:s7+s3], $0x80, $0x38;
	[tilespmem:$0x1C900] =	vst v63  }
0xff: {  	_ = 	snop  }
0x100: {  	[tilespmem:s25], [sflag:$0x2] =	stream.indirect.gather [hbm4b:s5+s24], $0x80, s0, s24, $0xb8;
	[tilespmem:$0x1C900] =	vst v63  }
0x101: {  	_ =	swait.ge [sflag:s26], $0x4000  }
0x102: {  	[sflag:s26] =	ssyncset.done $0x0  }
0x103: {  	[sflag:s26] =	ssyncadd.s32 $0xFFFFC000  }
0x104: {  	_ =	swait.ge [sflag:s28], $0x80  }
0x105: {  	[sflag:s28] =	ssyncset.done $0x0  }
0x106: {  	[sflag:s28] =	ssyncadd.s32 $0xFFFFFF80  }
0x107: {  	[spmem:s2] =	stream.indirect.scatter.add.f32 [tilespmem:s21], [sflag:$0x5], $0x80, s3, s24, $0xb8;
	[tilespmem:$0x1C900] =	vst v63  }
0x108: {  	_ =	swait.ge [sflag:s22], $0x4000  }
0x109: {  	[sflag:s22] =	ssyncset.done $0x0  }
0x10a: {  	[sflag:s22] =	ssyncadd.s32 $0xFFFFC000  }
0x10b: {  	_ =	swait.ge [sflag:s29], $0x4000  }
0x10c: {  	[sflag:s29] =	ssyncset.done $0x0  }
0x10d: {  	[sflag:s29] =	ssyncadd.s32 $0xFFFFC000  }
0x10e: {  	_ =	swait.ge [sflag:s30], $0x80  }
0x10f: {  	[sflag:s30] =	ssyncset.done $0x0  }
0x110: {  	[sflag:s30] =	ssyncadd.s32 $0xFFFFFF80  }
0x111: {  	[spmem:s2] =	stream.indirect.scatter.add.f32 [tilespmem:s25], [sflag:$0x5], $0x80, s24, s24, $0xb8;
	[tilespmem:$0x1C900] =	vst v63  }
0x112: {  	s7 =	simm.s32 $0x100;
	_ =	swait.ge [sflag:s22], $0x4000  }
.LBB2_2:
0x113: {  	s8 =	rddreg [dreg:$0x5];
	s9 =	smov.u32 s7;
	[sflag:s22] =	ssyncset.done $0x0  }
0x114: {  	s8 =	sadd.s32 s9, s8;
	[sflag:s22] =	ssyncadd.s32 $0xFFFFC000  }
0x115: {  	[tilespmem:s23], [sflag:$0x5] =	stream.linear.gather [hbm4b:s8+s3], $0x800, $0x38;
	[tilespmem:$0x1C900] =	vst v63  }
0x116: {  	_ =	swait.ge [sflag:s22], $0x800  }
0x117: {  	s10 =	rddreg [dreg:$0x4];
	[sflag:s22] =	ssyncset.done $0x0  }
0x118: {  	[sflag:s22] =	ssyncadd.s32 $0xFFFFF800;
	s8 =	sadd.s32 s9, s10  }
0x119: {  	[tilespmem:s3], [sflag:$0x3] =	stream.linear.gather [hbm4b:s8+s3], $0x80, $0x38;
	[tilespmem:$0x1C900] =	vst v63  }
0x11a: {  	_ = 	snop  }
0x11b: {  	[tilespmem:s21], [sflag:$0x1] =	stream.indirect.gather [hbm4b:s5+s24], $0x80, s23, s24, $0xb8;
	[tilespmem:$0x1C900] =	vst v63  }
0x11c: {  	s9 =	sadd.s32 $0x10, s8  }
0x11d: {  	[tilespmem:s24], [sflag:$0x4] =	stream.linear.gather [hbm4b:s9+s3], $0x80, $0x38;
	[tilespmem:$0x1C900] =	vst v63  }
0x11e: {  	s10 =	rddreg [dreg:$0x6]  }
0x11f: {  	[tilespmem:s25], [sflag:$0x2] =	stream.indirect.gather [hbm4b:s5+s24], $0x80, s10, s24, $0xb8;
	[tilespmem:$0x1C900] =	vst v63  }
0x120: {  	_ =	swait.ge [sflag:s26], $0x4000  }
0x121: {  	[sflag:s26] =	ssyncset.done $0x0  }
0x122: {  	[sflag:s26] =	ssyncadd.s32 $0xFFFFC000  }
0x123: {  	_ =	swait.ge [sflag:s28], $0x80  }
0x124: {  	[sflag:s28] =	ssyncset.done $0x0  }
0x125: {  	[sflag:s28] =	ssyncadd.s32 $0xFFFFFF80  }
0x126: {  	[spmem:s2] =	stream.indirect.scatter.add.f32 [tilespmem:s21], [sflag:$0x5], $0x80, s3, s24, $0xb8;
	[tilespmem:$0x1C900] =	vst v63  }
0x127: {  	_ =	swait.ge [sflag:s22], $0x4000  }
0x128: {  	[sflag:s22] =	ssyncset.done $0x0  }
0x129: {  	s9 =	sadd.s32 $0x20, s8;
	[sflag:s22] =	ssyncadd.s32 $0xFFFFC000  }
0x12a: {  	[tilespmem:s3], [sflag:$0x3] =	stream.linear.gather [hbm4b:s9+s3], $0x80, $0x38;
	[tilespmem:$0x1C900] =	vst v63  }
0x12b: {  	s10 =	rddreg [dreg:$0x7]  }
0x12c: {  	[tilespmem:s21], [sflag:$0x1] =	stream.indirect.gather [hbm4b:s5+s24], $0x80, s10, s24, $0xb8;
	[tilespmem:$0x1C900] =	vst v63  }
0x12d: {  	_ =	swait.ge [sflag:s29], $0x4000  }
0x12e: {  	[sflag:s29] =	ssyncset.done $0x0  }
0x12f: {  	[sflag:s29] =	ssyncadd.s32 $0xFFFFC000  }
0x130: {  	_ =	swait.ge [sflag:s30], $0x80  }
0x131: {  	[sflag:s30] =	ssyncset.done $0x0  }
0x132: {  	[sflag:s30] =	ssyncadd.s32 $0xFFFFFF80  }
0x133: {  	[spmem:s2] =	stream.indirect.scatter.add.f32 [tilespmem:s25], [sflag:$0x5], $0x80, s24, s24, $0xb8;
	[tilespmem:$0x1C900] =	vst v63  }
0x134: {  	_ =	swait.ge [sflag:s22], $0x4000  }
0x135: {  	[sflag:s22] =	ssyncset.done $0x0  }
0x136: {  	s9 =	sadd.s32 $0x30, s8;
	[sflag:s22] =	ssyncadd.s32 $0xFFFFC000  }
0x137: {  	[tilespmem:s24], [sflag:$0x4] =	stream.linear.gather [hbm4b:s9+s3], $0x80, $0x38;
	[tilespmem:$0x1C900] =	vst v63  }
0x138: {  	s10 =	rddreg [dreg:$0x8]  }
0x139: {  	[tilespmem:s25], [sflag:$0x2] =	stream.indirect.gather [hbm4b:s5+s24], $0x80, s10, s24, $0xb8;
	[tilespmem:$0x1C900] =	vst v63  }
0x13a: {  	_ =	swait.ge [sflag:s26], $0x4000  }
0x13b: {  	[sflag:s26] =	ssyncset.done $0x0  }
0x13c: {  	[sflag:s26] =	ssyncadd.s32 $0xFFFFC000  }
0x13d: {  	_ =	swait.ge [sflag:s28], $0x80  }
0x13e: {  	[sflag:s28] =	ssyncset.done $0x0  }
0x13f: {  	[sflag:s28] =	ssyncadd.s32 $0xFFFFFF80  }
0x140: {  	[spmem:s2] =	stream.indirect.scatter.add.f32 [tilespmem:s21], [sflag:$0x5], $0x80, s3, s24, $0xb8;
	[tilespmem:$0x1C900] =	vst v63  }
0x141: {  	_ =	swait.ge [sflag:s22], $0x4000  }
0x142: {  	[sflag:s22] =	ssyncset.done $0x0  }
0x143: {  	s9 =	sadd.s32 $0x40, s8;
	[sflag:s22] =	ssyncadd.s32 $0xFFFFC000  }
0x144: {  	[tilespmem:s3], [sflag:$0x3] =	stream.linear.gather [hbm4b:s9+s3], $0x80, $0x38;
	[tilespmem:$0x1C900] =	vst v63  }
0x145: {  	s10 =	rddreg [dreg:$0x9]  }
0x146: {  	[tilespmem:s21], [sflag:$0x1] =	stream.indirect.gather [hbm4b:s5+s24], $0x80, s10, s24, $0xb8;
	[tilespmem:$0x1C900] =	vst v63  }
0x147: {  	_ =	swait.ge [sflag:s29], $0x4000  }
0x148: {  	[sflag:s29] =	ssyncset.done $0x0  }
0x149: {  	[sflag:s29] =	ssyncadd.s32 $0xFFFFC000  }
0x14a: {  	_ =	swait.ge [sflag:s30], $0x80  }
0x14b: {  	[sflag:s30] =	ssyncset.done $0x0  }
0x14c: {  	[sflag:s30] =	ssyncadd.s32 $0xFFFFFF80  }
0x14d: {  	[spmem:s2] =	stream.indirect.scatter.add.f32 [tilespmem:s25], [sflag:$0x5], $0x80, s24, s24, $0xb8;
	[tilespmem:$0x1C900] =	vst v63  }
0x14e: {  	_ =	swait.ge [sflag:s22], $0x4000  }
0x14f: {  	[sflag:s22] =	ssyncset.done $0x0  }
0x150: {  	s9 =	sadd.s32 $0x50, s8;
	[sflag:s22] =	ssyncadd.s32 $0xFFFFC000  }
0x151: {  	[tilespmem:s24], [sflag:$0x4] =	stream.linear.gather [hbm4b:s9+s3], $0x80, $0x38;
	[tilespmem:$0x1C900] =	vst v63  }
0x152: {  	s10 =	rddreg [dreg:$0xa]  }
0x153: {  	[tilespmem:s25], [sflag:$0x2] =	stream.indirect.gather [hbm4b:s5+s24], $0x80, s10, s24, $0xb8;
	[tilespmem:$0x1C900] =	vst v63  }
0x154: {  	_ =	swait.ge [sflag:s26], $0x4000  }
0x155: {  	[sflag:s26] =	ssyncset.done $0x0  }
0x156: {  	[sflag:s26] =	ssyncadd.s32 $0xFFFFC000  }
0x157: {  	_ =	swait.ge [sflag:s28], $0x80  }
0x158: {  	[sflag:s28] =	ssyncset.done $0x0  }
0x159: {  	[sflag:s28] =	ssyncadd.s32 $0xFFFFFF80  }
0x15a: {  	[spmem:s2] =	stream.indirect.scatter.add.f32 [tilespmem:s21], [sflag:$0x5], $0x80, s3, s24, $0xb8;
	[tilespmem:$0x1C900] =	vst v63  }
0x15b: {  	_ =	swait.ge [sflag:s22], $0x4000  }
0x15c: {  	[sflag:s22] =	ssyncset.done $0x0  }
0x15d: {  	s9 =	sadd.s32 $0x60, s8;
	[sflag:s22] =	ssyncadd.s32 $0xFFFFC000  }
0x15e: {  	[tilespmem:s3], [sflag:$0x3] =	stream.linear.gather [hbm4b:s9+s3], $0x80, $0x38;
	[tilespmem:$0x1C900] =	vst v63  }
0x15f: {  	s10 =	rddreg [dreg:$0xb]  }
0x160: {  	[tilespmem:s21], [sflag:$0x1] =	stream.indirect.gather [hbm4b:s5+s24], $0x80, s10, s24, $0xb8;
	[tilespmem:$0x1C900] =	vst v63  }
0x161: {  	_ =	swait.ge [sflag:s29], $0x4000  }
0x162: {  	[sflag:s29] =	ssyncset.done $0x0  }
0x163: {  	[sflag:s29] =	ssyncadd.s32 $0xFFFFC000  }
0x164: {  	_ =	swait.ge [sflag:s30], $0x80  }
0x165: {  	[sflag:s30] =	ssyncset.done $0x0  }
0x166: {  	[sflag:s30] =	ssyncadd.s32 $0xFFFFFF80  }
0x167: {  	[spmem:s2] =	stream.indirect.scatter.add.f32 [tilespmem:s25], [sflag:$0x5], $0x80, s24, s24, $0xb8;
	[tilespmem:$0x1C900] =	vst v63  }
0x168: {  	_ =	swait.ge [sflag:s22], $0x4000  }
0x169: {  	[sflag:s22] =	ssyncset.done $0x0  }
0x16a: {  	s9 =	sadd.s32 $0x70, s8;
	[sflag:s22] =	ssyncadd.s32 $0xFFFFC000  }
0x16b: {  	[tilespmem:s24], [sflag:$0x4] =	stream.linear.gather [hbm4b:s9+s3], $0x80, $0x38;
	[tilespmem:$0x1C900] =	vst v63  }
0x16c: {  	s10 =	rddreg [dreg:$0xc]  }
0x16d: {  	[tilespmem:s25], [sflag:$0x2] =	stream.indirect.gather [hbm4b:s5+s24], $0x80, s10, s24, $0xb8;
	[tilespmem:$0x1C900] =	vst v63  }
0x16e: {  	_ =	swait.ge [sflag:s26], $0x4000  }
0x16f: {  	[sflag:s26] =	ssyncset.done $0x0  }
0x170: {  	[sflag:s26] =	ssyncadd.s32 $0xFFFFC000  }
0x171: {  	_ =	swait.ge [sflag:s28], $0x80  }
0x172: {  	[sflag:s28] =	ssyncset.done $0x0  }
0x173: {  	[sflag:s28] =	ssyncadd.s32 $0xFFFFFF80  }
0x174: {  	[spmem:s2] =	stream.indirect.scatter.add.f32 [tilespmem:s21], [sflag:$0x5], $0x80, s3, s24, $0xb8;
	[tilespmem:$0x1C900] =	vst v63  }
0x175: {  	_ =	swait.ge [sflag:s22], $0x4000  }
0x176: {  	[sflag:s22] =	ssyncset.done $0x0  }
0x177: {  	s9 =	sadd.s32 $0x80, s8;
	[sflag:s22] =	ssyncadd.s32 $0xFFFFC000  }
0x178: {  	[tilespmem:s3], [sflag:$0x3] =	stream.linear.gather [hbm4b:s9+s3], $0x80, $0x38;
	[tilespmem:$0x1C900] =	vst v63  }
0x179: {  	s10 =	rddreg [dreg:$0xd]  }
0x17a: {  	[tilespmem:s21], [sflag:$0x1] =	stream.indirect.gather [hbm4b:s5+s24], $0x80, s10, s24, $0xb8;
	[tilespmem:$0x1C900] =	vst v63  }
0x17b: {  	_ =	swait.ge [sflag:s29], $0x4000  }
0x17c: {  	[sflag:s29] =	ssyncset.done $0x0  }
0x17d: {  	[sflag:s29] =	ssyncadd.s32 $0xFFFFC000  }
0x17e: {  	_ =	swait.ge [sflag:s30], $0x80  }
0x17f: {  	[sflag:s30] =	ssyncset.done $0x0  }
0x180: {  	[sflag:s30] =	ssyncadd.s32 $0xFFFFFF80  }
0x181: {  	[spmem:s2] =	stream.indirect.scatter.add.f32 [tilespmem:s25], [sflag:$0x5], $0x80, s24, s24, $0xb8;
	[tilespmem:$0x1C900] =	vst v63  }
0x182: {  	_ =	swait.ge [sflag:s22], $0x4000  }
0x183: {  	[sflag:s22] =	ssyncset.done $0x0  }
0x184: {  	s9 =	sadd.s32 $0x90, s8;
	[sflag:s22] =	ssyncadd.s32 $0xFFFFC000  }
0x185: {  	[tilespmem:s24], [sflag:$0x4] =	stream.linear.gather [hbm4b:s9+s3], $0x80, $0x38;
	[tilespmem:$0x1C900] =	vst v63  }
0x186: {  	s10 =	rddreg [dreg:$0xe]  }
0x187: {  	[tilespmem:s25], [sflag:$0x2] =	stream.indirect.gather [hbm4b:s5+s24], $0x80, s10, s24, $0xb8;
	[tilespmem:$0x1C900] =	vst v63  }
0x188: {  	_ =	swait.ge [sflag:s26], $0x4000  }
0x189: {  	[sflag:s26] =	ssyncset.done $0x0  }
0x18a: {  	[sflag:s26] =	ssyncadd.s32 $0xFFFFC000  }
0x18b: {  	_ =	swait.ge [sflag:s28], $0x80  }
0x18c: {  	[sflag:s28] =	ssyncset.done $0x0  }
0x18d: {  	[sflag:s28] =	ssyncadd.s32 $0xFFFFFF80  }
0x18e: {  	[spmem:s2] =	stream.indirect.scatter.add.f32 [tilespmem:s21], [sflag:$0x5], $0x80, s3, s24, $0xb8;
	[tilespmem:$0x1C900] =	vst v63  }
0x18f: {  	_ =	swait.ge [sflag:s22], $0x4000  }
0x190: {  	[sflag:s22] =	ssyncset.done $0x0  }
0x191: {  	s9 =	sadd.s32 $0xA0, s8;
	[sflag:s22] =	ssyncadd.s32 $0xFFFFC000  }
0x192: {  	[tilespmem:s3], [sflag:$0x3] =	stream.linear.gather [hbm4b:s9+s3], $0x80, $0x38;
	[tilespmem:$0x1C900] =	vst v63  }
0x193: {  	s10 =	rddreg [dreg:$0xf]  }
0x194: {  	[tilespmem:s21], [sflag:$0x1] =	stream.indirect.gather [hbm4b:s5+s24], $0x80, s10, s24, $0xb8;
	[tilespmem:$0x1C900] =	vst v63  }
0x195: {  	_ =	swait.ge [sflag:s29], $0x4000  }
0x196: {  	[sflag:s29] =	ssyncset.done $0x0  }
0x197: {  	[sflag:s29] =	ssyncadd.s32 $0xFFFFC000  }
0x198: {  	_ =	swait.ge [sflag:s30], $0x80  }
0x199: {  	[sflag:s30] =	ssyncset.done $0x0  }
0x19a: {  	[sflag:s30] =	ssyncadd.s32 $0xFFFFFF80  }
0x19b: {  	[spmem:s2] =	stream.indirect.scatter.add.f32 [tilespmem:s25], [sflag:$0x5], $0x80, s24, s24, $0xb8;
	[tilespmem:$0x1C900] =	vst v63  }
0x19c: {  	_ =	swait.ge [sflag:s22], $0x4000  }
0x19d: {  	[sflag:s22] =	ssyncset.done $0x0  }
0x19e: {  	s9 =	sadd.s32 $0xB0, s8;
	[sflag:s22] =	ssyncadd.s32 $0xFFFFC000  }
0x19f: {  	[tilespmem:s24], [sflag:$0x4] =	stream.linear.gather [hbm4b:s9+s3], $0x80, $0x38;
	[tilespmem:$0x1C900] =	vst v63  }
0x1a0: {  	s10 =	rddreg [dreg:$0x10]  }
0x1a1: {  	[tilespmem:s25], [sflag:$0x2] =	stream.indirect.gather [hbm4b:s5+s24], $0x80, s10, s24, $0xb8;
	[tilespmem:$0x1C900] =	vst v63  }
0x1a2: {  	_ =	swait.ge [sflag:s26], $0x4000  }
0x1a3: {  	[sflag:s26] =	ssyncset.done $0x0  }
0x1a4: {  	[sflag:s26] =	ssyncadd.s32 $0xFFFFC000  }
0x1a5: {  	_ =	swait.ge [sflag:s28], $0x80  }
0x1a6: {  	[sflag:s28] =	ssyncset.done $0x0  }
0x1a7: {  	[sflag:s28] =	ssyncadd.s32 $0xFFFFFF80  }
0x1a8: {  	[spmem:s2] =	stream.indirect.scatter.add.f32 [tilespmem:s21], [sflag:$0x5], $0x80, s3, s24, $0xb8;
	[tilespmem:$0x1C900] =	vst v63  }
0x1a9: {  	_ =	swait.ge [sflag:s22], $0x4000  }
0x1aa: {  	[sflag:s22] =	ssyncset.done $0x0  }
0x1ab: {  	s9 =	sadd.s32 $0xC0, s8;
	[sflag:s22] =	ssyncadd.s32 $0xFFFFC000  }
0x1ac: {  	[tilespmem:s3], [sflag:$0x3] =	stream.linear.gather [hbm4b:s9+s3], $0x80, $0x38;
	[tilespmem:$0x1C900] =	vst v63  }
0x1ad: {  	s10 =	rddreg [dreg:$0x11]  }
0x1ae: {  	[tilespmem:s21], [sflag:$0x1] =	stream.indirect.gather [hbm4b:s5+s24], $0x80, s10, s24, $0xb8;
	[tilespmem:$0x1C900] =	vst v63  }
0x1af: {  	_ =	swait.ge [sflag:s29], $0x4000  }
0x1b0: {  	[sflag:s29] =	ssyncset.done $0x0  }
0x1b1: {  	[sflag:s29] =	ssyncadd.s32 $0xFFFFC000  }
0x1b2: {  	_ =	swait.ge [sflag:s30], $0x80  }
0x1b3: {  	[sflag:s30] =	ssyncset.done $0x0  }
0x1b4: {  	[sflag:s30] =	ssyncadd.s32 $0xFFFFFF80  }
0x1b5: {  	[spmem:s2] =	stream.indirect.scatter.add.f32 [tilespmem:s25], [sflag:$0x5], $0x80, s24, s24, $0xb8;
	[tilespmem:$0x1C900] =	vst v63  }
0x1b6: {  	_ =	swait.ge [sflag:s22], $0x4000  }
0x1b7: {  	[sflag:s22] =	ssyncset.done $0x0  }
0x1b8: {  	s10 =	sadd.s32 $0xD0, s8;
	[sflag:s22] =	ssyncadd.s32 $0xFFFFC000  }
0x1b9: {  	[tilespmem:s24], [sflag:$0x4] =	stream.linear.gather [hbm4b:s10+s3], $0x80, $0x38;
	[tilespmem:$0x1C900] =	vst v63  }
0x1ba: {  	_ = 	snop  }
0x1bb: {  	[tilespmem:s25], [sflag:$0x2] =	stream.indirect.gather [hbm4b:s5+s24], $0x80, s31, s24, $0xb8;
	[tilespmem:$0x1C900] =	vst v63  }
0x1bc: {  	_ =	swait.ge [sflag:s26], $0x4000  }
0x1bd: {  	[sflag:s26] =	ssyncset.done $0x0  }
0x1be: {  	[sflag:s26] =	ssyncadd.s32 $0xFFFFC000  }
0x1bf: {  	_ =	swait.ge [sflag:s28], $0x80  }
0x1c0: {  	[sflag:s28] =	ssyncset.done $0x0  }
0x1c1: {  	[sflag:s28] =	ssyncadd.s32 $0xFFFFFF80  }
0x1c2: {  	[spmem:s2] =	stream.indirect.scatter.add.f32 [tilespmem:s21], [sflag:$0x5], $0x80, s3, s24, $0xb8;
	[tilespmem:$0x1C900] =	vst v63  }
0x1c3: {  	_ =	swait.ge [sflag:s22], $0x4000  }
0x1c4: {  	[sflag:s22] =	ssyncset.done $0x0  }
0x1c5: {  	s10 =	sadd.s32 $0xE0, s8;
	[sflag:s22] =	ssyncadd.s32 $0xFFFFC000  }
0x1c6: {  	[tilespmem:s3], [sflag:$0x3] =	stream.linear.gather [hbm4b:s10+s3], $0x80, $0x38;
	[tilespmem:$0x1C900] =	vst v63  }
0x1c7: {  	_ = 	snop  }
0x1c8: {  	[tilespmem:s21], [sflag:$0x1] =	stream.indirect.gather [hbm4b:s5+s24], $0x80, s1, s24, $0xb8;
	[tilespmem:$0x1C900] =	vst v63  }
0x1c9: {  	_ =	swait.ge [sflag:s29], $0x4000  }
0x1ca: {  	[sflag:s29] =	ssyncset.done $0x0  }
0x1cb: {  	[sflag:s29] =	ssyncadd.s32 $0xFFFFC000  }
0x1cc: {  	_ =	swait.ge [sflag:s30], $0x80  }
0x1cd: {  	[sflag:s30] =	ssyncset.done $0x0  }
0x1ce: {  	[sflag:s30] =	ssyncadd.s32 $0xFFFFFF80  }
0x1cf: {  	[spmem:s2] =	stream.indirect.scatter.add.f32 [tilespmem:s25], [sflag:$0x5], $0x80, s24, s24, $0xb8;
	[tilespmem:$0x1C900] =	vst v63  }
0x1d0: {  	_ =	swait.ge [sflag:s22], $0x4000  }
0x1d1: {  	[sflag:s22] =	ssyncset.done $0x0  }
0x1d2: {  	s8 =	sadd.s32 $0xF0, s8;
	[sflag:s22] =	ssyncadd.s32 $0xFFFFC000  }
0x1d3: {  	[tilespmem:s24], [sflag:$0x4] =	stream.linear.gather [hbm4b:s8+s3], $0x80, $0x38;
	[tilespmem:$0x1C900] =	vst v63  }
0x1d4: {  	_ = 	snop  }
0x1d5: {  	[tilespmem:s25], [sflag:$0x2] =	stream.indirect.gather [hbm4b:s5+s24], $0x80, s0, s24, $0xb8;
	[tilespmem:$0x1C900] =	vst v63  }
0x1d6: {  	_ =	swait.ge [sflag:s26], $0x4000  }
0x1d7: {  	[sflag:s26] =	ssyncset.done $0x0  }
0x1d8: {  	[sflag:s26] =	ssyncadd.s32 $0xFFFFC000  }
0x1d9: {  	_ =	swait.ge [sflag:s28], $0x80  }
0x1da: {  	[sflag:s28] =	ssyncset.done $0x0  }
0x1db: {  	[sflag:s28] =	ssyncadd.s32 $0xFFFFFF80  }
0x1dc: {  	[spmem:s2] =	stream.indirect.scatter.add.f32 [tilespmem:s21], [sflag:$0x5], $0x80, s3, s24, $0xb8;
	[tilespmem:$0x1C900] =	vst v63  }
0x1dd: {  	_ =	swait.ge [sflag:s22], $0x4000  }
0x1de: {  	[sflag:s22] =	ssyncset.done $0x0  }
0x1df: {  	[sflag:s22] =	ssyncadd.s32 $0xFFFFC000  }
0x1e0: {  	_ =	swait.ge [sflag:s29], $0x4000  }
0x1e1: {  	[sflag:s29] =	ssyncset.done $0x0  }
0x1e2: {  	p0 =	sne.s32 s7, $0x400;
	[sflag:s29] =	ssyncadd.s32 $0xFFFFC000  }
.Ltmp0:
0x1e3: {  	_ =	swait.ge [sflag:s30], $0x80;
	(pc) =	sbr.rel @p0 .LBB2_2-.Ltmp0, $4  }
0x1e4: {  	[sflag:s30] =	ssyncset.done $0x0  }
0x1e5: {  	[sflag:s30] =	ssyncadd.s32 $0xFFFFFF80  }
0x1e6: {  	[spmem:s2] =	stream.indirect.scatter.add.f32 [tilespmem:s25], [sflag:$0x5], $0x80, s24, s24, $0xb8;
	[tilespmem:$0x1C900] =	vst v63  }
0x1e7: {  	s7 =	sadd.s32 $0x100, s7;
	_ =	swait.ge [sflag:s22], $0x4000  }
0x1e8: {  	[sflag:s22] =	ssyncset.done $0x0  }
0x1e9: {  	[sflag:s22] =	ssyncadd.s32 $0xFFFFC000  }
0x1ea: {  	[bflag:$0x0] =	sbarrier.arrive $0xFFFF  }
0x1eb: {  	[tilespmem:s21], [sflag:$0x5] =	stream.linear.gather [spmem:s6], $0x4000, $0x38;
	[tilespmem:$0x1C900] =	vst v63  }
0x1ec: {  	_ =	swait.ge [sflag:s22], $0x4000  }
0x1ed: {  	[sflag:s22] =	ssyncset.done $0x0  }
0x1ee: {  	[sflag:s22] =	ssyncadd.s32 $0xFFFFC000  }
0x1ef: {  	[hbm4b:s12+s3] =	stream.linear.scatter [tilespmem:s21], [sflag:$0x5], $0x4000, $0x38;
	[tilespmem:$0x1C900] =	vst v63  }
0x1f0: {  	_ =	swait.ge [sflag:s22], $0x4000  }
0x1f1: {  	[sflag:s22] =	ssyncset.done $0x0  }
0x1f2: {  	[sflag:s22] =	ssyncadd.s32 $0xFFFFC000  }
0x1f3: {  	[tilespmem:s21], [sflag:$0x5] =	stream.linear.gather [spmem:s13], $0x4000, $0x38;
	[tilespmem:$0x1C900] =	vst v63  }
0x1f4: {  	_ =	swait.ge [sflag:s22], $0x4000  }
0x1f5: {  	[sflag:s22] =	ssyncset.done $0x0  }
0x1f6: {  	[sflag:s22] =	ssyncadd.s32 $0xFFFFC000  }
0x1f7: {  	[hbm4b:s14+s3] =	stream.linear.scatter [tilespmem:s21], [sflag:$0x5], $0x4000, $0x38;
	[tilespmem:$0x1C900] =	vst v63  }
0x1f8: {  	_ =	swait.ge [sflag:s22], $0x4000  }
0x1f9: {  	[sflag:s22] =	ssyncset.done $0x0  }
0x1fa: {  	[sflag:s22] =	ssyncadd.s32 $0xFFFFC000  }
0x1fb: {  	[tilespmem:s21], [sflag:$0x5] =	stream.linear.gather [spmem:s15], $0x4000, $0x38;
	[tilespmem:$0x1C900] =	vst v63  }
0x1fc: {  	_ =	swait.ge [sflag:s22], $0x4000  }
0x1fd: {  	[sflag:s22] =	ssyncset.done $0x0  }
0x1fe: {  	[sflag:s22] =	ssyncadd.s32 $0xFFFFC000  }
0x1ff: {  	[hbm4b:s16+s3] =	stream.linear.scatter [tilespmem:s21], [sflag:$0x5], $0x4000, $0x38;
	[tilespmem:$0x1C900] =	vst v63  }
0x200: {  	_ =	swait.ge [sflag:s22], $0x4000  }
0x201: {  	[sflag:s22] =	ssyncset.done $0x0  }
0x202: {  	[sflag:s22] =	ssyncadd.s32 $0xFFFFC000  }
0x203: {  	[tilespmem:s21], [sflag:$0x5] =	stream.linear.gather [spmem:s17], $0x4000, $0x38;
	[tilespmem:$0x1C900] =	vst v63  }
0x204: {  	_ =	swait.ge [sflag:s22], $0x4000  }
0x205: {  	[sflag:s22] =	ssyncset.done $0x0  }
0x206: {  	[sflag:s22] =	ssyncadd.s32 $0xFFFFC000  }
0x207: {  	[hbm4b:s18+s3] =	stream.linear.scatter [tilespmem:s21], [sflag:$0x5], $0x4000, $0x38;
	[tilespmem:$0x1C900] =	vst v63  }
0x208: {  	_ =	swait.ge [sflag:s22], $0x4000  }
0x209: {  	[sflag:s22] =	ssyncset.done $0x0  }
0x20a: {  	[sflag:s22] =	ssyncadd.s32 $0xFFFFC000  }
0x20b: {  	[tilespmem:s21], [sflag:$0x5] =	stream.linear.gather [spmem:s19], $0x4000, $0x38;
	[tilespmem:$0x1C900] =	vst v63  }
0x20c: {  	_ =	swait.ge [sflag:s22], $0x4000  }
0x20d: {  	[sflag:s22] =	ssyncset.done $0x0  }
0x20e: {  	[sflag:s22] =	ssyncadd.s32 $0xFFFFC000  }
0x20f: {  	[hbm4b:s20+s3] =	stream.linear.scatter [tilespmem:s21], [sflag:$0x5], $0x4000, $0x38;
	[tilespmem:$0x1C900] =	vst v63  }
0x210: {  	_ =	swait.ge [sflag:s22], $0x4000  }
0x211: {  	s4 =	sadd.s32 $0x1, s4;
	s7 =	rddreg [dreg:$0x13]  }
0x212: {  	p0 =	sne.s32 s4, s7  }
.Ltmp1:
0x213: {  	_ = 	snop;
	(pc) =	sbr.rel @p0 .LBB2_1-.Ltmp1, $3  }
0x214: {  	_ =	sdelay $0x1  }
0x215: {  	[sflag:s22] =	ssyncset.done $0x0  }
0x216: {  	[sflag:s22] =	ssyncadd.s32 $0xFFFFC000  }
0x217: {  	_ =	sfence.sel $0x180000  }
0x218: {  	[bflag:$0x0] =	sbarrier.arrive $0xFFFF  }
0x219: {  	_ =	strace $0x9000004D  }
0x21a: {  	s0 =	stileid.u32;
	[bflag:$0x2] =	sbarrier.arrive $0xFFFF  }
0x21b: {  	p0 =	sne.s32 s0, $0x0;
	s0 =	rddreg [dreg:$0x3]  }
0x21c: {  	s0 =	sadd.s32 @!p0 $0x100000, s0  }
0x21d: {  	[sflag:s0] =	ssyncadd.tile.s32 @!p0 $0x1;
	_ =	shalt  }
.Lfunc_end2:
_tile_overlayer_lowered:
.L_overlay_start_2:
0x21e: {  	(tag) =	ssettag $0x2  }
0x21f: {  	s0 =	rddreg [dreg:$0x0];
	s2 =	stileid.u32  }
0x220: {  	s1 =	rddreg [dreg:$0x1];
	p0 =	sne.s32 s2, $0x0  }
0x221: {  	s3 =	rddreg [dreg:$0x2];
	[bflag:$0x3] =	sbarrier.arrive $0xFFFF;
	s2 =	simm.s32 @!p0 $0x1C05  }
0x222: {  	[timem:s3], [sflag:s2] =	dma.local @!p0 [hbm:s0], s1  }
0x223: {  	s0 =	simm.s32 @!p0 $0x5  }
0x224: {  	_ =	swait.ge @!p0 [sflag:s0], s1  }
0x225: {  	s1 =	ssub.s32 @!p0 $0x0, s1;
	[sflag:s0] =	ssyncset.done @!p0 $0x0  }
0x226: {  	[sflag:s0] =	ssyncadd.s32 @!p0 s1  }
0x227: {  	[bflag:$0x3] =	sbarrier.arrive $0xFFFF  }
0x228: {  	_ =	shalt  }

// kernel: kernel.8.cloned.1.call-start
scs
__scs_entry_jumppad:
0x0: {  	(pc) =	sbr.rel $0x88, $3  }
0x1: {  	(tag) =	ssettag $0x0;
	lr =	simm.s32 $0x1  }
0x2: {  	[smem:$0x3F97] =	sst lr;
	_ =	strace $0xD0000000  }
0x3: {  	_ = 	snop  }
0x4: {  	_ = 	snop  }
0x5: {  	_ = 	snop  }
0x6: {  	_ = 	snop  }
0x7: {  	_ = 	snop  }
__scs_overlays_trampoline_lowered:
0x8: {  	[smem:$0x3FA6] =	sst s0  }
0x9: {  	[smem:$0x3FA7] =	sst s1  }
0xa: {  	[smem:$0x3FA8] =	sst s2  }
0xb: {  	[smem:$0x3FA9] =	sst s3  }
0xc: {  	[smem:$0x3FAA] =	sst s4  }
0xd: {  	[smem:$0x3FAB] =	sst s5  }
0xe: {  	[smem:$0x3FAC] =	sst s6  }
0xf: {  	[smem:$0x3FAD] =	sst s7  }
0x10: {  	[smem:$0x3FAE] =	sst s8  }
0x11: {  	[smem:$0x3FAF] =	sst s9;
	s0 =	simm.s32 @!p0 $0x0  }
0x12: {  	s1 =	sld [smem:$0x3F95];
	s0 =	simm.s32 @p0 $0x1  }
0x13: {  	[smem:$0x3FB0] =	sst s0;
	s0 =	simm.s32 @!p1 $0x0  }
0x14: {  	s2 =	sld [smem:$0x3F94];
	s0 =	simm.s32 @p1 $0x1  }
0x15: {  	[smem:$0x3FB1] =	sst s0;
	s0 =	simm.s32 @!p2 $0x0  }
0x16: {  	s3 =	sld [smem:$0x3FDB];
	s0 =	simm.s32 @p2 $0x1  }
0x17: {  	s4 =	simm.s32 $0x1BF5;
	[smem:$0x3FB3] =	sst s0  }
0x18: {  	s0 =	sld [smem:$0x3F96];
	_ =	swait.ge [sflag:s4], $0x0  }
0x19: {  	s7 =	sld [smem:$0x3F97]  }
0x1a: {  	s8 =	sadd.s32 $0xFFFFE003, lr  }
0x1b: {  	s9 =	sadd.s32 $0xFFFFFEF7, lr;
	s5 =	simm.s32 $0xFFFFFFFF;
	p2 =	slt.u32 s8, $0xFFFFF086  }
0x1c: {  	p1 =	slt.u32 s9, $0xF7A;
	s5 =	simm.s32 @!p2 $0x0  }
0x1d: {  	s5 =	simm.s32 @p1 $0x1;
	p0 =	seq.s32 s7, s2  }
0x1e: {  	s7 =	smul.u32 @!p0 $0xF7A, s2;
	p2 =	seq.s32 @!p0 s5, $0x0  }
0x1f: {  	s9 =	smul.u32 $0xF7A, s1;
	s8 =	simm.s32 @!p0 $0x1BF5;
	p2 =	por !p2, p0  }
0x20: {  	[sflag:s8] =	ssyncset.s32 @!p0 $0xFFFFF086;
	s6 =	sadd.s32 @!p0 s3, s7;
	s7 =	simm.s32 @!p0 $0x108  }
0x21: {  	s3 =	sadd.s32 s3, s9;
	s6 =	sadd.s32 @!p0 $0x88, s6;
	s7 =	simm.s32 @p2 $0x1082  }
0x22: {  	[simem:s7], [sflag:s8] =	dma.local @!p0 [hbm:s6], $0xF7A  }
0x23: {  	s9 =	sor.u32 $0xD0000000, s2;
	s6 =	simm.s32 $0x108;
	_ =	swait.ge @!p0 [sflag:s8], $0x0  }
0x24: {  	s3 =	sadd.s32 $0x88, s3;
	s6 =	simm.s32 @!p1 $0x1082;
	[sflag:s4] =	ssyncset.s32 $0xFFFFF086  }
0x25: {  	[simem:s6], [sflag:s4] =	dma.local [hbm:s3], $0xF7A  }
0x26: {  	[smem:$0x3F97] =	sst s1;
	(tag) =	ssettag s2;
	_ =	strace s9  }
0x27: {  	s1 =	sld [smem:$0x3FA7]  }
0x28: {  	s2 =	sld [smem:$0x3FA8]  }
0x29: {  	s4 =	sld [smem:$0x3FAA]  }
0x2a: {  	p0 =	seq.s32 s5, $0x0;
	s5 =	sld [smem:$0x3FAB]  }
0x2b: {  	s6 =	sld [smem:$0x3FAC]  }
0x2c: {  	s7 =	sld [smem:$0x3FAD]  }
0x2d: {  	s3 =	simm.s32 $0x108;
	s8 =	sld [smem:$0x3FAE]  }
0x2e: {  	s3 =	simm.s32 @!p0 $0x1082;
	s9 =	sld [smem:$0x3FAF]  }
0x2f: {  	lr =	sadd.s32 s0, s3;
	s0 =	sld [smem:$0x3FA6]  }
0x30: {  	s3 =	sld [smem:$0x3FA9]  }
0x31: {  	[smem:$0x3FB2] =	sst s10  }
0x32: {  	s10 =	sld [smem:$0x3FB0];
	_ =	sdelay $0x3  }
0x33: {  	p0 =	seq.s32 s10, $0x1;
	s10 =	sld [smem:$0x3FB2];
	_ =	sdelay $0x3  }
0x34: {  	[smem:$0x3FB2] =	sst s10  }
0x35: {  	s10 =	sld [smem:$0x3FB1];
	_ =	sdelay $0x3  }
0x36: {  	p1 =	seq.s32 s10, $0x1;
	s10 =	sld [smem:$0x3FB2];
	_ =	sdelay $0x3  }
0x37: {  	[smem:$0x3FB2] =	sst s10  }
0x38: {  	s10 =	sld [smem:$0x3FB3]  }
0x39: {  	_ = 	snop;
	(pc) =	sbr.ind lr, $3  }
0x3a: {  	_ = 	snop  }
0x3b: {  	_ = 	snop  }
0x3c: {  	p2 =	seq.s32 s10, $0x1;
	s10 =	sld [smem:$0x3FB2]  }
0x3d: {  	_ =	shalt  }
0x3e: {  	_ =	shalt  }
0x3f: {  	_ =	shalt  }
0x40: {  	_ =	shalt  }
0x41: {  	_ =	shalt  }
0x42: {  	_ =	shalt  }
0x43: {  	_ =	shalt  }
0x44: {  	_ =	shalt  }
0x45: {  	_ =	shalt  }
0x46: {  	_ =	shalt  }
0x47: {  	_ =	shalt  }
0x48: {  	_ =	shalt  }
0x49: {  	_ =	shalt  }
0x4a: {  	_ =	shalt  }
0x4b: {  	_ =	shalt  }
0x4c: {  	_ =	shalt  }
0x4d: {  	_ =	shalt  }
0x4e: {  	_ =	shalt  }
0x4f: {  	_ =	shalt  }
0x50: {  	_ =	shalt  }
0x51: {  	_ =	shalt  }
0x52: {  	_ =	shalt  }
0x53: {  	_ =	shalt  }
0x54: {  	_ =	shalt  }
0x55: {  	_ =	shalt  }
0x56: {  	_ =	shalt  }
0x57: {  	_ =	shalt  }
0x58: {  	_ =	shalt  }
0x59: {  	_ =	shalt  }
0x5a: {  	_ =	shalt  }
0x5b: {  	_ =	shalt  }
0x5c: {  	_ =	shalt  }
0x5d: {  	_ =	shalt  }
0x5e: {  	_ =	shalt  }
0x5f: {  	_ =	shalt  }
0x60: {  	_ =	shalt  }
0x61: {  	_ =	shalt  }
0x62: {  	_ =	shalt  }
0x63: {  	_ =	shalt  }
0x64: {  	_ =	shalt  }
0x65: {  	_ =	shalt  }
0x66: {  	_ =	shalt  }
0x67: {  	_ =	shalt  }
0x68: {  	_ =	shalt  }
0x69: {  	_ =	shalt  }
0x6a: {  	_ =	shalt  }
0x6b: {  	_ =	shalt  }
0x6c: {  	_ =	shalt  }
0x6d: {  	_ =	shalt  }
0x6e: {  	_ =	shalt  }
0x6f: {  	_ =	shalt  }
0x70: {  	_ =	shalt  }
0x71: {  	_ =	shalt  }
0x72: {  	_ =	shalt  }
0x73: {  	_ =	shalt  }
0x74: {  	_ =	shalt  }
0x75: {  	_ =	shalt  }
0x76: {  	_ =	shalt  }
0x77: {  	_ =	shalt  }
0x78: {  	_ =	shalt  }
0x79: {  	_ =	shalt  }
0x7a: {  	_ =	shalt  }
0x7b: {  	_ =	shalt  }
0x7c: {  	_ =	shalt  }
0x7d: {  	_ =	shalt  }
0x7e: {  	_ =	shalt  }
0x7f: {  	_ =	shalt  }
0x80: {  	_ =	shalt  }
0x81: {  	_ =	shalt  }
0x82: {  	_ =	shalt  }
0x83: {  	_ =	shalt  }
0x84: {  	_ =	shalt  }
0x85: {  	_ =	shalt  }
0x86: {  	_ =	shalt  }
0x87: {  	_ =	shalt  }
.Lfunc_end0:
.L_simem_size_0:
called_computation_lowered:
.L_overlay_start_0:
0x88: {  	s2 =	sld [smem:$0x3FD9]  }
0x89: {  	s3 =	sld [smem:$0x3FFE];
	_ =	sdelay $0x1  }
0x8a: {  	s1 =	srdreg.scid  }
0x8b: {  	s0 =	sand.u32 $0x1, s1  }
0x8c: {  	s17 =	sshll.u32 s0, $0xA;
	s2 =	sadd.s32 s3, s2  }
0x8d: {  	s2 =	sadd.s32 s2, s17  }
0x8e: {  	[smem:$0x3FBE] =	sst s2  }
0x8f: {  	_ = 	snop  }
0x90: {  	s18 =	sld [smem:$0x3FD0];
	(tm) =	ssettm $0x1  }
0x91: {  	s19 =	sld [smem:$0x3FFB];
	_ =	sdelay $0x3  }
0x92: {  	_ =	strace s19  }
0x93: {  	s2 =	sld [smem:$0x3FFC];
	_ =	sdelay $0x3  }
0x94: {  	_ =	strace s2  }
0x95: {  	s2 =	sld [smem:$0x3FFD];
	_ =	sdelay $0x3  }
0x96: {  	_ =	strace s2  }
0x97: {  	_ =	strace $0x8FFFFFFF  }
0x98: {  	s20 =	sld [smem:$0x3FDB];
	_ =	sdelay $0x1  }
0x99: {  	s4 =	simm.s32 $_scs_section_size  }
0x9a: {  	s5 =	simm.s32 $_size__tile_overlayer_lowered;
	s6 =	simm.s32 $_tile_overlayer_lowered  }
0x9b: {  	s7 =	simm.s32 $0x1BFF;
	s21 =	sshll.u32 s6, $0x1;
	s4 =	sadd.s32 s4, s20  }
0x9c: {  	s22 =	simm.s32 $0x0;
	s5 =	sshll.u32 s5, $0x1;
	s6 =	sadd.s32 s21, s4  }
0x9d: {  	[timem:s22], [sflag:s7] =	dma.local [hbm:s6], s5  }
0x9e: {  	_ =	swait.ge [sflag:s7], s5  }
0x9f: {  	s5 =	ssub.s32 $0x0, s5;
	[sflag:s7] =	ssyncset.done $0x0  }
0xa0: {  	[sflag:s7] =	ssyncadd.s32 s5;
	_ =	sdelay $0x1  }
0xa1: {  	s23 =	simm.s32 $0x1B8B  }
0xa2: {  	_ =	swait.ge [sflag:s23], $0x1  }
0xa3: {  	[sflag:s23] =	ssyncset.done $0x0  }
0xa4: {  	[sflag:s23] =	ssyncadd.s32 $0xFFFFFFFF  }
0xa5: {  	s5 =	sld [smem:$0x0]  }
0xa6: {  	s6 =	sand.u32 $0xFFFFFFFE, s1  }
0xa7: {  	p0 =	sne.s32 s1, s6  }
0xa8: {  	s6 =	sshll.u32 @p0 s6, $0xE  }
0xa9: {  	s6 =	sadd.s32 @p0 $0x11B8D, s6;
	s7 =	sshll.u32 @p0 s5, $0x11  }
0xaa: {  	s6 =	sor.u32 @p0 s7, s6  }
0xab: {  	[sflag:s6] =	ssyncadd.remote.s32 @p0 $0x1;
	_ =	sdelay $0x1  }
0xac: {  	s6 =	simm.s32 @p0 $0x1B8D  }
0xad: {  	_ =	swait.eq @p0 [sflag:s6], $0x1  }
0xae: {  	[sflag:s6] =	ssyncadd.s32 @p0 $0xFFFFFFFF  }
0xaf: {  	s7 =	sshll.u32 @!p0 s1, $0xE  }
0xb0: {  	s7 =	sor.u32 @!p0 $0x4000, s7;
	s6 =	simm.s32 @!p0 $0x1B8D  }
0xb1: {  	s5 =	sshll.u32 @!p0 s5, $0x11;
	s7 =	sadd.s32 @!p0 $0x11B8D, s7;
	_ =	swait.eq @!p0 [sflag:s6], $0x1  }
0xb2: {  	s5 =	sor.u32 @!p0 s5, s7;
	[sflag:s6] =	ssyncadd.s32 @!p0 $0xFFFFFFFF  }
0xb3: {  	s25 =	simm.s32 $0x1B8E;
	s24 =	sld [smem:$0x3FFE];
	[sflag:s5] =	ssyncadd.remote.s32 @!p0 $0x1  }
0xb4: {  	s26 =	simm.s32 $execute0_lowered;
	[smem:$0x3FD2] =	sst s25  }
0xb5: {  	s6 =	sshll.u32 s26, $0x1;
	_ =	strace $0x80000049;
	[dreg:$0x1] =	wrdreg $0xFFFFFFFF  }
0xb6: {  	s28 =	simm.s32 $_size_execute0_lowered;
	s4 =	sadd.s32 s4, s6;
	[dreg:$0x0] =	wrdreg $0x0  }
0xb7: {  	s6 =	sshll.u32 s28, $0x1;
	[dreg:$0x2] =	wrdreg s4  }
0xb8: {  	[dreg:$0x3] =	wrdreg s6  }
0xb9: {  	[dreg:$0x4] =	wrdreg $0xC0  }
0xba: {  	_ =	task [dreg:s22], $0x5FFFF  }
0xbb: {  	[dreg:$0x1] =	wrdreg $0xFFFFFFFF  }
0xbc: {  	[dreg:$0x0] =	wrdreg $0x60  }
0xbd: {  	[dreg:$0x2] =	wrdreg s24  }
0xbe: {  	[dreg:$0x3] =	wrdreg s18  }
0xbf: {  	[dreg:$0x4] =	wrdreg $0x41000  }
0xc0: {  	[dreg:$0x5] =	wrdreg $0x9  }
0xc1: {  	_ =	task.clear_ibuf [dreg:s22], $0x6FFFF;
	_ =	strace $0x90000049  }
0xc2: {  	s29 =	simm.s32 $0x9;
	_ =	strace $0x8000004B  }
0xc3: {  	_ =	swait.ge [sflag:s29], $0x1  }
0xc4: {  	[sflag:s29] =	ssyncadd.s32 $0xFFFFFFFF  }
0xc5: {  	_ =	strace $0x9000004B  }
0xc6: {  	_ =	sfence  }
0xc7: {  	s30 =	sld [smem:$0x0];
	_ =	sdelay $0x2  }
0xc8: {  	s31 =	sshll.u32 s1, $0xD;
	s1 =	sshrl.u32 s1, $0x2  }
0xc9: {  	s4 =	sand.u32 $0x4000, s31;
	s1 =	sadd.s32 s1, s30  }
0xca: {  	s0 =	sor.u32 s4, s0;
	s1 =	sshll.u32 s1, $0x11  }
0xcb: {  	s0 =	sor.u32 s1, s0  }
0xcc: {  	s0 =	sadd.s32 $0x8F2B, s0  }
0xcd: {  	[sflag:s0] =	ssyncadd.remote.s32 $0x1  }
0xce: {  	_ =	sfence.sel $0xFFFF  }
0xcf: {  	[dreg:$0x0] =	wrdreg $0xFFFFFFFF;
	(pc) =	sbr.abs _section_cstart, $3  }
0xd0: {  	[dreg:$0x1] =	wrdreg $0xFFFFFFFF  }
0xd1: {  	_ =	task.clear_ibuf [dreg:s22], $0x2FFFF;
	_ =	strace $0x9FFFFFFF  }
0xd2: {  	(tm) =	ssettm $0x7FFFFFFF  }
0xd3: {  	_ =	shalt  }
tec
execute0_lowered:
.L_overlay_start_1:
0x0: {  	(tag) =	ssettag $0x1  }
0x1: {  	s0 =	rddreg [dreg:$0x0]  }
0x2: {  	s21 =	rddreg [dreg:$0x1]  }
0x3: {  	s1 =	rddreg [dreg:$0x2]  }
0x4: {  	s2 =	simm.s32 $0x0;
	s6 =	srdreg.scid;
	s3 =	stileid.u32  }
0x5: {  	s28 =	simm.s32 $0x0;
	[smem:$0x7FF] =	sst s2;
	s16 =	smul.u32 $0x50000, s3  }
0x6: {  	s4 =	sadd.s32 $0x34800, s0;
	s5 =	sadd.s32 $0x85000, s0;
	s18 =	smul.u32 $0x280, s3  }
0x7: {  	s7 =	sand.u32 $0x1, s6;
	s0 =	sadd.s32 $0x85800, s0;
	s22 =	smul.u32 $0x2800, s3  }
0x8: {  	_ =	strace $0x8000004A;
	s8 =	ssub.s32 $0x2, s7;
	s19 =	smul.u32 $0x28000, s7  }
0x9: {  	s20 =	smul.u32 $0x2800, s7;
	s9 =	sshrl.u32 s8, $0x1;
	s6 =	sshrl.u32 s16, $0x2  }
0xa: {  	s13 =	sadd.s32 $0x80, s18;
	s23 =	sadd.s32 $0x100, s18;
	s25 =	sadd.s32 $0x180, s18  }
0xb: {  	s29 =	sadd.s32 $0x200, s18;
	s8 =	ssub.s32 s8, s9;
	s6 =	sadd.s32 s6, s1  }
0xc: {  	s12 =	sadd.s32 s20, s18;
	s14 =	sshll.u32 s13, $0x7;
	s15 =	sadd.s32 s20, s13  }
0xd: {  	s16 =	sshll.u32 s23, $0x7;
	s19 =	sadd.s32 s22, s19;
	s30 =	sshll.u32 s29, $0x7  }
0xe: {  	s22 =	simm.s32 $0x100;
	s7 =	smax.u32 s8, $0x1;
	s8 =	sadd.s32 $0x4000, s6  }
0xf: {  	s9 =	sadd.s32 $0x8000, s6;
	s10 =	sadd.s32 $0xC000, s6;
	s11 =	sadd.s32 $0x10000, s6  }
0x10: {  	s12 =	sshll.u32 s12, $0x4;
	s13 =	sadd.s32 s14, s1;
	s17 =	sshll.u32 s15, $0x4  }
0x11: {  	s15 =	sadd.s32 s16, s1;
	s31 =	sshrl.u32 s19, $0x3;
	s19 =	sadd.s32 s30, s1  }
0x12: {  	s12 =	sadd.s32 s0, s12;
	s14 =	sadd.s32 s0, s17;
	s17 =	sadd.s32 s20, s23  }
0x13: {  	s23 =	sshll.u32 s25, $0x7;
	s21 =	sadd.s32 s31, s21;
	s24 =	sshll.u32 s17, $0x4  }
0x14: {  	s17 =	sadd.s32 s23, s1;
	s23 =	simm.s32 $0x3;
	s16 =	sadd.s32 s0, s24  }
0x15: {  	s24 =	sadd.s32 s20, s25;
	s20 =	sadd.s32 s20, s29;
	s25 =	simm.s32 $0x1  }
0x16: {  	s26 =	sshll.u32 s24, $0x4;
	s20 =	sshll.u32 s20, $0x4;
	s24 =	simm.s32 $0x80  }
0x17: {  	s18 =	sadd.s32 s0, s26;
	s20 =	sadd.s32 s0, s20;
	s26 =	simm.s32 $0x2  }
.LBB2_1:
0x18: {  	[tilespmem:s22], [sflag:$0x3] =	stream.linear.gather [hbm4b:s4+s2], $0x4000, $0x38;
	[tilespmem:$0x18100] =	vst v63  }
0x19: {  	_ =	swait.ge [sflag:s23], $0x4000  }
0x1a: {  	[sflag:s23] =	ssyncset.done $0x0  }
0x1b: {  	[sflag:s23] =	ssyncadd.s32 $0xFFFFC000  }
0x1c: {  	[spmem:s6] =	stream.linear.scatter [tilespmem:s22], [sflag:$0x3], $0x4000, $0x38;
	[tilespmem:$0x18100] =	vst v63  }
0x1d: {  	_ =	swait.ge [sflag:s23], $0x4000  }
0x1e: {  	[sflag:s23] =	ssyncset.done $0x0  }
0x1f: {  	[sflag:s23] =	ssyncadd.s32 $0xFFFFC000  }
0x20: {  	[spmem:s8] =	stream.linear.scatter [tilespmem:s22], [sflag:$0x3], $0x4000, $0x38;
	[tilespmem:$0x18100] =	vst v63  }
0x21: {  	_ =	swait.ge [sflag:s23], $0x4000  }
0x22: {  	[sflag:s23] =	ssyncset.done $0x0  }
0x23: {  	[sflag:s23] =	ssyncadd.s32 $0xFFFFC000  }
0x24: {  	[spmem:s9] =	stream.linear.scatter [tilespmem:s22], [sflag:$0x3], $0x4000, $0x38;
	[tilespmem:$0x18100] =	vst v63  }
0x25: {  	_ =	swait.ge [sflag:s23], $0x4000  }
0x26: {  	[sflag:s23] =	ssyncset.done $0x0  }
0x27: {  	[sflag:s23] =	ssyncadd.s32 $0xFFFFC000  }
0x28: {  	[spmem:s10] =	stream.linear.scatter [tilespmem:s22], [sflag:$0x3], $0x4000, $0x38;
	[tilespmem:$0x18100] =	vst v63  }
0x29: {  	_ =	swait.ge [sflag:s23], $0x4000  }
0x2a: {  	[sflag:s23] =	ssyncset.done $0x0  }
0x2b: {  	[sflag:s23] =	ssyncadd.s32 $0xFFFFC000  }
0x2c: {  	[spmem:s11] =	stream.linear.scatter [tilespmem:s22], [sflag:$0x3], $0x4000, $0x38;
	[tilespmem:$0x18100] =	vst v63  }
0x2d: {  	_ =	swait.ge [sflag:s23], $0x4000  }
0x2e: {  	[sflag:s23] =	ssyncset.done $0x0  }
0x2f: {  	[sflag:s23] =	ssyncadd.s32 $0xFFFFC000  }
0x30: {  	[tilespmem:s22], [sflag:$0x3] =	stream.linear.gather [hbm4b:s5+s2], $0x4000, $0x38;
	[tilespmem:$0x18100] =	vst v63  }
0x31: {  	_ =	swait.ge [sflag:s23], $0x4000  }
0x32: {  	[sflag:s23] =	ssyncset.done $0x0  }
0x33: {  	[sflag:s23] =	ssyncadd.s32 $0xFFFFC000  }
0x34: {  	s29 =	sadd.s32 $0x0, s21;
	[bflag:$0x0] =	sbarrier.arrive $0xFFFF  }
0x35: {  	[tilespmem:s2], [sflag:$0x1] =	stream.linear.gather [hbm4b:s29+s2], $0x80, $0x38;
	[tilespmem:$0x18100] =	vst v63  }
0x36: {  	s0 =	sadd.s32 $0x10, s29  }
0x37: {  	[tilespmem:s24], [sflag:$0x2] =	stream.linear.gather [hbm4b:s0+s2], $0x80, $0x38;
	[tilespmem:$0x18100] =	vst v63  }
0x38: {  	_ =	swait.ge [sflag:s25], $0x80  }
0x39: {  	[sflag:s25] =	ssyncset.done $0x0  }
0x3a: {  	[sflag:s25] =	ssyncadd.s32 $0xFFFFFF80  }
0x3b: {  	[spmem:s1] =	stream.indirect.scatter.add.f32 [tilespmem:s22], [sflag:$0x3], $0x80, s2, s24, $0xb8;
	[tilespmem:$0x18100] =	vst v63  }
0x3c: {  	_ =	swait.ge [sflag:s23], $0x4000  }
0x3d: {  	[sflag:s23] =	ssyncset.done $0x0  }
0x3e: {  	s31 =	sadd.s32 $0x20, s29;
	[sflag:s23] =	ssyncadd.s32 $0xFFFFC000  }
0x3f: {  	[tilespmem:s2], [sflag:$0x1] =	stream.linear.gather [hbm4b:s31+s2], $0x80, $0x38;
	[tilespmem:$0x18100] =	vst v63  }
0x40: {  	_ =	swait.ge [sflag:s26], $0x80  }
0x41: {  	[sflag:s26] =	ssyncset.done $0x0  }
0x42: {  	[sflag:s26] =	ssyncadd.s32 $0xFFFFFF80  }
0x43: {  	[spmem:s1] =	stream.indirect.scatter.add.f32 [tilespmem:s22], [sflag:$0x3], $0x80, s24, s24, $0xb8;
	[tilespmem:$0x18100] =	vst v63  }
0x44: {  	_ =	swait.ge [sflag:s23], $0x4000  }
0x45: {  	[sflag:s23] =	ssyncset.done $0x0  }
0x46: {  	s31 =	sadd.s32 $0x30, s29;
	[sflag:s23] =	ssyncadd.s32 $0xFFFFC000  }
0x47: {  	[tilespmem:s24], [sflag:$0x2] =	stream.linear.gather [hbm4b:s31+s2], $0x80, $0x38;
	[tilespmem:$0x18100] =	vst v63  }
0x48: {  	_ =	swait.ge [sflag:s25], $0x80  }
0x49: {  	[sflag:s25] =	ssyncset.done $0x0  }
0x4a: {  	[sflag:s25] =	ssyncadd.s32 $0xFFFFFF80  }
0x4b: {  	[spmem:s1] =	stream.indirect.scatter.add.f32 [tilespmem:s22], [sflag:$0x3], $0x80, s2, s24, $0xb8;
	[tilespmem:$0x18100] =	vst v63  }
0x4c: {  	_ =	swait.ge [sflag:s23], $0x4000  }
0x4d: {  	[sflag:s23] =	ssyncset.done $0x0  }
0x4e: {  	s31 =	sadd.s32 $0x40, s29;
	[sflag:s23] =	ssyncadd.s32 $0xFFFFC000  }
0x4f: {  	[tilespmem:s2], [sflag:$0x1] =	stream.linear.gather [hbm4b:s31+s2], $0x80, $0x38;
	[tilespmem:$0x18100] =	vst v63  }
0x50: {  	_ =	swait.ge [sflag:s26], $0x80  }
0x51: {  	[sflag:s26] =	ssyncset.done $0x0  }
0x52: {  	[sflag:s26] =	ssyncadd.s32 $0xFFFFFF80  }
0x53: {  	[spmem:s1] =	stream.indirect.scatter.add.f32 [tilespmem:s22], [sflag:$0x3], $0x80, s24, s24, $0xb8;
	[tilespmem:$0x18100] =	vst v63  }
0x54: {  	_ =	swait.ge [sflag:s23], $0x4000  }
0x55: {  	[sflag:s23] =	ssyncset.done $0x0  }
0x56: {  	s31 =	sadd.s32 $0x50, s29;
	[sflag:s23] =	ssyncadd.s32 $0xFFFFC000  }
0x57: {  	[tilespmem:s24], [sflag:$0x2] =	stream.linear.gather [hbm4b:s31+s2], $0x80, $0x38;
	[tilespmem:$0x18100] =	vst v63  }
0x58: {  	_ =	swait.ge [sflag:s25], $0x80  }
0x59: {  	[sflag:s25] =	ssyncset.done $0x0  }
0x5a: {  	[sflag:s25] =	ssyncadd.s32 $0xFFFFFF80  }
0x5b: {  	[spmem:s1] =	stream.indirect.scatter.add.f32 [tilespmem:s22], [sflag:$0x3], $0x80, s2, s24, $0xb8;
	[tilespmem:$0x18100] =	vst v63  }
0x5c: {  	_ =	swait.ge [sflag:s23], $0x4000  }
0x5d: {  	[sflag:s23] =	ssyncset.done $0x0  }
0x5e: {  	s31 =	sadd.s32 $0x60, s29;
	[sflag:s23] =	ssyncadd.s32 $0xFFFFC000  }
0x5f: {  	[tilespmem:s2], [sflag:$0x1] =	stream.linear.gather [hbm4b:s31+s2], $0x80, $0x38;
	[tilespmem:$0x18100] =	vst v63  }
0x60: {  	_ =	swait.ge [sflag:s26], $0x80  }
0x61: {  	[sflag:s26] =	ssyncset.done $0x0  }
0x62: {  	[sflag:s26] =	ssyncadd.s32 $0xFFFFFF80  }
0x63: {  	[spmem:s1] =	stream.indirect.scatter.add.f32 [tilespmem:s22], [sflag:$0x3], $0x80, s24, s24, $0xb8;
	[tilespmem:$0x18100] =	vst v63  }
0x64: {  	_ =	swait.ge [sflag:s23], $0x4000  }
0x65: {  	[sflag:s23] =	ssyncset.done $0x0  }
0x66: {  	s31 =	sadd.s32 $0x70, s29;
	[sflag:s23] =	ssyncadd.s32 $0xFFFFC000  }
0x67: {  	[tilespmem:s24], [sflag:$0x2] =	stream.linear.gather [hbm4b:s31+s2], $0x80, $0x38;
	[tilespmem:$0x18100] =	vst v63  }
0x68: {  	_ =	swait.ge [sflag:s25], $0x80  }
0x69: {  	[sflag:s25] =	ssyncset.done $0x0  }
0x6a: {  	[sflag:s25] =	ssyncadd.s32 $0xFFFFFF80  }
0x6b: {  	[spmem:s1] =	stream.indirect.scatter.add.f32 [tilespmem:s22], [sflag:$0x3], $0x80, s2, s24, $0xb8;
	[tilespmem:$0x18100] =	vst v63  }
0x6c: {  	_ =	swait.ge [sflag:s23], $0x4000  }
0x6d: {  	[sflag:s23] =	ssyncset.done $0x0  }
0x6e: {  	s31 =	sadd.s32 $0x80, s29;
	[sflag:s23] =	ssyncadd.s32 $0xFFFFC000  }
0x6f: {  	[tilespmem:s2], [sflag:$0x1] =	stream.linear.gather [hbm4b:s31+s2], $0x80, $0x38;
	[tilespmem:$0x18100] =	vst v63  }
0x70: {  	_ =	swait.ge [sflag:s26], $0x80  }
0x71: {  	[sflag:s26] =	ssyncset.done $0x0  }
0x72: {  	[sflag:s26] =	ssyncadd.s32 $0xFFFFFF80  }
0x73: {  	[spmem:s1] =	stream.indirect.scatter.add.f32 [tilespmem:s22], [sflag:$0x3], $0x80, s24, s24, $0xb8;
	[tilespmem:$0x18100] =	vst v63  }
0x74: {  	_ =	swait.ge [sflag:s23], $0x4000  }
0x75: {  	[sflag:s23] =	ssyncset.done $0x0  }
0x76: {  	s31 =	sadd.s32 $0x90, s29;
	[sflag:s23] =	ssyncadd.s32 $0xFFFFC000  }
0x77: {  	[tilespmem:s24], [sflag:$0x2] =	stream.linear.gather [hbm4b:s31+s2], $0x80, $0x38;
	[tilespmem:$0x18100] =	vst v63  }
0x78: {  	_ =	swait.ge [sflag:s25], $0x80  }
0x79: {  	[sflag:s25] =	ssyncset.done $0x0  }
0x7a: {  	[sflag:s25] =	ssyncadd.s32 $0xFFFFFF80  }
0x7b: {  	[spmem:s1] =	stream.indirect.scatter.add.f32 [tilespmem:s22], [sflag:$0x3], $0x80, s2, s24, $0xb8;
	[tilespmem:$0x18100] =	vst v63  }
0x7c: {  	_ =	swait.ge [sflag:s23], $0x4000  }
0x7d: {  	[sflag:s23] =	ssyncset.done $0x0  }
0x7e: {  	s31 =	sadd.s32 $0xA0, s29;
	[sflag:s23] =	ssyncadd.s32 $0xFFFFC000  }
0x7f: {  	[tilespmem:s2], [sflag:$0x1] =	stream.linear.gather [hbm4b:s31+s2], $0x80, $0x38;
	[tilespmem:$0x18100] =	vst v63  }
0x80: {  	_ =	swait.ge [sflag:s26], $0x80  }
0x81: {  	[sflag:s26] =	ssyncset.done $0x0  }
0x82: {  	[sflag:s26] =	ssyncadd.s32 $0xFFFFFF80  }
0x83: {  	[spmem:s1] =	stream.indirect.scatter.add.f32 [tilespmem:s22], [sflag:$0x3], $0x80, s24, s24, $0xb8;
	[tilespmem:$0x18100] =	vst v63  }
0x84: {  	_ =	swait.ge [sflag:s23], $0x4000  }
0x85: {  	[sflag:s23] =	ssyncset.done $0x0  }
0x86: {  	s31 =	sadd.s32 $0xB0, s29;
	[sflag:s23] =	ssyncadd.s32 $0xFFFFC000  }
0x87: {  	[tilespmem:s24], [sflag:$0x2] =	stream.linear.gather [hbm4b:s31+s2], $0x80, $0x38;
	[tilespmem:$0x18100] =	vst v63  }
0x88: {  	_ =	swait.ge [sflag:s25], $0x80  }
0x89: {  	[sflag:s25] =	ssyncset.done $0x0  }
0x8a: {  	[sflag:s25] =	ssyncadd.s32 $0xFFFFFF80  }
0x8b: {  	[spmem:s1] =	stream.indirect.scatter.add.f32 [tilespmem:s22], [sflag:$0x3], $0x80, s2, s24, $0xb8;
	[tilespmem:$0x18100] =	vst v63  }
0x8c: {  	_ =	swait.ge [sflag:s23], $0x4000  }
0x8d: {  	[sflag:s23] =	ssyncset.done $0x0  }
0x8e: {  	s31 =	sadd.s32 $0xC0, s29;
	[sflag:s23] =	ssyncadd.s32 $0xFFFFC000  }
0x8f: {  	[tilespmem:s2], [sflag:$0x1] =	stream.linear.gather [hbm4b:s31+s2], $0x80, $0x38;
	[tilespmem:$0x18100] =	vst v63  }
0x90: {  	_ =	swait.ge [sflag:s26], $0x80  }
0x91: {  	[sflag:s26] =	ssyncset.done $0x0  }
0x92: {  	[sflag:s26] =	ssyncadd.s32 $0xFFFFFF80  }
0x93: {  	[spmem:s1] =	stream.indirect.scatter.add.f32 [tilespmem:s22], [sflag:$0x3], $0x80, s24, s24, $0xb8;
	[tilespmem:$0x18100] =	vst v63  }
0x94: {  	_ =	swait.ge [sflag:s23], $0x4000  }
0x95: {  	[sflag:s23] =	ssyncset.done $0x0  }
0x96: {  	s31 =	sadd.s32 $0xD0, s29;
	[sflag:s23] =	ssyncadd.s32 $0xFFFFC000  }
0x97: {  	[tilespmem:s24], [sflag:$0x2] =	stream.linear.gather [hbm4b:s31+s2], $0x80, $0x38;
	[tilespmem:$0x18100] =	vst v63  }
0x98: {  	_ =	swait.ge [sflag:s25], $0x80  }
0x99: {  	[sflag:s25] =	ssyncset.done $0x0  }
0x9a: {  	[sflag:s25] =	ssyncadd.s32 $0xFFFFFF80  }
0x9b: {  	[spmem:s1] =	stream.indirect.scatter.add.f32 [tilespmem:s22], [sflag:$0x3], $0x80, s2, s24, $0xb8;
	[tilespmem:$0x18100] =	vst v63  }
0x9c: {  	_ =	swait.ge [sflag:s23], $0x4000  }
0x9d: {  	[sflag:s23] =	ssyncset.done $0x0  }
0x9e: {  	s31 =	sadd.s32 $0xE0, s29;
	[sflag:s23] =	ssyncadd.s32 $0xFFFFC000  }
0x9f: {  	[tilespmem:s2], [sflag:$0x1] =	stream.linear.gather [hbm4b:s31+s2], $0x80, $0x38;
	[tilespmem:$0x18100] =	vst v63  }
0xa0: {  	_ =	swait.ge [sflag:s26], $0x80  }
0xa1: {  	[sflag:s26] =	ssyncset.done $0x0  }
0xa2: {  	[sflag:s26] =	ssyncadd.s32 $0xFFFFFF80  }
0xa3: {  	[spmem:s1] =	stream.indirect.scatter.add.f32 [tilespmem:s22], [sflag:$0x3], $0x80, s24, s24, $0xb8;
	[tilespmem:$0x18100] =	vst v63  }
0xa4: {  	_ =	swait.ge [sflag:s23], $0x4000  }
0xa5: {  	[sflag:s23] =	ssyncset.done $0x0  }
0xa6: {  	s31 =	sadd.s32 $0xF0, s29;
	[sflag:s23] =	ssyncadd.s32 $0xFFFFC000  }
0xa7: {  	[tilespmem:s24], [sflag:$0x2] =	stream.linear.gather [hbm4b:s31+s2], $0x80, $0x38;
	[tilespmem:$0x18100] =	vst v63  }
0xa8: {  	_ =	swait.ge [sflag:s25], $0x80  }
0xa9: {  	[sflag:s25] =	ssyncset.done $0x0  }
0xaa: {  	[sflag:s25] =	ssyncadd.s32 $0xFFFFFF80  }
0xab: {  	[spmem:s1] =	stream.indirect.scatter.add.f32 [tilespmem:s22], [sflag:$0x3], $0x80, s2, s24, $0xb8;
	[tilespmem:$0x18100] =	vst v63  }
0xac: {  	_ =	swait.ge [sflag:s23], $0x4000  }
0xad: {  	[sflag:s23] =	ssyncset.done $0x0  }
0xae: {  	[sflag:s23] =	ssyncadd.s32 $0xFFFFC000  }
0xaf: {  	_ =	swait.ge [sflag:s26], $0x80  }
0xb0: {  	[sflag:s26] =	ssyncset.done $0x0  }
0xb1: {  	[sflag:s26] =	ssyncadd.s32 $0xFFFFFF80  }
0xb2: {  	[spmem:s1] =	stream.indirect.scatter.add.f32 [tilespmem:s22], [sflag:$0x3], $0x80, s24, s24, $0xb8;
	[tilespmem:$0x18100] =	vst v63  }
0xb3: {  	_ =	swait.ge [sflag:s23], $0x4000  }
0xb4: {  	s30 =	simm.s32 $0x200;
	s29 =	simm.s32 $0x100;
	[sflag:s23] =	ssyncset.done $0x0  }
.LBB2_2:
0xb5: {  	s31 =	sadd.s32 s29, s21  }
0xb6: {  	[sflag:s23] =	ssyncadd.s32 $0xFFFFC000;
	s29 =	smov.u32 s30;
	s0 =	sadd.s32 $0x100, s30  }
0xb7: {  	[tilespmem:s2], [sflag:$0x1] =	stream.linear.gather [hbm4b:s31+s2], $0x80, $0x38;
	[tilespmem:$0x18100] =	vst v63  }
0xb8: {  	p0 =	sne.s32 s30, $0x400;
	s30 =	sadd.s32 $0x10, s31  }
0xb9: {  	[tilespmem:s24], [sflag:$0x2] =	stream.linear.gather [hbm4b:s30+s2], $0x80, $0x38;
	[tilespmem:$0x18100] =	vst v63  }
0xba: {  	_ =	swait.ge [sflag:s25], $0x80  }
0xbb: {  	[sflag:s25] =	ssyncset.done $0x0  }
0xbc: {  	[sflag:s25] =	ssyncadd.s32 $0xFFFFFF80  }
0xbd: {  	[spmem:s1] =	stream.indirect.scatter.add.f32 [tilespmem:s22], [sflag:$0x3], $0x80, s2, s24, $0xb8;
	[tilespmem:$0x18100] =	vst v63  }
0xbe: {  	_ =	swait.ge [sflag:s23], $0x4000  }
0xbf: {  	[sflag:s23] =	ssyncset.done $0x0  }
0xc0: {  	s30 =	sadd.s32 $0x20, s31;
	[sflag:s23] =	ssyncadd.s32 $0xFFFFC000  }
0xc1: {  	[tilespmem:s2], [sflag:$0x1] =	stream.linear.gather [hbm4b:s30+s2], $0x80, $0x38;
	[tilespmem:$0x18100] =	vst v63  }
0xc2: {  	_ =	swait.ge [sflag:s26], $0x80  }
0xc3: {  	[sflag:s26] =	ssyncset.done $0x0  }
0xc4: {  	[sflag:s26] =	ssyncadd.s32 $0xFFFFFF80  }
0xc5: {  	[spmem:s1] =	stream.indirect.scatter.add.f32 [tilespmem:s22], [sflag:$0x3], $0x80, s24, s24, $0xb8;
	[tilespmem:$0x18100] =	vst v63  }
0xc6: {  	_ =	swait.ge [sflag:s23], $0x4000  }
0xc7: {  	[sflag:s23] =	ssyncset.done $0x0  }
0xc8: {  	s30 =	sadd.s32 $0x30, s31;
	[sflag:s23] =	ssyncadd.s32 $0xFFFFC000  }
0xc9: {  	[tilespmem:s24], [sflag:$0x2] =	stream.linear.gather [hbm4b:s30+s2], $0x80, $0x38;
	[tilespmem:$0x18100] =	vst v63  }
0xca: {  	_ =	swait.ge [sflag:s25], $0x80  }
0xcb: {  	[sflag:s25] =	ssyncset.done $0x0  }
0xcc: {  	[sflag:s25] =	ssyncadd.s32 $0xFFFFFF80  }
0xcd: {  	[spmem:s1] =	stream.indirect.scatter.add.f32 [tilespmem:s22], [sflag:$0x3], $0x80, s2, s24, $0xb8;
	[tilespmem:$0x18100] =	vst v63  }
0xce: {  	_ =	swait.ge [sflag:s23], $0x4000  }
0xcf: {  	[sflag:s23] =	ssyncset.done $0x0  }
0xd0: {  	s30 =	sadd.s32 $0x40, s31;
	[sflag:s23] =	ssyncadd.s32 $0xFFFFC000  }
0xd1: {  	[tilespmem:s2], [sflag:$0x1] =	stream.linear.gather [hbm4b:s30+s2], $0x80, $0x38;
	[tilespmem:$0x18100] =	vst v63  }
0xd2: {  	_ =	swait.ge [sflag:s26], $0x80  }
0xd3: {  	[sflag:s26] =	ssyncset.done $0x0  }
0xd4: {  	[sflag:s26] =	ssyncadd.s32 $0xFFFFFF80  }
0xd5: {  	[spmem:s1] =	stream.indirect.scatter.add.f32 [tilespmem:s22], [sflag:$0x3], $0x80, s24, s24, $0xb8;
	[tilespmem:$0x18100] =	vst v63  }
0xd6: {  	_ =	swait.ge [sflag:s23], $0x4000  }
0xd7: {  	[sflag:s23] =	ssyncset.done $0x0  }
0xd8: {  	s30 =	sadd.s32 $0x50, s31;
	[sflag:s23] =	ssyncadd.s32 $0xFFFFC000  }
0xd9: {  	[tilespmem:s24], [sflag:$0x2] =	stream.linear.gather [hbm4b:s30+s2], $0x80, $0x38;
	[tilespmem:$0x18100] =	vst v63  }
0xda: {  	_ =	swait.ge [sflag:s25], $0x80  }
0xdb: {  	[sflag:s25] =	ssyncset.done $0x0  }
0xdc: {  	[sflag:s25] =	ssyncadd.s32 $0xFFFFFF80  }
0xdd: {  	[spmem:s1] =	stream.indirect.scatter.add.f32 [tilespmem:s22], [sflag:$0x3], $0x80, s2, s24, $0xb8;
	[tilespmem:$0x18100] =	vst v63  }
0xde: {  	_ =	swait.ge [sflag:s23], $0x4000  }
0xdf: {  	[sflag:s23] =	ssyncset.done $0x0  }
0xe0: {  	s30 =	sadd.s32 $0x60, s31;
	[sflag:s23] =	ssyncadd.s32 $0xFFFFC000  }
0xe1: {  	[tilespmem:s2], [sflag:$0x1] =	stream.linear.gather [hbm4b:s30+s2], $0x80, $0x38;
	[tilespmem:$0x18100] =	vst v63  }
0xe2: {  	_ =	swait.ge [sflag:s26], $0x80  }
0xe3: {  	[sflag:s26] =	ssyncset.done $0x0  }
0xe4: {  	[sflag:s26] =	ssyncadd.s32 $0xFFFFFF80  }
0xe5: {  	[spmem:s1] =	stream.indirect.scatter.add.f32 [tilespmem:s22], [sflag:$0x3], $0x80, s24, s24, $0xb8;
	[tilespmem:$0x18100] =	vst v63  }
0xe6: {  	_ =	swait.ge [sflag:s23], $0x4000  }
0xe7: {  	[sflag:s23] =	ssyncset.done $0x0  }
0xe8: {  	s30 =	sadd.s32 $0x70, s31;
	[sflag:s23] =	ssyncadd.s32 $0xFFFFC000  }
0xe9: {  	[tilespmem:s24], [sflag:$0x2] =	stream.linear.gather [hbm4b:s30+s2], $0x80, $0x38;
	[tilespmem:$0x18100] =	vst v63  }
0xea: {  	_ =	swait.ge [sflag:s25], $0x80  }
0xeb: {  	[sflag:s25] =	ssyncset.done $0x0  }
0xec: {  	[sflag:s25] =	ssyncadd.s32 $0xFFFFFF80  }
0xed: {  	[spmem:s1] =	stream.indirect.scatter.add.f32 [tilespmem:s22], [sflag:$0x3], $0x80, s2, s24, $0xb8;
	[tilespmem:$0x18100] =	vst v63  }
0xee: {  	_ =	swait.ge [sflag:s23], $0x4000  }
0xef: {  	[sflag:s23] =	ssyncset.done $0x0  }
0xf0: {  	s30 =	sadd.s32 $0x80, s31;
	[sflag:s23] =	ssyncadd.s32 $0xFFFFC000  }
0xf1: {  	[tilespmem:s2], [sflag:$0x1] =	stream.linear.gather [hbm4b:s30+s2], $0x80, $0x38;
	[tilespmem:$0x18100] =	vst v63  }
0xf2: {  	_ =	swait.ge [sflag:s26], $0x80  }
0xf3: {  	[sflag:s26] =	ssyncset.done $0x0  }
0xf4: {  	[sflag:s26] =	ssyncadd.s32 $0xFFFFFF80  }
0xf5: {  	[spmem:s1] =	stream.indirect.scatter.add.f32 [tilespmem:s22], [sflag:$0x3], $0x80, s24, s24, $0xb8;
	[tilespmem:$0x18100] =	vst v63  }
0xf6: {  	_ =	swait.ge [sflag:s23], $0x4000  }
0xf7: {  	[sflag:s23] =	ssyncset.done $0x0  }
0xf8: {  	s30 =	sadd.s32 $0x90, s31;
	[sflag:s23] =	ssyncadd.s32 $0xFFFFC000  }
0xf9: {  	[tilespmem:s24], [sflag:$0x2] =	stream.linear.gather [hbm4b:s30+s2], $0x80, $0x38;
	[tilespmem:$0x18100] =	vst v63  }
0xfa: {  	_ =	swait.ge [sflag:s25], $0x80  }
0xfb: {  	[sflag:s25] =	ssyncset.done $0x0  }
0xfc: {  	[sflag:s25] =	ssyncadd.s32 $0xFFFFFF80  }
0xfd: {  	[spmem:s1] =	stream.indirect.scatter.add.f32 [tilespmem:s22], [sflag:$0x3], $0x80, s2, s24, $0xb8;
	[tilespmem:$0x18100] =	vst v63  }
0xfe: {  	_ =	swait.ge [sflag:s23], $0x4000  }
0xff: {  	[sflag:s23] =	ssyncset.done $0x0  }
0x100: {  	s30 =	sadd.s32 $0xA0, s31;
	[sflag:s23] =	ssyncadd.s32 $0xFFFFC000  }
0x101: {  	[tilespmem:s2], [sflag:$0x1] =	stream.linear.gather [hbm4b:s30+s2], $0x80, $0x38;
	[tilespmem:$0x18100] =	vst v63  }
0x102: {  	_ =	swait.ge [sflag:s26], $0x80  }
0x103: {  	[sflag:s26] =	ssyncset.done $0x0  }
0x104: {  	[sflag:s26] =	ssyncadd.s32 $0xFFFFFF80  }
0x105: {  	[spmem:s1] =	stream.indirect.scatter.add.f32 [tilespmem:s22], [sflag:$0x3], $0x80, s24, s24, $0xb8;
	[tilespmem:$0x18100] =	vst v63  }
0x106: {  	_ =	swait.ge [sflag:s23], $0x4000  }
0x107: {  	[sflag:s23] =	ssyncset.done $0x0  }
0x108: {  	s30 =	sadd.s32 $0xB0, s31;
	[sflag:s23] =	ssyncadd.s32 $0xFFFFC000  }
0x109: {  	[tilespmem:s24], [sflag:$0x2] =	stream.linear.gather [hbm4b:s30+s2], $0x80, $0x38;
	[tilespmem:$0x18100] =	vst v63  }
0x10a: {  	_ =	swait.ge [sflag:s25], $0x80  }
0x10b: {  	[sflag:s25] =	ssyncset.done $0x0  }
0x10c: {  	[sflag:s25] =	ssyncadd.s32 $0xFFFFFF80  }
0x10d: {  	[spmem:s1] =	stream.indirect.scatter.add.f32 [tilespmem:s22], [sflag:$0x3], $0x80, s2, s24, $0xb8;
	[tilespmem:$0x18100] =	vst v63  }
0x10e: {  	_ =	swait.ge [sflag:s23], $0x4000  }
0x10f: {  	[sflag:s23] =	ssyncset.done $0x0  }
0x110: {  	s30 =	sadd.s32 $0xC0, s31;
	[sflag:s23] =	ssyncadd.s32 $0xFFFFC000  }
0x111: {  	[tilespmem:s2], [sflag:$0x1] =	stream.linear.gather [hbm4b:s30+s2], $0x80, $0x38;
	[tilespmem:$0x18100] =	vst v63  }
0x112: {  	_ =	swait.ge [sflag:s26], $0x80  }
0x113: {  	[sflag:s26] =	ssyncset.done $0x0  }
0x114: {  	[sflag:s26] =	ssyncadd.s32 $0xFFFFFF80  }
0x115: {  	[spmem:s1] =	stream.indirect.scatter.add.f32 [tilespmem:s22], [sflag:$0x3], $0x80, s24, s24, $0xb8;
	[tilespmem:$0x18100] =	vst v63  }
0x116: {  	_ =	swait.ge [sflag:s23], $0x4000  }
0x117: {  	[sflag:s23] =	ssyncset.done $0x0  }
0x118: {  	s30 =	sadd.s32 $0xD0, s31;
	[sflag:s23] =	ssyncadd.s32 $0xFFFFC000  }
0x119: {  	[tilespmem:s24], [sflag:$0x2] =	stream.linear.gather [hbm4b:s30+s2], $0x80, $0x38;
	[tilespmem:$0x18100] =	vst v63  }
0x11a: {  	_ =	swait.ge [sflag:s25], $0x80  }
0x11b: {  	[sflag:s25] =	ssyncset.done $0x0  }
0x11c: {  	[sflag:s25] =	ssyncadd.s32 $0xFFFFFF80  }
0x11d: {  	[spmem:s1] =	stream.indirect.scatter.add.f32 [tilespmem:s22], [sflag:$0x3], $0x80, s2, s24, $0xb8;
	[tilespmem:$0x18100] =	vst v63  }
0x11e: {  	_ =	swait.ge [sflag:s23], $0x4000  }
0x11f: {  	[sflag:s23] =	ssyncset.done $0x0  }
0x120: {  	s30 =	sadd.s32 $0xE0, s31;
	[sflag:s23] =	ssyncadd.s32 $0xFFFFC000  }
0x121: {  	[tilespmem:s2], [sflag:$0x1] =	stream.linear.gather [hbm4b:s30+s2], $0x80, $0x38;
	[tilespmem:$0x18100] =	vst v63  }
0x122: {  	_ =	swait.ge [sflag:s26], $0x80  }
0x123: {  	[sflag:s26] =	ssyncset.done $0x0  }
0x124: {  	[sflag:s26] =	ssyncadd.s32 $0xFFFFFF80  }
0x125: {  	[spmem:s1] =	stream.indirect.scatter.add.f32 [tilespmem:s22], [sflag:$0x3], $0x80, s24, s24, $0xb8;
	[tilespmem:$0x18100] =	vst v63  }
0x126: {  	_ =	swait.ge [sflag:s23], $0x4000  }
0x127: {  	[sflag:s23] =	ssyncset.done $0x0  }
0x128: {  	s30 =	sadd.s32 $0xF0, s31;
	[sflag:s23] =	ssyncadd.s32 $0xFFFFC000  }
0x129: {  	[tilespmem:s24], [sflag:$0x2] =	stream.linear.gather [hbm4b:s30+s2], $0x80, $0x38;
	[tilespmem:$0x18100] =	vst v63  }
0x12a: {  	_ =	swait.ge [sflag:s25], $0x80  }
0x12b: {  	[sflag:s25] =	ssyncset.done $0x0  }
0x12c: {  	[sflag:s25] =	ssyncadd.s32 $0xFFFFFF80  }
0x12d: {  	[spmem:s1] =	stream.indirect.scatter.add.f32 [tilespmem:s22], [sflag:$0x3], $0x80, s2, s24, $0xb8;
	[tilespmem:$0x18100] =	vst v63  }
0x12e: {  	_ =	swait.ge [sflag:s23], $0x4000  }
0x12f: {  	[sflag:s23] =	ssyncset.done $0x0  }
0x130: {  	[sflag:s23] =	ssyncadd.s32 $0xFFFFC000  }
0x131: {  	_ =	swait.ge [sflag:s26], $0x80  }
.Ltmp0:
0x132: {  	[sflag:s26] =	ssyncset.done $0x0;
	(pc) =	sbr.rel @p0 .LBB2_2-.Ltmp0, $4  }
0x133: {  	[sflag:s26] =	ssyncadd.s32 $0xFFFFFF80  }
0x134: {  	[spmem:s1] =	stream.indirect.scatter.add.f32 [tilespmem:s22], [sflag:$0x3], $0x80, s24, s24, $0xb8;
	[tilespmem:$0x18100] =	vst v63  }
0x135: {  	_ =	swait.ge [sflag:s23], $0x4000  }
0x136: {  	s30 =	smov.u32 s0;
	[sflag:s23] =	ssyncset.done $0x0  }
0x137: {  	s29 =	sadd.s32 s29, s21;
	[sflag:s23] =	ssyncadd.s32 $0xFFFFC000  }
0x138: {  	[tilespmem:s2], [sflag:$0x1] =	stream.linear.gather [hbm4b:s29+s2], $0x80, $0x38;
	[tilespmem:$0x18100] =	vst v63  }
0x139: {  	s0 =	sadd.s32 $0x10, s29  }
0x13a: {  	[tilespmem:s24], [sflag:$0x2] =	stream.linear.gather [hbm4b:s0+s2], $0x80, $0x38;
	[tilespmem:$0x18100] =	vst v63  }
0x13b: {  	_ =	swait.ge [sflag:s25], $0x80  }
0x13c: {  	[sflag:s25] =	ssyncset.done $0x0  }
0x13d: {  	[sflag:s25] =	ssyncadd.s32 $0xFFFFFF80  }
0x13e: {  	[spmem:s1] =	stream.indirect.scatter.add.f32 [tilespmem:s22], [sflag:$0x3], $0x80, s2, s24, $0xb8;
	[tilespmem:$0x18100] =	vst v63  }
0x13f: {  	_ =	swait.ge [sflag:s23], $0x4000  }
0x140: {  	[sflag:s23] =	ssyncset.done $0x0  }
0x141: {  	s30 =	sadd.s32 $0x20, s29;
	[sflag:s23] =	ssyncadd.s32 $0xFFFFC000  }
0x142: {  	[tilespmem:s2], [sflag:$0x1] =	stream.linear.gather [hbm4b:s30+s2], $0x80, $0x38;
	[tilespmem:$0x18100] =	vst v63  }
0x143: {  	_ =	swait.ge [sflag:s26], $0x80  }
0x144: {  	[sflag:s26] =	ssyncset.done $0x0  }
0x145: {  	[sflag:s26] =	ssyncadd.s32 $0xFFFFFF80  }
0x146: {  	[spmem:s1] =	stream.indirect.scatter.add.f32 [tilespmem:s22], [sflag:$0x3], $0x80, s24, s24, $0xb8;
	[tilespmem:$0x18100] =	vst v63  }
0x147: {  	_ =	swait.ge [sflag:s23], $0x4000  }
0x148: {  	[sflag:s23] =	ssyncset.done $0x0  }
0x149: {  	s31 =	sadd.s32 $0x30, s29;
	[sflag:s23] =	ssyncadd.s32 $0xFFFFC000  }
0x14a: {  	[tilespmem:s24], [sflag:$0x2] =	stream.linear.gather [hbm4b:s31+s2], $0x80, $0x38;
	[tilespmem:$0x18100] =	vst v63  }
0x14b: {  	_ =	swait.ge [sflag:s25], $0x80  }
0x14c: {  	[sflag:s25] =	ssyncset.done $0x0  }
0x14d: {  	[sflag:s25] =	ssyncadd.s32 $0xFFFFFF80  }
0x14e: {  	[spmem:s1] =	stream.indirect.scatter.add.f32 [tilespmem:s22], [sflag:$0x3], $0x80, s2, s24, $0xb8;
	[tilespmem:$0x18100] =	vst v63  }
0x14f: {  	_ =	swait.ge [sflag:s23], $0x4000  }
0x150: {  	[sflag:s23] =	ssyncset.done $0x0  }
0x151: {  	s30 =	sadd.s32 $0x40, s29;
	[sflag:s23] =	ssyncadd.s32 $0xFFFFC000  }
0x152: {  	[tilespmem:s2], [sflag:$0x1] =	stream.linear.gather [hbm4b:s30+s2], $0x80, $0x38;
	[tilespmem:$0x18100] =	vst v63  }
0x153: {  	_ =	swait.ge [sflag:s26], $0x80  }
0x154: {  	[sflag:s26] =	ssyncset.done $0x0  }
0x155: {  	[sflag:s26] =	ssyncadd.s32 $0xFFFFFF80  }
0x156: {  	[spmem:s1] =	stream.indirect.scatter.add.f32 [tilespmem:s22], [sflag:$0x3], $0x80, s24, s24, $0xb8;
	[tilespmem:$0x18100] =	vst v63  }
0x157: {  	_ =	swait.ge [sflag:s23], $0x4000  }
0x158: {  	[sflag:s23] =	ssyncset.done $0x0  }
0x159: {  	s31 =	sadd.s32 $0x50, s29;
	[sflag:s23] =	ssyncadd.s32 $0xFFFFC000  }
0x15a: {  	[tilespmem:s24], [sflag:$0x2] =	stream.linear.gather [hbm4b:s31+s2], $0x80, $0x38;
	[tilespmem:$0x18100] =	vst v63  }
0x15b: {  	_ =	swait.ge [sflag:s25], $0x80  }
0x15c: {  	[sflag:s25] =	ssyncset.done $0x0  }
0x15d: {  	[sflag:s25] =	ssyncadd.s32 $0xFFFFFF80  }
0x15e: {  	[spmem:s1] =	stream.indirect.scatter.add.f32 [tilespmem:s22], [sflag:$0x3], $0x80, s2, s24, $0xb8;
	[tilespmem:$0x18100] =	vst v63  }
0x15f: {  	_ =	swait.ge [sflag:s23], $0x4000  }
0x160: {  	[sflag:s23] =	ssyncset.done $0x0  }
0x161: {  	s30 =	sadd.s32 $0x60, s29;
	[sflag:s23] =	ssyncadd.s32 $0xFFFFC000  }
0x162: {  	[tilespmem:s2], [sflag:$0x1] =	stream.linear.gather [hbm4b:s30+s2], $0x80, $0x38;
	[tilespmem:$0x18100] =	vst v63  }
0x163: {  	_ =	swait.ge [sflag:s26], $0x80  }
0x164: {  	[sflag:s26] =	ssyncset.done $0x0  }
0x165: {  	[sflag:s26] =	ssyncadd.s32 $0xFFFFFF80  }
0x166: {  	[spmem:s1] =	stream.indirect.scatter.add.f32 [tilespmem:s22], [sflag:$0x3], $0x80, s24, s24, $0xb8;
	[tilespmem:$0x18100] =	vst v63  }
0x167: {  	_ =	swait.ge [sflag:s23], $0x4000  }
0x168: {  	[sflag:s23] =	ssyncset.done $0x0  }
0x169: {  	s31 =	sadd.s32 $0x70, s29;
	[sflag:s23] =	ssyncadd.s32 $0xFFFFC000  }
0x16a: {  	[tilespmem:s24], [sflag:$0x2] =	stream.linear.gather [hbm4b:s31+s2], $0x80, $0x38;
	[tilespmem:$0x18100] =	vst v63  }
0x16b: {  	_ =	swait.ge [sflag:s25], $0x80  }
0x16c: {  	[sflag:s25] =	ssyncset.done $0x0  }
0x16d: {  	[sflag:s25] =	ssyncadd.s32 $0xFFFFFF80  }
0x16e: {  	[spmem:s1] =	stream.indirect.scatter.add.f32 [tilespmem:s22], [sflag:$0x3], $0x80, s2, s24, $0xb8;
	[tilespmem:$0x18100] =	vst v63  }
0x16f: {  	_ =	swait.ge [sflag:s23], $0x4000  }
0x170: {  	[sflag:s23] =	ssyncset.done $0x0  }
0x171: {  	s30 =	sadd.s32 $0x80, s29;
	[sflag:s23] =	ssyncadd.s32 $0xFFFFC000  }
0x172: {  	[tilespmem:s2], [sflag:$0x1] =	stream.linear.gather [hbm4b:s30+s2], $0x80, $0x38;
	[tilespmem:$0x18100] =	vst v63  }
0x173: {  	_ =	swait.ge [sflag:s26], $0x80  }
0x174: {  	[sflag:s26] =	ssyncset.done $0x0  }
0x175: {  	[sflag:s26] =	ssyncadd.s32 $0xFFFFFF80  }
0x176: {  	[spmem:s1] =	stream.indirect.scatter.add.f32 [tilespmem:s22], [sflag:$0x3], $0x80, s24, s24, $0xb8;
	[tilespmem:$0x18100] =	vst v63  }
0x177: {  	_ =	swait.ge [sflag:s23], $0x4000  }
0x178: {  	[sflag:s23] =	ssyncset.done $0x0  }
0x179: {  	s31 =	sadd.s32 $0x90, s29;
	[sflag:s23] =	ssyncadd.s32 $0xFFFFC000  }
0x17a: {  	[tilespmem:s24], [sflag:$0x2] =	stream.linear.gather [hbm4b:s31+s2], $0x80, $0x38;
	[tilespmem:$0x18100] =	vst v63  }
0x17b: {  	_ =	swait.ge [sflag:s25], $0x80  }
0x17c: {  	[sflag:s25] =	ssyncset.done $0x0  }
0x17d: {  	[sflag:s25] =	ssyncadd.s32 $0xFFFFFF80  }
0x17e: {  	[spmem:s1] =	stream.indirect.scatter.add.f32 [tilespmem:s22], [sflag:$0x3], $0x80, s2, s24, $0xb8;
	[tilespmem:$0x18100] =	vst v63  }
0x17f: {  	_ =	swait.ge [sflag:s23], $0x4000  }
0x180: {  	[sflag:s23] =	ssyncset.done $0x0  }
0x181: {  	s30 =	sadd.s32 $0xA0, s29;
	[sflag:s23] =	ssyncadd.s32 $0xFFFFC000  }
0x182: {  	[tilespmem:s2], [sflag:$0x1] =	stream.linear.gather [hbm4b:s30+s2], $0x80, $0x38;
	[tilespmem:$0x18100] =	vst v63  }
0x183: {  	_ =	swait.ge [sflag:s26], $0x80  }
0x184: {  	[sflag:s26] =	ssyncset.done $0x0  }
0x185: {  	[sflag:s26] =	ssyncadd.s32 $0xFFFFFF80  }
0x186: {  	[spmem:s1] =	stream.indirect.scatter.add.f32 [tilespmem:s22], [sflag:$0x3], $0x80, s24, s24, $0xb8;
	[tilespmem:$0x18100] =	vst v63  }
0x187: {  	_ =	swait.ge [sflag:s23], $0x4000  }
0x188: {  	[sflag:s23] =	ssyncset.done $0x0  }
0x189: {  	s31 =	sadd.s32 $0xB0, s29;
	[sflag:s23] =	ssyncadd.s32 $0xFFFFC000  }
0x18a: {  	[tilespmem:s24], [sflag:$0x2] =	stream.linear.gather [hbm4b:s31+s2], $0x80, $0x38;
	[tilespmem:$0x18100] =	vst v63  }
0x18b: {  	_ =	swait.ge [sflag:s25], $0x80  }
0x18c: {  	[sflag:s25] =	ssyncset.done $0x0  }
0x18d: {  	[sflag:s25] =	ssyncadd.s32 $0xFFFFFF80  }
0x18e: {  	[spmem:s1] =	stream.indirect.scatter.add.f32 [tilespmem:s22], [sflag:$0x3], $0x80, s2, s24, $0xb8;
	[tilespmem:$0x18100] =	vst v63  }
0x18f: {  	_ =	swait.ge [sflag:s23], $0x4000  }
0x190: {  	[sflag:s23] =	ssyncset.done $0x0  }
0x191: {  	s30 =	sadd.s32 $0xC0, s29;
	[sflag:s23] =	ssyncadd.s32 $0xFFFFC000  }
0x192: {  	[tilespmem:s2], [sflag:$0x1] =	stream.linear.gather [hbm4b:s30+s2], $0x80, $0x38;
	[tilespmem:$0x18100] =	vst v63  }
0x193: {  	_ =	swait.ge [sflag:s26], $0x80  }
0x194: {  	[sflag:s26] =	ssyncset.done $0x0  }
0x195: {  	[sflag:s26] =	ssyncadd.s32 $0xFFFFFF80  }
0x196: {  	[spmem:s1] =	stream.indirect.scatter.add.f32 [tilespmem:s22], [sflag:$0x3], $0x80, s24, s24, $0xb8;
	[tilespmem:$0x18100] =	vst v63  }
0x197: {  	_ =	swait.ge [sflag:s23], $0x4000  }
0x198: {  	[sflag:s23] =	ssyncset.done $0x0  }
0x199: {  	s31 =	sadd.s32 $0xD0, s29;
	[sflag:s23] =	ssyncadd.s32 $0xFFFFC000  }
0x19a: {  	[tilespmem:s24], [sflag:$0x2] =	stream.linear.gather [hbm4b:s31+s2], $0x80, $0x38;
	[tilespmem:$0x18100] =	vst v63  }
0x19b: {  	_ =	swait.ge [sflag:s25], $0x80  }
0x19c: {  	[sflag:s25] =	ssyncset.done $0x0  }
0x19d: {  	[sflag:s25] =	ssyncadd.s32 $0xFFFFFF80  }
0x19e: {  	[spmem:s1] =	stream.indirect.scatter.add.f32 [tilespmem:s22], [sflag:$0x3], $0x80, s2, s24, $0xb8;
	[tilespmem:$0x18100] =	vst v63  }
0x19f: {  	_ =	swait.ge [sflag:s23], $0x4000  }
0x1a0: {  	[sflag:s23] =	ssyncset.done $0x0  }
0x1a1: {  	s30 =	sadd.s32 $0xE0, s29;
	[sflag:s23] =	ssyncadd.s32 $0xFFFFC000  }
0x1a2: {  	[tilespmem:s2], [sflag:$0x1] =	stream.linear.gather [hbm4b:s30+s2], $0x80, $0x38;
	[tilespmem:$0x18100] =	vst v63  }
0x1a3: {  	_ =	swait.ge [sflag:s26], $0x80  }
0x1a4: {  	[sflag:s26] =	ssyncset.done $0x0  }
0x1a5: {  	[sflag:s26] =	ssyncadd.s32 $0xFFFFFF80  }
0x1a6: {  	[spmem:s1] =	stream.indirect.scatter.add.f32 [tilespmem:s22], [sflag:$0x3], $0x80, s24, s24, $0xb8;
	[tilespmem:$0x18100] =	vst v63  }
0x1a7: {  	_ =	swait.ge [sflag:s23], $0x4000  }
0x1a8: {  	[sflag:s23] =	ssyncset.done $0x0  }
0x1a9: {  	s31 =	sadd.s32 $0xF0, s29;
	[sflag:s23] =	ssyncadd.s32 $0xFFFFC000  }
0x1aa: {  	[tilespmem:s24], [sflag:$0x2] =	stream.linear.gather [hbm4b:s31+s2], $0x80, $0x38;
	[tilespmem:$0x18100] =	vst v63  }
0x1ab: {  	_ =	swait.ge [sflag:s25], $0x80  }
0x1ac: {  	[sflag:s25] =	ssyncset.done $0x0  }
0x1ad: {  	[sflag:s25] =	ssyncadd.s32 $0xFFFFFF80  }
0x1ae: {  	[spmem:s1] =	stream.indirect.scatter.add.f32 [tilespmem:s22], [sflag:$0x3], $0x80, s2, s24, $0xb8;
	[tilespmem:$0x18100] =	vst v63  }
0x1af: {  	_ =	swait.ge [sflag:s23], $0x4000  }
0x1b0: {  	[sflag:s23] =	ssyncset.done $0x0  }
0x1b1: {  	[sflag:s23] =	ssyncadd.s32 $0xFFFFC000  }
0x1b2: {  	_ =	swait.ge [sflag:s26], $0x80  }
0x1b3: {  	[sflag:s26] =	ssyncset.done $0x0  }
0x1b4: {  	[sflag:s26] =	ssyncadd.s32 $0xFFFFFF80  }
0x1b5: {  	[spmem:s1] =	stream.indirect.scatter.add.f32 [tilespmem:s22], [sflag:$0x3], $0x80, s24, s24, $0xb8;
	[tilespmem:$0x18100] =	vst v63  }
0x1b6: {  	_ =	swait.ge [sflag:s23], $0x4000  }
0x1b7: {  	[sflag:s23] =	ssyncset.done $0x0  }
0x1b8: {  	[sflag:s23] =	ssyncadd.s32 $0xFFFFC000  }
0x1b9: {  	[bflag:$0x0] =	sbarrier.arrive $0xFFFF  }
0x1ba: {  	[tilespmem:s22], [sflag:$0x3] =	stream.linear.gather [spmem:s6], $0x4000, $0x38;
	[tilespmem:$0x18100] =	vst v63  }
0x1bb: {  	_ =	swait.ge [sflag:s23], $0x4000  }
0x1bc: {  	[sflag:s23] =	ssyncset.done $0x0  }
0x1bd: {  	[sflag:s23] =	ssyncadd.s32 $0xFFFFC000  }
0x1be: {  	[hbm4b:s12+s2] =	stream.linear.scatter [tilespmem:s22], [sflag:$0x3], $0x4000, $0x38;
	[tilespmem:$0x18100] =	vst v63  }
0x1bf: {  	_ =	swait.ge [sflag:s23], $0x4000  }
0x1c0: {  	[sflag:s23] =	ssyncset.done $0x0  }
0x1c1: {  	[sflag:s23] =	ssyncadd.s32 $0xFFFFC000  }
0x1c2: {  	[tilespmem:s22], [sflag:$0x3] =	stream.linear.gather [spmem:s13], $0x4000, $0x38;
	[tilespmem:$0x18100] =	vst v63  }
0x1c3: {  	_ =	swait.ge [sflag:s23], $0x4000  }
0x1c4: {  	[sflag:s23] =	ssyncset.done $0x0  }
0x1c5: {  	[sflag:s23] =	ssyncadd.s32 $0xFFFFC000  }
0x1c6: {  	[hbm4b:s14+s2] =	stream.linear.scatter [tilespmem:s22], [sflag:$0x3], $0x4000, $0x38;
	[tilespmem:$0x18100] =	vst v63  }
0x1c7: {  	_ =	swait.ge [sflag:s23], $0x4000  }
0x1c8: {  	[sflag:s23] =	ssyncset.done $0x0  }
0x1c9: {  	[sflag:s23] =	ssyncadd.s32 $0xFFFFC000  }
0x1ca: {  	[tilespmem:s22], [sflag:$0x3] =	stream.linear.gather [spmem:s15], $0x4000, $0x38;
	[tilespmem:$0x18100] =	vst v63  }
0x1cb: {  	_ =	swait.ge [sflag:s23], $0x4000  }
0x1cc: {  	[sflag:s23] =	ssyncset.done $0x0  }
0x1cd: {  	[sflag:s23] =	ssyncadd.s32 $0xFFFFC000  }
0x1ce: {  	[hbm4b:s16+s2] =	stream.linear.scatter [tilespmem:s22], [sflag:$0x3], $0x4000, $0x38;
	[tilespmem:$0x18100] =	vst v63  }
0x1cf: {  	_ =	swait.ge [sflag:s23], $0x4000  }
0x1d0: {  	[sflag:s23] =	ssyncset.done $0x0  }
0x1d1: {  	[sflag:s23] =	ssyncadd.s32 $0xFFFFC000  }
0x1d2: {  	[tilespmem:s22], [sflag:$0x3] =	stream.linear.gather [spmem:s17], $0x4000, $0x38;
	[tilespmem:$0x18100] =	vst v63  }
0x1d3: {  	_ =	swait.ge [sflag:s23], $0x4000  }
0x1d4: {  	[sflag:s23] =	ssyncset.done $0x0  }
0x1d5: {  	[sflag:s23] =	ssyncadd.s32 $0xFFFFC000  }
0x1d6: {  	[hbm4b:s18+s2] =	stream.linear.scatter [tilespmem:s22], [sflag:$0x3], $0x4000, $0x38;
	[tilespmem:$0x18100] =	vst v63  }
0x1d7: {  	_ =	swait.ge [sflag:s23], $0x4000  }
0x1d8: {  	[sflag:s23] =	ssyncset.done $0x0  }
0x1d9: {  	[sflag:s23] =	ssyncadd.s32 $0xFFFFC000  }
0x1da: {  	[tilespmem:s22], [sflag:$0x3] =	stream.linear.gather [spmem:s19], $0x4000, $0x38;
	[tilespmem:$0x18100] =	vst v63  }
0x1db: {  	s28 =	sadd.s32 $0x1, s28;
	_ =	swait.ge [sflag:s23], $0x4000  }
0x1dc: {  	p0 =	sne.s32 s28, s7;
	[sflag:s23] =	ssyncset.done $0x0  }
.Ltmp1:
0x1dd: {  	[sflag:s23] =	ssyncadd.s32 $0xFFFFC000;
	(pc) =	sbr.rel @p0 .LBB2_1-.Ltmp1, $4  }
0x1de: {  	[hbm4b:s20+s2] =	stream.linear.scatter [tilespmem:s22], [sflag:$0x3], $0x4000, $0x38;
	[tilespmem:$0x18100] =	vst v63  }
0x1df: {  	_ =	swait.ge [sflag:s23], $0x4000  }
0x1e0: {  	[sflag:s23] =	ssyncset.done $0x0  }
0x1e1: {  	[sflag:s23] =	ssyncadd.s32 $0xFFFFC000  }
0x1e2: {  	_ =	sfence.sel $0x180000  }
0x1e3: {  	[bflag:$0x0] =	sbarrier.arrive $0xFFFF  }
0x1e4: {  	_ =	strace $0x9000004A  }
0x1e5: {  	[bflag:$0x2] =	sbarrier.arrive $0xFFFF  }
0x1e6: {  	p0 =	sne.s32 s3, $0x0;
	s0 =	rddreg [dreg:$0x3]  }
0x1e7: {  	s0 =	sadd.s32 @!p0 $0x100000, s0  }
0x1e8: {  	[sflag:s0] =	ssyncadd.tile.s32 @!p0 $0x1;
	_ =	shalt  }
.Lfunc_end2:
_tile_overlayer_lowered:
.L_overlay_start_2:
0x1e9: {  	(tag) =	ssettag $0x2  }
0x1ea: {  	s0 =	rddreg [dreg:$0x0];
	s2 =	stileid.u32  }
0x1eb: {  	s1 =	rddreg [dreg:$0x1];
	p0 =	sne.s32 s2, $0x0  }
0x1ec: {  	s3 =	rddreg [dreg:$0x2];
	[bflag:$0x3] =	sbarrier.arrive $0xFFFF;
	s2 =	simm.s32 @!p0 $0x1C03  }
0x1ed: {  	[timem:s3], [sflag:s2] =	dma.local @!p0 [hbm:s0], s1  }
0x1ee: {  	s0 =	simm.s32 @!p0 $0x3  }
0x1ef: {  	_ =	swait.ge @!p0 [sflag:s0], s1  }
0x1f0: {  	s1 =	ssub.s32 @!p0 $0x0, s1;
	[sflag:s0] =	ssyncset.done @!p0 $0x0  }
0x1f1: {  	[sflag:s0] =	ssyncadd.s32 @!p0 s1  }
0x1f2: {  	[bflag:$0x3] =	sbarrier.arrive $0xFFFF  }
0x1f3: {  	_ =	shalt  }

</sc_bundles>
